<compile_context>
chip_gen: v7x
topology: tpu7x:2x2x1
jax: 0.10.2.dev20260603
libtpu: 0.0.44.dev20260713+nightly
codegen_flags: <defaults>
</compile_context>

<pallas_src>
import jax
import jax.numpy as jnp
from jax import lax
from jax.experimental import pallas as pl
from jax.experimental.pallas import tpu as pltpu
from jax.experimental.pallas import tpu_sc as plsc

_K = 16
_L = 16
_NSC = 32


def _sc_spline(x_hbm, table_hbm, out_hbm, x_v, idx_v, w_v, rows_v, ostage_v, sem):
    wid = lax.axis_index("s") * 2 + lax.axis_index("c")
    D = x_hbm.shape[1]
    nchunk = D // _L
    pltpu.sync_copy(x_hbm.at[pl.ds(wid, 1)], x_v)
    for c in range(nchunk):
        xv = x_v[0, pl.ds(c * _L, _L)]
        xc = jnp.minimum(jnp.maximum(xv, -1.0), 1.0)
        t = (xc + 1.0) * 7.5
        li = t.astype(jnp.int32)
        li = jnp.minimum(jnp.maximum(li, 0), _K - 2)
        w = t - li.astype(jnp.float32)
        dvec = jax.lax.iota(jnp.int32, _L) + c * _L
        idx_v[pl.ds(c * _L, _L)] = dvec * _K + li
        idx_v[pl.ds(D + c * _L, _L)] = dvec * _K + li + 1
        w_v[pl.ds(c * _L, _L)] = w
    copies = []
    for j in range((2 * D) // 128):
        copies.append(pltpu.async_copy(
            table_hbm.at[idx_v.at[pl.ds(j * 128, 128)]],
            rows_v.at[pl.ds(j * 128, 128)], sem))
    for cp in copies:
        cp.wait()

    def c_body(c, acc):
        wchunk = w_v[pl.ds(c * _L, _L)]
        out = list(acc)
        for dd in range(_L):
            d = c * _L + dd
            wd = wchunk.at[jnp.full((_L,), dd, jnp.int32)].get(
                mode="promise_in_bounds")
            for j in range(8):
                lv = rows_v[d, pl.ds(j * _L, _L)]
                rv = rows_v[D + d, pl.ds(j * _L, _L)]
                out[j] = out[j] + (lv + wd * (rv - lv))
        return tuple(out)

    acc0 = tuple(jnp.zeros((_L,), jnp.float32) for _ in range(8))
    acc = plsc.parallel_loop(0, nchunk, 1, unroll=2, carry=acc0)(c_body)
    for j in range(8):
        ostage_v[0, pl.ds(j * _L, _L)] = acc[j]
    pltpu.sync_copy(ostage_v, out_hbm.at[pl.ds(wid, 1)])


def _tc_body(grid_ref, x_ref, vt_ref, sw_ref, sb_ref, o_ref):
    BTC = x_ref.shape[0] - _NSC
    xc = jnp.clip(x_ref[...], -1.0, 1.0)
    g0 = grid_ref[0]
    inv_h = (_K - 1) / (grid_ref[_K - 1] - g0)
    acc_all = jax.lax.dot_general(xc, sw_ref[...], (((1,), (1,)), ((), ())),
                                  preferred_element_type=jnp.float32)
    acc_all = acc_all + sb_ref[...]
    xt = xc[:BTC]
    u = (xt - g0) * inv_h
    li = u.astype(jnp.int32)
    li = jnp.minimum(li, _K - 2)
    w = u - li.astype(jnp.float32)
    w_bf = w.astype(jnp.bfloat16)
    omw_bf = (1.0 - w).astype(jnp.bfloat16)
    li16 = li.astype(jnp.int16)
    zero_bf = jnp.zeros_like(w_bf)
    acc = acc_all[:BTC]
    eq_prev = li16 == jnp.int16(-1)
    for k in range(_K):
        eq_k = li16 == jnp.int16(k)
        ck = jnp.where(eq_k, omw_bf, jnp.where(eq_prev, w_bf, zero_bf))
        eq_prev = eq_k
        acc = acc + jax.lax.dot(ck, vt_ref[k],
                                preferred_element_type=jnp.float32)
    o_ref[:BTC] = acc
    o_ref[BTC:] = acc_all[BTC:]


def kernel(x, values, skip_w, skip_b, grid):
    B, D = x.shape
    O = values.shape[0]
    vt = jnp.transpose(values, (2, 1, 0))
    tableT = vt.reshape(_K, D, O).transpose(1, 0, 2).reshape(D * _K, O)
    vt_bf = vt.astype(jnp.bfloat16)
    sb = skip_b.reshape(1, O)

    mesh = plsc.VectorSubcoreMesh(core_axis_name="c", subcore_axis_name="s")
    sc_spline = pl.kernel(
        _sc_spline,
        mesh=mesh,
        out_type=jax.ShapeDtypeStruct((_NSC, O), jnp.float32),
        scratch_types=[
            pltpu.VMEM((1, D), jnp.float32),
            pltpu.VMEM((2 * D,), jnp.int32),
            pltpu.VMEM((D,), jnp.float32),
            pltpu.VMEM((2 * D, O), jnp.float32),
            pltpu.VMEM((1, O), jnp.float32),
            pltpu.SemaphoreType.DMA,
        ],
    )(x[B - _NSC:], tableT)

    y_tc = pl.pallas_call(
        _tc_body,
        out_shape=jax.ShapeDtypeStruct((B, O), jnp.float32),
        in_specs=[pl.BlockSpec(memory_space=pltpu.SMEM)]
        + [pl.BlockSpec(memory_space=pltpu.VMEM)] * 4,
        out_specs=pl.BlockSpec(memory_space=pltpu.VMEM),
    )(grid, x, vt_bf, skip_w, sb)

    pad = jnp.zeros((B - _NSC, O), jnp.float32)
    return y_tc + jnp.concatenate([pad, sc_spline], axis=0)

# --- scband reference (transcript-rebuilt; emitter-appended) ---
"""Pipeline reference for scband-kanlinear-1340029797083 (READ-ONLY COPY).

The authoritative reference and input builder live on the scoring server;
editing this copy changes nothing except your own understanding.
"""

import jax, jax.numpy as jnp
import numpy as np

IN_DIM = 256
OUT_DIM = 128
NUM_KNOTS = 16
BATCH = 1024


def setup_inputs(seed: int = 0) -> dict:
    key = jax.random.key(seed)
    k1, k2, k3, k4 = jax.random.split(key, 4)
    x = jax.random.uniform(k1, (BATCH, IN_DIM), dtype=jnp.float32)  # fill=rand, in [0,1) subset of [-1,1]
    # learned params per init_kwargs
    values = jax.random.uniform(k2, (OUT_DIM, IN_DIM, NUM_KNOTS), dtype=jnp.float32, minval=-0.05, maxval=0.05)
    skip_w = jax.random.normal(k3, (OUT_DIM, IN_DIM), dtype=jnp.float32) * (1.0 / np.sqrt(IN_DIM))
    skip_b = jax.random.normal(k4, (OUT_DIM,), dtype=jnp.float32) * 0.01
    grid = jnp.linspace(-1.0, 1.0, NUM_KNOTS).astype(jnp.float32)  # registered buffer
    return {"x": x, "values": values, "skip_w": skip_w, "skip_b": skip_b, "grid": grid}


def reference(x, values, skip_w, skip_b, grid) -> jnp.ndarray:
    K = grid.shape[0]
    B, D = x.shape
    xc = jnp.clip(x, -1.0, 1.0)
    # torch.bucketize(x, grid) with right=False == searchsorted side='left'
    right = jnp.searchsorted(grid, xc, side='left')
    left = jnp.clip(right - 1, 0, K - 2)
    right = left + 1
    g0 = grid[left]
    g1 = grid[right]
    w = (xc - g0) / (g1 - g0 + 1e-12)
    dim_idx = jnp.arange(D)[None, :]          # [1, D]
    v_left = values[:, dim_idx, left]          # [out, B, D] via advanced indexing (gather)
    v_right = values[:, dim_idx, right]        # [out, B, D]
    v_left = jnp.transpose(v_left, (0, 2, 1))  # [out, D, B]
    v_right = jnp.transpose(v_right, (0, 2, 1))
    wT = jnp.transpose(w, (1, 0))[None, :, :]  # [1, D, B]
    y = (1.0 - wT) * v_left + wT * v_right     # [out, D, B]
    y = jnp.transpose(jnp.sum(y, axis=1), (1, 0))  # [B, out]
    return y + xc @ skip_w.T + skip_b

if __name__ == "__main__":
    import jax
    _d = setup_inputs()
    print(jax.jit(kernel)(*tuple(_d.values())))

</pallas_src>

<mosaic_0001>
#map = affine_map<(d0, d1) -> (0, 0)>
module attributes {stable_mosaic.version = 14 : i64} {
  func.func @_sc_spline(%arg0: i32, %arg1: i32, %arg2: memref<32x256xf32, #tpu.memory_space<hbm>>, %arg3: memref<4096x128xf32, #tpu.memory_space<hbm>>, %arg4: memref<32x128xf32, #tpu.memory_space<hbm>>, %arg5: memref<1x256xf32, #tpu.memory_space<vmem>>, %arg6: memref<512xi32, #tpu.memory_space<vmem>>, %arg7: memref<256xf32, #tpu.memory_space<vmem>>, %arg8: memref<512x128xf32, #tpu.memory_space<vmem>>, %arg9: memref<1x128xf32, #tpu.memory_space<vmem>>, %arg10: memref<!tpu.dma_semaphore, #tpu.memory_space<semaphore_mem>>) attributes {dimension_semantics = [#tpu.dimension_semantics<core_parallel>, #tpu.dimension_semantics<subcore_parallel>], iteration_bounds = array<i64: 2, 16>, scalar_prefetch = 0 : i64, scratch_operands = 6 : i64, tpu.core_type = #tpu.core_type<sc_vector_subcore>, window_params = [{transform_indices = #map}, {transform_indices = #map}, {transform_indices = #map}]} {
    %mul3A = arith.constant 2 : i32
    %mul3A_0 = arith.muli %arg1, %mul3A : i32
    %add3A = arith.addi %mul3A_0, %arg0 : i32
    "tpu.region"() ({
      %run_scoped3A = tpu.sem_alloc : memref<!tpu.dma_semaphore, #tpu.memory_space<semaphore_mem>>
      %dma_start3A_970 = arith.constant 0 : i32
      %dma_start3A_971 = tpu.memref_slice %arg2[%add3A, %dma_start3A_970] : memref<32x256xf32, #tpu.memory_space<hbm>> -> memref<1x256xf32, #tpu.memory_space<hbm>>
      %dma_start3A_972 = arith.constant 0 : i32
      %dma_start3A_973 = tpu.memref_slice %arg2[%add3A, %dma_start3A_972] : memref<32x256xf32, #tpu.memory_space<hbm>> -> memref<1x256xf32, #tpu.memory_space<hbm>>
      tpu.enqueue_dma source(%dma_start3A_973 : memref<1x256xf32, #tpu.memory_space<hbm>>) target(%arg5 : memref<1x256xf32, #tpu.memory_space<vmem>>) target_semaphore(%run_scoped3A : memref<!tpu.dma_semaphore, #tpu.memory_space<semaphore_mem>>)
      %dma_wait3A_974 = arith.constant 0 : i32
      %dma_wait3A_975 = tpu.memref_slice %arg2[%add3A, %dma_wait3A_974] : memref<32x256xf32, #tpu.memory_space<hbm>> -> memref<1x256xf32, #tpu.memory_space<hbm>>
      %dma_wait3A_976 = arith.constant 0 : i32
      %dma_wait3A_977 = tpu.memref_slice %arg2[%add3A, %dma_wait3A_976] : memref<32x256xf32, #tpu.memory_space<hbm>> -> memref<1x256xf32, #tpu.memory_space<hbm>>
      tpu.wait_dma2 semaphore(%run_scoped3A : memref<!tpu.dma_semaphore, #tpu.memory_space<semaphore_mem>>) src(%dma_wait3A_977 : memref<1x256xf32, #tpu.memory_space<hbm>>) dst(%arg5 : memref<1x256xf32, #tpu.memory_space<vmem>>)
      tpu.yield
    }) : () -> ()
    %get3A = arith.constant 0 : i32
    %get3A_1 = arith.index_cast %get3A : i32 to index
    %get3A_2 = arith.constant 0 : index
    %get3A_3 = tpu.vector_load %arg5[%get3A_1, %get3A_2] {strides = array<i32>} : memref<1x256xf32, #tpu.memory_space<vmem>>, vector<1x16xf32>,
    %get3A_4 = vector.shape_cast %get3A_3 : vector<1x16xf32> to vector<16xf32>
    %max3A = arith.constant -1.000000e+00 : f32
    %max3A_5 = vector.broadcast %max3A : f32 to vector<16xf32>
    %max3A_6 = arith.maximumf %get3A_4, %max3A_5 : vector<16xf32>
    %min3A = arith.constant 1.000000e+00 : f32
    %min3A_7 = vector.broadcast %min3A : f32 to vector<16xf32>
    %min3A_8 = arith.minimumf %max3A_6, %min3A_7 : vector<16xf32>
    %add3A_9 = arith.constant 1.000000e+00 : f32
    %add3A_10 = vector.broadcast %add3A_9 : f32 to vector<16xf32>
    %add3A_11 = arith.addf %min3A_8, %add3A_10 : vector<16xf32>
    %mul3A_12 = arith.constant 7.500000e+00 : f32
    %mul3A_13 = vector.broadcast %mul3A_12 : f32 to vector<16xf32>
    %mul3A_14 = arith.mulf %add3A_11, %mul3A_13 : vector<16xf32>
    %convert_element_type3A = arith.fptosi %mul3A_14 : vector<16xf32> to vector<16xi32>
    %max3A_15 = arith.constant 0 : i32
    %max3A_16 = vector.broadcast %max3A_15 : i32 to vector<16xi32>
    %max3A_17 = arith.maxsi %convert_element_type3A, %max3A_16 : vector<16xi32>
    %min3A_18 = arith.constant 14 : i32
    %min3A_19 = vector.broadcast %min3A_18 : i32 to vector<16xi32>
    %min3A_20 = arith.minsi %max3A_17, %min3A_19 : vector<16xi32>
    %convert_element_type3A_21 = arith.sitofp %min3A_20 : vector<16xi32> to vector<16xf32>
    %sub3A = arith.subf %mul3A_14, %convert_element_type3A_21 : vector<16xf32>
    %iota3A = tpu.iota {dimensions = array<i32: 0>} : vector<16xi32>
    %add3A_22 = arith.constant 0 : i32
    %add3A_23 = vector.broadcast %add3A_22 : i32 to vector<16xi32>
    %add3A_24 = arith.addi %iota3A, %add3A_23 : vector<16xi32>
    %mul3A_25 = arith.constant 16 : i32
    %mul3A_26 = vector.broadcast %mul3A_25 : i32 to vector<16xi32>
    %mul3A_27 = arith.muli %add3A_24, %mul3A_26 : vector<16xi32>
    %add3A_28 = arith.addi %mul3A_27, %min3A_20 : vector<16xi32>
    %swap3A = arith.constant 0 : index
    %swap3A_29 = tpu.vector_load %arg6[%swap3A] {strides = array<i32>} : memref<512xi32, #tpu.memory_space<vmem>>, vector<16xi32>,
    %swap3A_30 = vector.shape_cast %swap3A_29 : vector<16xi32> to vector<16xi32>
    %swap3A_31 = vector.shape_cast %add3A_28 : vector<16xi32> to vector<16xi32>
    tpu.vector_store %arg6[%swap3A], %swap3A_31 {strides = array<i32>} : memref<512xi32, #tpu.memory_space<vmem>>, vector<16xi32>,
    %mul3A_32 = arith.constant 16 : i32
    %mul3A_33 = vector.broadcast %mul3A_32 : i32 to vector<16xi32>
    %mul3A_34 = arith.muli %add3A_24, %mul3A_33 : vector<16xi32>
    %add3A_35 = arith.addi %mul3A_34, %min3A_20 : vector<16xi32>
    %add3A_36 = arith.constant 1 : i32
    %add3A_37 = vector.broadcast %add3A_36 : i32 to vector<16xi32>
    %add3A_38 = arith.addi %add3A_35, %add3A_37 : vector<16xi32>
    %swap3A_39 = arith.constant 256 : index
    %swap3A_40 = tpu.vector_load %arg6[%swap3A_39] {strides = array<i32>} : memref<512xi32, #tpu.memory_space<vmem>>, vector<16xi32>,
    %swap3A_41 = vector.shape_cast %swap3A_40 : vector<16xi32> to vector<16xi32>
    %swap3A_42 = vector.shape_cast %add3A_38 : vector<16xi32> to vector<16xi32>
    tpu.vector_store %arg6[%swap3A_39], %swap3A_42 {strides = array<i32>} : memref<512xi32, #tpu.memory_space<vmem>>, vector<16xi32>,
    %swap3A_43 = arith.constant 0 : index
    %swap3A_44 = tpu.vector_load %arg7[%swap3A_43] {strides = array<i32>} : memref<256xf32, #tpu.memory_space<vmem>>, vector<16xf32>,
    %swap3A_45 = vector.shape_cast %swap3A_44 : vector<16xf32> to vector<16xf32>
    %swap3A_46 = vector.shape_cast %sub3A : vector<16xf32> to vector<16xf32>
    tpu.vector_store %arg7[%swap3A_43], %swap3A_46 {strides = array<i32>} : memref<256xf32, #tpu.memory_space<vmem>>, vector<16xf32>,
    %get3A_47 = arith.constant 0 : i32
    %get3A_48 = arith.index_cast %get3A_47 : i32 to index
    %get3A_49 = arith.constant 16 : index
    %get3A_50 = tpu.vector_load %arg5[%get3A_48, %get3A_49] {strides = array<i32>} : memref<1x256xf32, #tpu.memory_space<vmem>>, vector<1x16xf32>,
    %get3A_51 = vector.shape_cast %get3A_50 : vector<1x16xf32> to vector<16xf32>
    %max3A_52 = arith.constant -1.000000e+00 : f32
    %max3A_53 = vector.broadcast %max3A_52 : f32 to vector<16xf32>
    %max3A_54 = arith.maximumf %get3A_51, %max3A_53 : vector<16xf32>
    %min3A_55 = arith.constant 1.000000e+00 : f32
    %min3A_56 = vector.broadcast %min3A_55 : f32 to vector<16xf32>
    %min3A_57 = arith.minimumf %max3A_54, %min3A_56 : vector<16xf32>
    %add3A_58 = arith.constant 1.000000e+00 : f32
    %add3A_59 = vector.broadcast %add3A_58 : f32 to vector<16xf32>
    %add3A_60 = arith.addf %min3A_57, %add3A_59 : vector<16xf32>
    %mul3A_61 = arith.constant 7.500000e+00 : f32
    %mul3A_62 = vector.broadcast %mul3A_61 : f32 to vector<16xf32>
    %mul3A_63 = arith.mulf %add3A_60, %mul3A_62 : vector<16xf32>
    %convert_element_type3A_64 = arith.fptosi %mul3A_63 : vector<16xf32> to vector<16xi32>
    %max3A_65 = arith.constant 0 : i32
    %max3A_66 = vector.broadcast %max3A_65 : i32 to vector<16xi32>
    %max3A_67 = arith.maxsi %convert_element_type3A_64, %max3A_66 : vector<16xi32>
    %min3A_68 = arith.constant 14 : i32
    %min3A_69 = vector.broadcast %min3A_68 : i32 to vector<16xi32>
    %min3A_70 = arith.minsi %max3A_67, %min3A_69 : vector<16xi32>
    %convert_element_type3A_71 = arith.sitofp %min3A_70 : vector<16xi32> to vector<16xf32>
    %sub3A_72 = arith.subf %mul3A_63, %convert_element_type3A_71 : vector<16xf32>
    %iota3A_73 = tpu.iota {dimensions = array<i32: 0>} : vector<16xi32>
    %add3A_74 = arith.constant 16 : i32
    %add3A_75 = vector.broadcast %add3A_74 : i32 to vector<16xi32>
    %add3A_76 = arith.addi %iota3A_73, %add3A_75 : vector<16xi32>
    %mul3A_77 = arith.constant 16 : i32
    %mul3A_78 = vector.broadcast %mul3A_77 : i32 to vector<16xi32>
    %mul3A_79 = arith.muli %add3A_76, %mul3A_78 : vector<16xi32>
    %add3A_80 = arith.addi %mul3A_79, %min3A_70 : vector<16xi32>
    %swap3A_81 = arith.constant 16 : index
    %swap3A_82 = tpu.vector_load %arg6[%swap3A_81] {strides = array<i32>} : memref<512xi32, #tpu.memory_space<vmem>>, vector<16xi32>,
    %swap3A_83 = vector.shape_cast %swap3A_82 : vector<16xi32> to vector<16xi32>
    %swap3A_84 = vector.shape_cast %add3A_80 : vector<16xi32> to vector<16xi32>
    tpu.vector_store %arg6[%swap3A_81], %swap3A_84 {strides = array<i32>} : memref<512xi32, #tpu.memory_space<vmem>>, vector<16xi32>,
    %mul3A_85 = arith.constant 16 : i32
    %mul3A_86 = vector.broadcast %mul3A_85 : i32 to vector<16xi32>
    %mul3A_87 = arith.muli %add3A_76, %mul3A_86 : vector<16xi32>
    %add3A_88 = arith.addi %mul3A_87, %min3A_70 : vector<16xi32>
    %add3A_89 = arith.constant 1 : i32
    %add3A_90 = vector.broadcast %add3A_89 : i32 to vector<16xi32>
    %add3A_91 = arith.addi %add3A_88, %add3A_90 : vector<16xi32>
    %swap3A_92 = arith.constant 272 : index
    %swap3A_93 = tpu.vector_load %arg6[%swap3A_92] {strides = array<i32>} : memref<512xi32, #tpu.memory_space<vmem>>, vector<16xi32>,
    %swap3A_94 = vector.shape_cast %swap3A_93 : vector<16xi32> to vector<16xi32>
    %swap3A_95 = vector.shape_cast %add3A_91 : vector<16xi32> to vector<16xi32>
    tpu.vector_store %arg6[%swap3A_92], %swap3A_95 {strides = array<i32>} : memref<512xi32, #tpu.memory_space<vmem>>, vector<16xi32>,
    %swap3A_96 = arith.constant 16 : index
    %swap3A_97 = tpu.vector_load %arg7[%swap3A_96] {strides = array<i32>} : memref<256xf32, #tpu.memory_space<vmem>>, vector<16xf32>,
    %swap3A_98 = vector.shape_cast %swap3A_97 : vector<16xf32> to vector<16xf32>
    %swap3A_99 = vector.shape_cast %sub3A_72 : vector<16xf32> to vector<16xf32>
    tpu.vector_store %arg7[%swap3A_96], %swap3A_99 {strides = array<i32>} : memref<256xf32, #tpu.memory_space<vmem>>, vector<16xf32>,
    %get3A_100 = arith.constant 0 : i32
    %get3A_101 = arith.index_cast %get3A_100 : i32 to index
    %get3A_102 = arith.constant 32 : index
    %get3A_103 = tpu.vector_load %arg5[%get3A_101, %get3A_102] {strides = array<i32>} : memref<1x256xf32, #tpu.memory_space<vmem>>, vector<1x16xf32>,
    %get3A_104 = vector.shape_cast %get3A_103 : vector<1x16xf32> to vector<16xf32>
    %max3A_105 = arith.constant -1.000000e+00 : f32
    %max3A_106 = vector.broadcast %max3A_105 : f32 to vector<16xf32>
    %max3A_107 = arith.maximumf %get3A_104, %max3A_106 : vector<16xf32>
    %min3A_108 = arith.constant 1.000000e+00 : f32
    %min3A_109 = vector.broadcast %min3A_108 : f32 to vector<16xf32>
    %min3A_110 = arith.minimumf %max3A_107, %min3A_109 : vector<16xf32>
    %add3A_111 = arith.constant 1.000000e+00 : f32
    %add3A_112 = vector.broadcast %add3A_111 : f32 to vector<16xf32>
    %add3A_113 = arith.addf %min3A_110, %add3A_112 : vector<16xf32>
    %mul3A_114 = arith.constant 7.500000e+00 : f32
    %mul3A_115 = vector.broadcast %mul3A_114 : f32 to vector<16xf32>
    %mul3A_116 = arith.mulf %add3A_113, %mul3A_115 : vector<16xf32>
    %convert_element_type3A_117 = arith.fptosi %mul3A_116 : vector<16xf32> to vector<16xi32>
    %max3A_118 = arith.constant 0 : i32
    %max3A_119 = vector.broadcast %max3A_118 : i32 to vector<16xi32>
    %max3A_120 = arith.maxsi %convert_element_type3A_117, %max3A_119 : vector<16xi32>
    %min3A_121 = arith.constant 14 : i32
    %min3A_122 = vector.broadcast %min3A_121 : i32 to vector<16xi32>
    %min3A_123 = arith.minsi %max3A_120, %min3A_122 : vector<16xi32>
    %convert_element_type3A_124 = arith.sitofp %min3A_123 : vector<16xi32> to vector<16xf32>
    %sub3A_125 = arith.subf %mul3A_116, %convert_element_type3A_124 : vector<16xf32>
    %iota3A_126 = tpu.iota {dimensions = array<i32: 0>} : vector<16xi32>
    %add3A_127 = arith.constant 32 : i32
    %add3A_128 = vector.broadcast %add3A_127 : i32 to vector<16xi32>
    %add3A_129 = arith.addi %iota3A_126, %add3A_128 : vector<16xi32>
    %mul3A_130 = arith.constant 16 : i32
    %mul3A_131 = vector.broadcast %mul3A_130 : i32 to vector<16xi32>
    %mul3A_132 = arith.muli %add3A_129, %mul3A_131 : vector<16xi32>
    %add3A_133 = arith.addi %mul3A_132, %min3A_123 : vector<16xi32>
    %swap3A_134 = arith.constant 32 : index
    %swap3A_135 = tpu.vector_load %arg6[%swap3A_134] {strides = array<i32>} : memref<512xi32, #tpu.memory_space<vmem>>, vector<16xi32>,
    %swap3A_136 = vector.shape_cast %swap3A_135 : vector<16xi32> to vector<16xi32>
    %swap3A_137 = vector.shape_cast %add3A_133 : vector<16xi32> to vector<16xi32>
    tpu.vector_store %arg6[%swap3A_134], %swap3A_137 {strides = array<i32>} : memref<512xi32, #tpu.memory_space<vmem>>, vector<16xi32>,
    %mul3A_138 = arith.constant 16 : i32
    %mul3A_139 = vector.broadcast %mul3A_138 : i32 to vector<16xi32>
    %mul3A_140 = arith.muli %add3A_129, %mul3A_139 : vector<16xi32>
    %add3A_141 = arith.addi %mul3A_140, %min3A_123 : vector<16xi32>
    %add3A_142 = arith.constant 1 : i32
    %add3A_143 = vector.broadcast %add3A_142 : i32 to vector<16xi32>
    %add3A_144 = arith.addi %add3A_141, %add3A_143 : vector<16xi32>
    %swap3A_145 = arith.constant 288 : index
    %swap3A_146 = tpu.vector_load %arg6[%swap3A_145] {strides = array<i32>} : memref<512xi32, #tpu.memory_space<vmem>>, vector<16xi32>,
    %swap3A_147 = vector.shape_cast %swap3A_146 : vector<16xi32> to vector<16xi32>
    %swap3A_148 = vector.shape_cast %add3A_144 : vector<16xi32> to vector<16xi32>
    tpu.vector_store %arg6[%swap3A_145], %swap3A_148 {strides = array<i32>} : memref<512xi32, #tpu.memory_space<vmem>>, vector<16xi32>,
    %swap3A_149 = arith.constant 32 : index
    %swap3A_150 = tpu.vector_load %arg7[%swap3A_149] {strides = array<i32>} : memref<256xf32, #tpu.memory_space<vmem>>, vector<16xf32>,
    %swap3A_151 = vector.shape_cast %swap3A_150 : vector<16xf32> to vector<16xf32>
    %swap3A_152 = vector.shape_cast %sub3A_125 : vector<16xf32> to vector<16xf32>
    tpu.vector_store %arg7[%swap3A_149], %swap3A_152 {strides = array<i32>} : memref<256xf32, #tpu.memory_space<vmem>>, vector<16xf32>,
    %get3A_153 = arith.constant 0 : i32
    %get3A_154 = arith.index_cast %get3A_153 : i32 to index
    %get3A_155 = arith.constant 48 : index
    %get3A_156 = tpu.vector_load %arg5[%get3A_154, %get3A_155] {strides = array<i32>} : memref<1x256xf32, #tpu.memory_space<vmem>>, vector<1x16xf32>,
    %get3A_157 = vector.shape_cast %get3A_156 : vector<1x16xf32> to vector<16xf32>
    %max3A_158 = arith.constant -1.000000e+00 : f32
    %max3A_159 = vector.broadcast %max3A_158 : f32 to vector<16xf32>
    %max3A_160 = arith.maximumf %get3A_157, %max3A_159 : vector<16xf32>
    %min3A_161 = arith.constant 1.000000e+00 : f32
    %min3A_162 = vector.broadcast %min3A_161 : f32 to vector<16xf32>
    %min3A_163 = arith.minimumf %max3A_160, %min3A_162 : vector<16xf32>
    %add3A_164 = arith.constant 1.000000e+00 : f32
    %add3A_165 = vector.broadcast %add3A_164 : f32 to vector<16xf32>
    %add3A_166 = arith.addf %min3A_163, %add3A_165 : vector<16xf32>
    %mul3A_167 = arith.constant 7.500000e+00 : f32
    %mul3A_168 = vector.broadcast %mul3A_167 : f32 to vector<16xf32>
    %mul3A_169 = arith.mulf %add3A_166, %mul3A_168 : vector<16xf32>
    %convert_element_type3A_170 = arith.fptosi %mul3A_169 : vector<16xf32> to vector<16xi32>
    %max3A_171 = arith.constant 0 : i32
    %max3A_172 = vector.broadcast %max3A_171 : i32 to vector<16xi32>
    %max3A_173 = arith.maxsi %convert_element_type3A_170, %max3A_172 : vector<16xi32>
    %min3A_174 = arith.constant 14 : i32
    %min3A_175 = vector.broadcast %min3A_174 : i32 to vector<16xi32>
    %min3A_176 = arith.minsi %max3A_173, %min3A_175 : vector<16xi32>
    %convert_element_type3A_177 = arith.sitofp %min3A_176 : vector<16xi32> to vector<16xf32>
    %sub3A_178 = arith.subf %mul3A_169, %convert_element_type3A_177 : vector<16xf32>
    %iota3A_179 = tpu.iota {dimensions = array<i32: 0>} : vector<16xi32>
    %add3A_180 = arith.constant 48 : i32
    %add3A_181 = vector.broadcast %add3A_180 : i32 to vector<16xi32>
    %add3A_182 = arith.addi %iota3A_179, %add3A_181 : vector<16xi32>
    %mul3A_183 = arith.constant 16 : i32
    %mul3A_184 = vector.broadcast %mul3A_183 : i32 to vector<16xi32>
    %mul3A_185 = arith.muli %add3A_182, %mul3A_184 : vector<16xi32>
    %add3A_186 = arith.addi %mul3A_185, %min3A_176 : vector<16xi32>
    %swap3A_187 = arith.constant 48 : index
    %swap3A_188 = tpu.vector_load %arg6[%swap3A_187] {strides = array<i32>} : memref<512xi32, #tpu.memory_space<vmem>>, vector<16xi32>,
    %swap3A_189 = vector.shape_cast %swap3A_188 : vector<16xi32> to vector<16xi32>
    %swap3A_190 = vector.shape_cast %add3A_186 : vector<16xi32> to vector<16xi32>
    tpu.vector_store %arg6[%swap3A_187], %swap3A_190 {strides = array<i32>} : memref<512xi32, #tpu.memory_space<vmem>>, vector<16xi32>,
    %mul3A_191 = arith.constant 16 : i32
    %mul3A_192 = vector.broadcast %mul3A_191 : i32 to vector<16xi32>
    %mul3A_193 = arith.muli %add3A_182, %mul3A_192 : vector<16xi32>
    %add3A_194 = arith.addi %mul3A_193, %min3A_176 : vector<16xi32>
    %add3A_195 = arith.constant 1 : i32
    %add3A_196 = vector.broadcast %add3A_195 : i32 to vector<16xi32>
    %add3A_197 = arith.addi %add3A_194, %add3A_196 : vector<16xi32>
    %swap3A_198 = arith.constant 304 : index
    %swap3A_199 = tpu.vector_load %arg6[%swap3A_198] {strides = array<i32>} : memref<512xi32, #tpu.memory_space<vmem>>, vector<16xi32>,
    %swap3A_200 = vector.shape_cast %swap3A_199 : vector<16xi32> to vector<16xi32>
    %swap3A_201 = vector.shape_cast %add3A_197 : vector<16xi32> to vector<16xi32>
    tpu.vector_store %arg6[%swap3A_198], %swap3A_201 {strides = array<i32>} : memref<512xi32, #tpu.memory_space<vmem>>, vector<16xi32>,
    %swap3A_202 = arith.constant 48 : index
    %swap3A_203 = tpu.vector_load %arg7[%swap3A_202] {strides = array<i32>} : memref<256xf32, #tpu.memory_space<vmem>>, vector<16xf32>,
    %swap3A_204 = vector.shape_cast %swap3A_203 : vector<16xf32> to vector<16xf32>
    %swap3A_205 = vector.shape_cast %sub3A_178 : vector<16xf32> to vector<16xf32>
    tpu.vector_store %arg7[%swap3A_202], %swap3A_205 {strides = array<i32>} : memref<256xf32, #tpu.memory_space<vmem>>, vector<16xf32>,
    %get3A_206 = arith.constant 0 : i32
    %get3A_207 = arith.index_cast %get3A_206 : i32 to index
    %get3A_208 = arith.constant 64 : index
    %get3A_209 = tpu.vector_load %arg5[%get3A_207, %get3A_208] {strides = array<i32>} : memref<1x256xf32, #tpu.memory_space<vmem>>, vector<1x16xf32>,
    %get3A_210 = vector.shape_cast %get3A_209 : vector<1x16xf32> to vector<16xf32>
    %max3A_211 = arith.constant -1.000000e+00 : f32
    %max3A_212 = vector.broadcast %max3A_211 : f32 to vector<16xf32>
    %max3A_213 = arith.maximumf %get3A_210, %max3A_212 : vector<16xf32>
    %min3A_214 = arith.constant 1.000000e+00 : f32
    %min3A_215 = vector.broadcast %min3A_214 : f32 to vector<16xf32>
    %min3A_216 = arith.minimumf %max3A_213, %min3A_215 : vector<16xf32>
    %add3A_217 = arith.constant 1.000000e+00 : f32
    %add3A_218 = vector.broadcast %add3A_217 : f32 to vector<16xf32>
    %add3A_219 = arith.addf %min3A_216, %add3A_218 : vector<16xf32>
    %mul3A_220 = arith.constant 7.500000e+00 : f32
    %mul3A_221 = vector.broadcast %mul3A_220 : f32 to vector<16xf32>
    %mul3A_222 = arith.mulf %add3A_219, %mul3A_221 : vector<16xf32>
    %convert_element_type3A_223 = arith.fptosi %mul3A_222 : vector<16xf32> to vector<16xi32>
    %max3A_224 = arith.constant 0 : i32
    %max3A_225 = vector.broadcast %max3A_224 : i32 to vector<16xi32>
    %max3A_226 = arith.maxsi %convert_element_type3A_223, %max3A_225 : vector<16xi32>
    %min3A_227 = arith.constant 14 : i32
    %min3A_228 = vector.broadcast %min3A_227 : i32 to vector<16xi32>
    %min3A_229 = arith.minsi %max3A_226, %min3A_228 : vector<16xi32>
    %convert_element_type3A_230 = arith.sitofp %min3A_229 : vector<16xi32> to vector<16xf32>
    %sub3A_231 = arith.subf %mul3A_222, %convert_element_type3A_230 : vector<16xf32>
    %iota3A_232 = tpu.iota {dimensions = array<i32: 0>} : vector<16xi32>
    %add3A_233 = arith.constant 64 : i32
    %add3A_234 = vector.broadcast %add3A_233 : i32 to vector<16xi32>
    %add3A_235 = arith.addi %iota3A_232, %add3A_234 : vector<16xi32>
    %mul3A_236 = arith.constant 16 : i32
    %mul3A_237 = vector.broadcast %mul3A_236 : i32 to vector<16xi32>
    %mul3A_238 = arith.muli %add3A_235, %mul3A_237 : vector<16xi32>
    %add3A_239 = arith.addi %mul3A_238, %min3A_229 : vector<16xi32>
    %swap3A_240 = arith.constant 64 : index
    %swap3A_241 = tpu.vector_load %arg6[%swap3A_240] {strides = array<i32>} : memref<512xi32, #tpu.memory_space<vmem>>, vector<16xi32>,
    %swap3A_242 = vector.shape_cast %swap3A_241 : vector<16xi32> to vector<16xi32>
    %swap3A_243 = vector.shape_cast %add3A_239 : vector<16xi32> to vector<16xi32>
    tpu.vector_store %arg6[%swap3A_240], %swap3A_243 {strides = array<i32>} : memref<512xi32, #tpu.memory_space<vmem>>, vector<16xi32>,
    %mul3A_244 = arith.constant 16 : i32
    %mul3A_245 = vector.broadcast %mul3A_244 : i32 to vector<16xi32>
    %mul3A_246 = arith.muli %add3A_235, %mul3A_245 : vector<16xi32>
    %add3A_247 = arith.addi %mul3A_246, %min3A_229 : vector<16xi32>
    %add3A_248 = arith.constant 1 : i32
    %add3A_249 = vector.broadcast %add3A_248 : i32 to vector<16xi32>
    %add3A_250 = arith.addi %add3A_247, %add3A_249 : vector<16xi32>
    %swap3A_251 = arith.constant 320 : index
    %swap3A_252 = tpu.vector_load %arg6[%swap3A_251] {strides = array<i32>} : memref<512xi32, #tpu.memory_space<vmem>>, vector<16xi32>,
    %swap3A_253 = vector.shape_cast %swap3A_252 : vector<16xi32> to vector<16xi32>
    %swap3A_254 = vector.shape_cast %add3A_250 : vector<16xi32> to vector<16xi32>
    tpu.vector_store %arg6[%swap3A_251], %swap3A_254 {strides = array<i32>} : memref<512xi32, #tpu.memory_space<vmem>>, vector<16xi32>,
    %swap3A_255 = arith.constant 64 : index
    %swap3A_256 = tpu.vector_load %arg7[%swap3A_255] {strides = array<i32>} : memref<256xf32, #tpu.memory_space<vmem>>, vector<16xf32>,
    %swap3A_257 = vector.shape_cast %swap3A_256 : vector<16xf32> to vector<16xf32>
    %swap3A_258 = vector.shape_cast %sub3A_231 : vector<16xf32> to vector<16xf32>
    tpu.vector_store %arg7[%swap3A_255], %swap3A_258 {strides = array<i32>} : memref<256xf32, #tpu.memory_space<vmem>>, vector<16xf32>,
    %get3A_259 = arith.constant 0 : i32
    %get3A_260 = arith.index_cast %get3A_259 : i32 to index
    %get3A_261 = arith.constant 80 : index
    %get3A_262 = tpu.vector_load %arg5[%get3A_260, %get3A_261] {strides = array<i32>} : memref<1x256xf32, #tpu.memory_space<vmem>>, vector<1x16xf32>,
    %get3A_263 = vector.shape_cast %get3A_262 : vector<1x16xf32> to vector<16xf32>
    %max3A_264 = arith.constant -1.000000e+00 : f32
    %max3A_265 = vector.broadcast %max3A_264 : f32 to vector<16xf32>
    %max3A_266 = arith.maximumf %get3A_263, %max3A_265 : vector<16xf32>
    %min3A_267 = arith.constant 1.000000e+00 : f32
    %min3A_268 = vector.broadcast %min3A_267 : f32 to vector<16xf32>
    %min3A_269 = arith.minimumf %max3A_266, %min3A_268 : vector<16xf32>
    %add3A_270 = arith.constant 1.000000e+00 : f32
    %add3A_271 = vector.broadcast %add3A_270 : f32 to vector<16xf32>
    %add3A_272 = arith.addf %min3A_269, %add3A_271 : vector<16xf32>
    %mul3A_273 = arith.constant 7.500000e+00 : f32
    %mul3A_274 = vector.broadcast %mul3A_273 : f32 to vector<16xf32>
    %mul3A_275 = arith.mulf %add3A_272, %mul3A_274 : vector<16xf32>
    %convert_element_type3A_276 = arith.fptosi %mul3A_275 : vector<16xf32> to vector<16xi32>
    %max3A_277 = arith.constant 0 : i32
    %max3A_278 = vector.broadcast %max3A_277 : i32 to vector<16xi32>
    %max3A_279 = arith.maxsi %convert_element_type3A_276, %max3A_278 : vector<16xi32>
    %min3A_280 = arith.constant 14 : i32
    %min3A_281 = vector.broadcast %min3A_280 : i32 to vector<16xi32>
    %min3A_282 = arith.minsi %max3A_279, %min3A_281 : vector<16xi32>
    %convert_element_type3A_283 = arith.sitofp %min3A_282 : vector<16xi32> to vector<16xf32>
    %sub3A_284 = arith.subf %mul3A_275, %convert_element_type3A_283 : vector<16xf32>
    %iota3A_285 = tpu.iota {dimensions = array<i32: 0>} : vector<16xi32>
    %add3A_286 = arith.constant 80 : i32
    %add3A_287 = vector.broadcast %add3A_286 : i32 to vector<16xi32>
    %add3A_288 = arith.addi %iota3A_285, %add3A_287 : vector<16xi32>
    %mul3A_289 = arith.constant 16 : i32
    %mul3A_290 = vector.broadcast %mul3A_289 : i32 to vector<16xi32>
    %mul3A_291 = arith.muli %add3A_288, %mul3A_290 : vector<16xi32>
    %add3A_292 = arith.addi %mul3A_291, %min3A_282 : vector<16xi32>
    %swap3A_293 = arith.constant 80 : index
    %swap3A_294 = tpu.vector_load %arg6[%swap3A_293] {strides = array<i32>} : memref<512xi32, #tpu.memory_space<vmem>>, vector<16xi32>,
    %swap3A_295 = vector.shape_cast %swap3A_294 : vector<16xi32> to vector<16xi32>
    %swap3A_296 = vector.shape_cast %add3A_292 : vector<16xi32> to vector<16xi32>
    tpu.vector_store %arg6[%swap3A_293], %swap3A_296 {strides = array<i32>} : memref<512xi32, #tpu.memory_space<vmem>>, vector<16xi32>,
    %mul3A_297 = arith.constant 16 : i32
    %mul3A_298 = vector.broadcast %mul3A_297 : i32 to vector<16xi32>
    %mul3A_299 = arith.muli %add3A_288, %mul3A_298 : vector<16xi32>
    %add3A_300 = arith.addi %mul3A_299, %min3A_282 : vector<16xi32>
    %add3A_301 = arith.constant 1 : i32
    %add3A_302 = vector.broadcast %add3A_301 : i32 to vector<16xi32>
    %add3A_303 = arith.addi %add3A_300, %add3A_302 : vector<16xi32>
    %swap3A_304 = arith.constant 336 : index
    %swap3A_305 = tpu.vector_load %arg6[%swap3A_304] {strides = array<i32>} : memref<512xi32, #tpu.memory_space<vmem>>, vector<16xi32>,
    %swap3A_306 = vector.shape_cast %swap3A_305 : vector<16xi32> to vector<16xi32>
    %swap3A_307 = vector.shape_cast %add3A_303 : vector<16xi32> to vector<16xi32>
    tpu.vector_store %arg6[%swap3A_304], %swap3A_307 {strides = array<i32>} : memref<512xi32, #tpu.memory_space<vmem>>, vector<16xi32>,
    %swap3A_308 = arith.constant 80 : index
    %swap3A_309 = tpu.vector_load %arg7[%swap3A_308] {strides = array<i32>} : memref<256xf32, #tpu.memory_space<vmem>>, vector<16xf32>,
    %swap3A_310 = vector.shape_cast %swap3A_309 : vector<16xf32> to vector<16xf32>
    %swap3A_311 = vector.shape_cast %sub3A_284 : vector<16xf32> to vector<16xf32>
    tpu.vector_store %arg7[%swap3A_308], %swap3A_311 {strides = array<i32>} : memref<256xf32, #tpu.memory_space<vmem>>, vector<16xf32>,
    %get3A_312 = arith.constant 0 : i32
    %get3A_313 = arith.index_cast %get3A_312 : i32 to index
    %get3A_314 = arith.constant 96 : index
    %get3A_315 = tpu.vector_load %arg5[%get3A_313, %get3A_314] {strides = array<i32>} : memref<1x256xf32, #tpu.memory_space<vmem>>, vector<1x16xf32>,
    %get3A_316 = vector.shape_cast %get3A_315 : vector<1x16xf32> to vector<16xf32>
    %max3A_317 = arith.constant -1.000000e+00 : f32
    %max3A_318 = vector.broadcast %max3A_317 : f32 to vector<16xf32>
    %max3A_319 = arith.maximumf %get3A_316, %max3A_318 : vector<16xf32>
    %min3A_320 = arith.constant 1.000000e+00 : f32
    %min3A_321 = vector.broadcast %min3A_320 : f32 to vector<16xf32>
    %min3A_322 = arith.minimumf %max3A_319, %min3A_321 : vector<16xf32>
    %add3A_323 = arith.constant 1.000000e+00 : f32
    %add3A_324 = vector.broadcast %add3A_323 : f32 to vector<16xf32>
    %add3A_325 = arith.addf %min3A_322, %add3A_324 : vector<16xf32>
    %mul3A_326 = arith.constant 7.500000e+00 : f32
    %mul3A_327 = vector.broadcast %mul3A_326 : f32 to vector<16xf32>
    %mul3A_328 = arith.mulf %add3A_325, %mul3A_327 : vector<16xf32>
    %convert_element_type3A_329 = arith.fptosi %mul3A_328 : vector<16xf32> to vector<16xi32>
    %max3A_330 = arith.constant 0 : i32
    %max3A_331 = vector.broadcast %max3A_330 : i32 to vector<16xi32>
    %max3A_332 = arith.maxsi %convert_element_type3A_329, %max3A_331 : vector<16xi32>
    %min3A_333 = arith.constant 14 : i32
    %min3A_334 = vector.broadcast %min3A_333 : i32 to vector<16xi32>
    %min3A_335 = arith.minsi %max3A_332, %min3A_334 : vector<16xi32>
    %convert_element_type3A_336 = arith.sitofp %min3A_335 : vector<16xi32> to vector<16xf32>
    %sub3A_337 = arith.subf %mul3A_328, %convert_element_type3A_336 : vector<16xf32>
    %iota3A_338 = tpu.iota {dimensions = array<i32: 0>} : vector<16xi32>
    %add3A_339 = arith.constant 96 : i32
    %add3A_340 = vector.broadcast %add3A_339 : i32 to vector<16xi32>
    %add3A_341 = arith.addi %iota3A_338, %add3A_340 : vector<16xi32>
    %mul3A_342 = arith.constant 16 : i32
    %mul3A_343 = vector.broadcast %mul3A_342 : i32 to vector<16xi32>
    %mul3A_344 = arith.muli %add3A_341, %mul3A_343 : vector<16xi32>
    %add3A_345 = arith.addi %mul3A_344, %min3A_335 : vector<16xi32>
    %swap3A_346 = arith.constant 96 : index
    %swap3A_347 = tpu.vector_load %arg6[%swap3A_346] {strides = array<i32>} : memref<512xi32, #tpu.memory_space<vmem>>, vector<16xi32>,
    %swap3A_348 = vector.shape_cast %swap3A_347 : vector<16xi32> to vector<16xi32>
    %swap3A_349 = vector.shape_cast %add3A_345 : vector<16xi32> to vector<16xi32>
    tpu.vector_store %arg6[%swap3A_346], %swap3A_349 {strides = array<i32>} : memref<512xi32, #tpu.memory_space<vmem>>, vector<16xi32>,
    %mul3A_350 = arith.constant 16 : i32
    %mul3A_351 = vector.broadcast %mul3A_350 : i32 to vector<16xi32>
    %mul3A_352 = arith.muli %add3A_341, %mul3A_351 : vector<16xi32>
    %add3A_353 = arith.addi %mul3A_352, %min3A_335 : vector<16xi32>
    %add3A_354 = arith.constant 1 : i32
    %add3A_355 = vector.broadcast %add3A_354 : i32 to vector<16xi32>
    %add3A_356 = arith.addi %add3A_353, %add3A_355 : vector<16xi32>
    %swap3A_357 = arith.constant 352 : index
    %swap3A_358 = tpu.vector_load %arg6[%swap3A_357] {strides = array<i32>} : memref<512xi32, #tpu.memory_space<vmem>>, vector<16xi32>,
    %swap3A_359 = vector.shape_cast %swap3A_358 : vector<16xi32> to vector<16xi32>
    %swap3A_360 = vector.shape_cast %add3A_356 : vector<16xi32> to vector<16xi32>
    tpu.vector_store %arg6[%swap3A_357], %swap3A_360 {strides = array<i32>} : memref<512xi32, #tpu.memory_space<vmem>>, vector<16xi32>,
    %swap3A_361 = arith.constant 96 : index
    %swap3A_362 = tpu.vector_load %arg7[%swap3A_361] {strides = array<i32>} : memref<256xf32, #tpu.memory_space<vmem>>, vector<16xf32>,
    %swap3A_363 = vector.shape_cast %swap3A_362 : vector<16xf32> to vector<16xf32>
    %swap3A_364 = vector.shape_cast %sub3A_337 : vector<16xf32> to vector<16xf32>
    tpu.vector_store %arg7[%swap3A_361], %swap3A_364 {strides = array<i32>} : memref<256xf32, #tpu.memory_space<vmem>>, vector<16xf32>,
    %get3A_365 = arith.constant 0 : i32
    %get3A_366 = arith.index_cast %get3A_365 : i32 to index
    %get3A_367 = arith.constant 112 : index
    %get3A_368 = tpu.vector_load %arg5[%get3A_366, %get3A_367] {strides = array<i32>} : memref<1x256xf32, #tpu.memory_space<vmem>>, vector<1x16xf32>,
    %get3A_369 = vector.shape_cast %get3A_368 : vector<1x16xf32> to vector<16xf32>
    %max3A_370 = arith.constant -1.000000e+00 : f32
    %max3A_371 = vector.broadcast %max3A_370 : f32 to vector<16xf32>
    %max3A_372 = arith.maximumf %get3A_369, %max3A_371 : vector<16xf32>
    %min3A_373 = arith.constant 1.000000e+00 : f32
    %min3A_374 = vector.broadcast %min3A_373 : f32 to vector<16xf32>
    %min3A_375 = arith.minimumf %max3A_372, %min3A_374 : vector<16xf32>
    %add3A_376 = arith.constant 1.000000e+00 : f32
    %add3A_377 = vector.broadcast %add3A_376 : f32 to vector<16xf32>
    %add3A_378 = arith.addf %min3A_375, %add3A_377 : vector<16xf32>
    %mul3A_379 = arith.constant 7.500000e+00 : f32
    %mul3A_380 = vector.broadcast %mul3A_379 : f32 to vector<16xf32>
    %mul3A_381 = arith.mulf %add3A_378, %mul3A_380 : vector<16xf32>
    %convert_element_type3A_382 = arith.fptosi %mul3A_381 : vector<16xf32> to vector<16xi32>
    %max3A_383 = arith.constant 0 : i32
    %max3A_384 = vector.broadcast %max3A_383 : i32 to vector<16xi32>
    %max3A_385 = arith.maxsi %convert_element_type3A_382, %max3A_384 : vector<16xi32>
    %min3A_386 = arith.constant 14 : i32
    %min3A_387 = vector.broadcast %min3A_386 : i32 to vector<16xi32>
    %min3A_388 = arith.minsi %max3A_385, %min3A_387 : vector<16xi32>
    %convert_element_type3A_389 = arith.sitofp %min3A_388 : vector<16xi32> to vector<16xf32>
    %sub3A_390 = arith.subf %mul3A_381, %convert_element_type3A_389 : vector<16xf32>
    %iota3A_391 = tpu.iota {dimensions = array<i32: 0>} : vector<16xi32>
    %add3A_392 = arith.constant 112 : i32
    %add3A_393 = vector.broadcast %add3A_392 : i32 to vector<16xi32>
    %add3A_394 = arith.addi %iota3A_391, %add3A_393 : vector<16xi32>
    %mul3A_395 = arith.constant 16 : i32
    %mul3A_396 = vector.broadcast %mul3A_395 : i32 to vector<16xi32>
    %mul3A_397 = arith.muli %add3A_394, %mul3A_396 : vector<16xi32>
    %add3A_398 = arith.addi %mul3A_397, %min3A_388 : vector<16xi32>
    %swap3A_399 = arith.constant 112 : index
    %swap3A_400 = tpu.vector_load %arg6[%swap3A_399] {strides = array<i32>} : memref<512xi32, #tpu.memory_space<vmem>>, vector<16xi32>,
    %swap3A_401 = vector.shape_cast %swap3A_400 : vector<16xi32> to vector<16xi32>
    %swap3A_402 = vector.shape_cast %add3A_398 : vector<16xi32> to vector<16xi32>
    tpu.vector_store %arg6[%swap3A_399], %swap3A_402 {strides = array<i32>} : memref<512xi32, #tpu.memory_space<vmem>>, vector<16xi32>,
    %mul3A_403 = arith.constant 16 : i32
    %mul3A_404 = vector.broadcast %mul3A_403 : i32 to vector<16xi32>
    %mul3A_405 = arith.muli %add3A_394, %mul3A_404 : vector<16xi32>
    %add3A_406 = arith.addi %mul3A_405, %min3A_388 : vector<16xi32>
    %add3A_407 = arith.constant 1 : i32
    %add3A_408 = vector.broadcast %add3A_407 : i32 to vector<16xi32>
    %add3A_409 = arith.addi %add3A_406, %add3A_408 : vector<16xi32>
    %swap3A_410 = arith.constant 368 : index
    %swap3A_411 = tpu.vector_load %arg6[%swap3A_410] {strides = array<i32>} : memref<512xi32, #tpu.memory_space<vmem>>, vector<16xi32>,
    %swap3A_412 = vector.shape_cast %swap3A_411 : vector<16xi32> to vector<16xi32>
    %swap3A_413 = vector.shape_cast %add3A_409 : vector<16xi32> to vector<16xi32>
    tpu.vector_store %arg6[%swap3A_410], %swap3A_413 {strides = array<i32>} : memref<512xi32, #tpu.memory_space<vmem>>, vector<16xi32>,
    %swap3A_414 = arith.constant 112 : index
    %swap3A_415 = tpu.vector_load %arg7[%swap3A_414] {strides = array<i32>} : memref<256xf32, #tpu.memory_space<vmem>>, vector<16xf32>,
    %swap3A_416 = vector.shape_cast %swap3A_415 : vector<16xf32> to vector<16xf32>
    %swap3A_417 = vector.shape_cast %sub3A_390 : vector<16xf32> to vector<16xf32>
    tpu.vector_store %arg7[%swap3A_414], %swap3A_417 {strides = array<i32>} : memref<256xf32, #tpu.memory_space<vmem>>, vector<16xf32>,
    %get3A_418 = arith.constant 0 : i32
    %get3A_419 = arith.index_cast %get3A_418 : i32 to index
    %get3A_420 = arith.constant 128 : index
    %get3A_421 = tpu.vector_load %arg5[%get3A_419, %get3A_420] {strides = array<i32>} : memref<1x256xf32, #tpu.memory_space<vmem>>, vector<1x16xf32>,
    %get3A_422 = vector.shape_cast %get3A_421 : vector<1x16xf32> to vector<16xf32>
    %max3A_423 = arith.constant -1.000000e+00 : f32
    %max3A_424 = vector.broadcast %max3A_423 : f32 to vector<16xf32>
    %max3A_425 = arith.maximumf %get3A_422, %max3A_424 : vector<16xf32>
    %min3A_426 = arith.constant 1.000000e+00 : f32
    %min3A_427 = vector.broadcast %min3A_426 : f32 to vector<16xf32>
    %min3A_428 = arith.minimumf %max3A_425, %min3A_427 : vector<16xf32>
    %add3A_429 = arith.constant 1.000000e+00 : f32
    %add3A_430 = vector.broadcast %add3A_429 : f32 to vector<16xf32>
    %add3A_431 = arith.addf %min3A_428, %add3A_430 : vector<16xf32>
    %mul3A_432 = arith.constant 7.500000e+00 : f32
    %mul3A_433 = vector.broadcast %mul3A_432 : f32 to vector<16xf32>
    %mul3A_434 = arith.mulf %add3A_431, %mul3A_433 : vector<16xf32>
    %convert_element_type3A_435 = arith.fptosi %mul3A_434 : vector<16xf32> to vector<16xi32>
    %max3A_436 = arith.constant 0 : i32
    %max3A_437 = vector.broadcast %max3A_436 : i32 to vector<16xi32>
    %max3A_438 = arith.maxsi %convert_element_type3A_435, %max3A_437 : vector<16xi32>
    %min3A_439 = arith.constant 14 : i32
    %min3A_440 = vector.broadcast %min3A_439 : i32 to vector<16xi32>
    %min3A_441 = arith.minsi %max3A_438, %min3A_440 : vector<16xi32>
    %convert_element_type3A_442 = arith.sitofp %min3A_441 : vector<16xi32> to vector<16xf32>
    %sub3A_443 = arith.subf %mul3A_434, %convert_element_type3A_442 : vector<16xf32>
    %iota3A_444 = tpu.iota {dimensions = array<i32: 0>} : vector<16xi32>
    %add3A_445 = arith.constant 128 : i32
    %add3A_446 = vector.broadcast %add3A_445 : i32 to vector<16xi32>
    %add3A_447 = arith.addi %iota3A_444, %add3A_446 : vector<16xi32>
    %mul3A_448 = arith.constant 16 : i32
    %mul3A_449 = vector.broadcast %mul3A_448 : i32 to vector<16xi32>
    %mul3A_450 = arith.muli %add3A_447, %mul3A_449 : vector<16xi32>
    %add3A_451 = arith.addi %mul3A_450, %min3A_441 : vector<16xi32>
    %swap3A_452 = arith.constant 128 : index
    %swap3A_453 = tpu.vector_load %arg6[%swap3A_452] {strides = array<i32>} : memref<512xi32, #tpu.memory_space<vmem>>, vector<16xi32>,
    %swap3A_454 = vector.shape_cast %swap3A_453 : vector<16xi32> to vector<16xi32>
    %swap3A_455 = vector.shape_cast %add3A_451 : vector<16xi32> to vector<16xi32>
    tpu.vector_store %arg6[%swap3A_452], %swap3A_455 {strides = array<i32>} : memref<512xi32, #tpu.memory_space<vmem>>, vector<16xi32>,
    %mul3A_456 = arith.constant 16 : i32
    %mul3A_457 = vector.broadcast %mul3A_456 : i32 to vector<16xi32>
    %mul3A_458 = arith.muli %add3A_447, %mul3A_457 : vector<16xi32>
    %add3A_459 = arith.addi %mul3A_458, %min3A_441 : vector<16xi32>
    %add3A_460 = arith.constant 1 : i32
    %add3A_461 = vector.broadcast %add3A_460 : i32 to vector<16xi32>
    %add3A_462 = arith.addi %add3A_459, %add3A_461 : vector<16xi32>
    %swap3A_463 = arith.constant 384 : index
    %swap3A_464 = tpu.vector_load %arg6[%swap3A_463] {strides = array<i32>} : memref<512xi32, #tpu.memory_space<vmem>>, vector<16xi32>,
    %swap3A_465 = vector.shape_cast %swap3A_464 : vector<16xi32> to vector<16xi32>
    %swap3A_466 = vector.shape_cast %add3A_462 : vector<16xi32> to vector<16xi32>
    tpu.vector_store %arg6[%swap3A_463], %swap3A_466 {strides = array<i32>} : memref<512xi32, #tpu.memory_space<vmem>>, vector<16xi32>,
    %swap3A_467 = arith.constant 128 : index
    %swap3A_468 = tpu.vector_load %arg7[%swap3A_467] {strides = array<i32>} : memref<256xf32, #tpu.memory_space<vmem>>, vector<16xf32>,
    %swap3A_469 = vector.shape_cast %swap3A_468 : vector<16xf32> to vector<16xf32>
    %swap3A_470 = vector.shape_cast %sub3A_443 : vector<16xf32> to vector<16xf32>
    tpu.vector_store %arg7[%swap3A_467], %swap3A_470 {strides = array<i32>} : memref<256xf32, #tpu.memory_space<vmem>>, vector<16xf32>,
    %get3A_471 = arith.constant 0 : i32
    %get3A_472 = arith.index_cast %get3A_471 : i32 to index
    %get3A_473 = arith.constant 144 : index
    %get3A_474 = tpu.vector_load %arg5[%get3A_472, %get3A_473] {strides = array<i32>} : memref<1x256xf32, #tpu.memory_space<vmem>>, vector<1x16xf32>,
    %get3A_475 = vector.shape_cast %get3A_474 : vector<1x16xf32> to vector<16xf32>
    %max3A_476 = arith.constant -1.000000e+00 : f32
    %max3A_477 = vector.broadcast %max3A_476 : f32 to vector<16xf32>
    %max3A_478 = arith.maximumf %get3A_475, %max3A_477 : vector<16xf32>
    %min3A_479 = arith.constant 1.000000e+00 : f32
    %min3A_480 = vector.broadcast %min3A_479 : f32 to vector<16xf32>
    %min3A_481 = arith.minimumf %max3A_478, %min3A_480 : vector<16xf32>
    %add3A_482 = arith.constant 1.000000e+00 : f32
    %add3A_483 = vector.broadcast %add3A_482 : f32 to vector<16xf32>
    %add3A_484 = arith.addf %min3A_481, %add3A_483 : vector<16xf32>
    %mul3A_485 = arith.constant 7.500000e+00 : f32
    %mul3A_486 = vector.broadcast %mul3A_485 : f32 to vector<16xf32>
    %mul3A_487 = arith.mulf %add3A_484, %mul3A_486 : vector<16xf32>
    %convert_element_type3A_488 = arith.fptosi %mul3A_487 : vector<16xf32> to vector<16xi32>
    %max3A_489 = arith.constant 0 : i32
    %max3A_490 = vector.broadcast %max3A_489 : i32 to vector<16xi32>
    %max3A_491 = arith.maxsi %convert_element_type3A_488, %max3A_490 : vector<16xi32>
    %min3A_492 = arith.constant 14 : i32
    %min3A_493 = vector.broadcast %min3A_492 : i32 to vector<16xi32>
    %min3A_494 = arith.minsi %max3A_491, %min3A_493 : vector<16xi32>
    %convert_element_type3A_495 = arith.sitofp %min3A_494 : vector<16xi32> to vector<16xf32>
    %sub3A_496 = arith.subf %mul3A_487, %convert_element_type3A_495 : vector<16xf32>
    %iota3A_497 = tpu.iota {dimensions = array<i32: 0>} : vector<16xi32>
    %add3A_498 = arith.constant 144 : i32
    %add3A_499 = vector.broadcast %add3A_498 : i32 to vector<16xi32>
    %add3A_500 = arith.addi %iota3A_497, %add3A_499 : vector<16xi32>
    %mul3A_501 = arith.constant 16 : i32
    %mul3A_502 = vector.broadcast %mul3A_501 : i32 to vector<16xi32>
    %mul3A_503 = arith.muli %add3A_500, %mul3A_502 : vector<16xi32>
    %add3A_504 = arith.addi %mul3A_503, %min3A_494 : vector<16xi32>
    %swap3A_505 = arith.constant 144 : index
    %swap3A_506 = tpu.vector_load %arg6[%swap3A_505] {strides = array<i32>} : memref<512xi32, #tpu.memory_space<vmem>>, vector<16xi32>,
    %swap3A_507 = vector.shape_cast %swap3A_506 : vector<16xi32> to vector<16xi32>
    %swap3A_508 = vector.shape_cast %add3A_504 : vector<16xi32> to vector<16xi32>
    tpu.vector_store %arg6[%swap3A_505], %swap3A_508 {strides = array<i32>} : memref<512xi32, #tpu.memory_space<vmem>>, vector<16xi32>,
    %mul3A_509 = arith.constant 16 : i32
    %mul3A_510 = vector.broadcast %mul3A_509 : i32 to vector<16xi32>
    %mul3A_511 = arith.muli %add3A_500, %mul3A_510 : vector<16xi32>
    %add3A_512 = arith.addi %mul3A_511, %min3A_494 : vector<16xi32>
    %add3A_513 = arith.constant 1 : i32
    %add3A_514 = vector.broadcast %add3A_513 : i32 to vector<16xi32>
    %add3A_515 = arith.addi %add3A_512, %add3A_514 : vector<16xi32>
    %swap3A_516 = arith.constant 400 : index
    %swap3A_517 = tpu.vector_load %arg6[%swap3A_516] {strides = array<i32>} : memref<512xi32, #tpu.memory_space<vmem>>, vector<16xi32>,
    %swap3A_518 = vector.shape_cast %swap3A_517 : vector<16xi32> to vector<16xi32>
    %swap3A_519 = vector.shape_cast %add3A_515 : vector<16xi32> to vector<16xi32>
    tpu.vector_store %arg6[%swap3A_516], %swap3A_519 {strides = array<i32>} : memref<512xi32, #tpu.memory_space<vmem>>, vector<16xi32>,
    %swap3A_520 = arith.constant 144 : index
    %swap3A_521 = tpu.vector_load %arg7[%swap3A_520] {strides = array<i32>} : memref<256xf32, #tpu.memory_space<vmem>>, vector<16xf32>,
    %swap3A_522 = vector.shape_cast %swap3A_521 : vector<16xf32> to vector<16xf32>
    %swap3A_523 = vector.shape_cast %sub3A_496 : vector<16xf32> to vector<16xf32>
    tpu.vector_store %arg7[%swap3A_520], %swap3A_523 {strides = array<i32>} : memref<256xf32, #tpu.memory_space<vmem>>, vector<16xf32>,
    %get3A_524 = arith.constant 0 : i32
    %get3A_525 = arith.index_cast %get3A_524 : i32 to index
    %get3A_526 = arith.constant 160 : index
    %get3A_527 = tpu.vector_load %arg5[%get3A_525, %get3A_526] {strides = array<i32>} : memref<1x256xf32, #tpu.memory_space<vmem>>, vector<1x16xf32>,
    %get3A_528 = vector.shape_cast %get3A_527 : vector<1x16xf32> to vector<16xf32>
    %max3A_529 = arith.constant -1.000000e+00 : f32
    %max3A_530 = vector.broadcast %max3A_529 : f32 to vector<16xf32>
    %max3A_531 = arith.maximumf %get3A_528, %max3A_530 : vector<16xf32>
    %min3A_532 = arith.constant 1.000000e+00 : f32
    %min3A_533 = vector.broadcast %min3A_532 : f32 to vector<16xf32>
    %min3A_534 = arith.minimumf %max3A_531, %min3A_533 : vector<16xf32>
    %add3A_535 = arith.constant 1.000000e+00 : f32
    %add3A_536 = vector.broadcast %add3A_535 : f32 to vector<16xf32>
    %add3A_537 = arith.addf %min3A_534, %add3A_536 : vector<16xf32>
    %mul3A_538 = arith.constant 7.500000e+00 : f32
    %mul3A_539 = vector.broadcast %mul3A_538 : f32 to vector<16xf32>
    %mul3A_540 = arith.mulf %add3A_537, %mul3A_539 : vector<16xf32>
    %convert_element_type3A_541 = arith.fptosi %mul3A_540 : vector<16xf32> to vector<16xi32>
    %max3A_542 = arith.constant 0 : i32
    %max3A_543 = vector.broadcast %max3A_542 : i32 to vector<16xi32>
    %max3A_544 = arith.maxsi %convert_element_type3A_541, %max3A_543 : vector<16xi32>
    %min3A_545 = arith.constant 14 : i32
    %min3A_546 = vector.broadcast %min3A_545 : i32 to vector<16xi32>
    %min3A_547 = arith.minsi %max3A_544, %min3A_546 : vector<16xi32>
    %convert_element_type3A_548 = arith.sitofp %min3A_547 : vector<16xi32> to vector<16xf32>
    %sub3A_549 = arith.subf %mul3A_540, %convert_element_type3A_548 : vector<16xf32>
    %iota3A_550 = tpu.iota {dimensions = array<i32: 0>} : vector<16xi32>
    %add3A_551 = arith.constant 160 : i32
    %add3A_552 = vector.broadcast %add3A_551 : i32 to vector<16xi32>
    %add3A_553 = arith.addi %iota3A_550, %add3A_552 : vector<16xi32>
    %mul3A_554 = arith.constant 16 : i32
    %mul3A_555 = vector.broadcast %mul3A_554 : i32 to vector<16xi32>
    %mul3A_556 = arith.muli %add3A_553, %mul3A_555 : vector<16xi32>
    %add3A_557 = arith.addi %mul3A_556, %min3A_547 : vector<16xi32>
    %swap3A_558 = arith.constant 160 : index
    %swap3A_559 = tpu.vector_load %arg6[%swap3A_558] {strides = array<i32>} : memref<512xi32, #tpu.memory_space<vmem>>, vector<16xi32>,
    %swap3A_560 = vector.shape_cast %swap3A_559 : vector<16xi32> to vector<16xi32>
    %swap3A_561 = vector.shape_cast %add3A_557 : vector<16xi32> to vector<16xi32>
    tpu.vector_store %arg6[%swap3A_558], %swap3A_561 {strides = array<i32>} : memref<512xi32, #tpu.memory_space<vmem>>, vector<16xi32>,
    %mul3A_562 = arith.constant 16 : i32
    %mul3A_563 = vector.broadcast %mul3A_562 : i32 to vector<16xi32>
    %mul3A_564 = arith.muli %add3A_553, %mul3A_563 : vector<16xi32>
    %add3A_565 = arith.addi %mul3A_564, %min3A_547 : vector<16xi32>
    %add3A_566 = arith.constant 1 : i32
    %add3A_567 = vector.broadcast %add3A_566 : i32 to vector<16xi32>
    %add3A_568 = arith.addi %add3A_565, %add3A_567 : vector<16xi32>
    %swap3A_569 = arith.constant 416 : index
    %swap3A_570 = tpu.vector_load %arg6[%swap3A_569] {strides = array<i32>} : memref<512xi32, #tpu.memory_space<vmem>>, vector<16xi32>,
    %swap3A_571 = vector.shape_cast %swap3A_570 : vector<16xi32> to vector<16xi32>
    %swap3A_572 = vector.shape_cast %add3A_568 : vector<16xi32> to vector<16xi32>
    tpu.vector_store %arg6[%swap3A_569], %swap3A_572 {strides = array<i32>} : memref<512xi32, #tpu.memory_space<vmem>>, vector<16xi32>,
    %swap3A_573 = arith.constant 160 : index
    %swap3A_574 = tpu.vector_load %arg7[%swap3A_573] {strides = array<i32>} : memref<256xf32, #tpu.memory_space<vmem>>, vector<16xf32>,
    %swap3A_575 = vector.shape_cast %swap3A_574 : vector<16xf32> to vector<16xf32>
    %swap3A_576 = vector.shape_cast %sub3A_549 : vector<16xf32> to vector<16xf32>
    tpu.vector_store %arg7[%swap3A_573], %swap3A_576 {strides = array<i32>} : memref<256xf32, #tpu.memory_space<vmem>>, vector<16xf32>,
    %get3A_577 = arith.constant 0 : i32
    %get3A_578 = arith.index_cast %get3A_577 : i32 to index
    %get3A_579 = arith.constant 176 : index
    %get3A_580 = tpu.vector_load %arg5[%get3A_578, %get3A_579] {strides = array<i32>} : memref<1x256xf32, #tpu.memory_space<vmem>>, vector<1x16xf32>,
    %get3A_581 = vector.shape_cast %get3A_580 : vector<1x16xf32> to vector<16xf32>
    %max3A_582 = arith.constant -1.000000e+00 : f32
    %max3A_583 = vector.broadcast %max3A_582 : f32 to vector<16xf32>
    %max3A_584 = arith.maximumf %get3A_581, %max3A_583 : vector<16xf32>
    %min3A_585 = arith.constant 1.000000e+00 : f32
    %min3A_586 = vector.broadcast %min3A_585 : f32 to vector<16xf32>
    %min3A_587 = arith.minimumf %max3A_584, %min3A_586 : vector<16xf32>
    %add3A_588 = arith.constant 1.000000e+00 : f32
    %add3A_589 = vector.broadcast %add3A_588 : f32 to vector<16xf32>
    %add3A_590 = arith.addf %min3A_587, %add3A_589 : vector<16xf32>
    %mul3A_591 = arith.constant 7.500000e+00 : f32
    %mul3A_592 = vector.broadcast %mul3A_591 : f32 to vector<16xf32>
    %mul3A_593 = arith.mulf %add3A_590, %mul3A_592 : vector<16xf32>
    %convert_element_type3A_594 = arith.fptosi %mul3A_593 : vector<16xf32> to vector<16xi32>
    %max3A_595 = arith.constant 0 : i32
    %max3A_596 = vector.broadcast %max3A_595 : i32 to vector<16xi32>
    %max3A_597 = arith.maxsi %convert_element_type3A_594, %max3A_596 : vector<16xi32>
    %min3A_598 = arith.constant 14 : i32
    %min3A_599 = vector.broadcast %min3A_598 : i32 to vector<16xi32>
    %min3A_600 = arith.minsi %max3A_597, %min3A_599 : vector<16xi32>
    %convert_element_type3A_601 = arith.sitofp %min3A_600 : vector<16xi32> to vector<16xf32>
    %sub3A_602 = arith.subf %mul3A_593, %convert_element_type3A_601 : vector<16xf32>
    %iota3A_603 = tpu.iota {dimensions = array<i32: 0>} : vector<16xi32>
    %add3A_604 = arith.constant 176 : i32
    %add3A_605 = vector.broadcast %add3A_604 : i32 to vector<16xi32>
    %add3A_606 = arith.addi %iota3A_603, %add3A_605 : vector<16xi32>
    %mul3A_607 = arith.constant 16 : i32
    %mul3A_608 = vector.broadcast %mul3A_607 : i32 to vector<16xi32>
    %mul3A_609 = arith.muli %add3A_606, %mul3A_608 : vector<16xi32>
    %add3A_610 = arith.addi %mul3A_609, %min3A_600 : vector<16xi32>
    %swap3A_611 = arith.constant 176 : index
    %swap3A_612 = tpu.vector_load %arg6[%swap3A_611] {strides = array<i32>} : memref<512xi32, #tpu.memory_space<vmem>>, vector<16xi32>,
    %swap3A_613 = vector.shape_cast %swap3A_612 : vector<16xi32> to vector<16xi32>
    %swap3A_614 = vector.shape_cast %add3A_610 : vector<16xi32> to vector<16xi32>
    tpu.vector_store %arg6[%swap3A_611], %swap3A_614 {strides = array<i32>} : memref<512xi32, #tpu.memory_space<vmem>>, vector<16xi32>,
    %mul3A_615 = arith.constant 16 : i32
    %mul3A_616 = vector.broadcast %mul3A_615 : i32 to vector<16xi32>
    %mul3A_617 = arith.muli %add3A_606, %mul3A_616 : vector<16xi32>
    %add3A_618 = arith.addi %mul3A_617, %min3A_600 : vector<16xi32>
    %add3A_619 = arith.constant 1 : i32
    %add3A_620 = vector.broadcast %add3A_619 : i32 to vector<16xi32>
    %add3A_621 = arith.addi %add3A_618, %add3A_620 : vector<16xi32>
    %swap3A_622 = arith.constant 432 : index
    %swap3A_623 = tpu.vector_load %arg6[%swap3A_622] {strides = array<i32>} : memref<512xi32, #tpu.memory_space<vmem>>, vector<16xi32>,
    %swap3A_624 = vector.shape_cast %swap3A_623 : vector<16xi32> to vector<16xi32>
    %swap3A_625 = vector.shape_cast %add3A_621 : vector<16xi32> to vector<16xi32>
    tpu.vector_store %arg6[%swap3A_622], %swap3A_625 {strides = array<i32>} : memref<512xi32, #tpu.memory_space<vmem>>, vector<16xi32>,
    %swap3A_626 = arith.constant 176 : index
    %swap3A_627 = tpu.vector_load %arg7[%swap3A_626] {strides = array<i32>} : memref<256xf32, #tpu.memory_space<vmem>>, vector<16xf32>,
    %swap3A_628 = vector.shape_cast %swap3A_627 : vector<16xf32> to vector<16xf32>
    %swap3A_629 = vector.shape_cast %sub3A_602 : vector<16xf32> to vector<16xf32>
    tpu.vector_store %arg7[%swap3A_626], %swap3A_629 {strides = array<i32>} : memref<256xf32, #tpu.memory_space<vmem>>, vector<16xf32>,
    %get3A_630 = arith.constant 0 : i32
    %get3A_631 = arith.index_cast %get3A_630 : i32 to index
    %get3A_632 = arith.constant 192 : index
    %get3A_633 = tpu.vector_load %arg5[%get3A_631, %get3A_632] {strides = array<i32>} : memref<1x256xf32, #tpu.memory_space<vmem>>, vector<1x16xf32>,
    %get3A_634 = vector.shape_cast %get3A_633 : vector<1x16xf32> to vector<16xf32>
    %max3A_635 = arith.constant -1.000000e+00 : f32
    %max3A_636 = vector.broadcast %max3A_635 : f32 to vector<16xf32>
    %max3A_637 = arith.maximumf %get3A_634, %max3A_636 : vector<16xf32>
    %min3A_638 = arith.constant 1.000000e+00 : f32
    %min3A_639 = vector.broadcast %min3A_638 : f32 to vector<16xf32>
    %min3A_640 = arith.minimumf %max3A_637, %min3A_639 : vector<16xf32>
    %add3A_641 = arith.constant 1.000000e+00 : f32
    %add3A_642 = vector.broadcast %add3A_641 : f32 to vector<16xf32>
    %add3A_643 = arith.addf %min3A_640, %add3A_642 : vector<16xf32>
    %mul3A_644 = arith.constant 7.500000e+00 : f32
    %mul3A_645 = vector.broadcast %mul3A_644 : f32 to vector<16xf32>
    %mul3A_646 = arith.mulf %add3A_643, %mul3A_645 : vector<16xf32>
    %convert_element_type3A_647 = arith.fptosi %mul3A_646 : vector<16xf32> to vector<16xi32>
    %max3A_648 = arith.constant 0 : i32
    %max3A_649 = vector.broadcast %max3A_648 : i32 to vector<16xi32>
    %max3A_650 = arith.maxsi %convert_element_type3A_647, %max3A_649 : vector<16xi32>
    %min3A_651 = arith.constant 14 : i32
    %min3A_652 = vector.broadcast %min3A_651 : i32 to vector<16xi32>
    %min3A_653 = arith.minsi %max3A_650, %min3A_652 : vector<16xi32>
    %convert_element_type3A_654 = arith.sitofp %min3A_653 : vector<16xi32> to vector<16xf32>
    %sub3A_655 = arith.subf %mul3A_646, %convert_element_type3A_654 : vector<16xf32>
    %iota3A_656 = tpu.iota {dimensions = array<i32: 0>} : vector<16xi32>
    %add3A_657 = arith.constant 192 : i32
    %add3A_658 = vector.broadcast %add3A_657 : i32 to vector<16xi32>
    %add3A_659 = arith.addi %iota3A_656, %add3A_658 : vector<16xi32>
    %mul3A_660 = arith.constant 16 : i32
    %mul3A_661 = vector.broadcast %mul3A_660 : i32 to vector<16xi32>
    %mul3A_662 = arith.muli %add3A_659, %mul3A_661 : vector<16xi32>
    %add3A_663 = arith.addi %mul3A_662, %min3A_653 : vector<16xi32>
    %swap3A_664 = arith.constant 192 : index
    %swap3A_665 = tpu.vector_load %arg6[%swap3A_664] {strides = array<i32>} : memref<512xi32, #tpu.memory_space<vmem>>, vector<16xi32>,
    %swap3A_666 = vector.shape_cast %swap3A_665 : vector<16xi32> to vector<16xi32>
    %swap3A_667 = vector.shape_cast %add3A_663 : vector<16xi32> to vector<16xi32>
    tpu.vector_store %arg6[%swap3A_664], %swap3A_667 {strides = array<i32>} : memref<512xi32, #tpu.memory_space<vmem>>, vector<16xi32>,
    %mul3A_668 = arith.constant 16 : i32
    %mul3A_669 = vector.broadcast %mul3A_668 : i32 to vector<16xi32>
    %mul3A_670 = arith.muli %add3A_659, %mul3A_669 : vector<16xi32>
    %add3A_671 = arith.addi %mul3A_670, %min3A_653 : vector<16xi32>
    %add3A_672 = arith.constant 1 : i32
    %add3A_673 = vector.broadcast %add3A_672 : i32 to vector<16xi32>
    %add3A_674 = arith.addi %add3A_671, %add3A_673 : vector<16xi32>
    %swap3A_675 = arith.constant 448 : index
    %swap3A_676 = tpu.vector_load %arg6[%swap3A_675] {strides = array<i32>} : memref<512xi32, #tpu.memory_space<vmem>>, vector<16xi32>,
    %swap3A_677 = vector.shape_cast %swap3A_676 : vector<16xi32> to vector<16xi32>
    %swap3A_678 = vector.shape_cast %add3A_674 : vector<16xi32> to vector<16xi32>
    tpu.vector_store %arg6[%swap3A_675], %swap3A_678 {strides = array<i32>} : memref<512xi32, #tpu.memory_space<vmem>>, vector<16xi32>,
    %swap3A_679 = arith.constant 192 : index
    %swap3A_680 = tpu.vector_load %arg7[%swap3A_679] {strides = array<i32>} : memref<256xf32, #tpu.memory_space<vmem>>, vector<16xf32>,
    %swap3A_681 = vector.shape_cast %swap3A_680 : vector<16xf32> to vector<16xf32>
    %swap3A_682 = vector.shape_cast %sub3A_655 : vector<16xf32> to vector<16xf32>
    tpu.vector_store %arg7[%swap3A_679], %swap3A_682 {strides = array<i32>} : memref<256xf32, #tpu.memory_space<vmem>>, vector<16xf32>,
    %get3A_683 = arith.constant 0 : i32
    %get3A_684 = arith.index_cast %get3A_683 : i32 to index
    %get3A_685 = arith.constant 208 : index
    %get3A_686 = tpu.vector_load %arg5[%get3A_684, %get3A_685] {strides = array<i32>} : memref<1x256xf32, #tpu.memory_space<vmem>>, vector<1x16xf32>,
    %get3A_687 = vector.shape_cast %get3A_686 : vector<1x16xf32> to vector<16xf32>
    %max3A_688 = arith.constant -1.000000e+00 : f32
    %max3A_689 = vector.broadcast %max3A_688 : f32 to vector<16xf32>
    %max3A_690 = arith.maximumf %get3A_687, %max3A_689 : vector<16xf32>
    %min3A_691 = arith.constant 1.000000e+00 : f32
    %min3A_692 = vector.broadcast %min3A_691 : f32 to vector<16xf32>
    %min3A_693 = arith.minimumf %max3A_690, %min3A_692 : vector<16xf32>
    %add3A_694 = arith.constant 1.000000e+00 : f32
    %add3A_695 = vector.broadcast %add3A_694 : f32 to vector<16xf32>
    %add3A_696 = arith.addf %min3A_693, %add3A_695 : vector<16xf32>
    %mul3A_697 = arith.constant 7.500000e+00 : f32
    %mul3A_698 = vector.broadcast %mul3A_697 : f32 to vector<16xf32>
    %mul3A_699 = arith.mulf %add3A_696, %mul3A_698 : vector<16xf32>
    %convert_element_type3A_700 = arith.fptosi %mul3A_699 : vector<16xf32> to vector<16xi32>
    %max3A_701 = arith.constant 0 : i32
    %max3A_702 = vector.broadcast %max3A_701 : i32 to vector<16xi32>
    %max3A_703 = arith.maxsi %convert_element_type3A_700, %max3A_702 : vector<16xi32>
    %min3A_704 = arith.constant 14 : i32
    %min3A_705 = vector.broadcast %min3A_704 : i32 to vector<16xi32>
    %min3A_706 = arith.minsi %max3A_703, %min3A_705 : vector<16xi32>
    %convert_element_type3A_707 = arith.sitofp %min3A_706 : vector<16xi32> to vector<16xf32>
    %sub3A_708 = arith.subf %mul3A_699, %convert_element_type3A_707 : vector<16xf32>
    %iota3A_709 = tpu.iota {dimensions = array<i32: 0>} : vector<16xi32>
    %add3A_710 = arith.constant 208 : i32
    %add3A_711 = vector.broadcast %add3A_710 : i32 to vector<16xi32>
    %add3A_712 = arith.addi %iota3A_709, %add3A_711 : vector<16xi32>
    %mul3A_713 = arith.constant 16 : i32
    %mul3A_714 = vector.broadcast %mul3A_713 : i32 to vector<16xi32>
    %mul3A_715 = arith.muli %add3A_712, %mul3A_714 : vector<16xi32>
    %add3A_716 = arith.addi %mul3A_715, %min3A_706 : vector<16xi32>
    %swap3A_717 = arith.constant 208 : index
    %swap3A_718 = tpu.vector_load %arg6[%swap3A_717] {strides = array<i32>} : memref<512xi32, #tpu.memory_space<vmem>>, vector<16xi32>,
    %swap3A_719 = vector.shape_cast %swap3A_718 : vector<16xi32> to vector<16xi32>
    %swap3A_720 = vector.shape_cast %add3A_716 : vector<16xi32> to vector<16xi32>
    tpu.vector_store %arg6[%swap3A_717], %swap3A_720 {strides = array<i32>} : memref<512xi32, #tpu.memory_space<vmem>>, vector<16xi32>,
    %mul3A_721 = arith.constant 16 : i32
    %mul3A_722 = vector.broadcast %mul3A_721 : i32 to vector<16xi32>
    %mul3A_723 = arith.muli %add3A_712, %mul3A_722 : vector<16xi32>
    %add3A_724 = arith.addi %mul3A_723, %min3A_706 : vector<16xi32>
    %add3A_725 = arith.constant 1 : i32
    %add3A_726 = vector.broadcast %add3A_725 : i32 to vector<16xi32>
    %add3A_727 = arith.addi %add3A_724, %add3A_726 : vector<16xi32>
    %swap3A_728 = arith.constant 464 : index
    %swap3A_729 = tpu.vector_load %arg6[%swap3A_728] {strides = array<i32>} : memref<512xi32, #tpu.memory_space<vmem>>, vector<16xi32>,
    %swap3A_730 = vector.shape_cast %swap3A_729 : vector<16xi32> to vector<16xi32>
    %swap3A_731 = vector.shape_cast %add3A_727 : vector<16xi32> to vector<16xi32>
    tpu.vector_store %arg6[%swap3A_728], %swap3A_731 {strides = array<i32>} : memref<512xi32, #tpu.memory_space<vmem>>, vector<16xi32>,
    %swap3A_732 = arith.constant 208 : index
    %swap3A_733 = tpu.vector_load %arg7[%swap3A_732] {strides = array<i32>} : memref<256xf32, #tpu.memory_space<vmem>>, vector<16xf32>,
    %swap3A_734 = vector.shape_cast %swap3A_733 : vector<16xf32> to vector<16xf32>
    %swap3A_735 = vector.shape_cast %sub3A_708 : vector<16xf32> to vector<16xf32>
    tpu.vector_store %arg7[%swap3A_732], %swap3A_735 {strides = array<i32>} : memref<256xf32, #tpu.memory_space<vmem>>, vector<16xf32>,
    %get3A_736 = arith.constant 0 : i32
    %get3A_737 = arith.index_cast %get3A_736 : i32 to index
    %get3A_738 = arith.constant 224 : index
    %get3A_739 = tpu.vector_load %arg5[%get3A_737, %get3A_738] {strides = array<i32>} : memref<1x256xf32, #tpu.memory_space<vmem>>, vector<1x16xf32>,
    %get3A_740 = vector.shape_cast %get3A_739 : vector<1x16xf32> to vector<16xf32>
    %max3A_741 = arith.constant -1.000000e+00 : f32
    %max3A_742 = vector.broadcast %max3A_741 : f32 to vector<16xf32>
    %max3A_743 = arith.maximumf %get3A_740, %max3A_742 : vector<16xf32>
    %min3A_744 = arith.constant 1.000000e+00 : f32
    %min3A_745 = vector.broadcast %min3A_744 : f32 to vector<16xf32>
    %min3A_746 = arith.minimumf %max3A_743, %min3A_745 : vector<16xf32>
    %add3A_747 = arith.constant 1.000000e+00 : f32
    %add3A_748 = vector.broadcast %add3A_747 : f32 to vector<16xf32>
    %add3A_749 = arith.addf %min3A_746, %add3A_748 : vector<16xf32>
    %mul3A_750 = arith.constant 7.500000e+00 : f32
    %mul3A_751 = vector.broadcast %mul3A_750 : f32 to vector<16xf32>
    %mul3A_752 = arith.mulf %add3A_749, %mul3A_751 : vector<16xf32>
    %convert_element_type3A_753 = arith.fptosi %mul3A_752 : vector<16xf32> to vector<16xi32>
    %max3A_754 = arith.constant 0 : i32
    %max3A_755 = vector.broadcast %max3A_754 : i32 to vector<16xi32>
    %max3A_756 = arith.maxsi %convert_element_type3A_753, %max3A_755 : vector<16xi32>
    %min3A_757 = arith.constant 14 : i32
    %min3A_758 = vector.broadcast %min3A_757 : i32 to vector<16xi32>
    %min3A_759 = arith.minsi %max3A_756, %min3A_758 : vector<16xi32>
    %convert_element_type3A_760 = arith.sitofp %min3A_759 : vector<16xi32> to vector<16xf32>
    %sub3A_761 = arith.subf %mul3A_752, %convert_element_type3A_760 : vector<16xf32>
    %iota3A_762 = tpu.iota {dimensions = array<i32: 0>} : vector<16xi32>
    %add3A_763 = arith.constant 224 : i32
    %add3A_764 = vector.broadcast %add3A_763 : i32 to vector<16xi32>
    %add3A_765 = arith.addi %iota3A_762, %add3A_764 : vector<16xi32>
    %mul3A_766 = arith.constant 16 : i32
    %mul3A_767 = vector.broadcast %mul3A_766 : i32 to vector<16xi32>
    %mul3A_768 = arith.muli %add3A_765, %mul3A_767 : vector<16xi32>
    %add3A_769 = arith.addi %mul3A_768, %min3A_759 : vector<16xi32>
    %swap3A_770 = arith.constant 224 : index
    %swap3A_771 = tpu.vector_load %arg6[%swap3A_770] {strides = array<i32>} : memref<512xi32, #tpu.memory_space<vmem>>, vector<16xi32>,
    %swap3A_772 = vector.shape_cast %swap3A_771 : vector<16xi32> to vector<16xi32>
    %swap3A_773 = vector.shape_cast %add3A_769 : vector<16xi32> to vector<16xi32>
    tpu.vector_store %arg6[%swap3A_770], %swap3A_773 {strides = array<i32>} : memref<512xi32, #tpu.memory_space<vmem>>, vector<16xi32>,
    %mul3A_774 = arith.constant 16 : i32
    %mul3A_775 = vector.broadcast %mul3A_774 : i32 to vector<16xi32>
    %mul3A_776 = arith.muli %add3A_765, %mul3A_775 : vector<16xi32>
    %add3A_777 = arith.addi %mul3A_776, %min3A_759 : vector<16xi32>
    %add3A_778 = arith.constant 1 : i32
    %add3A_779 = vector.broadcast %add3A_778 : i32 to vector<16xi32>
    %add3A_780 = arith.addi %add3A_777, %add3A_779 : vector<16xi32>
    %swap3A_781 = arith.constant 480 : index
    %swap3A_782 = tpu.vector_load %arg6[%swap3A_781] {strides = array<i32>} : memref<512xi32, #tpu.memory_space<vmem>>, vector<16xi32>,
    %swap3A_783 = vector.shape_cast %swap3A_782 : vector<16xi32> to vector<16xi32>
    %swap3A_784 = vector.shape_cast %add3A_780 : vector<16xi32> to vector<16xi32>
    tpu.vector_store %arg6[%swap3A_781], %swap3A_784 {strides = array<i32>} : memref<512xi32, #tpu.memory_space<vmem>>, vector<16xi32>,
    %swap3A_785 = arith.constant 224 : index
    %swap3A_786 = tpu.vector_load %arg7[%swap3A_785] {strides = array<i32>} : memref<256xf32, #tpu.memory_space<vmem>>, vector<16xf32>,
    %swap3A_787 = vector.shape_cast %swap3A_786 : vector<16xf32> to vector<16xf32>
    %swap3A_788 = vector.shape_cast %sub3A_761 : vector<16xf32> to vector<16xf32>
    tpu.vector_store %arg7[%swap3A_785], %swap3A_788 {strides = array<i32>} : memref<256xf32, #tpu.memory_space<vmem>>, vector<16xf32>,
    %get3A_789 = arith.constant 0 : i32
    %get3A_790 = arith.index_cast %get3A_789 : i32 to index
    %get3A_791 = arith.constant 240 : index
    %get3A_792 = tpu.vector_load %arg5[%get3A_790, %get3A_791] {strides = array<i32>} : memref<1x256xf32, #tpu.memory_space<vmem>>, vector<1x16xf32>,
    %get3A_793 = vector.shape_cast %get3A_792 : vector<1x16xf32> to vector<16xf32>
    %max3A_794 = arith.constant -1.000000e+00 : f32
    %max3A_795 = vector.broadcast %max3A_794 : f32 to vector<16xf32>
    %max3A_796 = arith.maximumf %get3A_793, %max3A_795 : vector<16xf32>
    %min3A_797 = arith.constant 1.000000e+00 : f32
    %min3A_798 = vector.broadcast %min3A_797 : f32 to vector<16xf32>
    %min3A_799 = arith.minimumf %max3A_796, %min3A_798 : vector<16xf32>
    %add3A_800 = arith.constant 1.000000e+00 : f32
    %add3A_801 = vector.broadcast %add3A_800 : f32 to vector<16xf32>
    %add3A_802 = arith.addf %min3A_799, %add3A_801 : vector<16xf32>
    %mul3A_803 = arith.constant 7.500000e+00 : f32
    %mul3A_804 = vector.broadcast %mul3A_803 : f32 to vector<16xf32>
    %mul3A_805 = arith.mulf %add3A_802, %mul3A_804 : vector<16xf32>
    %convert_element_type3A_806 = arith.fptosi %mul3A_805 : vector<16xf32> to vector<16xi32>
    %max3A_807 = arith.constant 0 : i32
    %max3A_808 = vector.broadcast %max3A_807 : i32 to vector<16xi32>
    %max3A_809 = arith.maxsi %convert_element_type3A_806, %max3A_808 : vector<16xi32>
    %min3A_810 = arith.constant 14 : i32
    %min3A_811 = vector.broadcast %min3A_810 : i32 to vector<16xi32>
    %min3A_812 = arith.minsi %max3A_809, %min3A_811 : vector<16xi32>
    %convert_element_type3A_813 = arith.sitofp %min3A_812 : vector<16xi32> to vector<16xf32>
    %sub3A_814 = arith.subf %mul3A_805, %convert_element_type3A_813 : vector<16xf32>
    %iota3A_815 = tpu.iota {dimensions = array<i32: 0>} : vector<16xi32>
    %add3A_816 = arith.constant 240 : i32
    %add3A_817 = vector.broadcast %add3A_816 : i32 to vector<16xi32>
    %add3A_818 = arith.addi %iota3A_815, %add3A_817 : vector<16xi32>
    %mul3A_819 = arith.constant 16 : i32
    %mul3A_820 = vector.broadcast %mul3A_819 : i32 to vector<16xi32>
    %mul3A_821 = arith.muli %add3A_818, %mul3A_820 : vector<16xi32>
    %add3A_822 = arith.addi %mul3A_821, %min3A_812 : vector<16xi32>
    %swap3A_823 = arith.constant 240 : index
    %swap3A_824 = tpu.vector_load %arg6[%swap3A_823] {strides = array<i32>} : memref<512xi32, #tpu.memory_space<vmem>>, vector<16xi32>,
    %swap3A_825 = vector.shape_cast %swap3A_824 : vector<16xi32> to vector<16xi32>
    %swap3A_826 = vector.shape_cast %add3A_822 : vector<16xi32> to vector<16xi32>
    tpu.vector_store %arg6[%swap3A_823], %swap3A_826 {strides = array<i32>} : memref<512xi32, #tpu.memory_space<vmem>>, vector<16xi32>,
    %mul3A_827 = arith.constant 16 : i32
    %mul3A_828 = vector.broadcast %mul3A_827 : i32 to vector<16xi32>
    %mul3A_829 = arith.muli %add3A_818, %mul3A_828 : vector<16xi32>
    %add3A_830 = arith.addi %mul3A_829, %min3A_812 : vector<16xi32>
    %add3A_831 = arith.constant 1 : i32
    %add3A_832 = vector.broadcast %add3A_831 : i32 to vector<16xi32>
    %add3A_833 = arith.addi %add3A_830, %add3A_832 : vector<16xi32>
    %swap3A_834 = arith.constant 496 : index
    %swap3A_835 = tpu.vector_load %arg6[%swap3A_834] {strides = array<i32>} : memref<512xi32, #tpu.memory_space<vmem>>, vector<16xi32>,
    %swap3A_836 = vector.shape_cast %swap3A_835 : vector<16xi32> to vector<16xi32>
    %swap3A_837 = vector.shape_cast %add3A_833 : vector<16xi32> to vector<16xi32>
    tpu.vector_store %arg6[%swap3A_834], %swap3A_837 {strides = array<i32>} : memref<512xi32, #tpu.memory_space<vmem>>, vector<16xi32>,
    %swap3A_838 = arith.constant 240 : index
    %swap3A_839 = tpu.vector_load %arg7[%swap3A_838] {strides = array<i32>} : memref<256xf32, #tpu.memory_space<vmem>>, vector<16xf32>,
    %swap3A_840 = vector.shape_cast %swap3A_839 : vector<16xf32> to vector<16xf32>
    %swap3A_841 = vector.shape_cast %sub3A_814 : vector<16xf32> to vector<16xf32>
    tpu.vector_store %arg7[%swap3A_838], %swap3A_841 {strides = array<i32>} : memref<256xf32, #tpu.memory_space<vmem>>, vector<16xf32>,
    %dma_start3A = arith.constant 0 : i32
    %dma_start3A_842 = arith.constant 0 : i32
    %dma_start3A_843 = tpu.memref_slice %arg8[%dma_start3A, %dma_start3A_842] : memref<512x128xf32, #tpu.memory_space<vmem>> -> memref<128x128xf32, #tpu.memory_space<vmem>>
    %dma_start3A_844 = arith.constant 0 : i32
    %dma_start3A_845 = tpu.memref_slice %arg6[%dma_start3A_844] : memref<512xi32, #tpu.memory_space<vmem>> -> memref<128xi32, #tpu.memory_space<vmem>>
    %dma_start3A_846 = arith.constant 0 : i32
    %dma_start3A_847 = arith.constant 0 : i32
    %dma_start3A_848 = tpu.memref_slice %arg3[%dma_start3A_846, %dma_start3A_847] : memref<4096x128xf32, #tpu.memory_space<hbm>> -> memref<4096x128xf32, #tpu.memory_space<hbm>>
    tpu.enqueue_indirect_dma source(%dma_start3A_848 : memref<4096x128xf32, #tpu.memory_space<hbm>>) target(%dma_start3A_843 : memref<128x128xf32, #tpu.memory_space<vmem>>) offsets(%dma_start3A_845 : memref<128xi32, #tpu.memory_space<vmem>>) semaphore(%arg10 : memref<!tpu.dma_semaphore, #tpu.memory_space<semaphore_mem>>)
    %dma_start3A_849 = arith.constant 128 : i32
    %dma_start3A_850 = arith.constant 0 : i32
    %dma_start3A_851 = tpu.memref_slice %arg8[%dma_start3A_849, %dma_start3A_850] : memref<512x128xf32, #tpu.memory_space<vmem>> -> memref<128x128xf32, #tpu.memory_space<vmem>>
    %dma_start3A_852 = arith.constant 128 : i32
    %dma_start3A_853 = tpu.memref_slice %arg6[%dma_start3A_852] : memref<512xi32, #tpu.memory_space<vmem>> -> memref<128xi32, #tpu.memory_space<vmem>>
    %dma_start3A_854 = arith.constant 0 : i32
    %dma_start3A_855 = arith.constant 0 : i32
    %dma_start3A_856 = tpu.memref_slice %arg3[%dma_start3A_854, %dma_start3A_855] : memref<4096x128xf32, #tpu.memory_space<hbm>> -> memref<4096x128xf32, #tpu.memory_space<hbm>>
    tpu.enqueue_indirect_dma source(%dma_start3A_856 : memref<4096x128xf32, #tpu.memory_space<hbm>>) target(%dma_start3A_851 : memref<128x128xf32, #tpu.memory_space<vmem>>) offsets(%dma_start3A_853 : memref<128xi32, #tpu.memory_space<vmem>>) semaphore(%arg10 : memref<!tpu.dma_semaphore, #tpu.memory_space<semaphore_mem>>)
    %dma_start3A_857 = arith.constant 256 : i32
    %dma_start3A_858 = arith.constant 0 : i32
    %dma_start3A_859 = tpu.memref_slice %arg8[%dma_start3A_857, %dma_start3A_858] : memref<512x128xf32, #tpu.memory_space<vmem>> -> memref<128x128xf32, #tpu.memory_space<vmem>>
    %dma_start3A_860 = arith.constant 256 : i32
    %dma_start3A_861 = tpu.memref_slice %arg6[%dma_start3A_860] : memref<512xi32, #tpu.memory_space<vmem>> -> memref<128xi32, #tpu.memory_space<vmem>>
    %dma_start3A_862 = arith.constant 0 : i32
    %dma_start3A_863 = arith.constant 0 : i32
    %dma_start3A_864 = tpu.memref_slice %arg3[%dma_start3A_862, %dma_start3A_863] : memref<4096x128xf32, #tpu.memory_space<hbm>> -> memref<4096x128xf32, #tpu.memory_space<hbm>>
    tpu.enqueue_indirect_dma source(%dma_start3A_864 : memref<4096x128xf32, #tpu.memory_space<hbm>>) target(%dma_start3A_859 : memref<128x128xf32, #tpu.memory_space<vmem>>) offsets(%dma_start3A_861 : memref<128xi32, #tpu.memory_space<vmem>>) semaphore(%arg10 : memref<!tpu.dma_semaphore, #tpu.memory_space<semaphore_mem>>)
    %dma_start3A_865 = arith.constant 384 : i32
    %dma_start3A_866 = arith.constant 0 : i32
    %dma_start3A_867 = tpu.memref_slice %arg8[%dma_start3A_865, %dma_start3A_866] : memref<512x128xf32, #tpu.memory_space<vmem>> -> memref<128x128xf32, #tpu.memory_space<vmem>>
    %dma_start3A_868 = arith.constant 384 : i32
    %dma_start3A_869 = tpu.memref_slice %arg6[%dma_start3A_868] : memref<512xi32, #tpu.memory_space<vmem>> -> memref<128xi32, #tpu.memory_space<vmem>>
    %dma_start3A_870 = arith.constant 0 : i32
    %dma_start3A_871 = arith.constant 0 : i32
    %dma_start3A_872 = tpu.memref_slice %arg3[%dma_start3A_870, %dma_start3A_871] : memref<4096x128xf32, #tpu.memory_space<hbm>> -> memref<4096x128xf32, #tpu.memory_space<hbm>>
    tpu.enqueue_indirect_dma source(%dma_start3A_872 : memref<4096x128xf32, #tpu.memory_space<hbm>>) target(%dma_start3A_867 : memref<128x128xf32, #tpu.memory_space<vmem>>) offsets(%dma_start3A_869 : memref<128xi32, #tpu.memory_space<vmem>>) semaphore(%arg10 : memref<!tpu.dma_semaphore, #tpu.memory_space<semaphore_mem>>)
    %dma_wait3A = arith.constant 0 : i32
    %dma_wait3A_873 = arith.constant 0 : i32
    %dma_wait3A_874 = tpu.memref_slice %arg8[%dma_wait3A, %dma_wait3A_873] : memref<512x128xf32, #tpu.memory_space<vmem>> -> memref<128x128xf32, #tpu.memory_space<vmem>>
    %dma_wait3A_875 = arith.constant 0 : i32
    %dma_wait3A_876 = tpu.memref_slice %arg6[%dma_wait3A_875] : memref<512xi32, #tpu.memory_space<vmem>> -> memref<128xi32, #tpu.memory_space<vmem>>
    %dma_wait3A_877 = arith.constant 0 : i32
    %dma_wait3A_878 = arith.constant 0 : i32
    %dma_wait3A_879 = tpu.memref_slice %arg3[%dma_wait3A_877, %dma_wait3A_878] : memref<4096x128xf32, #tpu.memory_space<hbm>> -> memref<4096x128xf32, #tpu.memory_space<hbm>>
    tpu.wait_indirect_dma semaphore(%arg10 : memref<!tpu.dma_semaphore, #tpu.memory_space<semaphore_mem>>) src(%dma_wait3A_879 : memref<4096x128xf32, #tpu.memory_space<hbm>>) dst(%dma_wait3A_874 : memref<128x128xf32, #tpu.memory_space<vmem>>)
    %dma_wait3A_880 = arith.constant 128 : i32
    %dma_wait3A_881 = arith.constant 0 : i32
    %dma_wait3A_882 = tpu.memref_slice %arg8[%dma_wait3A_880, %dma_wait3A_881] : memref<512x128xf32, #tpu.memory_space<vmem>> -> memref<128x128xf32, #tpu.memory_space<vmem>>
    %dma_wait3A_883 = arith.constant 128 : i32
    %dma_wait3A_884 = tpu.memref_slice %arg6[%dma_wait3A_883] : memref<512xi32, #tpu.memory_space<vmem>> -> memref<128xi32, #tpu.memory_space<vmem>>
    %dma_wait3A_885 = arith.constant 0 : i32
    %dma_wait3A_886 = arith.constant 0 : i32
    %dma_wait3A_887 = tpu.memref_slice %arg3[%dma_wait3A_885, %dma_wait3A_886] : memref<4096x128xf32, #tpu.memory_space<hbm>> -> memref<4096x128xf32, #tpu.memory_space<hbm>>
    tpu.wait_indirect_dma semaphore(%arg10 : memref<!tpu.dma_semaphore, #tpu.memory_space<semaphore_mem>>) src(%dma_wait3A_887 : memref<4096x128xf32, #tpu.memory_space<hbm>>) dst(%dma_wait3A_882 : memref<128x128xf32, #tpu.memory_space<vmem>>)
    %dma_wait3A_888 = arith.constant 256 : i32
    %dma_wait3A_889 = arith.constant 0 : i32
    %dma_wait3A_890 = tpu.memref_slice %arg8[%dma_wait3A_888, %dma_wait3A_889] : memref<512x128xf32, #tpu.memory_space<vmem>> -> memref<128x128xf32, #tpu.memory_space<vmem>>
    %dma_wait3A_891 = arith.constant 256 : i32
    %dma_wait3A_892 = tpu.memref_slice %arg6[%dma_wait3A_891] : memref<512xi32, #tpu.memory_space<vmem>> -> memref<128xi32, #tpu.memory_space<vmem>>
    %dma_wait3A_893 = arith.constant 0 : i32
    %dma_wait3A_894 = arith.constant 0 : i32
    %dma_wait3A_895 = tpu.memref_slice %arg3[%dma_wait3A_893, %dma_wait3A_894] : memref<4096x128xf32, #tpu.memory_space<hbm>> -> memref<4096x128xf32, #tpu.memory_space<hbm>>
    tpu.wait_indirect_dma semaphore(%arg10 : memref<!tpu.dma_semaphore, #tpu.memory_space<semaphore_mem>>) src(%dma_wait3A_895 : memref<4096x128xf32, #tpu.memory_space<hbm>>) dst(%dma_wait3A_890 : memref<128x128xf32, #tpu.memory_space<vmem>>)
    %dma_wait3A_896 = arith.constant 384 : i32
    %dma_wait3A_897 = arith.constant 0 : i32
    %dma_wait3A_898 = tpu.memref_slice %arg8[%dma_wait3A_896, %dma_wait3A_897] : memref<512x128xf32, #tpu.memory_space<vmem>> -> memref<128x128xf32, #tpu.memory_space<vmem>>
    %dma_wait3A_899 = arith.constant 384 : i32
    %dma_wait3A_900 = tpu.memref_slice %arg6[%dma_wait3A_899] : memref<512xi32, #tpu.memory_space<vmem>> -> memref<128xi32, #tpu.memory_space<vmem>>
    %dma_wait3A_901 = arith.constant 0 : i32
    %dma_wait3A_902 = arith.constant 0 : i32
    %dma_wait3A_903 = tpu.memref_slice %arg3[%dma_wait3A_901, %dma_wait3A_902] : memref<4096x128xf32, #tpu.memory_space<hbm>> -> memref<4096x128xf32, #tpu.memory_space<hbm>>
    tpu.wait_indirect_dma semaphore(%arg10 : memref<!tpu.dma_semaphore, #tpu.memory_space<semaphore_mem>>) src(%dma_wait3A_903 : memref<4096x128xf32, #tpu.memory_space<hbm>>) dst(%dma_wait3A_898 : memref<128x128xf32, #tpu.memory_space<vmem>>)
    %broadcast_in_dim3A = arith.constant 0.000000e+00 : f32
    %broadcast_in_dim3A_904 = vector.broadcast %broadcast_in_dim3A : f32 to vector<16xf32>
    %broadcast_in_dim3A_905 = arith.constant 0.000000e+00 : f32
    %broadcast_in_dim3A_906 = vector.broadcast %broadcast_in_dim3A_905 : f32 to vector<16xf32>
    %broadcast_in_dim3A_907 = arith.constant 0.000000e+00 : f32
    %broadcast_in_dim3A_908 = vector.broadcast %broadcast_in_dim3A_907 : f32 to vector<16xf32>
    %broadcast_in_dim3A_909 = arith.constant 0.000000e+00 : f32
    %broadcast_in_dim3A_910 = vector.broadcast %broadcast_in_dim3A_909 : f32 to vector<16xf32>
    %broadcast_in_dim3A_911 = arith.constant 0.000000e+00 : f32
    %broadcast_in_dim3A_912 = vector.broadcast %broadcast_in_dim3A_911 : f32 to vector<16xf32>
    %broadcast_in_dim3A_913 = arith.constant 0.000000e+00 : f32
    %broadcast_in_dim3A_914 = vector.broadcast %broadcast_in_dim3A_913 : f32 to vector<16xf32>
    %broadcast_in_dim3A_915 = arith.constant 0.000000e+00 : f32
    %broadcast_in_dim3A_916 = vector.broadcast %broadcast_in_dim3A_915 : f32 to vector<16xf32>
    %broadcast_in_dim3A_917 = arith.constant 0.000000e+00 : f32
    %broadcast_in_dim3A_918 = vector.broadcast %broadcast_in_dim3A_917 : f32 to vector<16xf32>
    %parallel_loop3A = arith.constant 0 : i32
    %parallel_loop3A_919 = arith.constant 16 : i32
    %parallel_loop3A_920 = arith.constant 1 : i32
    %parallel_loop3A_921:8 = scf.for %parallel_loop3A_970 = %parallel_loop3A to %parallel_loop3A_919 step %parallel_loop3A_920 iter_args(%parallel_loop3A_971 = %broadcast_in_dim3A_904, %parallel_loop3A_972 = %broadcast_in_dim3A_906, %parallel_loop3A_973 = %broadcast_in_dim3A_908, %parallel_loop3A_974 = %broadcast_in_dim3A_910, %parallel_loop3A_975 = %broadcast_in_dim3A_912, %parallel_loop3A_976 = %broadcast_in_dim3A_914, %parallel_loop3A_977 = %broadcast_in_dim3A_916, %parallel_loop3A_978 = %broadcast_in_dim3A_918) -> (vector<16xf32>, vector<16xf32>, vector<16xf32>, vector<16xf32>, vector<16xf32>, vector<16xf32>, vector<16xf32>, vector<16xf32>)  : i32 {
      %parallel_loop3A_979 = arith.constant 16 : i32
      %parallel_loop3A_980 = arith.muli %parallel_loop3A_970, %parallel_loop3A_979 : i32
      %parallel_loop3A_981 = arith.index_cast %parallel_loop3A_980 : i32 to index
      %parallel_loop3A_982 = tpu.vector_load %arg7[%parallel_loop3A_981] {strides = array<i32>} : memref<256xf32, #tpu.memory_space<vmem>>, vector<16xf32>,
      %parallel_loop3A_983 = vector.shape_cast %parallel_loop3A_982 : vector<16xf32> to vector<16xf32>
      %parallel_loop3A_984 = arith.constant 16 : i32
      %parallel_loop3A_985 = arith.muli %parallel_loop3A_970, %parallel_loop3A_984 : i32
      %parallel_loop3A_986 = arith.constant 0 : i32
      %parallel_loop3A_987 = arith.addi %parallel_loop3A_985, %parallel_loop3A_986 : i32
      %parallel_loop3A_988 = arith.constant 0 : i32
      %parallel_loop3A_989 = vector.broadcast %parallel_loop3A_988 : i32 to vector<16xi32>
      %parallel_loop3A_990 = arith.constant 0 : i32
      %parallel_loop3A_991 = vector.broadcast %parallel_loop3A_990 : i32 to vector<16xi32>
      %parallel_loop3A_992 = arith.cmpi slt, %parallel_loop3A_989, %parallel_loop3A_991 : vector<16xi32>
      %parallel_loop3A_993 = arith.constant 16 : i32
      %parallel_loop3A_994 = vector.broadcast %parallel_loop3A_993 : i32 to vector<16xi32>
      %parallel_loop3A_995 = arith.addi %parallel_loop3A_989, %parallel_loop3A_994 : vector<16xi32>
      %parallel_loop3A_996 = arith.select %parallel_loop3A_992, %parallel_loop3A_995, %parallel_loop3A_989 : vector<16xi1>, vector<16xi32>
      %parallel_loop3A_997 = vector.shape_cast %parallel_loop3A_996 : vector<16xi32> to vector<16x1xi32>
      %parallel_loop3A_998 = vector.shape_cast %parallel_loop3A_997 : vector<16x1xi32> to vector<16xi32>
      %parallel_loop3A_999 = tpu.dynamic_gather %parallel_loop3A_983[%parallel_loop3A_998] in [0] : vector<16xf32>, vector<16xi32> -> vector<16xf32>
      %parallel_loop3A_1000 = arith.index_cast %parallel_loop3A_987 : i32 to index
      %parallel_loop3A_1001 = arith.constant 0 : index
      %parallel_loop3A_1002 = tpu.vector_load %arg8[%parallel_loop3A_1000, %parallel_loop3A_1001] {strides = array<i32>} : memref<512x128xf32, #tpu.memory_space<vmem>>, vector<1x16xf32>,
      %parallel_loop3A_1003 = vector.shape_cast %parallel_loop3A_1002 : vector<1x16xf32> to vector<16xf32>
      %parallel_loop3A_1004 = arith.constant 256 : i32
      %parallel_loop3A_1005 = arith.addi %parallel_loop3A_1004, %parallel_loop3A_987 : i32
      %parallel_loop3A_1006 = arith.index_cast %parallel_loop3A_1005 : i32 to index
      %parallel_loop3A_1007 = arith.constant 0 : index
      %parallel_loop3A_1008 = tpu.vector_load %arg8[%parallel_loop3A_1006, %parallel_loop3A_1007] {strides = array<i32>} : memref<512x128xf32, #tpu.memory_space<vmem>>, vector<1x16xf32>,
      %parallel_loop3A_1009 = vector.shape_cast %parallel_loop3A_1008 : vector<1x16xf32> to vector<16xf32>
      %parallel_loop3A_1010 = arith.subf %parallel_loop3A_1009, %parallel_loop3A_1003 : vector<16xf32>
      %parallel_loop3A_1011 = arith.mulf %parallel_loop3A_999, %parallel_loop3A_1010 : vector<16xf32>
      %parallel_loop3A_1012 = arith.addf %parallel_loop3A_1003, %parallel_loop3A_1011 : vector<16xf32>
      %parallel_loop3A_1013 = arith.addf %parallel_loop3A_971, %parallel_loop3A_1012 : vector<16xf32>
      %parallel_loop3A_1014 = arith.index_cast %parallel_loop3A_987 : i32 to index
      %parallel_loop3A_1015 = arith.constant 16 : index
      %parallel_loop3A_1016 = tpu.vector_load %arg8[%parallel_loop3A_1014, %parallel_loop3A_1015] {strides = array<i32>} : memref<512x128xf32, #tpu.memory_space<vmem>>, vector<1x16xf32>,
      %parallel_loop3A_1017 = vector.shape_cast %parallel_loop3A_1016 : vector<1x16xf32> to vector<16xf32>
      %parallel_loop3A_1018 = arith.constant 256 : i32
      %parallel_loop3A_1019 = arith.addi %parallel_loop3A_1018, %parallel_loop3A_987 : i32
      %parallel_loop3A_1020 = arith.index_cast %parallel_loop3A_1019 : i32 to index
      %parallel_loop3A_1021 = arith.constant 16 : index
      %parallel_loop3A_1022 = tpu.vector_load %arg8[%parallel_loop3A_1020, %parallel_loop3A_1021] {strides = array<i32>} : memref<512x128xf32, #tpu.memory_space<vmem>>, vector<1x16xf32>,
      %parallel_loop3A_1023 = vector.shape_cast %parallel_loop3A_1022 : vector<1x16xf32> to vector<16xf32>
      %parallel_loop3A_1024 = arith.subf %parallel_loop3A_1023, %parallel_loop3A_1017 : vector<16xf32>
      %parallel_loop3A_1025 = arith.mulf %parallel_loop3A_999, %parallel_loop3A_1024 : vector<16xf32>
      %parallel_loop3A_1026 = arith.addf %parallel_loop3A_1017, %parallel_loop3A_1025 : vector<16xf32>
      %parallel_loop3A_1027 = arith.addf %parallel_loop3A_972, %parallel_loop3A_1026 : vector<16xf32>
      %parallel_loop3A_1028 = arith.index_cast %parallel_loop3A_987 : i32 to index
      %parallel_loop3A_1029 = arith.constant 32 : index
      %parallel_loop3A_1030 = tpu.vector_load %arg8[%parallel_loop3A_1028, %parallel_loop3A_1029] {strides = array<i32>} : memref<512x128xf32, #tpu.memory_space<vmem>>, vector<1x16xf32>,
      %parallel_loop3A_1031 = vector.shape_cast %parallel_loop3A_1030 : vector<1x16xf32> to vector<16xf32>
      %parallel_loop3A_1032 = arith.constant 256 : i32
      %parallel_loop3A_1033 = arith.addi %parallel_loop3A_1032, %parallel_loop3A_987 : i32
      %parallel_loop3A_1034 = arith.index_cast %parallel_loop3A_1033 : i32 to index
      %parallel_loop3A_1035 = arith.constant 32 : index
      %parallel_loop3A_1036 = tpu.vector_load %arg8[%parallel_loop3A_1034, %parallel_loop3A_1035] {strides = array<i32>} : memref<512x128xf32, #tpu.memory_space<vmem>>, vector<1x16xf32>,
      %parallel_loop3A_1037 = vector.shape_cast %parallel_loop3A_1036 : vector<1x16xf32> to vector<16xf32>
      %parallel_loop3A_1038 = arith.subf %parallel_loop3A_1037, %parallel_loop3A_1031 : vector<16xf32>
      %parallel_loop3A_1039 = arith.mulf %parallel_loop3A_999, %parallel_loop3A_1038 : vector<16xf32>
      %parallel_loop3A_1040 = arith.addf %parallel_loop3A_1031, %parallel_loop3A_1039 : vector<16xf32>
      %parallel_loop3A_1041 = arith.addf %parallel_loop3A_973, %parallel_loop3A_1040 : vector<16xf32>
      %parallel_loop3A_1042 = arith.index_cast %parallel_loop3A_987 : i32 to index
      %parallel_loop3A_1043 = arith.constant 48 : index
      %parallel_loop3A_1044 = tpu.vector_load %arg8[%parallel_loop3A_1042, %parallel_loop3A_1043] {strides = array<i32>} : memref<512x128xf32, #tpu.memory_space<vmem>>, vector<1x16xf32>,
      %parallel_loop3A_1045 = vector.shape_cast %parallel_loop3A_1044 : vector<1x16xf32> to vector<16xf32>
      %parallel_loop3A_1046 = arith.constant 256 : i32
      %parallel_loop3A_1047 = arith.addi %parallel_loop3A_1046, %parallel_loop3A_987 : i32
      %parallel_loop3A_1048 = arith.index_cast %parallel_loop3A_1047 : i32 to index
      %parallel_loop3A_1049 = arith.constant 48 : index
      %parallel_loop3A_1050 = tpu.vector_load %arg8[%parallel_loop3A_1048, %parallel_loop3A_1049] {strides = array<i32>} : memref<512x128xf32, #tpu.memory_space<vmem>>, vector<1x16xf32>,
      %parallel_loop3A_1051 = vector.shape_cast %parallel_loop3A_1050 : vector<1x16xf32> to vector<16xf32>
      %parallel_loop3A_1052 = arith.subf %parallel_loop3A_1051, %parallel_loop3A_1045 : vector<16xf32>
      %parallel_loop3A_1053 = arith.mulf %parallel_loop3A_999, %parallel_loop3A_1052 : vector<16xf32>
      %parallel_loop3A_1054 = arith.addf %parallel_loop3A_1045, %parallel_loop3A_1053 : vector<16xf32>
      %parallel_loop3A_1055 = arith.addf %parallel_loop3A_974, %parallel_loop3A_1054 : vector<16xf32>
      %parallel_loop3A_1056 = arith.index_cast %parallel_loop3A_987 : i32 to index
      %parallel_loop3A_1057 = arith.constant 64 : index
      %parallel_loop3A_1058 = tpu.vector_load %arg8[%parallel_loop3A_1056, %parallel_loop3A_1057] {strides = array<i32>} : memref<512x128xf32, #tpu.memory_space<vmem>>, vector<1x16xf32>,
      %parallel_loop3A_1059 = vector.shape_cast %parallel_loop3A_1058 : vector<1x16xf32> to vector<16xf32>
      %parallel_loop3A_1060 = arith.constant 256 : i32
      %parallel_loop3A_1061 = arith.addi %parallel_loop3A_1060, %parallel_loop3A_987 : i32
      %parallel_loop3A_1062 = arith.index_cast %parallel_loop3A_1061 : i32 to index
      %parallel_loop3A_1063 = arith.constant 64 : index
      %parallel_loop3A_1064 = tpu.vector_load %arg8[%parallel_loop3A_1062, %parallel_loop3A_1063] {strides = array<i32>} : memref<512x128xf32, #tpu.memory_space<vmem>>, vector<1x16xf32>,
      %parallel_loop3A_1065 = vector.shape_cast %parallel_loop3A_1064 : vector<1x16xf32> to vector<16xf32>
      %parallel_loop3A_1066 = arith.subf %parallel_loop3A_1065, %parallel_loop3A_1059 : vector<16xf32>
      %parallel_loop3A_1067 = arith.mulf %parallel_loop3A_999, %parallel_loop3A_1066 : vector<16xf32>
      %parallel_loop3A_1068 = arith.addf %parallel_loop3A_1059, %parallel_loop3A_1067 : vector<16xf32>
      %parallel_loop3A_1069 = arith.addf %parallel_loop3A_975, %parallel_loop3A_1068 : vector<16xf32>
      %parallel_loop3A_1070 = arith.index_cast %parallel_loop3A_987 : i32 to index
      %parallel_loop3A_1071 = arith.constant 80 : index
      %parallel_loop3A_1072 = tpu.vector_load %arg8[%parallel_loop3A_1070, %parallel_loop3A_1071] {strides = array<i32>} : memref<512x128xf32, #tpu.memory_space<vmem>>, vector<1x16xf32>,
      %parallel_loop3A_1073 = vector.shape_cast %parallel_loop3A_1072 : vector<1x16xf32> to vector<16xf32>
      %parallel_loop3A_1074 = arith.constant 256 : i32
      %parallel_loop3A_1075 = arith.addi %parallel_loop3A_1074, %parallel_loop3A_987 : i32
      %parallel_loop3A_1076 = arith.index_cast %parallel_loop3A_1075 : i32 to index
      %parallel_loop3A_1077 = arith.constant 80 : index
      %parallel_loop3A_1078 = tpu.vector_load %arg8[%parallel_loop3A_1076, %parallel_loop3A_1077] {strides = array<i32>} : memref<512x128xf32, #tpu.memory_space<vmem>>, vector<1x16xf32>,
      %parallel_loop3A_1079 = vector.shape_cast %parallel_loop3A_1078 : vector<1x16xf32> to vector<16xf32>
      %parallel_loop3A_1080 = arith.subf %parallel_loop3A_1079, %parallel_loop3A_1073 : vector<16xf32>
      %parallel_loop3A_1081 = arith.mulf %parallel_loop3A_999, %parallel_loop3A_1080 : vector<16xf32>
      %parallel_loop3A_1082 = arith.addf %parallel_loop3A_1073, %parallel_loop3A_1081 : vector<16xf32>
      %parallel_loop3A_1083 = arith.addf %parallel_loop3A_976, %parallel_loop3A_1082 : vector<16xf32>
      %parallel_loop3A_1084 = arith.index_cast %parallel_loop3A_987 : i32 to index
      %parallel_loop3A_1085 = arith.constant 96 : index
      %parallel_loop3A_1086 = tpu.vector_load %arg8[%parallel_loop3A_1084, %parallel_loop3A_1085] {strides = array<i32>} : memref<512x128xf32, #tpu.memory_space<vmem>>, vector<1x16xf32>,
      %parallel_loop3A_1087 = vector.shape_cast %parallel_loop3A_1086 : vector<1x16xf32> to vector<16xf32>
      %parallel_loop3A_1088 = arith.constant 256 : i32
      %parallel_loop3A_1089 = arith.addi %parallel_loop3A_1088, %parallel_loop3A_987 : i32
      %parallel_loop3A_1090 = arith.index_cast %parallel_loop3A_1089 : i32 to index
      %parallel_loop3A_1091 = arith.constant 96 : index
      %parallel_loop3A_1092 = tpu.vector_load %arg8[%parallel_loop3A_1090, %parallel_loop3A_1091] {strides = array<i32>} : memref<512x128xf32, #tpu.memory_space<vmem>>, vector<1x16xf32>,
      %parallel_loop3A_1093 = vector.shape_cast %parallel_loop3A_1092 : vector<1x16xf32> to vector<16xf32>
      %parallel_loop3A_1094 = arith.subf %parallel_loop3A_1093, %parallel_loop3A_1087 : vector<16xf32>
      %parallel_loop3A_1095 = arith.mulf %parallel_loop3A_999, %parallel_loop3A_1094 : vector<16xf32>
      %parallel_loop3A_1096 = arith.addf %parallel_loop3A_1087, %parallel_loop3A_1095 : vector<16xf32>
      %parallel_loop3A_1097 = arith.addf %parallel_loop3A_977, %parallel_loop3A_1096 : vector<16xf32>
      %parallel_loop3A_1098 = arith.index_cast %parallel_loop3A_987 : i32 to index
      %parallel_loop3A_1099 = arith.constant 112 : index
      %parallel_loop3A_1100 = tpu.vector_load %arg8[%parallel_loop3A_1098, %parallel_loop3A_1099] {strides = array<i32>} : memref<512x128xf32, #tpu.memory_space<vmem>>, vector<1x16xf32>,
      %parallel_loop3A_1101 = vector.shape_cast %parallel_loop3A_1100 : vector<1x16xf32> to vector<16xf32>
      %parallel_loop3A_1102 = arith.constant 256 : i32
      %parallel_loop3A_1103 = arith.addi %parallel_loop3A_1102, %parallel_loop3A_987 : i32
      %parallel_loop3A_1104 = arith.index_cast %parallel_loop3A_1103 : i32 to index
      %parallel_loop3A_1105 = arith.constant 112 : index
      %parallel_loop3A_1106 = tpu.vector_load %arg8[%parallel_loop3A_1104, %parallel_loop3A_1105] {strides = array<i32>} : memref<512x128xf32, #tpu.memory_space<vmem>>, vector<1x16xf32>,
      %parallel_loop3A_1107 = vector.shape_cast %parallel_loop3A_1106 : vector<1x16xf32> to vector<16xf32>
      %parallel_loop3A_1108 = arith.subf %parallel_loop3A_1107, %parallel_loop3A_1101 : vector<16xf32>
      %parallel_loop3A_1109 = arith.mulf %parallel_loop3A_999, %parallel_loop3A_1108 : vector<16xf32>
      %parallel_loop3A_1110 = arith.addf %parallel_loop3A_1101, %parallel_loop3A_1109 : vector<16xf32>
      %parallel_loop3A_1111 = arith.addf %parallel_loop3A_978, %parallel_loop3A_1110 : vector<16xf32>
      %parallel_loop3A_1112 = arith.constant 16 : i32
      %parallel_loop3A_1113 = arith.muli %parallel_loop3A_970, %parallel_loop3A_1112 : i32
      %parallel_loop3A_1114 = arith.constant 1 : i32
      %parallel_loop3A_1115 = arith.addi %parallel_loop3A_1113, %parallel_loop3A_1114 : i32
      %parallel_loop3A_1116 = arith.constant 1 : i32
      %parallel_loop3A_1117 = vector.broadcast %parallel_loop3A_1116 : i32 to vector<16xi32>
      %parallel_loop3A_1118 = arith.constant 0 : i32
      %parallel_loop3A_1119 = vector.broadcast %parallel_loop3A_1118 : i32 to vector<16xi32>
      %parallel_loop3A_1120 = arith.cmpi slt, %parallel_loop3A_1117, %parallel_loop3A_1119 : vector<16xi32>
      %parallel_loop3A_1121 = arith.constant 16 : i32
      %parallel_loop3A_1122 = vector.broadcast %parallel_loop3A_1121 : i32 to vector<16xi32>
      %parallel_loop3A_1123 = arith.addi %parallel_loop3A_1117, %parallel_loop3A_1122 : vector<16xi32>
      %parallel_loop3A_1124 = arith.select %parallel_loop3A_1120, %parallel_loop3A_1123, %parallel_loop3A_1117 : vector<16xi1>, vector<16xi32>
      %parallel_loop3A_1125 = vector.shape_cast %parallel_loop3A_1124 : vector<16xi32> to vector<16x1xi32>
      %parallel_loop3A_1126 = vector.shape_cast %parallel_loop3A_1125 : vector<16x1xi32> to vector<16xi32>
      %parallel_loop3A_1127 = tpu.dynamic_gather %parallel_loop3A_983[%parallel_loop3A_1126] in [0] : vector<16xf32>, vector<16xi32> -> vector<16xf32>
      %parallel_loop3A_1128 = arith.index_cast %parallel_loop3A_1115 : i32 to index
      %parallel_loop3A_1129 = arith.constant 0 : index
      %parallel_loop3A_1130 = tpu.vector_load %arg8[%parallel_loop3A_1128, %parallel_loop3A_1129] {strides = array<i32>} : memref<512x128xf32, #tpu.memory_space<vmem>>, vector<1x16xf32>,
      %parallel_loop3A_1131 = vector.shape_cast %parallel_loop3A_1130 : vector<1x16xf32> to vector<16xf32>
      %parallel_loop3A_1132 = arith.constant 256 : i32
      %parallel_loop3A_1133 = arith.addi %parallel_loop3A_1132, %parallel_loop3A_1115 : i32
      %parallel_loop3A_1134 = arith.index_cast %parallel_loop3A_1133 : i32 to index
      %parallel_loop3A_1135 = arith.constant 0 : index
      %parallel_loop3A_1136 = tpu.vector_load %arg8[%parallel_loop3A_1134, %parallel_loop3A_1135] {strides = array<i32>} : memref<512x128xf32, #tpu.memory_space<vmem>>, vector<1x16xf32>,
      %parallel_loop3A_1137 = vector.shape_cast %parallel_loop3A_1136 : vector<1x16xf32> to vector<16xf32>
      %parallel_loop3A_1138 = arith.subf %parallel_loop3A_1137, %parallel_loop3A_1131 : vector<16xf32>
      %parallel_loop3A_1139 = arith.mulf %parallel_loop3A_1127, %parallel_loop3A_1138 : vector<16xf32>
      %parallel_loop3A_1140 = arith.addf %parallel_loop3A_1131, %parallel_loop3A_1139 : vector<16xf32>
      %parallel_loop3A_1141 = arith.addf %parallel_loop3A_1013, %parallel_loop3A_1140 : vector<16xf32>
      %parallel_loop3A_1142 = arith.index_cast %parallel_loop3A_1115 : i32 to index
      %parallel_loop3A_1143 = arith.constant 16 : index
      %parallel_loop3A_1144 = tpu.vector_load %arg8[%parallel_loop3A_1142, %parallel_loop3A_1143] {strides = array<i32>} : memref<512x128xf32, #tpu.memory_space<vmem>>, vector<1x16xf32>,
      %parallel_loop3A_1145 = vector.shape_cast %parallel_loop3A_1144 : vector<1x16xf32> to vector<16xf32>
      %parallel_loop3A_1146 = arith.constant 256 : i32
      %parallel_loop3A_1147 = arith.addi %parallel_loop3A_1146, %parallel_loop3A_1115 : i32
      %parallel_loop3A_1148 = arith.index_cast %parallel_loop3A_1147 : i32 to index
      %parallel_loop3A_1149 = arith.constant 16 : index
      %parallel_loop3A_1150 = tpu.vector_load %arg8[%parallel_loop3A_1148, %parallel_loop3A_1149] {strides = array<i32>} : memref<512x128xf32, #tpu.memory_space<vmem>>, vector<1x16xf32>,
      %parallel_loop3A_1151 = vector.shape_cast %parallel_loop3A_1150 : vector<1x16xf32> to vector<16xf32>
      %parallel_loop3A_1152 = arith.subf %parallel_loop3A_1151, %parallel_loop3A_1145 : vector<16xf32>
      %parallel_loop3A_1153 = arith.mulf %parallel_loop3A_1127, %parallel_loop3A_1152 : vector<16xf32>
      %parallel_loop3A_1154 = arith.addf %parallel_loop3A_1145, %parallel_loop3A_1153 : vector<16xf32>
      %parallel_loop3A_1155 = arith.addf %parallel_loop3A_1027, %parallel_loop3A_1154 : vector<16xf32>
      %parallel_loop3A_1156 = arith.index_cast %parallel_loop3A_1115 : i32 to index
      %parallel_loop3A_1157 = arith.constant 32 : index
      %parallel_loop3A_1158 = tpu.vector_load %arg8[%parallel_loop3A_1156, %parallel_loop3A_1157] {strides = array<i32>} : memref<512x128xf32, #tpu.memory_space<vmem>>, vector<1x16xf32>,
      %parallel_loop3A_1159 = vector.shape_cast %parallel_loop3A_1158 : vector<1x16xf32> to vector<16xf32>
      %parallel_loop3A_1160 = arith.constant 256 : i32
      %parallel_loop3A_1161 = arith.addi %parallel_loop3A_1160, %parallel_loop3A_1115 : i32
      %parallel_loop3A_1162 = arith.index_cast %parallel_loop3A_1161 : i32 to index
      %parallel_loop3A_1163 = arith.constant 32 : index
      %parallel_loop3A_1164 = tpu.vector_load %arg8[%parallel_loop3A_1162, %parallel_loop3A_1163] {strides = array<i32>} : memref<512x128xf32, #tpu.memory_space<vmem>>, vector<1x16xf32>,
      %parallel_loop3A_1165 = vector.shape_cast %parallel_loop3A_1164 : vector<1x16xf32> to vector<16xf32>
      %parallel_loop3A_1166 = arith.subf %parallel_loop3A_1165, %parallel_loop3A_1159 : vector<16xf32>
      %parallel_loop3A_1167 = arith.mulf %parallel_loop3A_1127, %parallel_loop3A_1166 : vector<16xf32>
      %parallel_loop3A_1168 = arith.addf %parallel_loop3A_1159, %parallel_loop3A_1167 : vector<16xf32>
      %parallel_loop3A_1169 = arith.addf %parallel_loop3A_1041, %parallel_loop3A_1168 : vector<16xf32>
      %parallel_loop3A_1170 = arith.index_cast %parallel_loop3A_1115 : i32 to index
      %parallel_loop3A_1171 = arith.constant 48 : index
      %parallel_loop3A_1172 = tpu.vector_load %arg8[%parallel_loop3A_1170, %parallel_loop3A_1171] {strides = array<i32>} : memref<512x128xf32, #tpu.memory_space<vmem>>, vector<1x16xf32>,
      %parallel_loop3A_1173 = vector.shape_cast %parallel_loop3A_1172 : vector<1x16xf32> to vector<16xf32>
      %parallel_loop3A_1174 = arith.constant 256 : i32
      %parallel_loop3A_1175 = arith.addi %parallel_loop3A_1174, %parallel_loop3A_1115 : i32
      %parallel_loop3A_1176 = arith.index_cast %parallel_loop3A_1175 : i32 to index
      %parallel_loop3A_1177 = arith.constant 48 : index
      %parallel_loop3A_1178 = tpu.vector_load %arg8[%parallel_loop3A_1176, %parallel_loop3A_1177] {strides = array<i32>} : memref<512x128xf32, #tpu.memory_space<vmem>>, vector<1x16xf32>,
      %parallel_loop3A_1179 = vector.shape_cast %parallel_loop3A_1178 : vector<1x16xf32> to vector<16xf32>
      %parallel_loop3A_1180 = arith.subf %parallel_loop3A_1179, %parallel_loop3A_1173 : vector<16xf32>
      %parallel_loop3A_1181 = arith.mulf %parallel_loop3A_1127, %parallel_loop3A_1180 : vector<16xf32>
      %parallel_loop3A_1182 = arith.addf %parallel_loop3A_1173, %parallel_loop3A_1181 : vector<16xf32>
      %parallel_loop3A_1183 = arith.addf %parallel_loop3A_1055, %parallel_loop3A_1182 : vector<16xf32>
      %parallel_loop3A_1184 = arith.index_cast %parallel_loop3A_1115 : i32 to index
      %parallel_loop3A_1185 = arith.constant 64 : index
      %parallel_loop3A_1186 = tpu.vector_load %arg8[%parallel_loop3A_1184, %parallel_loop3A_1185] {strides = array<i32>} : memref<512x128xf32, #tpu.memory_space<vmem>>, vector<1x16xf32>,
      %parallel_loop3A_1187 = vector.shape_cast %parallel_loop3A_1186 : vector<1x16xf32> to vector<16xf32>
      %parallel_loop3A_1188 = arith.constant 256 : i32
      %parallel_loop3A_1189 = arith.addi %parallel_loop3A_1188, %parallel_loop3A_1115 : i32
      %parallel_loop3A_1190 = arith.index_cast %parallel_loop3A_1189 : i32 to index
      %parallel_loop3A_1191 = arith.constant 64 : index
      %parallel_loop3A_1192 = tpu.vector_load %arg8[%parallel_loop3A_1190, %parallel_loop3A_1191] {strides = array<i32>} : memref<512x128xf32, #tpu.memory_space<vmem>>, vector<1x16xf32>,
      %parallel_loop3A_1193 = vector.shape_cast %parallel_loop3A_1192 : vector<1x16xf32> to vector<16xf32>
      %parallel_loop3A_1194 = arith.subf %parallel_loop3A_1193, %parallel_loop3A_1187 : vector<16xf32>
      %parallel_loop3A_1195 = arith.mulf %parallel_loop3A_1127, %parallel_loop3A_1194 : vector<16xf32>
      %parallel_loop3A_1196 = arith.addf %parallel_loop3A_1187, %parallel_loop3A_1195 : vector<16xf32>
      %parallel_loop3A_1197 = arith.addf %parallel_loop3A_1069, %parallel_loop3A_1196 : vector<16xf32>
      %parallel_loop3A_1198 = arith.index_cast %parallel_loop3A_1115 : i32 to index
      %parallel_loop3A_1199 = arith.constant 80 : index
      %parallel_loop3A_1200 = tpu.vector_load %arg8[%parallel_loop3A_1198, %parallel_loop3A_1199] {strides = array<i32>} : memref<512x128xf32, #tpu.memory_space<vmem>>, vector<1x16xf32>,
      %parallel_loop3A_1201 = vector.shape_cast %parallel_loop3A_1200 : vector<1x16xf32> to vector<16xf32>
      %parallel_loop3A_1202 = arith.constant 256 : i32
      %parallel_loop3A_1203 = arith.addi %parallel_loop3A_1202, %parallel_loop3A_1115 : i32
      %parallel_loop3A_1204 = arith.index_cast %parallel_loop3A_1203 : i32 to index
      %parallel_loop3A_1205 = arith.constant 80 : index
      %parallel_loop3A_1206 = tpu.vector_load %arg8[%parallel_loop3A_1204, %parallel_loop3A_1205] {strides = array<i32>} : memref<512x128xf32, #tpu.memory_space<vmem>>, vector<1x16xf32>,
      %parallel_loop3A_1207 = vector.shape_cast %parallel_loop3A_1206 : vector<1x16xf32> to vector<16xf32>
      %parallel_loop3A_1208 = arith.subf %parallel_loop3A_1207, %parallel_loop3A_1201 : vector<16xf32>
      %parallel_loop3A_1209 = arith.mulf %parallel_loop3A_1127, %parallel_loop3A_1208 : vector<16xf32>
      %parallel_loop3A_1210 = arith.addf %parallel_loop3A_1201, %parallel_loop3A_1209 : vector<16xf32>
      %parallel_loop3A_1211 = arith.addf %parallel_loop3A_1083, %parallel_loop3A_1210 : vector<16xf32>
      %parallel_loop3A_1212 = arith.index_cast %parallel_loop3A_1115 : i32 to index
      %parallel_loop3A_1213 = arith.constant 96 : index
      %parallel_loop3A_1214 = tpu.vector_load %arg8[%parallel_loop3A_1212, %parallel_loop3A_1213] {strides = array<i32>} : memref<512x128xf32, #tpu.memory_space<vmem>>, vector<1x16xf32>,
      %parallel_loop3A_1215 = vector.shape_cast %parallel_loop3A_1214 : vector<1x16xf32> to vector<16xf32>
      %parallel_loop3A_1216 = arith.constant 256 : i32
      %parallel_loop3A_1217 = arith.addi %parallel_loop3A_1216, %parallel_loop3A_1115 : i32
      %parallel_loop3A_1218 = arith.index_cast %parallel_loop3A_1217 : i32 to index
      %parallel_loop3A_1219 = arith.constant 96 : index
      %parallel_loop3A_1220 = tpu.vector_load %arg8[%parallel_loop3A_1218, %parallel_loop3A_1219] {strides = array<i32>} : memref<512x128xf32, #tpu.memory_space<vmem>>, vector<1x16xf32>,
      %parallel_loop3A_1221 = vector.shape_cast %parallel_loop3A_1220 : vector<1x16xf32> to vector<16xf32>
      %parallel_loop3A_1222 = arith.subf %parallel_loop3A_1221, %parallel_loop3A_1215 : vector<16xf32>
      %parallel_loop3A_1223 = arith.mulf %parallel_loop3A_1127, %parallel_loop3A_1222 : vector<16xf32>
      %parallel_loop3A_1224 = arith.addf %parallel_loop3A_1215, %parallel_loop3A_1223 : vector<16xf32>
      %parallel_loop3A_1225 = arith.addf %parallel_loop3A_1097, %parallel_loop3A_1224 : vector<16xf32>
      %parallel_loop3A_1226 = arith.index_cast %parallel_loop3A_1115 : i32 to index
      %parallel_loop3A_1227 = arith.constant 112 : index
      %parallel_loop3A_1228 = tpu.vector_load %arg8[%parallel_loop3A_1226, %parallel_loop3A_1227] {strides = array<i32>} : memref<512x128xf32, #tpu.memory_space<vmem>>, vector<1x16xf32>,
      %parallel_loop3A_1229 = vector.shape_cast %parallel_loop3A_1228 : vector<1x16xf32> to vector<16xf32>
      %parallel_loop3A_1230 = arith.constant 256 : i32
      %parallel_loop3A_1231 = arith.addi %parallel_loop3A_1230, %parallel_loop3A_1115 : i32
      %parallel_loop3A_1232 = arith.index_cast %parallel_loop3A_1231 : i32 to index
      %parallel_loop3A_1233 = arith.constant 112 : index
      %parallel_loop3A_1234 = tpu.vector_load %arg8[%parallel_loop3A_1232, %parallel_loop3A_1233] {strides = array<i32>} : memref<512x128xf32, #tpu.memory_space<vmem>>, vector<1x16xf32>,
      %parallel_loop3A_1235 = vector.shape_cast %parallel_loop3A_1234 : vector<1x16xf32> to vector<16xf32>
      %parallel_loop3A_1236 = arith.subf %parallel_loop3A_1235, %parallel_loop3A_1229 : vector<16xf32>
      %parallel_loop3A_1237 = arith.mulf %parallel_loop3A_1127, %parallel_loop3A_1236 : vector<16xf32>
      %parallel_loop3A_1238 = arith.addf %parallel_loop3A_1229, %parallel_loop3A_1237 : vector<16xf32>
      %parallel_loop3A_1239 = arith.addf %parallel_loop3A_1111, %parallel_loop3A_1238 : vector<16xf32>
      %parallel_loop3A_1240 = arith.constant 16 : i32
      %parallel_loop3A_1241 = arith.muli %parallel_loop3A_970, %parallel_loop3A_1240 : i32
      %parallel_loop3A_1242 = arith.constant 2 : i32
      %parallel_loop3A_1243 = arith.addi %parallel_loop3A_1241, %parallel_loop3A_1242 : i32
      %parallel_loop3A_1244 = arith.constant 2 : i32
      %parallel_loop3A_1245 = vector.broadcast %parallel_loop3A_1244 : i32 to vector<16xi32>
      %parallel_loop3A_1246 = arith.constant 0 : i32
      %parallel_loop3A_1247 = vector.broadcast %parallel_loop3A_1246 : i32 to vector<16xi32>
      %parallel_loop3A_1248 = arith.cmpi slt, %parallel_loop3A_1245, %parallel_loop3A_1247 : vector<16xi32>
      %parallel_loop3A_1249 = arith.constant 16 : i32
      %parallel_loop3A_1250 = vector.broadcast %parallel_loop3A_1249 : i32 to vector<16xi32>
      %parallel_loop3A_1251 = arith.addi %parallel_loop3A_1245, %parallel_loop3A_1250 : vector<16xi32>
      %parallel_loop3A_1252 = arith.select %parallel_loop3A_1248, %parallel_loop3A_1251, %parallel_loop3A_1245 : vector<16xi1>, vector<16xi32>
      %parallel_loop3A_1253 = vector.shape_cast %parallel_loop3A_1252 : vector<16xi32> to vector<16x1xi32>
      %parallel_loop3A_1254 = vector.shape_cast %parallel_loop3A_1253 : vector<16x1xi32> to vector<16xi32>
      %parallel_loop3A_1255 = tpu.dynamic_gather %parallel_loop3A_983[%parallel_loop3A_1254] in [0] : vector<16xf32>, vector<16xi32> -> vector<16xf32>
      %parallel_loop3A_1256 = arith.index_cast %parallel_loop3A_1243 : i32 to index
      %parallel_loop3A_1257 = arith.constant 0 : index
      %parallel_loop3A_1258 = tpu.vector_load %arg8[%parallel_loop3A_1256, %parallel_loop3A_1257] {strides = array<i32>} : memref<512x128xf32, #tpu.memory_space<vmem>>, vector<1x16xf32>,
      %parallel_loop3A_1259 = vector.shape_cast %parallel_loop3A_1258 : vector<1x16xf32> to vector<16xf32>
      %parallel_loop3A_1260 = arith.constant 256 : i32
      %parallel_loop3A_1261 = arith.addi %parallel_loop3A_1260, %parallel_loop3A_1243 : i32
      %parallel_loop3A_1262 = arith.index_cast %parallel_loop3A_1261 : i32 to index
      %parallel_loop3A_1263 = arith.constant 0 : index
      %parallel_loop3A_1264 = tpu.vector_load %arg8[%parallel_loop3A_1262, %parallel_loop3A_1263] {strides = array<i32>} : memref<512x128xf32, #tpu.memory_space<vmem>>, vector<1x16xf32>,
      %parallel_loop3A_1265 = vector.shape_cast %parallel_loop3A_1264 : vector<1x16xf32> to vector<16xf32>
      %parallel_loop3A_1266 = arith.subf %parallel_loop3A_1265, %parallel_loop3A_1259 : vector<16xf32>
      %parallel_loop3A_1267 = arith.mulf %parallel_loop3A_1255, %parallel_loop3A_1266 : vector<16xf32>
      %parallel_loop3A_1268 = arith.addf %parallel_loop3A_1259, %parallel_loop3A_1267 : vector<16xf32>
      %parallel_loop3A_1269 = arith.addf %parallel_loop3A_1141, %parallel_loop3A_1268 : vector<16xf32>
      %parallel_loop3A_1270 = arith.index_cast %parallel_loop3A_1243 : i32 to index
      %parallel_loop3A_1271 = arith.constant 16 : index
      %parallel_loop3A_1272 = tpu.vector_load %arg8[%parallel_loop3A_1270, %parallel_loop3A_1271] {strides = array<i32>} : memref<512x128xf32, #tpu.memory_space<vmem>>, vector<1x16xf32>,
      %parallel_loop3A_1273 = vector.shape_cast %parallel_loop3A_1272 : vector<1x16xf32> to vector<16xf32>
      %parallel_loop3A_1274 = arith.constant 256 : i32
      %parallel_loop3A_1275 = arith.addi %parallel_loop3A_1274, %parallel_loop3A_1243 : i32
      %parallel_loop3A_1276 = arith.index_cast %parallel_loop3A_1275 : i32 to index
      %parallel_loop3A_1277 = arith.constant 16 : index
      %parallel_loop3A_1278 = tpu.vector_load %arg8[%parallel_loop3A_1276, %parallel_loop3A_1277] {strides = array<i32>} : memref<512x128xf32, #tpu.memory_space<vmem>>, vector<1x16xf32>,
      %parallel_loop3A_1279 = vector.shape_cast %parallel_loop3A_1278 : vector<1x16xf32> to vector<16xf32>
      %parallel_loop3A_1280 = arith.subf %parallel_loop3A_1279, %parallel_loop3A_1273 : vector<16xf32>
      %parallel_loop3A_1281 = arith.mulf %parallel_loop3A_1255, %parallel_loop3A_1280 : vector<16xf32>
      %parallel_loop3A_1282 = arith.addf %parallel_loop3A_1273, %parallel_loop3A_1281 : vector<16xf32>
      %parallel_loop3A_1283 = arith.addf %parallel_loop3A_1155, %parallel_loop3A_1282 : vector<16xf32>
      %parallel_loop3A_1284 = arith.index_cast %parallel_loop3A_1243 : i32 to index
      %parallel_loop3A_1285 = arith.constant 32 : index
      %parallel_loop3A_1286 = tpu.vector_load %arg8[%parallel_loop3A_1284, %parallel_loop3A_1285] {strides = array<i32>} : memref<512x128xf32, #tpu.memory_space<vmem>>, vector<1x16xf32>,
      %parallel_loop3A_1287 = vector.shape_cast %parallel_loop3A_1286 : vector<1x16xf32> to vector<16xf32>
      %parallel_loop3A_1288 = arith.constant 256 : i32
      %parallel_loop3A_1289 = arith.addi %parallel_loop3A_1288, %parallel_loop3A_1243 : i32
      %parallel_loop3A_1290 = arith.index_cast %parallel_loop3A_1289 : i32 to index
      %parallel_loop3A_1291 = arith.constant 32 : index
      %parallel_loop3A_1292 = tpu.vector_load %arg8[%parallel_loop3A_1290, %parallel_loop3A_1291] {strides = array<i32>} : memref<512x128xf32, #tpu.memory_space<vmem>>, vector<1x16xf32>,
      %parallel_loop3A_1293 = vector.shape_cast %parallel_loop3A_1292 : vector<1x16xf32> to vector<16xf32>
      %parallel_loop3A_1294 = arith.subf %parallel_loop3A_1293, %parallel_loop3A_1287 : vector<16xf32>
      %parallel_loop3A_1295 = arith.mulf %parallel_loop3A_1255, %parallel_loop3A_1294 : vector<16xf32>
      %parallel_loop3A_1296 = arith.addf %parallel_loop3A_1287, %parallel_loop3A_1295 : vector<16xf32>
      %parallel_loop3A_1297 = arith.addf %parallel_loop3A_1169, %parallel_loop3A_1296 : vector<16xf32>
      %parallel_loop3A_1298 = arith.index_cast %parallel_loop3A_1243 : i32 to index
      %parallel_loop3A_1299 = arith.constant 48 : index
      %parallel_loop3A_1300 = tpu.vector_load %arg8[%parallel_loop3A_1298, %parallel_loop3A_1299] {strides = array<i32>} : memref<512x128xf32, #tpu.memory_space<vmem>>, vector<1x16xf32>,
      %parallel_loop3A_1301 = vector.shape_cast %parallel_loop3A_1300 : vector<1x16xf32> to vector<16xf32>
      %parallel_loop3A_1302 = arith.constant 256 : i32
      %parallel_loop3A_1303 = arith.addi %parallel_loop3A_1302, %parallel_loop3A_1243 : i32
      %parallel_loop3A_1304 = arith.index_cast %parallel_loop3A_1303 : i32 to index
      %parallel_loop3A_1305 = arith.constant 48 : index
      %parallel_loop3A_1306 = tpu.vector_load %arg8[%parallel_loop3A_1304, %parallel_loop3A_1305] {strides = array<i32>} : memref<512x128xf32, #tpu.memory_space<vmem>>, vector<1x16xf32>,
      %parallel_loop3A_1307 = vector.shape_cast %parallel_loop3A_1306 : vector<1x16xf32> to vector<16xf32>
      %parallel_loop3A_1308 = arith.subf %parallel_loop3A_1307, %parallel_loop3A_1301 : vector<16xf32>
      %parallel_loop3A_1309 = arith.mulf %parallel_loop3A_1255, %parallel_loop3A_1308 : vector<16xf32>
      %parallel_loop3A_1310 = arith.addf %parallel_loop3A_1301, %parallel_loop3A_1309 : vector<16xf32>
      %parallel_loop3A_1311 = arith.addf %parallel_loop3A_1183, %parallel_loop3A_1310 : vector<16xf32>
      %parallel_loop3A_1312 = arith.index_cast %parallel_loop3A_1243 : i32 to index
      %parallel_loop3A_1313 = arith.constant 64 : index
      %parallel_loop3A_1314 = tpu.vector_load %arg8[%parallel_loop3A_1312, %parallel_loop3A_1313] {strides = array<i32>} : memref<512x128xf32, #tpu.memory_space<vmem>>, vector<1x16xf32>,
      %parallel_loop3A_1315 = vector.shape_cast %parallel_loop3A_1314 : vector<1x16xf32> to vector<16xf32>
      %parallel_loop3A_1316 = arith.constant 256 : i32
      %parallel_loop3A_1317 = arith.addi %parallel_loop3A_1316, %parallel_loop3A_1243 : i32
      %parallel_loop3A_1318 = arith.index_cast %parallel_loop3A_1317 : i32 to index
      %parallel_loop3A_1319 = arith.constant 64 : index
      %parallel_loop3A_1320 = tpu.vector_load %arg8[%parallel_loop3A_1318, %parallel_loop3A_1319] {strides = array<i32>} : memref<512x128xf32, #tpu.memory_space<vmem>>, vector<1x16xf32>,
      %parallel_loop3A_1321 = vector.shape_cast %parallel_loop3A_1320 : vector<1x16xf32> to vector<16xf32>
      %parallel_loop3A_1322 = arith.subf %parallel_loop3A_1321, %parallel_loop3A_1315 : vector<16xf32>
      %parallel_loop3A_1323 = arith.mulf %parallel_loop3A_1255, %parallel_loop3A_1322 : vector<16xf32>
      %parallel_loop3A_1324 = arith.addf %parallel_loop3A_1315, %parallel_loop3A_1323 : vector<16xf32>
      %parallel_loop3A_1325 = arith.addf %parallel_loop3A_1197, %parallel_loop3A_1324 : vector<16xf32>
      %parallel_loop3A_1326 = arith.index_cast %parallel_loop3A_1243 : i32 to index
      %parallel_loop3A_1327 = arith.constant 80 : index
      %parallel_loop3A_1328 = tpu.vector_load %arg8[%parallel_loop3A_1326, %parallel_loop3A_1327] {strides = array<i32>} : memref<512x128xf32, #tpu.memory_space<vmem>>, vector<1x16xf32>,
      %parallel_loop3A_1329 = vector.shape_cast %parallel_loop3A_1328 : vector<1x16xf32> to vector<16xf32>
      %parallel_loop3A_1330 = arith.constant 256 : i32
      %parallel_loop3A_1331 = arith.addi %parallel_loop3A_1330, %parallel_loop3A_1243 : i32
      %parallel_loop3A_1332 = arith.index_cast %parallel_loop3A_1331 : i32 to index
      %parallel_loop3A_1333 = arith.constant 80 : index
      %parallel_loop3A_1334 = tpu.vector_load %arg8[%parallel_loop3A_1332, %parallel_loop3A_1333] {strides = array<i32>} : memref<512x128xf32, #tpu.memory_space<vmem>>, vector<1x16xf32>,
      %parallel_loop3A_1335 = vector.shape_cast %parallel_loop3A_1334 : vector<1x16xf32> to vector<16xf32>
      %parallel_loop3A_1336 = arith.subf %parallel_loop3A_1335, %parallel_loop3A_1329 : vector<16xf32>
      %parallel_loop3A_1337 = arith.mulf %parallel_loop3A_1255, %parallel_loop3A_1336 : vector<16xf32>
      %parallel_loop3A_1338 = arith.addf %parallel_loop3A_1329, %parallel_loop3A_1337 : vector<16xf32>
      %parallel_loop3A_1339 = arith.addf %parallel_loop3A_1211, %parallel_loop3A_1338 : vector<16xf32>
      %parallel_loop3A_1340 = arith.index_cast %parallel_loop3A_1243 : i32 to index
      %parallel_loop3A_1341 = arith.constant 96 : index
      %parallel_loop3A_1342 = tpu.vector_load %arg8[%parallel_loop3A_1340, %parallel_loop3A_1341] {strides = array<i32>} : memref<512x128xf32, #tpu.memory_space<vmem>>, vector<1x16xf32>,
      %parallel_loop3A_1343 = vector.shape_cast %parallel_loop3A_1342 : vector<1x16xf32> to vector<16xf32>
      %parallel_loop3A_1344 = arith.constant 256 : i32
      %parallel_loop3A_1345 = arith.addi %parallel_loop3A_1344, %parallel_loop3A_1243 : i32
      %parallel_loop3A_1346 = arith.index_cast %parallel_loop3A_1345 : i32 to index
      %parallel_loop3A_1347 = arith.constant 96 : index
      %parallel_loop3A_1348 = tpu.vector_load %arg8[%parallel_loop3A_1346, %parallel_loop3A_1347] {strides = array<i32>} : memref<512x128xf32, #tpu.memory_space<vmem>>, vector<1x16xf32>,
      %parallel_loop3A_1349 = vector.shape_cast %parallel_loop3A_1348 : vector<1x16xf32> to vector<16xf32>
      %parallel_loop3A_1350 = arith.subf %parallel_loop3A_1349, %parallel_loop3A_1343 : vector<16xf32>
      %parallel_loop3A_1351 = arith.mulf %parallel_loop3A_1255, %parallel_loop3A_1350 : vector<16xf32>
      %parallel_loop3A_1352 = arith.addf %parallel_loop3A_1343, %parallel_loop3A_1351 : vector<16xf32>
      %parallel_loop3A_1353 = arith.addf %parallel_loop3A_1225, %parallel_loop3A_1352 : vector<16xf32>
      %parallel_loop3A_1354 = arith.index_cast %parallel_loop3A_1243 : i32 to index
      %parallel_loop3A_1355 = arith.constant 112 : index
      %parallel_loop3A_1356 = tpu.vector_load %arg8[%parallel_loop3A_1354, %parallel_loop3A_1355] {strides = array<i32>} : memref<512x128xf32, #tpu.memory_space<vmem>>, vector<1x16xf32>,
      %parallel_loop3A_1357 = vector.shape_cast %parallel_loop3A_1356 : vector<1x16xf32> to vector<16xf32>
      %parallel_loop3A_1358 = arith.constant 256 : i32
      %parallel_loop3A_1359 = arith.addi %parallel_loop3A_1358, %parallel_loop3A_1243 : i32
      %parallel_loop3A_1360 = arith.index_cast %parallel_loop3A_1359 : i32 to index
      %parallel_loop3A_1361 = arith.constant 112 : index
      %parallel_loop3A_1362 = tpu.vector_load %arg8[%parallel_loop3A_1360, %parallel_loop3A_1361] {strides = array<i32>} : memref<512x128xf32, #tpu.memory_space<vmem>>, vector<1x16xf32>,
      %parallel_loop3A_1363 = vector.shape_cast %parallel_loop3A_1362 : vector<1x16xf32> to vector<16xf32>
      %parallel_loop3A_1364 = arith.subf %parallel_loop3A_1363, %parallel_loop3A_1357 : vector<16xf32>
      %parallel_loop3A_1365 = arith.mulf %parallel_loop3A_1255, %parallel_loop3A_1364 : vector<16xf32>
      %parallel_loop3A_1366 = arith.addf %parallel_loop3A_1357, %parallel_loop3A_1365 : vector<16xf32>
      %parallel_loop3A_1367 = arith.addf %parallel_loop3A_1239, %parallel_loop3A_1366 : vector<16xf32>
      %parallel_loop3A_1368 = arith.constant 16 : i32
      %parallel_loop3A_1369 = arith.muli %parallel_loop3A_970, %parallel_loop3A_1368 : i32
      %parallel_loop3A_1370 = arith.constant 3 : i32
      %parallel_loop3A_1371 = arith.addi %parallel_loop3A_1369, %parallel_loop3A_1370 : i32
      %parallel_loop3A_1372 = arith.constant 3 : i32
      %parallel_loop3A_1373 = vector.broadcast %parallel_loop3A_1372 : i32 to vector<16xi32>
      %parallel_loop3A_1374 = arith.constant 0 : i32
      %parallel_loop3A_1375 = vector.broadcast %parallel_loop3A_1374 : i32 to vector<16xi32>
      %parallel_loop3A_1376 = arith.cmpi slt, %parallel_loop3A_1373, %parallel_loop3A_1375 : vector<16xi32>
      %parallel_loop3A_1377 = arith.constant 16 : i32
      %parallel_loop3A_1378 = vector.broadcast %parallel_loop3A_1377 : i32 to vector<16xi32>
      %parallel_loop3A_1379 = arith.addi %parallel_loop3A_1373, %parallel_loop3A_1378 : vector<16xi32>
      %parallel_loop3A_1380 = arith.select %parallel_loop3A_1376, %parallel_loop3A_1379, %parallel_loop3A_1373 : vector<16xi1>, vector<16xi32>
      %parallel_loop3A_1381 = vector.shape_cast %parallel_loop3A_1380 : vector<16xi32> to vector<16x1xi32>
      %parallel_loop3A_1382 = vector.shape_cast %parallel_loop3A_1381 : vector<16x1xi32> to vector<16xi32>
      %parallel_loop3A_1383 = tpu.dynamic_gather %parallel_loop3A_983[%parallel_loop3A_1382] in [0] : vector<16xf32>, vector<16xi32> -> vector<16xf32>
      %parallel_loop3A_1384 = arith.index_cast %parallel_loop3A_1371 : i32 to index
      %parallel_loop3A_1385 = arith.constant 0 : index
      %parallel_loop3A_1386 = tpu.vector_load %arg8[%parallel_loop3A_1384, %parallel_loop3A_1385] {strides = array<i32>} : memref<512x128xf32, #tpu.memory_space<vmem>>, vector<1x16xf32>,
      %parallel_loop3A_1387 = vector.shape_cast %parallel_loop3A_1386 : vector<1x16xf32> to vector<16xf32>
      %parallel_loop3A_1388 = arith.constant 256 : i32
      %parallel_loop3A_1389 = arith.addi %parallel_loop3A_1388, %parallel_loop3A_1371 : i32
      %parallel_loop3A_1390 = arith.index_cast %parallel_loop3A_1389 : i32 to index
      %parallel_loop3A_1391 = arith.constant 0 : index
      %parallel_loop3A_1392 = tpu.vector_load %arg8[%parallel_loop3A_1390, %parallel_loop3A_1391] {strides = array<i32>} : memref<512x128xf32, #tpu.memory_space<vmem>>, vector<1x16xf32>,
      %parallel_loop3A_1393 = vector.shape_cast %parallel_loop3A_1392 : vector<1x16xf32> to vector<16xf32>
      %parallel_loop3A_1394 = arith.subf %parallel_loop3A_1393, %parallel_loop3A_1387 : vector<16xf32>
      %parallel_loop3A_1395 = arith.mulf %parallel_loop3A_1383, %parallel_loop3A_1394 : vector<16xf32>
      %parallel_loop3A_1396 = arith.addf %parallel_loop3A_1387, %parallel_loop3A_1395 : vector<16xf32>
      %parallel_loop3A_1397 = arith.addf %parallel_loop3A_1269, %parallel_loop3A_1396 : vector<16xf32>
      %parallel_loop3A_1398 = arith.index_cast %parallel_loop3A_1371 : i32 to index
      %parallel_loop3A_1399 = arith.constant 16 : index
      %parallel_loop3A_1400 = tpu.vector_load %arg8[%parallel_loop3A_1398, %parallel_loop3A_1399] {strides = array<i32>} : memref<512x128xf32, #tpu.memory_space<vmem>>, vector<1x16xf32>,
      %parallel_loop3A_1401 = vector.shape_cast %parallel_loop3A_1400 : vector<1x16xf32> to vector<16xf32>
      %parallel_loop3A_1402 = arith.constant 256 : i32
      %parallel_loop3A_1403 = arith.addi %parallel_loop3A_1402, %parallel_loop3A_1371 : i32
      %parallel_loop3A_1404 = arith.index_cast %parallel_loop3A_1403 : i32 to index
      %parallel_loop3A_1405 = arith.constant 16 : index
      %parallel_loop3A_1406 = tpu.vector_load %arg8[%parallel_loop3A_1404, %parallel_loop3A_1405] {strides = array<i32>} : memref<512x128xf32, #tpu.memory_space<vmem>>, vector<1x16xf32>,
      %parallel_loop3A_1407 = vector.shape_cast %parallel_loop3A_1406 : vector<1x16xf32> to vector<16xf32>
      %parallel_loop3A_1408 = arith.subf %parallel_loop3A_1407, %parallel_loop3A_1401 : vector<16xf32>
      %parallel_loop3A_1409 = arith.mulf %parallel_loop3A_1383, %parallel_loop3A_1408 : vector<16xf32>
      %parallel_loop3A_1410 = arith.addf %parallel_loop3A_1401, %parallel_loop3A_1409 : vector<16xf32>
      %parallel_loop3A_1411 = arith.addf %parallel_loop3A_1283, %parallel_loop3A_1410 : vector<16xf32>
      %parallel_loop3A_1412 = arith.index_cast %parallel_loop3A_1371 : i32 to index
      %parallel_loop3A_1413 = arith.constant 32 : index
      %parallel_loop3A_1414 = tpu.vector_load %arg8[%parallel_loop3A_1412, %parallel_loop3A_1413] {strides = array<i32>} : memref<512x128xf32, #tpu.memory_space<vmem>>, vector<1x16xf32>,
      %parallel_loop3A_1415 = vector.shape_cast %parallel_loop3A_1414 : vector<1x16xf32> to vector<16xf32>
      %parallel_loop3A_1416 = arith.constant 256 : i32
      %parallel_loop3A_1417 = arith.addi %parallel_loop3A_1416, %parallel_loop3A_1371 : i32
      %parallel_loop3A_1418 = arith.index_cast %parallel_loop3A_1417 : i32 to index
      %parallel_loop3A_1419 = arith.constant 32 : index
      %parallel_loop3A_1420 = tpu.vector_load %arg8[%parallel_loop3A_1418, %parallel_loop3A_1419] {strides = array<i32>} : memref<512x128xf32, #tpu.memory_space<vmem>>, vector<1x16xf32>,
      %parallel_loop3A_1421 = vector.shape_cast %parallel_loop3A_1420 : vector<1x16xf32> to vector<16xf32>
      %parallel_loop3A_1422 = arith.subf %parallel_loop3A_1421, %parallel_loop3A_1415 : vector<16xf32>
      %parallel_loop3A_1423 = arith.mulf %parallel_loop3A_1383, %parallel_loop3A_1422 : vector<16xf32>
      %parallel_loop3A_1424 = arith.addf %parallel_loop3A_1415, %parallel_loop3A_1423 : vector<16xf32>
      %parallel_loop3A_1425 = arith.addf %parallel_loop3A_1297, %parallel_loop3A_1424 : vector<16xf32>
      %parallel_loop3A_1426 = arith.index_cast %parallel_loop3A_1371 : i32 to index
      %parallel_loop3A_1427 = arith.constant 48 : index
      %parallel_loop3A_1428 = tpu.vector_load %arg8[%parallel_loop3A_1426, %parallel_loop3A_1427] {strides = array<i32>} : memref<512x128xf32, #tpu.memory_space<vmem>>, vector<1x16xf32>,
      %parallel_loop3A_1429 = vector.shape_cast %parallel_loop3A_1428 : vector<1x16xf32> to vector<16xf32>
      %parallel_loop3A_1430 = arith.constant 256 : i32
      %parallel_loop3A_1431 = arith.addi %parallel_loop3A_1430, %parallel_loop3A_1371 : i32
      %parallel_loop3A_1432 = arith.index_cast %parallel_loop3A_1431 : i32 to index
      %parallel_loop3A_1433 = arith.constant 48 : index
      %parallel_loop3A_1434 = tpu.vector_load %arg8[%parallel_loop3A_1432, %parallel_loop3A_1433] {strides = array<i32>} : memref<512x128xf32, #tpu.memory_space<vmem>>, vector<1x16xf32>,
      %parallel_loop3A_1435 = vector.shape_cast %parallel_loop3A_1434 : vector<1x16xf32> to vector<16xf32>
      %parallel_loop3A_1436 = arith.subf %parallel_loop3A_1435, %parallel_loop3A_1429 : vector<16xf32>
      %parallel_loop3A_1437 = arith.mulf %parallel_loop3A_1383, %parallel_loop3A_1436 : vector<16xf32>
      %parallel_loop3A_1438 = arith.addf %parallel_loop3A_1429, %parallel_loop3A_1437 : vector<16xf32>
      %parallel_loop3A_1439 = arith.addf %parallel_loop3A_1311, %parallel_loop3A_1438 : vector<16xf32>
      %parallel_loop3A_1440 = arith.index_cast %parallel_loop3A_1371 : i32 to index
      %parallel_loop3A_1441 = arith.constant 64 : index
      %parallel_loop3A_1442 = tpu.vector_load %arg8[%parallel_loop3A_1440, %parallel_loop3A_1441] {strides = array<i32>} : memref<512x128xf32, #tpu.memory_space<vmem>>, vector<1x16xf32>,
      %parallel_loop3A_1443 = vector.shape_cast %parallel_loop3A_1442 : vector<1x16xf32> to vector<16xf32>
      %parallel_loop3A_1444 = arith.constant 256 : i32
      %parallel_loop3A_1445 = arith.addi %parallel_loop3A_1444, %parallel_loop3A_1371 : i32
      %parallel_loop3A_1446 = arith.index_cast %parallel_loop3A_1445 : i32 to index
      %parallel_loop3A_1447 = arith.constant 64 : index
      %parallel_loop3A_1448 = tpu.vector_load %arg8[%parallel_loop3A_1446, %parallel_loop3A_1447] {strides = array<i32>} : memref<512x128xf32, #tpu.memory_space<vmem>>, vector<1x16xf32>,
      %parallel_loop3A_1449 = vector.shape_cast %parallel_loop3A_1448 : vector<1x16xf32> to vector<16xf32>
      %parallel_loop3A_1450 = arith.subf %parallel_loop3A_1449, %parallel_loop3A_1443 : vector<16xf32>
      %parallel_loop3A_1451 = arith.mulf %parallel_loop3A_1383, %parallel_loop3A_1450 : vector<16xf32>
      %parallel_loop3A_1452 = arith.addf %parallel_loop3A_1443, %parallel_loop3A_1451 : vector<16xf32>
      %parallel_loop3A_1453 = arith.addf %parallel_loop3A_1325, %parallel_loop3A_1452 : vector<16xf32>
      %parallel_loop3A_1454 = arith.index_cast %parallel_loop3A_1371 : i32 to index
      %parallel_loop3A_1455 = arith.constant 80 : index
      %parallel_loop3A_1456 = tpu.vector_load %arg8[%parallel_loop3A_1454, %parallel_loop3A_1455] {strides = array<i32>} : memref<512x128xf32, #tpu.memory_space<vmem>>, vector<1x16xf32>,
      %parallel_loop3A_1457 = vector.shape_cast %parallel_loop3A_1456 : vector<1x16xf32> to vector<16xf32>
      %parallel_loop3A_1458 = arith.constant 256 : i32
      %parallel_loop3A_1459 = arith.addi %parallel_loop3A_1458, %parallel_loop3A_1371 : i32
      %parallel_loop3A_1460 = arith.index_cast %parallel_loop3A_1459 : i32 to index
      %parallel_loop3A_1461 = arith.constant 80 : index
      %parallel_loop3A_1462 = tpu.vector_load %arg8[%parallel_loop3A_1460, %parallel_loop3A_1461] {strides = array<i32>} : memref<512x128xf32, #tpu.memory_space<vmem>>, vector<1x16xf32>,
      %parallel_loop3A_1463 = vector.shape_cast %parallel_loop3A_1462 : vector<1x16xf32> to vector<16xf32>
      %parallel_loop3A_1464 = arith.subf %parallel_loop3A_1463, %parallel_loop3A_1457 : vector<16xf32>
      %parallel_loop3A_1465 = arith.mulf %parallel_loop3A_1383, %parallel_loop3A_1464 : vector<16xf32>
      %parallel_loop3A_1466 = arith.addf %parallel_loop3A_1457, %parallel_loop3A_1465 : vector<16xf32>
      %parallel_loop3A_1467 = arith.addf %parallel_loop3A_1339, %parallel_loop3A_1466 : vector<16xf32>
      %parallel_loop3A_1468 = arith.index_cast %parallel_loop3A_1371 : i32 to index
      %parallel_loop3A_1469 = arith.constant 96 : index
      %parallel_loop3A_1470 = tpu.vector_load %arg8[%parallel_loop3A_1468, %parallel_loop3A_1469] {strides = array<i32>} : memref<512x128xf32, #tpu.memory_space<vmem>>, vector<1x16xf32>,
      %parallel_loop3A_1471 = vector.shape_cast %parallel_loop3A_1470 : vector<1x16xf32> to vector<16xf32>
      %parallel_loop3A_1472 = arith.constant 256 : i32
      %parallel_loop3A_1473 = arith.addi %parallel_loop3A_1472, %parallel_loop3A_1371 : i32
      %parallel_loop3A_1474 = arith.index_cast %parallel_loop3A_1473 : i32 to index
      %parallel_loop3A_1475 = arith.constant 96 : index
      %parallel_loop3A_1476 = tpu.vector_load %arg8[%parallel_loop3A_1474, %parallel_loop3A_1475] {strides = array<i32>} : memref<512x128xf32, #tpu.memory_space<vmem>>, vector<1x16xf32>,
      %parallel_loop3A_1477 = vector.shape_cast %parallel_loop3A_1476 : vector<1x16xf32> to vector<16xf32>
      %parallel_loop3A_1478 = arith.subf %parallel_loop3A_1477, %parallel_loop3A_1471 : vector<16xf32>
      %parallel_loop3A_1479 = arith.mulf %parallel_loop3A_1383, %parallel_loop3A_1478 : vector<16xf32>
      %parallel_loop3A_1480 = arith.addf %parallel_loop3A_1471, %parallel_loop3A_1479 : vector<16xf32>
      %parallel_loop3A_1481 = arith.addf %parallel_loop3A_1353, %parallel_loop3A_1480 : vector<16xf32>
      %parallel_loop3A_1482 = arith.index_cast %parallel_loop3A_1371 : i32 to index
      %parallel_loop3A_1483 = arith.constant 112 : index
      %parallel_loop3A_1484 = tpu.vector_load %arg8[%parallel_loop3A_1482, %parallel_loop3A_1483] {strides = array<i32>} : memref<512x128xf32, #tpu.memory_space<vmem>>, vector<1x16xf32>,
      %parallel_loop3A_1485 = vector.shape_cast %parallel_loop3A_1484 : vector<1x16xf32> to vector<16xf32>
      %parallel_loop3A_1486 = arith.constant 256 : i32
      %parallel_loop3A_1487 = arith.addi %parallel_loop3A_1486, %parallel_loop3A_1371 : i32
      %parallel_loop3A_1488 = arith.index_cast %parallel_loop3A_1487 : i32 to index
      %parallel_loop3A_1489 = arith.constant 112 : index
      %parallel_loop3A_1490 = tpu.vector_load %arg8[%parallel_loop3A_1488, %parallel_loop3A_1489] {strides = array<i32>} : memref<512x128xf32, #tpu.memory_space<vmem>>, vector<1x16xf32>,
      %parallel_loop3A_1491 = vector.shape_cast %parallel_loop3A_1490 : vector<1x16xf32> to vector<16xf32>
      %parallel_loop3A_1492 = arith.subf %parallel_loop3A_1491, %parallel_loop3A_1485 : vector<16xf32>
      %parallel_loop3A_1493 = arith.mulf %parallel_loop3A_1383, %parallel_loop3A_1492 : vector<16xf32>
      %parallel_loop3A_1494 = arith.addf %parallel_loop3A_1485, %parallel_loop3A_1493 : vector<16xf32>
      %parallel_loop3A_1495 = arith.addf %parallel_loop3A_1367, %parallel_loop3A_1494 : vector<16xf32>
      %parallel_loop3A_1496 = arith.constant 16 : i32
      %parallel_loop3A_1497 = arith.muli %parallel_loop3A_970, %parallel_loop3A_1496 : i32
      %parallel_loop3A_1498 = arith.constant 4 : i32
      %parallel_loop3A_1499 = arith.addi %parallel_loop3A_1497, %parallel_loop3A_1498 : i32
      %parallel_loop3A_1500 = arith.constant 4 : i32
      %parallel_loop3A_1501 = vector.broadcast %parallel_loop3A_1500 : i32 to vector<16xi32>
      %parallel_loop3A_1502 = arith.constant 0 : i32
      %parallel_loop3A_1503 = vector.broadcast %parallel_loop3A_1502 : i32 to vector<16xi32>
      %parallel_loop3A_1504 = arith.cmpi slt, %parallel_loop3A_1501, %parallel_loop3A_1503 : vector<16xi32>
      %parallel_loop3A_1505 = arith.constant 16 : i32
      %parallel_loop3A_1506 = vector.broadcast %parallel_loop3A_1505 : i32 to vector<16xi32>
      %parallel_loop3A_1507 = arith.addi %parallel_loop3A_1501, %parallel_loop3A_1506 : vector<16xi32>
      %parallel_loop3A_1508 = arith.select %parallel_loop3A_1504, %parallel_loop3A_1507, %parallel_loop3A_1501 : vector<16xi1>, vector<16xi32>
      %parallel_loop3A_1509 = vector.shape_cast %parallel_loop3A_1508 : vector<16xi32> to vector<16x1xi32>
      %parallel_loop3A_1510 = vector.shape_cast %parallel_loop3A_1509 : vector<16x1xi32> to vector<16xi32>
      %parallel_loop3A_1511 = tpu.dynamic_gather %parallel_loop3A_983[%parallel_loop3A_1510] in [0] : vector<16xf32>, vector<16xi32> -> vector<16xf32>
      %parallel_loop3A_1512 = arith.index_cast %parallel_loop3A_1499 : i32 to index
      %parallel_loop3A_1513 = arith.constant 0 : index
      %parallel_loop3A_1514 = tpu.vector_load %arg8[%parallel_loop3A_1512, %parallel_loop3A_1513] {strides = array<i32>} : memref<512x128xf32, #tpu.memory_space<vmem>>, vector<1x16xf32>,
      %parallel_loop3A_1515 = vector.shape_cast %parallel_loop3A_1514 : vector<1x16xf32> to vector<16xf32>
      %parallel_loop3A_1516 = arith.constant 256 : i32
      %parallel_loop3A_1517 = arith.addi %parallel_loop3A_1516, %parallel_loop3A_1499 : i32
      %parallel_loop3A_1518 = arith.index_cast %parallel_loop3A_1517 : i32 to index
      %parallel_loop3A_1519 = arith.constant 0 : index
      %parallel_loop3A_1520 = tpu.vector_load %arg8[%parallel_loop3A_1518, %parallel_loop3A_1519] {strides = array<i32>} : memref<512x128xf32, #tpu.memory_space<vmem>>, vector<1x16xf32>,
      %parallel_loop3A_1521 = vector.shape_cast %parallel_loop3A_1520 : vector<1x16xf32> to vector<16xf32>
      %parallel_loop3A_1522 = arith.subf %parallel_loop3A_1521, %parallel_loop3A_1515 : vector<16xf32>
      %parallel_loop3A_1523 = arith.mulf %parallel_loop3A_1511, %parallel_loop3A_1522 : vector<16xf32>
      %parallel_loop3A_1524 = arith.addf %parallel_loop3A_1515, %parallel_loop3A_1523 : vector<16xf32>
      %parallel_loop3A_1525 = arith.addf %parallel_loop3A_1397, %parallel_loop3A_1524 : vector<16xf32>
      %parallel_loop3A_1526 = arith.index_cast %parallel_loop3A_1499 : i32 to index
      %parallel_loop3A_1527 = arith.constant 16 : index
      %parallel_loop3A_1528 = tpu.vector_load %arg8[%parallel_loop3A_1526, %parallel_loop3A_1527] {strides = array<i32>} : memref<512x128xf32, #tpu.memory_space<vmem>>, vector<1x16xf32>,
      %parallel_loop3A_1529 = vector.shape_cast %parallel_loop3A_1528 : vector<1x16xf32> to vector<16xf32>
      %parallel_loop3A_1530 = arith.constant 256 : i32
      %parallel_loop3A_1531 = arith.addi %parallel_loop3A_1530, %parallel_loop3A_1499 : i32
      %parallel_loop3A_1532 = arith.index_cast %parallel_loop3A_1531 : i32 to index
      %parallel_loop3A_1533 = arith.constant 16 : index
      %parallel_loop3A_1534 = tpu.vector_load %arg8[%parallel_loop3A_1532, %parallel_loop3A_1533] {strides = array<i32>} : memref<512x128xf32, #tpu.memory_space<vmem>>, vector<1x16xf32>,
      %parallel_loop3A_1535 = vector.shape_cast %parallel_loop3A_1534 : vector<1x16xf32> to vector<16xf32>
      %parallel_loop3A_1536 = arith.subf %parallel_loop3A_1535, %parallel_loop3A_1529 : vector<16xf32>
      %parallel_loop3A_1537 = arith.mulf %parallel_loop3A_1511, %parallel_loop3A_1536 : vector<16xf32>
      %parallel_loop3A_1538 = arith.addf %parallel_loop3A_1529, %parallel_loop3A_1537 : vector<16xf32>
      %parallel_loop3A_1539 = arith.addf %parallel_loop3A_1411, %parallel_loop3A_1538 : vector<16xf32>
      %parallel_loop3A_1540 = arith.index_cast %parallel_loop3A_1499 : i32 to index
      %parallel_loop3A_1541 = arith.constant 32 : index
      %parallel_loop3A_1542 = tpu.vector_load %arg8[%parallel_loop3A_1540, %parallel_loop3A_1541] {strides = array<i32>} : memref<512x128xf32, #tpu.memory_space<vmem>>, vector<1x16xf32>,
      %parallel_loop3A_1543 = vector.shape_cast %parallel_loop3A_1542 : vector<1x16xf32> to vector<16xf32>
      %parallel_loop3A_1544 = arith.constant 256 : i32
      %parallel_loop3A_1545 = arith.addi %parallel_loop3A_1544, %parallel_loop3A_1499 : i32
      %parallel_loop3A_1546 = arith.index_cast %parallel_loop3A_1545 : i32 to index
      %parallel_loop3A_1547 = arith.constant 32 : index
      %parallel_loop3A_1548 = tpu.vector_load %arg8[%parallel_loop3A_1546, %parallel_loop3A_1547] {strides = array<i32>} : memref<512x128xf32, #tpu.memory_space<vmem>>, vector<1x16xf32>,
      %parallel_loop3A_1549 = vector.shape_cast %parallel_loop3A_1548 : vector<1x16xf32> to vector<16xf32>
      %parallel_loop3A_1550 = arith.subf %parallel_loop3A_1549, %parallel_loop3A_1543 : vector<16xf32>
      %parallel_loop3A_1551 = arith.mulf %parallel_loop3A_1511, %parallel_loop3A_1550 : vector<16xf32>
      %parallel_loop3A_1552 = arith.addf %parallel_loop3A_1543, %parallel_loop3A_1551 : vector<16xf32>
      %parallel_loop3A_1553 = arith.addf %parallel_loop3A_1425, %parallel_loop3A_1552 : vector<16xf32>
      %parallel_loop3A_1554 = arith.index_cast %parallel_loop3A_1499 : i32 to index
      %parallel_loop3A_1555 = arith.constant 48 : index
      %parallel_loop3A_1556 = tpu.vector_load %arg8[%parallel_loop3A_1554, %parallel_loop3A_1555] {strides = array<i32>} : memref<512x128xf32, #tpu.memory_space<vmem>>, vector<1x16xf32>,
      %parallel_loop3A_1557 = vector.shape_cast %parallel_loop3A_1556 : vector<1x16xf32> to vector<16xf32>
      %parallel_loop3A_1558 = arith.constant 256 : i32
      %parallel_loop3A_1559 = arith.addi %parallel_loop3A_1558, %parallel_loop3A_1499 : i32
      %parallel_loop3A_1560 = arith.index_cast %parallel_loop3A_1559 : i32 to index
      %parallel_loop3A_1561 = arith.constant 48 : index
      %parallel_loop3A_1562 = tpu.vector_load %arg8[%parallel_loop3A_1560, %parallel_loop3A_1561] {strides = array<i32>} : memref<512x128xf32, #tpu.memory_space<vmem>>, vector<1x16xf32>,
      %parallel_loop3A_1563 = vector.shape_cast %parallel_loop3A_1562 : vector<1x16xf32> to vector<16xf32>
      %parallel_loop3A_1564 = arith.subf %parallel_loop3A_1563, %parallel_loop3A_1557 : vector<16xf32>
      %parallel_loop3A_1565 = arith.mulf %parallel_loop3A_1511, %parallel_loop3A_1564 : vector<16xf32>
      %parallel_loop3A_1566 = arith.addf %parallel_loop3A_1557, %parallel_loop3A_1565 : vector<16xf32>
      %parallel_loop3A_1567 = arith.addf %parallel_loop3A_1439, %parallel_loop3A_1566 : vector<16xf32>
      %parallel_loop3A_1568 = arith.index_cast %parallel_loop3A_1499 : i32 to index
      %parallel_loop3A_1569 = arith.constant 64 : index
      %parallel_loop3A_1570 = tpu.vector_load %arg8[%parallel_loop3A_1568, %parallel_loop3A_1569] {strides = array<i32>} : memref<512x128xf32, #tpu.memory_space<vmem>>, vector<1x16xf32>,
      %parallel_loop3A_1571 = vector.shape_cast %parallel_loop3A_1570 : vector<1x16xf32> to vector<16xf32>
      %parallel_loop3A_1572 = arith.constant 256 : i32
      %parallel_loop3A_1573 = arith.addi %parallel_loop3A_1572, %parallel_loop3A_1499 : i32
      %parallel_loop3A_1574 = arith.index_cast %parallel_loop3A_1573 : i32 to index
      %parallel_loop3A_1575 = arith.constant 64 : index
      %parallel_loop3A_1576 = tpu.vector_load %arg8[%parallel_loop3A_1574, %parallel_loop3A_1575] {strides = array<i32>} : memref<512x128xf32, #tpu.memory_space<vmem>>, vector<1x16xf32>,
      %parallel_loop3A_1577 = vector.shape_cast %parallel_loop3A_1576 : vector<1x16xf32> to vector<16xf32>
      %parallel_loop3A_1578 = arith.subf %parallel_loop3A_1577, %parallel_loop3A_1571 : vector<16xf32>
      %parallel_loop3A_1579 = arith.mulf %parallel_loop3A_1511, %parallel_loop3A_1578 : vector<16xf32>
      %parallel_loop3A_1580 = arith.addf %parallel_loop3A_1571, %parallel_loop3A_1579 : vector<16xf32>
      %parallel_loop3A_1581 = arith.addf %parallel_loop3A_1453, %parallel_loop3A_1580 : vector<16xf32>
      %parallel_loop3A_1582 = arith.index_cast %parallel_loop3A_1499 : i32 to index
      %parallel_loop3A_1583 = arith.constant 80 : index
      %parallel_loop3A_1584 = tpu.vector_load %arg8[%parallel_loop3A_1582, %parallel_loop3A_1583] {strides = array<i32>} : memref<512x128xf32, #tpu.memory_space<vmem>>, vector<1x16xf32>,
      %parallel_loop3A_1585 = vector.shape_cast %parallel_loop3A_1584 : vector<1x16xf32> to vector<16xf32>
      %parallel_loop3A_1586 = arith.constant 256 : i32
      %parallel_loop3A_1587 = arith.addi %parallel_loop3A_1586, %parallel_loop3A_1499 : i32
      %parallel_loop3A_1588 = arith.index_cast %parallel_loop3A_1587 : i32 to index
      %parallel_loop3A_1589 = arith.constant 80 : index
      %parallel_loop3A_1590 = tpu.vector_load %arg8[%parallel_loop3A_1588, %parallel_loop3A_1589] {strides = array<i32>} : memref<512x128xf32, #tpu.memory_space<vmem>>, vector<1x16xf32>,
      %parallel_loop3A_1591 = vector.shape_cast %parallel_loop3A_1590 : vector<1x16xf32> to vector<16xf32>
      %parallel_loop3A_1592 = arith.subf %parallel_loop3A_1591, %parallel_loop3A_1585 : vector<16xf32>
      %parallel_loop3A_1593 = arith.mulf %parallel_loop3A_1511, %parallel_loop3A_1592 : vector<16xf32>
      %parallel_loop3A_1594 = arith.addf %parallel_loop3A_1585, %parallel_loop3A_1593 : vector<16xf32>
      %parallel_loop3A_1595 = arith.addf %parallel_loop3A_1467, %parallel_loop3A_1594 : vector<16xf32>
      %parallel_loop3A_1596 = arith.index_cast %parallel_loop3A_1499 : i32 to index
      %parallel_loop3A_1597 = arith.constant 96 : index
      %parallel_loop3A_1598 = tpu.vector_load %arg8[%parallel_loop3A_1596, %parallel_loop3A_1597] {strides = array<i32>} : memref<512x128xf32, #tpu.memory_space<vmem>>, vector<1x16xf32>,
      %parallel_loop3A_1599 = vector.shape_cast %parallel_loop3A_1598 : vector<1x16xf32> to vector<16xf32>
      %parallel_loop3A_1600 = arith.constant 256 : i32
      %parallel_loop3A_1601 = arith.addi %parallel_loop3A_1600, %parallel_loop3A_1499 : i32
      %parallel_loop3A_1602 = arith.index_cast %parallel_loop3A_1601 : i32 to index
      %parallel_loop3A_1603 = arith.constant 96 : index
      %parallel_loop3A_1604 = tpu.vector_load %arg8[%parallel_loop3A_1602, %parallel_loop3A_1603] {strides = array<i32>} : memref<512x128xf32, #tpu.memory_space<vmem>>, vector<1x16xf32>,
      %parallel_loop3A_1605 = vector.shape_cast %parallel_loop3A_1604 : vector<1x16xf32> to vector<16xf32>
      %parallel_loop3A_1606 = arith.subf %parallel_loop3A_1605, %parallel_loop3A_1599 : vector<16xf32>
      %parallel_loop3A_1607 = arith.mulf %parallel_loop3A_1511, %parallel_loop3A_1606 : vector<16xf32>
      %parallel_loop3A_1608 = arith.addf %parallel_loop3A_1599, %parallel_loop3A_1607 : vector<16xf32>
      %parallel_loop3A_1609 = arith.addf %parallel_loop3A_1481, %parallel_loop3A_1608 : vector<16xf32>
      %parallel_loop3A_1610 = arith.index_cast %parallel_loop3A_1499 : i32 to index
      %parallel_loop3A_1611 = arith.constant 112 : index
      %parallel_loop3A_1612 = tpu.vector_load %arg8[%parallel_loop3A_1610, %parallel_loop3A_1611] {strides = array<i32>} : memref<512x128xf32, #tpu.memory_space<vmem>>, vector<1x16xf32>,
      %parallel_loop3A_1613 = vector.shape_cast %parallel_loop3A_1612 : vector<1x16xf32> to vector<16xf32>
      %parallel_loop3A_1614 = arith.constant 256 : i32
      %parallel_loop3A_1615 = arith.addi %parallel_loop3A_1614, %parallel_loop3A_1499 : i32
      %parallel_loop3A_1616 = arith.index_cast %parallel_loop3A_1615 : i32 to index
      %parallel_loop3A_1617 = arith.constant 112 : index
      %parallel_loop3A_1618 = tpu.vector_load %arg8[%parallel_loop3A_1616, %parallel_loop3A_1617] {strides = array<i32>} : memref<512x128xf32, #tpu.memory_space<vmem>>, vector<1x16xf32>,
      %parallel_loop3A_1619 = vector.shape_cast %parallel_loop3A_1618 : vector<1x16xf32> to vector<16xf32>
      %parallel_loop3A_1620 = arith.subf %parallel_loop3A_1619, %parallel_loop3A_1613 : vector<16xf32>
      %parallel_loop3A_1621 = arith.mulf %parallel_loop3A_1511, %parallel_loop3A_1620 : vector<16xf32>
      %parallel_loop3A_1622 = arith.addf %parallel_loop3A_1613, %parallel_loop3A_1621 : vector<16xf32>
      %parallel_loop3A_1623 = arith.addf %parallel_loop3A_1495, %parallel_loop3A_1622 : vector<16xf32>
      %parallel_loop3A_1624 = arith.constant 16 : i32
      %parallel_loop3A_1625 = arith.muli %parallel_loop3A_970, %parallel_loop3A_1624 : i32
      %parallel_loop3A_1626 = arith.constant 5 : i32
      %parallel_loop3A_1627 = arith.addi %parallel_loop3A_1625, %parallel_loop3A_1626 : i32
      %parallel_loop3A_1628 = arith.constant 5 : i32
      %parallel_loop3A_1629 = vector.broadcast %parallel_loop3A_1628 : i32 to vector<16xi32>
      %parallel_loop3A_1630 = arith.constant 0 : i32
      %parallel_loop3A_1631 = vector.broadcast %parallel_loop3A_1630 : i32 to vector<16xi32>
      %parallel_loop3A_1632 = arith.cmpi slt, %parallel_loop3A_1629, %parallel_loop3A_1631 : vector<16xi32>
      %parallel_loop3A_1633 = arith.constant 16 : i32
      %parallel_loop3A_1634 = vector.broadcast %parallel_loop3A_1633 : i32 to vector<16xi32>
      %parallel_loop3A_1635 = arith.addi %parallel_loop3A_1629, %parallel_loop3A_1634 : vector<16xi32>
      %parallel_loop3A_1636 = arith.select %parallel_loop3A_1632, %parallel_loop3A_1635, %parallel_loop3A_1629 : vector<16xi1>, vector<16xi32>
      %parallel_loop3A_1637 = vector.shape_cast %parallel_loop3A_1636 : vector<16xi32> to vector<16x1xi32>
      %parallel_loop3A_1638 = vector.shape_cast %parallel_loop3A_1637 : vector<16x1xi32> to vector<16xi32>
      %parallel_loop3A_1639 = tpu.dynamic_gather %parallel_loop3A_983[%parallel_loop3A_1638] in [0] : vector<16xf32>, vector<16xi32> -> vector<16xf32>
      %parallel_loop3A_1640 = arith.index_cast %parallel_loop3A_1627 : i32 to index
      %parallel_loop3A_1641 = arith.constant 0 : index
      %parallel_loop3A_1642 = tpu.vector_load %arg8[%parallel_loop3A_1640, %parallel_loop3A_1641] {strides = array<i32>} : memref<512x128xf32, #tpu.memory_space<vmem>>, vector<1x16xf32>,
      %parallel_loop3A_1643 = vector.shape_cast %parallel_loop3A_1642 : vector<1x16xf32> to vector<16xf32>
      %parallel_loop3A_1644 = arith.constant 256 : i32
      %parallel_loop3A_1645 = arith.addi %parallel_loop3A_1644, %parallel_loop3A_1627 : i32
      %parallel_loop3A_1646 = arith.index_cast %parallel_loop3A_1645 : i32 to index
      %parallel_loop3A_1647 = arith.constant 0 : index
      %parallel_loop3A_1648 = tpu.vector_load %arg8[%parallel_loop3A_1646, %parallel_loop3A_1647] {strides = array<i32>} : memref<512x128xf32, #tpu.memory_space<vmem>>, vector<1x16xf32>,
      %parallel_loop3A_1649 = vector.shape_cast %parallel_loop3A_1648 : vector<1x16xf32> to vector<16xf32>
      %parallel_loop3A_1650 = arith.subf %parallel_loop3A_1649, %parallel_loop3A_1643 : vector<16xf32>
      %parallel_loop3A_1651 = arith.mulf %parallel_loop3A_1639, %parallel_loop3A_1650 : vector<16xf32>
      %parallel_loop3A_1652 = arith.addf %parallel_loop3A_1643, %parallel_loop3A_1651 : vector<16xf32>
      %parallel_loop3A_1653 = arith.addf %parallel_loop3A_1525, %parallel_loop3A_1652 : vector<16xf32>
      %parallel_loop3A_1654 = arith.index_cast %parallel_loop3A_1627 : i32 to index
      %parallel_loop3A_1655 = arith.constant 16 : index
      %parallel_loop3A_1656 = tpu.vector_load %arg8[%parallel_loop3A_1654, %parallel_loop3A_1655] {strides = array<i32>} : memref<512x128xf32, #tpu.memory_space<vmem>>, vector<1x16xf32>,
      %parallel_loop3A_1657 = vector.shape_cast %parallel_loop3A_1656 : vector<1x16xf32> to vector<16xf32>
      %parallel_loop3A_1658 = arith.constant 256 : i32
      %parallel_loop3A_1659 = arith.addi %parallel_loop3A_1658, %parallel_loop3A_1627 : i32
      %parallel_loop3A_1660 = arith.index_cast %parallel_loop3A_1659 : i32 to index
      %parallel_loop3A_1661 = arith.constant 16 : index
      %parallel_loop3A_1662 = tpu.vector_load %arg8[%parallel_loop3A_1660, %parallel_loop3A_1661] {strides = array<i32>} : memref<512x128xf32, #tpu.memory_space<vmem>>, vector<1x16xf32>,
      %parallel_loop3A_1663 = vector.shape_cast %parallel_loop3A_1662 : vector<1x16xf32> to vector<16xf32>
      %parallel_loop3A_1664 = arith.subf %parallel_loop3A_1663, %parallel_loop3A_1657 : vector<16xf32>
      %parallel_loop3A_1665 = arith.mulf %parallel_loop3A_1639, %parallel_loop3A_1664 : vector<16xf32>
      %parallel_loop3A_1666 = arith.addf %parallel_loop3A_1657, %parallel_loop3A_1665 : vector<16xf32>
      %parallel_loop3A_1667 = arith.addf %parallel_loop3A_1539, %parallel_loop3A_1666 : vector<16xf32>
      %parallel_loop3A_1668 = arith.index_cast %parallel_loop3A_1627 : i32 to index
      %parallel_loop3A_1669 = arith.constant 32 : index
      %parallel_loop3A_1670 = tpu.vector_load %arg8[%parallel_loop3A_1668, %parallel_loop3A_1669] {strides = array<i32>} : memref<512x128xf32, #tpu.memory_space<vmem>>, vector<1x16xf32>,
      %parallel_loop3A_1671 = vector.shape_cast %parallel_loop3A_1670 : vector<1x16xf32> to vector<16xf32>
      %parallel_loop3A_1672 = arith.constant 256 : i32
      %parallel_loop3A_1673 = arith.addi %parallel_loop3A_1672, %parallel_loop3A_1627 : i32
      %parallel_loop3A_1674 = arith.index_cast %parallel_loop3A_1673 : i32 to index
      %parallel_loop3A_1675 = arith.constant 32 : index
      %parallel_loop3A_1676 = tpu.vector_load %arg8[%parallel_loop3A_1674, %parallel_loop3A_1675] {strides = array<i32>} : memref<512x128xf32, #tpu.memory_space<vmem>>, vector<1x16xf32>,
      %parallel_loop3A_1677 = vector.shape_cast %parallel_loop3A_1676 : vector<1x16xf32> to vector<16xf32>
      %parallel_loop3A_1678 = arith.subf %parallel_loop3A_1677, %parallel_loop3A_1671 : vector<16xf32>
      %parallel_loop3A_1679 = arith.mulf %parallel_loop3A_1639, %parallel_loop3A_1678 : vector<16xf32>
      %parallel_loop3A_1680 = arith.addf %parallel_loop3A_1671, %parallel_loop3A_1679 : vector<16xf32>
      %parallel_loop3A_1681 = arith.addf %parallel_loop3A_1553, %parallel_loop3A_1680 : vector<16xf32>
      %parallel_loop3A_1682 = arith.index_cast %parallel_loop3A_1627 : i32 to index
      %parallel_loop3A_1683 = arith.constant 48 : index
      %parallel_loop3A_1684 = tpu.vector_load %arg8[%parallel_loop3A_1682, %parallel_loop3A_1683] {strides = array<i32>} : memref<512x128xf32, #tpu.memory_space<vmem>>, vector<1x16xf32>,
      %parallel_loop3A_1685 = vector.shape_cast %parallel_loop3A_1684 : vector<1x16xf32> to vector<16xf32>
      %parallel_loop3A_1686 = arith.constant 256 : i32
      %parallel_loop3A_1687 = arith.addi %parallel_loop3A_1686, %parallel_loop3A_1627 : i32
      %parallel_loop3A_1688 = arith.index_cast %parallel_loop3A_1687 : i32 to index
      %parallel_loop3A_1689 = arith.constant 48 : index
      %parallel_loop3A_1690 = tpu.vector_load %arg8[%parallel_loop3A_1688, %parallel_loop3A_1689] {strides = array<i32>} : memref<512x128xf32, #tpu.memory_space<vmem>>, vector<1x16xf32>,
      %parallel_loop3A_1691 = vector.shape_cast %parallel_loop3A_1690 : vector<1x16xf32> to vector<16xf32>
      %parallel_loop3A_1692 = arith.subf %parallel_loop3A_1691, %parallel_loop3A_1685 : vector<16xf32>
      %parallel_loop3A_1693 = arith.mulf %parallel_loop3A_1639, %parallel_loop3A_1692 : vector<16xf32>
      %parallel_loop3A_1694 = arith.addf %parallel_loop3A_1685, %parallel_loop3A_1693 : vector<16xf32>
      %parallel_loop3A_1695 = arith.addf %parallel_loop3A_1567, %parallel_loop3A_1694 : vector<16xf32>
      %parallel_loop3A_1696 = arith.index_cast %parallel_loop3A_1627 : i32 to index
      %parallel_loop3A_1697 = arith.constant 64 : index
      %parallel_loop3A_1698 = tpu.vector_load %arg8[%parallel_loop3A_1696, %parallel_loop3A_1697] {strides = array<i32>} : memref<512x128xf32, #tpu.memory_space<vmem>>, vector<1x16xf32>,
      %parallel_loop3A_1699 = vector.shape_cast %parallel_loop3A_1698 : vector<1x16xf32> to vector<16xf32>
      %parallel_loop3A_1700 = arith.constant 256 : i32
      %parallel_loop3A_1701 = arith.addi %parallel_loop3A_1700, %parallel_loop3A_1627 : i32
      %parallel_loop3A_1702 = arith.index_cast %parallel_loop3A_1701 : i32 to index
      %parallel_loop3A_1703 = arith.constant 64 : index
      %parallel_loop3A_1704 = tpu.vector_load %arg8[%parallel_loop3A_1702, %parallel_loop3A_1703] {strides = array<i32>} : memref<512x128xf32, #tpu.memory_space<vmem>>, vector<1x16xf32>,
      %parallel_loop3A_1705 = vector.shape_cast %parallel_loop3A_1704 : vector<1x16xf32> to vector<16xf32>
      %parallel_loop3A_1706 = arith.subf %parallel_loop3A_1705, %parallel_loop3A_1699 : vector<16xf32>
      %parallel_loop3A_1707 = arith.mulf %parallel_loop3A_1639, %parallel_loop3A_1706 : vector<16xf32>
      %parallel_loop3A_1708 = arith.addf %parallel_loop3A_1699, %parallel_loop3A_1707 : vector<16xf32>
      %parallel_loop3A_1709 = arith.addf %parallel_loop3A_1581, %parallel_loop3A_1708 : vector<16xf32>
      %parallel_loop3A_1710 = arith.index_cast %parallel_loop3A_1627 : i32 to index
      %parallel_loop3A_1711 = arith.constant 80 : index
      %parallel_loop3A_1712 = tpu.vector_load %arg8[%parallel_loop3A_1710, %parallel_loop3A_1711] {strides = array<i32>} : memref<512x128xf32, #tpu.memory_space<vmem>>, vector<1x16xf32>,
      %parallel_loop3A_1713 = vector.shape_cast %parallel_loop3A_1712 : vector<1x16xf32> to vector<16xf32>
      %parallel_loop3A_1714 = arith.constant 256 : i32
      %parallel_loop3A_1715 = arith.addi %parallel_loop3A_1714, %parallel_loop3A_1627 : i32
      %parallel_loop3A_1716 = arith.index_cast %parallel_loop3A_1715 : i32 to index
      %parallel_loop3A_1717 = arith.constant 80 : index
      %parallel_loop3A_1718 = tpu.vector_load %arg8[%parallel_loop3A_1716, %parallel_loop3A_1717] {strides = array<i32>} : memref<512x128xf32, #tpu.memory_space<vmem>>, vector<1x16xf32>,
      %parallel_loop3A_1719 = vector.shape_cast %parallel_loop3A_1718 : vector<1x16xf32> to vector<16xf32>
      %parallel_loop3A_1720 = arith.subf %parallel_loop3A_1719, %parallel_loop3A_1713 : vector<16xf32>
      %parallel_loop3A_1721 = arith.mulf %parallel_loop3A_1639, %parallel_loop3A_1720 : vector<16xf32>
      %parallel_loop3A_1722 = arith.addf %parallel_loop3A_1713, %parallel_loop3A_1721 : vector<16xf32>
      %parallel_loop3A_1723 = arith.addf %parallel_loop3A_1595, %parallel_loop3A_1722 : vector<16xf32>
      %parallel_loop3A_1724 = arith.index_cast %parallel_loop3A_1627 : i32 to index
      %parallel_loop3A_1725 = arith.constant 96 : index
      %parallel_loop3A_1726 = tpu.vector_load %arg8[%parallel_loop3A_1724, %parallel_loop3A_1725] {strides = array<i32>} : memref<512x128xf32, #tpu.memory_space<vmem>>, vector<1x16xf32>,
      %parallel_loop3A_1727 = vector.shape_cast %parallel_loop3A_1726 : vector<1x16xf32> to vector<16xf32>
      %parallel_loop3A_1728 = arith.constant 256 : i32
      %parallel_loop3A_1729 = arith.addi %parallel_loop3A_1728, %parallel_loop3A_1627 : i32
      %parallel_loop3A_1730 = arith.index_cast %parallel_loop3A_1729 : i32 to index
      %parallel_loop3A_1731 = arith.constant 96 : index
      %parallel_loop3A_1732 = tpu.vector_load %arg8[%parallel_loop3A_1730, %parallel_loop3A_1731] {strides = array<i32>} : memref<512x128xf32, #tpu.memory_space<vmem>>, vector<1x16xf32>,
      %parallel_loop3A_1733 = vector.shape_cast %parallel_loop3A_1732 : vector<1x16xf32> to vector<16xf32>
      %parallel_loop3A_1734 = arith.subf %parallel_loop3A_1733, %parallel_loop3A_1727 : vector<16xf32>
      %parallel_loop3A_1735 = arith.mulf %parallel_loop3A_1639, %parallel_loop3A_1734 : vector<16xf32>
      %parallel_loop3A_1736 = arith.addf %parallel_loop3A_1727, %parallel_loop3A_1735 : vector<16xf32>
      %parallel_loop3A_1737 = arith.addf %parallel_loop3A_1609, %parallel_loop3A_1736 : vector<16xf32>
      %parallel_loop3A_1738 = arith.index_cast %parallel_loop3A_1627 : i32 to index
      %parallel_loop3A_1739 = arith.constant 112 : index
      %parallel_loop3A_1740 = tpu.vector_load %arg8[%parallel_loop3A_1738, %parallel_loop3A_1739] {strides = array<i32>} : memref<512x128xf32, #tpu.memory_space<vmem>>, vector<1x16xf32>,
      %parallel_loop3A_1741 = vector.shape_cast %parallel_loop3A_1740 : vector<1x16xf32> to vector<16xf32>
      %parallel_loop3A_1742 = arith.constant 256 : i32
      %parallel_loop3A_1743 = arith.addi %parallel_loop3A_1742, %parallel_loop3A_1627 : i32
      %parallel_loop3A_1744 = arith.index_cast %parallel_loop3A_1743 : i32 to index
      %parallel_loop3A_1745 = arith.constant 112 : index
      %parallel_loop3A_1746 = tpu.vector_load %arg8[%parallel_loop3A_1744, %parallel_loop3A_1745] {strides = array<i32>} : memref<512x128xf32, #tpu.memory_space<vmem>>, vector<1x16xf32>,
      %parallel_loop3A_1747 = vector.shape_cast %parallel_loop3A_1746 : vector<1x16xf32> to vector<16xf32>
      %parallel_loop3A_1748 = arith.subf %parallel_loop3A_1747, %parallel_loop3A_1741 : vector<16xf32>
      %parallel_loop3A_1749 = arith.mulf %parallel_loop3A_1639, %parallel_loop3A_1748 : vector<16xf32>
      %parallel_loop3A_1750 = arith.addf %parallel_loop3A_1741, %parallel_loop3A_1749 : vector<16xf32>
      %parallel_loop3A_1751 = arith.addf %parallel_loop3A_1623, %parallel_loop3A_1750 : vector<16xf32>
      %parallel_loop3A_1752 = arith.constant 16 : i32
      %parallel_loop3A_1753 = arith.muli %parallel_loop3A_970, %parallel_loop3A_1752 : i32
      %parallel_loop3A_1754 = arith.constant 6 : i32
      %parallel_loop3A_1755 = arith.addi %parallel_loop3A_1753, %parallel_loop3A_1754 : i32
      %parallel_loop3A_1756 = arith.constant 6 : i32
      %parallel_loop3A_1757 = vector.broadcast %parallel_loop3A_1756 : i32 to vector<16xi32>
      %parallel_loop3A_1758 = arith.constant 0 : i32
      %parallel_loop3A_1759 = vector.broadcast %parallel_loop3A_1758 : i32 to vector<16xi32>
      %parallel_loop3A_1760 = arith.cmpi slt, %parallel_loop3A_1757, %parallel_loop3A_1759 : vector<16xi32>
      %parallel_loop3A_1761 = arith.constant 16 : i32
      %parallel_loop3A_1762 = vector.broadcast %parallel_loop3A_1761 : i32 to vector<16xi32>
      %parallel_loop3A_1763 = arith.addi %parallel_loop3A_1757, %parallel_loop3A_1762 : vector<16xi32>
      %parallel_loop3A_1764 = arith.select %parallel_loop3A_1760, %parallel_loop3A_1763, %parallel_loop3A_1757 : vector<16xi1>, vector<16xi32>
      %parallel_loop3A_1765 = vector.shape_cast %parallel_loop3A_1764 : vector<16xi32> to vector<16x1xi32>
      %parallel_loop3A_1766 = vector.shape_cast %parallel_loop3A_1765 : vector<16x1xi32> to vector<16xi32>
      %parallel_loop3A_1767 = tpu.dynamic_gather %parallel_loop3A_983[%parallel_loop3A_1766] in [0] : vector<16xf32>, vector<16xi32> -> vector<16xf32>
      %parallel_loop3A_1768 = arith.index_cast %parallel_loop3A_1755 : i32 to index
      %parallel_loop3A_1769 = arith.constant 0 : index
      %parallel_loop3A_1770 = tpu.vector_load %arg8[%parallel_loop3A_1768, %parallel_loop3A_1769] {strides = array<i32>} : memref<512x128xf32, #tpu.memory_space<vmem>>, vector<1x16xf32>,
      %parallel_loop3A_1771 = vector.shape_cast %parallel_loop3A_1770 : vector<1x16xf32> to vector<16xf32>
      %parallel_loop3A_1772 = arith.constant 256 : i32
      %parallel_loop3A_1773 = arith.addi %parallel_loop3A_1772, %parallel_loop3A_1755 : i32
      %parallel_loop3A_1774 = arith.index_cast %parallel_loop3A_1773 : i32 to index
      %parallel_loop3A_1775 = arith.constant 0 : index
      %parallel_loop3A_1776 = tpu.vector_load %arg8[%parallel_loop3A_1774, %parallel_loop3A_1775] {strides = array<i32>} : memref<512x128xf32, #tpu.memory_space<vmem>>, vector<1x16xf32>,
      %parallel_loop3A_1777 = vector.shape_cast %parallel_loop3A_1776 : vector<1x16xf32> to vector<16xf32>
      %parallel_loop3A_1778 = arith.subf %parallel_loop3A_1777, %parallel_loop3A_1771 : vector<16xf32>
      %parallel_loop3A_1779 = arith.mulf %parallel_loop3A_1767, %parallel_loop3A_1778 : vector<16xf32>
      %parallel_loop3A_1780 = arith.addf %parallel_loop3A_1771, %parallel_loop3A_1779 : vector<16xf32>
      %parallel_loop3A_1781 = arith.addf %parallel_loop3A_1653, %parallel_loop3A_1780 : vector<16xf32>
      %parallel_loop3A_1782 = arith.index_cast %parallel_loop3A_1755 : i32 to index
      %parallel_loop3A_1783 = arith.constant 16 : index
      %parallel_loop3A_1784 = tpu.vector_load %arg8[%parallel_loop3A_1782, %parallel_loop3A_1783] {strides = array<i32>} : memref<512x128xf32, #tpu.memory_space<vmem>>, vector<1x16xf32>,
      %parallel_loop3A_1785 = vector.shape_cast %parallel_loop3A_1784 : vector<1x16xf32> to vector<16xf32>
      %parallel_loop3A_1786 = arith.constant 256 : i32
      %parallel_loop3A_1787 = arith.addi %parallel_loop3A_1786, %parallel_loop3A_1755 : i32
      %parallel_loop3A_1788 = arith.index_cast %parallel_loop3A_1787 : i32 to index
      %parallel_loop3A_1789 = arith.constant 16 : index
      %parallel_loop3A_1790 = tpu.vector_load %arg8[%parallel_loop3A_1788, %parallel_loop3A_1789] {strides = array<i32>} : memref<512x128xf32, #tpu.memory_space<vmem>>, vector<1x16xf32>,
      %parallel_loop3A_1791 = vector.shape_cast %parallel_loop3A_1790 : vector<1x16xf32> to vector<16xf32>
      %parallel_loop3A_1792 = arith.subf %parallel_loop3A_1791, %parallel_loop3A_1785 : vector<16xf32>
      %parallel_loop3A_1793 = arith.mulf %parallel_loop3A_1767, %parallel_loop3A_1792 : vector<16xf32>
      %parallel_loop3A_1794 = arith.addf %parallel_loop3A_1785, %parallel_loop3A_1793 : vector<16xf32>
      %parallel_loop3A_1795 = arith.addf %parallel_loop3A_1667, %parallel_loop3A_1794 : vector<16xf32>
      %parallel_loop3A_1796 = arith.index_cast %parallel_loop3A_1755 : i32 to index
      %parallel_loop3A_1797 = arith.constant 32 : index
      %parallel_loop3A_1798 = tpu.vector_load %arg8[%parallel_loop3A_1796, %parallel_loop3A_1797] {strides = array<i32>} : memref<512x128xf32, #tpu.memory_space<vmem>>, vector<1x16xf32>,
      %parallel_loop3A_1799 = vector.shape_cast %parallel_loop3A_1798 : vector<1x16xf32> to vector<16xf32>
      %parallel_loop3A_1800 = arith.constant 256 : i32
      %parallel_loop3A_1801 = arith.addi %parallel_loop3A_1800, %parallel_loop3A_1755 : i32
      %parallel_loop3A_1802 = arith.index_cast %parallel_loop3A_1801 : i32 to index
      %parallel_loop3A_1803 = arith.constant 32 : index
      %parallel_loop3A_1804 = tpu.vector_load %arg8[%parallel_loop3A_1802, %parallel_loop3A_1803] {strides = array<i32>} : memref<512x128xf32, #tpu.memory_space<vmem>>, vector<1x16xf32>,
      %parallel_loop3A_1805 = vector.shape_cast %parallel_loop3A_1804 : vector<1x16xf32> to vector<16xf32>
      %parallel_loop3A_1806 = arith.subf %parallel_loop3A_1805, %parallel_loop3A_1799 : vector<16xf32>
      %parallel_loop3A_1807 = arith.mulf %parallel_loop3A_1767, %parallel_loop3A_1806 : vector<16xf32>
      %parallel_loop3A_1808 = arith.addf %parallel_loop3A_1799, %parallel_loop3A_1807 : vector<16xf32>
      %parallel_loop3A_1809 = arith.addf %parallel_loop3A_1681, %parallel_loop3A_1808 : vector<16xf32>
      %parallel_loop3A_1810 = arith.index_cast %parallel_loop3A_1755 : i32 to index
      %parallel_loop3A_1811 = arith.constant 48 : index
      %parallel_loop3A_1812 = tpu.vector_load %arg8[%parallel_loop3A_1810, %parallel_loop3A_1811] {strides = array<i32>} : memref<512x128xf32, #tpu.memory_space<vmem>>, vector<1x16xf32>,
      %parallel_loop3A_1813 = vector.shape_cast %parallel_loop3A_1812 : vector<1x16xf32> to vector<16xf32>
      %parallel_loop3A_1814 = arith.constant 256 : i32
      %parallel_loop3A_1815 = arith.addi %parallel_loop3A_1814, %parallel_loop3A_1755 : i32
      %parallel_loop3A_1816 = arith.index_cast %parallel_loop3A_1815 : i32 to index
      %parallel_loop3A_1817 = arith.constant 48 : index
      %parallel_loop3A_1818 = tpu.vector_load %arg8[%parallel_loop3A_1816, %parallel_loop3A_1817] {strides = array<i32>} : memref<512x128xf32, #tpu.memory_space<vmem>>, vector<1x16xf32>,
      %parallel_loop3A_1819 = vector.shape_cast %parallel_loop3A_1818 : vector<1x16xf32> to vector<16xf32>
      %parallel_loop3A_1820 = arith.subf %parallel_loop3A_1819, %parallel_loop3A_1813 : vector<16xf32>
      %parallel_loop3A_1821 = arith.mulf %parallel_loop3A_1767, %parallel_loop3A_1820 : vector<16xf32>
      %parallel_loop3A_1822 = arith.addf %parallel_loop3A_1813, %parallel_loop3A_1821 : vector<16xf32>
      %parallel_loop3A_1823 = arith.addf %parallel_loop3A_1695, %parallel_loop3A_1822 : vector<16xf32>
      %parallel_loop3A_1824 = arith.index_cast %parallel_loop3A_1755 : i32 to index
      %parallel_loop3A_1825 = arith.constant 64 : index
      %parallel_loop3A_1826 = tpu.vector_load %arg8[%parallel_loop3A_1824, %parallel_loop3A_1825] {strides = array<i32>} : memref<512x128xf32, #tpu.memory_space<vmem>>, vector<1x16xf32>,
      %parallel_loop3A_1827 = vector.shape_cast %parallel_loop3A_1826 : vector<1x16xf32> to vector<16xf32>
      %parallel_loop3A_1828 = arith.constant 256 : i32
      %parallel_loop3A_1829 = arith.addi %parallel_loop3A_1828, %parallel_loop3A_1755 : i32
      %parallel_loop3A_1830 = arith.index_cast %parallel_loop3A_1829 : i32 to index
      %parallel_loop3A_1831 = arith.constant 64 : index
      %parallel_loop3A_1832 = tpu.vector_load %arg8[%parallel_loop3A_1830, %parallel_loop3A_1831] {strides = array<i32>} : memref<512x128xf32, #tpu.memory_space<vmem>>, vector<1x16xf32>,
      %parallel_loop3A_1833 = vector.shape_cast %parallel_loop3A_1832 : vector<1x16xf32> to vector<16xf32>
      %parallel_loop3A_1834 = arith.subf %parallel_loop3A_1833, %parallel_loop3A_1827 : vector<16xf32>
      %parallel_loop3A_1835 = arith.mulf %parallel_loop3A_1767, %parallel_loop3A_1834 : vector<16xf32>
      %parallel_loop3A_1836 = arith.addf %parallel_loop3A_1827, %parallel_loop3A_1835 : vector<16xf32>
      %parallel_loop3A_1837 = arith.addf %parallel_loop3A_1709, %parallel_loop3A_1836 : vector<16xf32>
      %parallel_loop3A_1838 = arith.index_cast %parallel_loop3A_1755 : i32 to index
      %parallel_loop3A_1839 = arith.constant 80 : index
      %parallel_loop3A_1840 = tpu.vector_load %arg8[%parallel_loop3A_1838, %parallel_loop3A_1839] {strides = array<i32>} : memref<512x128xf32, #tpu.memory_space<vmem>>, vector<1x16xf32>,
      %parallel_loop3A_1841 = vector.shape_cast %parallel_loop3A_1840 : vector<1x16xf32> to vector<16xf32>
      %parallel_loop3A_1842 = arith.constant 256 : i32
      %parallel_loop3A_1843 = arith.addi %parallel_loop3A_1842, %parallel_loop3A_1755 : i32
      %parallel_loop3A_1844 = arith.index_cast %parallel_loop3A_1843 : i32 to index
      %parallel_loop3A_1845 = arith.constant 80 : index
      %parallel_loop3A_1846 = tpu.vector_load %arg8[%parallel_loop3A_1844, %parallel_loop3A_1845] {strides = array<i32>} : memref<512x128xf32, #tpu.memory_space<vmem>>, vector<1x16xf32>,
      %parallel_loop3A_1847 = vector.shape_cast %parallel_loop3A_1846 : vector<1x16xf32> to vector<16xf32>
      %parallel_loop3A_1848 = arith.subf %parallel_loop3A_1847, %parallel_loop3A_1841 : vector<16xf32>
      %parallel_loop3A_1849 = arith.mulf %parallel_loop3A_1767, %parallel_loop3A_1848 : vector<16xf32>
      %parallel_loop3A_1850 = arith.addf %parallel_loop3A_1841, %parallel_loop3A_1849 : vector<16xf32>
      %parallel_loop3A_1851 = arith.addf %parallel_loop3A_1723, %parallel_loop3A_1850 : vector<16xf32>
      %parallel_loop3A_1852 = arith.index_cast %parallel_loop3A_1755 : i32 to index
      %parallel_loop3A_1853 = arith.constant 96 : index
      %parallel_loop3A_1854 = tpu.vector_load %arg8[%parallel_loop3A_1852, %parallel_loop3A_1853] {strides = array<i32>} : memref<512x128xf32, #tpu.memory_space<vmem>>, vector<1x16xf32>,
      %parallel_loop3A_1855 = vector.shape_cast %parallel_loop3A_1854 : vector<1x16xf32> to vector<16xf32>
      %parallel_loop3A_1856 = arith.constant 256 : i32
      %parallel_loop3A_1857 = arith.addi %parallel_loop3A_1856, %parallel_loop3A_1755 : i32
      %parallel_loop3A_1858 = arith.index_cast %parallel_loop3A_1857 : i32 to index
      %parallel_loop3A_1859 = arith.constant 96 : index
      %parallel_loop3A_1860 = tpu.vector_load %arg8[%parallel_loop3A_1858, %parallel_loop3A_1859] {strides = array<i32>} : memref<512x128xf32, #tpu.memory_space<vmem>>, vector<1x16xf32>,
      %parallel_loop3A_1861 = vector.shape_cast %parallel_loop3A_1860 : vector<1x16xf32> to vector<16xf32>
      %parallel_loop3A_1862 = arith.subf %parallel_loop3A_1861, %parallel_loop3A_1855 : vector<16xf32>
      %parallel_loop3A_1863 = arith.mulf %parallel_loop3A_1767, %parallel_loop3A_1862 : vector<16xf32>
      %parallel_loop3A_1864 = arith.addf %parallel_loop3A_1855, %parallel_loop3A_1863 : vector<16xf32>
      %parallel_loop3A_1865 = arith.addf %parallel_loop3A_1737, %parallel_loop3A_1864 : vector<16xf32>
      %parallel_loop3A_1866 = arith.index_cast %parallel_loop3A_1755 : i32 to index
      %parallel_loop3A_1867 = arith.constant 112 : index
      %parallel_loop3A_1868 = tpu.vector_load %arg8[%parallel_loop3A_1866, %parallel_loop3A_1867] {strides = array<i32>} : memref<512x128xf32, #tpu.memory_space<vmem>>, vector<1x16xf32>,
      %parallel_loop3A_1869 = vector.shape_cast %parallel_loop3A_1868 : vector<1x16xf32> to vector<16xf32>
      %parallel_loop3A_1870 = arith.constant 256 : i32
      %parallel_loop3A_1871 = arith.addi %parallel_loop3A_1870, %parallel_loop3A_1755 : i32
      %parallel_loop3A_1872 = arith.index_cast %parallel_loop3A_1871 : i32 to index
      %parallel_loop3A_1873 = arith.constant 112 : index
      %parallel_loop3A_1874 = tpu.vector_load %arg8[%parallel_loop3A_1872, %parallel_loop3A_1873] {strides = array<i32>} : memref<512x128xf32, #tpu.memory_space<vmem>>, vector<1x16xf32>,
      %parallel_loop3A_1875 = vector.shape_cast %parallel_loop3A_1874 : vector<1x16xf32> to vector<16xf32>
      %parallel_loop3A_1876 = arith.subf %parallel_loop3A_1875, %parallel_loop3A_1869 : vector<16xf32>
      %parallel_loop3A_1877 = arith.mulf %parallel_loop3A_1767, %parallel_loop3A_1876 : vector<16xf32>
      %parallel_loop3A_1878 = arith.addf %parallel_loop3A_1869, %parallel_loop3A_1877 : vector<16xf32>
      %parallel_loop3A_1879 = arith.addf %parallel_loop3A_1751, %parallel_loop3A_1878 : vector<16xf32>
      %parallel_loop3A_1880 = arith.constant 16 : i32
      %parallel_loop3A_1881 = arith.muli %parallel_loop3A_970, %parallel_loop3A_1880 : i32
      %parallel_loop3A_1882 = arith.constant 7 : i32
      %parallel_loop3A_1883 = arith.addi %parallel_loop3A_1881, %parallel_loop3A_1882 : i32
      %parallel_loop3A_1884 = arith.constant 7 : i32
      %parallel_loop3A_1885 = vector.broadcast %parallel_loop3A_1884 : i32 to vector<16xi32>
      %parallel_loop3A_1886 = arith.constant 0 : i32
      %parallel_loop3A_1887 = vector.broadcast %parallel_loop3A_1886 : i32 to vector<16xi32>
      %parallel_loop3A_1888 = arith.cmpi slt, %parallel_loop3A_1885, %parallel_loop3A_1887 : vector<16xi32>
      %parallel_loop3A_1889 = arith.constant 16 : i32
      %parallel_loop3A_1890 = vector.broadcast %parallel_loop3A_1889 : i32 to vector<16xi32>
      %parallel_loop3A_1891 = arith.addi %parallel_loop3A_1885, %parallel_loop3A_1890 : vector<16xi32>
      %parallel_loop3A_1892 = arith.select %parallel_loop3A_1888, %parallel_loop3A_1891, %parallel_loop3A_1885 : vector<16xi1>, vector<16xi32>
      %parallel_loop3A_1893 = vector.shape_cast %parallel_loop3A_1892 : vector<16xi32> to vector<16x1xi32>
      %parallel_loop3A_1894 = vector.shape_cast %parallel_loop3A_1893 : vector<16x1xi32> to vector<16xi32>
      %parallel_loop3A_1895 = tpu.dynamic_gather %parallel_loop3A_983[%parallel_loop3A_1894] in [0] : vector<16xf32>, vector<16xi32> -> vector<16xf32>
      %parallel_loop3A_1896 = arith.index_cast %parallel_loop3A_1883 : i32 to index
      %parallel_loop3A_1897 = arith.constant 0 : index
      %parallel_loop3A_1898 = tpu.vector_load %arg8[%parallel_loop3A_1896, %parallel_loop3A_1897] {strides = array<i32>} : memref<512x128xf32, #tpu.memory_space<vmem>>, vector<1x16xf32>,
      %parallel_loop3A_1899 = vector.shape_cast %parallel_loop3A_1898 : vector<1x16xf32> to vector<16xf32>
      %parallel_loop3A_1900 = arith.constant 256 : i32
      %parallel_loop3A_1901 = arith.addi %parallel_loop3A_1900, %parallel_loop3A_1883 : i32
      %parallel_loop3A_1902 = arith.index_cast %parallel_loop3A_1901 : i32 to index
      %parallel_loop3A_1903 = arith.constant 0 : index
      %parallel_loop3A_1904 = tpu.vector_load %arg8[%parallel_loop3A_1902, %parallel_loop3A_1903] {strides = array<i32>} : memref<512x128xf32, #tpu.memory_space<vmem>>, vector<1x16xf32>,
      %parallel_loop3A_1905 = vector.shape_cast %parallel_loop3A_1904 : vector<1x16xf32> to vector<16xf32>
      %parallel_loop3A_1906 = arith.subf %parallel_loop3A_1905, %parallel_loop3A_1899 : vector<16xf32>
      %parallel_loop3A_1907 = arith.mulf %parallel_loop3A_1895, %parallel_loop3A_1906 : vector<16xf32>
      %parallel_loop3A_1908 = arith.addf %parallel_loop3A_1899, %parallel_loop3A_1907 : vector<16xf32>
      %parallel_loop3A_1909 = arith.addf %parallel_loop3A_1781, %parallel_loop3A_1908 : vector<16xf32>
      %parallel_loop3A_1910 = arith.index_cast %parallel_loop3A_1883 : i32 to index
      %parallel_loop3A_1911 = arith.constant 16 : index
      %parallel_loop3A_1912 = tpu.vector_load %arg8[%parallel_loop3A_1910, %parallel_loop3A_1911] {strides = array<i32>} : memref<512x128xf32, #tpu.memory_space<vmem>>, vector<1x16xf32>,
      %parallel_loop3A_1913 = vector.shape_cast %parallel_loop3A_1912 : vector<1x16xf32> to vector<16xf32>
      %parallel_loop3A_1914 = arith.constant 256 : i32
      %parallel_loop3A_1915 = arith.addi %parallel_loop3A_1914, %parallel_loop3A_1883 : i32
      %parallel_loop3A_1916 = arith.index_cast %parallel_loop3A_1915 : i32 to index
      %parallel_loop3A_1917 = arith.constant 16 : index
      %parallel_loop3A_1918 = tpu.vector_load %arg8[%parallel_loop3A_1916, %parallel_loop3A_1917] {strides = array<i32>} : memref<512x128xf32, #tpu.memory_space<vmem>>, vector<1x16xf32>,
      %parallel_loop3A_1919 = vector.shape_cast %parallel_loop3A_1918 : vector<1x16xf32> to vector<16xf32>
      %parallel_loop3A_1920 = arith.subf %parallel_loop3A_1919, %parallel_loop3A_1913 : vector<16xf32>
      %parallel_loop3A_1921 = arith.mulf %parallel_loop3A_1895, %parallel_loop3A_1920 : vector<16xf32>
      %parallel_loop3A_1922 = arith.addf %parallel_loop3A_1913, %parallel_loop3A_1921 : vector<16xf32>
      %parallel_loop3A_1923 = arith.addf %parallel_loop3A_1795, %parallel_loop3A_1922 : vector<16xf32>
      %parallel_loop3A_1924 = arith.index_cast %parallel_loop3A_1883 : i32 to index
      %parallel_loop3A_1925 = arith.constant 32 : index
      %parallel_loop3A_1926 = tpu.vector_load %arg8[%parallel_loop3A_1924, %parallel_loop3A_1925] {strides = array<i32>} : memref<512x128xf32, #tpu.memory_space<vmem>>, vector<1x16xf32>,
      %parallel_loop3A_1927 = vector.shape_cast %parallel_loop3A_1926 : vector<1x16xf32> to vector<16xf32>
      %parallel_loop3A_1928 = arith.constant 256 : i32
      %parallel_loop3A_1929 = arith.addi %parallel_loop3A_1928, %parallel_loop3A_1883 : i32
      %parallel_loop3A_1930 = arith.index_cast %parallel_loop3A_1929 : i32 to index
      %parallel_loop3A_1931 = arith.constant 32 : index
      %parallel_loop3A_1932 = tpu.vector_load %arg8[%parallel_loop3A_1930, %parallel_loop3A_1931] {strides = array<i32>} : memref<512x128xf32, #tpu.memory_space<vmem>>, vector<1x16xf32>,
      %parallel_loop3A_1933 = vector.shape_cast %parallel_loop3A_1932 : vector<1x16xf32> to vector<16xf32>
      %parallel_loop3A_1934 = arith.subf %parallel_loop3A_1933, %parallel_loop3A_1927 : vector<16xf32>
      %parallel_loop3A_1935 = arith.mulf %parallel_loop3A_1895, %parallel_loop3A_1934 : vector<16xf32>
      %parallel_loop3A_1936 = arith.addf %parallel_loop3A_1927, %parallel_loop3A_1935 : vector<16xf32>
      %parallel_loop3A_1937 = arith.addf %parallel_loop3A_1809, %parallel_loop3A_1936 : vector<16xf32>
      %parallel_loop3A_1938 = arith.index_cast %parallel_loop3A_1883 : i32 to index
      %parallel_loop3A_1939 = arith.constant 48 : index
      %parallel_loop3A_1940 = tpu.vector_load %arg8[%parallel_loop3A_1938, %parallel_loop3A_1939] {strides = array<i32>} : memref<512x128xf32, #tpu.memory_space<vmem>>, vector<1x16xf32>,
      %parallel_loop3A_1941 = vector.shape_cast %parallel_loop3A_1940 : vector<1x16xf32> to vector<16xf32>
      %parallel_loop3A_1942 = arith.constant 256 : i32
      %parallel_loop3A_1943 = arith.addi %parallel_loop3A_1942, %parallel_loop3A_1883 : i32
      %parallel_loop3A_1944 = arith.index_cast %parallel_loop3A_1943 : i32 to index
      %parallel_loop3A_1945 = arith.constant 48 : index
      %parallel_loop3A_1946 = tpu.vector_load %arg8[%parallel_loop3A_1944, %parallel_loop3A_1945] {strides = array<i32>} : memref<512x128xf32, #tpu.memory_space<vmem>>, vector<1x16xf32>,
      %parallel_loop3A_1947 = vector.shape_cast %parallel_loop3A_1946 : vector<1x16xf32> to vector<16xf32>
      %parallel_loop3A_1948 = arith.subf %parallel_loop3A_1947, %parallel_loop3A_1941 : vector<16xf32>
      %parallel_loop3A_1949 = arith.mulf %parallel_loop3A_1895, %parallel_loop3A_1948 : vector<16xf32>
      %parallel_loop3A_1950 = arith.addf %parallel_loop3A_1941, %parallel_loop3A_1949 : vector<16xf32>
      %parallel_loop3A_1951 = arith.addf %parallel_loop3A_1823, %parallel_loop3A_1950 : vector<16xf32>
      %parallel_loop3A_1952 = arith.index_cast %parallel_loop3A_1883 : i32 to index
      %parallel_loop3A_1953 = arith.constant 64 : index
      %parallel_loop3A_1954 = tpu.vector_load %arg8[%parallel_loop3A_1952, %parallel_loop3A_1953] {strides = array<i32>} : memref<512x128xf32, #tpu.memory_space<vmem>>, vector<1x16xf32>,
      %parallel_loop3A_1955 = vector.shape_cast %parallel_loop3A_1954 : vector<1x16xf32> to vector<16xf32>
      %parallel_loop3A_1956 = arith.constant 256 : i32
      %parallel_loop3A_1957 = arith.addi %parallel_loop3A_1956, %parallel_loop3A_1883 : i32
      %parallel_loop3A_1958 = arith.index_cast %parallel_loop3A_1957 : i32 to index
      %parallel_loop3A_1959 = arith.constant 64 : index
      %parallel_loop3A_1960 = tpu.vector_load %arg8[%parallel_loop3A_1958, %parallel_loop3A_1959] {strides = array<i32>} : memref<512x128xf32, #tpu.memory_space<vmem>>, vector<1x16xf32>,
      %parallel_loop3A_1961 = vector.shape_cast %parallel_loop3A_1960 : vector<1x16xf32> to vector<16xf32>
      %parallel_loop3A_1962 = arith.subf %parallel_loop3A_1961, %parallel_loop3A_1955 : vector<16xf32>
      %parallel_loop3A_1963 = arith.mulf %parallel_loop3A_1895, %parallel_loop3A_1962 : vector<16xf32>
      %parallel_loop3A_1964 = arith.addf %parallel_loop3A_1955, %parallel_loop3A_1963 : vector<16xf32>
      %parallel_loop3A_1965 = arith.addf %parallel_loop3A_1837, %parallel_loop3A_1964 : vector<16xf32>
      %parallel_loop3A_1966 = arith.index_cast %parallel_loop3A_1883 : i32 to index
      %parallel_loop3A_1967 = arith.constant 80 : index
      %parallel_loop3A_1968 = tpu.vector_load %arg8[%parallel_loop3A_1966, %parallel_loop3A_1967] {strides = array<i32>} : memref<512x128xf32, #tpu.memory_space<vmem>>, vector<1x16xf32>,
      %parallel_loop3A_1969 = vector.shape_cast %parallel_loop3A_1968 : vector<1x16xf32> to vector<16xf32>
      %parallel_loop3A_1970 = arith.constant 256 : i32
      %parallel_loop3A_1971 = arith.addi %parallel_loop3A_1970, %parallel_loop3A_1883 : i32
      %parallel_loop3A_1972 = arith.index_cast %parallel_loop3A_1971 : i32 to index
      %parallel_loop3A_1973 = arith.constant 80 : index
      %parallel_loop3A_1974 = tpu.vector_load %arg8[%parallel_loop3A_1972, %parallel_loop3A_1973] {strides = array<i32>} : memref<512x128xf32, #tpu.memory_space<vmem>>, vector<1x16xf32>,
      %parallel_loop3A_1975 = vector.shape_cast %parallel_loop3A_1974 : vector<1x16xf32> to vector<16xf32>
      %parallel_loop3A_1976 = arith.subf %parallel_loop3A_1975, %parallel_loop3A_1969 : vector<16xf32>
      %parallel_loop3A_1977 = arith.mulf %parallel_loop3A_1895, %parallel_loop3A_1976 : vector<16xf32>
      %parallel_loop3A_1978 = arith.addf %parallel_loop3A_1969, %parallel_loop3A_1977 : vector<16xf32>
      %parallel_loop3A_1979 = arith.addf %parallel_loop3A_1851, %parallel_loop3A_1978 : vector<16xf32>
      %parallel_loop3A_1980 = arith.index_cast %parallel_loop3A_1883 : i32 to index
      %parallel_loop3A_1981 = arith.constant 96 : index
      %parallel_loop3A_1982 = tpu.vector_load %arg8[%parallel_loop3A_1980, %parallel_loop3A_1981] {strides = array<i32>} : memref<512x128xf32, #tpu.memory_space<vmem>>, vector<1x16xf32>,
      %parallel_loop3A_1983 = vector.shape_cast %parallel_loop3A_1982 : vector<1x16xf32> to vector<16xf32>
      %parallel_loop3A_1984 = arith.constant 256 : i32
      %parallel_loop3A_1985 = arith.addi %parallel_loop3A_1984, %parallel_loop3A_1883 : i32
      %parallel_loop3A_1986 = arith.index_cast %parallel_loop3A_1985 : i32 to index
      %parallel_loop3A_1987 = arith.constant 96 : index
      %parallel_loop3A_1988 = tpu.vector_load %arg8[%parallel_loop3A_1986, %parallel_loop3A_1987] {strides = array<i32>} : memref<512x128xf32, #tpu.memory_space<vmem>>, vector<1x16xf32>,
      %parallel_loop3A_1989 = vector.shape_cast %parallel_loop3A_1988 : vector<1x16xf32> to vector<16xf32>
      %parallel_loop3A_1990 = arith.subf %parallel_loop3A_1989, %parallel_loop3A_1983 : vector<16xf32>
      %parallel_loop3A_1991 = arith.mulf %parallel_loop3A_1895, %parallel_loop3A_1990 : vector<16xf32>
      %parallel_loop3A_1992 = arith.addf %parallel_loop3A_1983, %parallel_loop3A_1991 : vector<16xf32>
      %parallel_loop3A_1993 = arith.addf %parallel_loop3A_1865, %parallel_loop3A_1992 : vector<16xf32>
      %parallel_loop3A_1994 = arith.index_cast %parallel_loop3A_1883 : i32 to index
      %parallel_loop3A_1995 = arith.constant 112 : index
      %parallel_loop3A_1996 = tpu.vector_load %arg8[%parallel_loop3A_1994, %parallel_loop3A_1995] {strides = array<i32>} : memref<512x128xf32, #tpu.memory_space<vmem>>, vector<1x16xf32>,
      %parallel_loop3A_1997 = vector.shape_cast %parallel_loop3A_1996 : vector<1x16xf32> to vector<16xf32>
      %parallel_loop3A_1998 = arith.constant 256 : i32
      %parallel_loop3A_1999 = arith.addi %parallel_loop3A_1998, %parallel_loop3A_1883 : i32
      %parallel_loop3A_2000 = arith.index_cast %parallel_loop3A_1999 : i32 to index
      %parallel_loop3A_2001 = arith.constant 112 : index
      %parallel_loop3A_2002 = tpu.vector_load %arg8[%parallel_loop3A_2000, %parallel_loop3A_2001] {strides = array<i32>} : memref<512x128xf32, #tpu.memory_space<vmem>>, vector<1x16xf32>,
      %parallel_loop3A_2003 = vector.shape_cast %parallel_loop3A_2002 : vector<1x16xf32> to vector<16xf32>
      %parallel_loop3A_2004 = arith.subf %parallel_loop3A_2003, %parallel_loop3A_1997 : vector<16xf32>
      %parallel_loop3A_2005 = arith.mulf %parallel_loop3A_1895, %parallel_loop3A_2004 : vector<16xf32>
      %parallel_loop3A_2006 = arith.addf %parallel_loop3A_1997, %parallel_loop3A_2005 : vector<16xf32>
      %parallel_loop3A_2007 = arith.addf %parallel_loop3A_1879, %parallel_loop3A_2006 : vector<16xf32>
      %parallel_loop3A_2008 = arith.constant 16 : i32
      %parallel_loop3A_2009 = arith.muli %parallel_loop3A_970, %parallel_loop3A_2008 : i32
      %parallel_loop3A_2010 = arith.constant 8 : i32
      %parallel_loop3A_2011 = arith.addi %parallel_loop3A_2009, %parallel_loop3A_2010 : i32
      %parallel_loop3A_2012 = arith.constant 8 : i32
      %parallel_loop3A_2013 = vector.broadcast %parallel_loop3A_2012 : i32 to vector<16xi32>
      %parallel_loop3A_2014 = arith.constant 0 : i32
      %parallel_loop3A_2015 = vector.broadcast %parallel_loop3A_2014 : i32 to vector<16xi32>
      %parallel_loop3A_2016 = arith.cmpi slt, %parallel_loop3A_2013, %parallel_loop3A_2015 : vector<16xi32>
      %parallel_loop3A_2017 = arith.constant 16 : i32
      %parallel_loop3A_2018 = vector.broadcast %parallel_loop3A_2017 : i32 to vector<16xi32>
      %parallel_loop3A_2019 = arith.addi %parallel_loop3A_2013, %parallel_loop3A_2018 : vector<16xi32>
      %parallel_loop3A_2020 = arith.select %parallel_loop3A_2016, %parallel_loop3A_2019, %parallel_loop3A_2013 : vector<16xi1>, vector<16xi32>
      %parallel_loop3A_2021 = vector.shape_cast %parallel_loop3A_2020 : vector<16xi32> to vector<16x1xi32>
      %parallel_loop3A_2022 = vector.shape_cast %parallel_loop3A_2021 : vector<16x1xi32> to vector<16xi32>
      %parallel_loop3A_2023 = tpu.dynamic_gather %parallel_loop3A_983[%parallel_loop3A_2022] in [0] : vector<16xf32>, vector<16xi32> -> vector<16xf32>
      %parallel_loop3A_2024 = arith.index_cast %parallel_loop3A_2011 : i32 to index
      %parallel_loop3A_2025 = arith.constant 0 : index
      %parallel_loop3A_2026 = tpu.vector_load %arg8[%parallel_loop3A_2024, %parallel_loop3A_2025] {strides = array<i32>} : memref<512x128xf32, #tpu.memory_space<vmem>>, vector<1x16xf32>,
      %parallel_loop3A_2027 = vector.shape_cast %parallel_loop3A_2026 : vector<1x16xf32> to vector<16xf32>
      %parallel_loop3A_2028 = arith.constant 256 : i32
      %parallel_loop3A_2029 = arith.addi %parallel_loop3A_2028, %parallel_loop3A_2011 : i32
      %parallel_loop3A_2030 = arith.index_cast %parallel_loop3A_2029 : i32 to index
      %parallel_loop3A_2031 = arith.constant 0 : index
      %parallel_loop3A_2032 = tpu.vector_load %arg8[%parallel_loop3A_2030, %parallel_loop3A_2031] {strides = array<i32>} : memref<512x128xf32, #tpu.memory_space<vmem>>, vector<1x16xf32>,
      %parallel_loop3A_2033 = vector.shape_cast %parallel_loop3A_2032 : vector<1x16xf32> to vector<16xf32>
      %parallel_loop3A_2034 = arith.subf %parallel_loop3A_2033, %parallel_loop3A_2027 : vector<16xf32>
      %parallel_loop3A_2035 = arith.mulf %parallel_loop3A_2023, %parallel_loop3A_2034 : vector<16xf32>
      %parallel_loop3A_2036 = arith.addf %parallel_loop3A_2027, %parallel_loop3A_2035 : vector<16xf32>
      %parallel_loop3A_2037 = arith.addf %parallel_loop3A_1909, %parallel_loop3A_2036 : vector<16xf32>
      %parallel_loop3A_2038 = arith.index_cast %parallel_loop3A_2011 : i32 to index
      %parallel_loop3A_2039 = arith.constant 16 : index
      %parallel_loop3A_2040 = tpu.vector_load %arg8[%parallel_loop3A_2038, %parallel_loop3A_2039] {strides = array<i32>} : memref<512x128xf32, #tpu.memory_space<vmem>>, vector<1x16xf32>,
      %parallel_loop3A_2041 = vector.shape_cast %parallel_loop3A_2040 : vector<1x16xf32> to vector<16xf32>
      %parallel_loop3A_2042 = arith.constant 256 : i32
      %parallel_loop3A_2043 = arith.addi %parallel_loop3A_2042, %parallel_loop3A_2011 : i32
      %parallel_loop3A_2044 = arith.index_cast %parallel_loop3A_2043 : i32 to index
      %parallel_loop3A_2045 = arith.constant 16 : index
      %parallel_loop3A_2046 = tpu.vector_load %arg8[%parallel_loop3A_2044, %parallel_loop3A_2045] {strides = array<i32>} : memref<512x128xf32, #tpu.memory_space<vmem>>, vector<1x16xf32>,
      %parallel_loop3A_2047 = vector.shape_cast %parallel_loop3A_2046 : vector<1x16xf32> to vector<16xf32>
      %parallel_loop3A_2048 = arith.subf %parallel_loop3A_2047, %parallel_loop3A_2041 : vector<16xf32>
      %parallel_loop3A_2049 = arith.mulf %parallel_loop3A_2023, %parallel_loop3A_2048 : vector<16xf32>
      %parallel_loop3A_2050 = arith.addf %parallel_loop3A_2041, %parallel_loop3A_2049 : vector<16xf32>
      %parallel_loop3A_2051 = arith.addf %parallel_loop3A_1923, %parallel_loop3A_2050 : vector<16xf32>
      %parallel_loop3A_2052 = arith.index_cast %parallel_loop3A_2011 : i32 to index
      %parallel_loop3A_2053 = arith.constant 32 : index
      %parallel_loop3A_2054 = tpu.vector_load %arg8[%parallel_loop3A_2052, %parallel_loop3A_2053] {strides = array<i32>} : memref<512x128xf32, #tpu.memory_space<vmem>>, vector<1x16xf32>,
      %parallel_loop3A_2055 = vector.shape_cast %parallel_loop3A_2054 : vector<1x16xf32> to vector<16xf32>
      %parallel_loop3A_2056 = arith.constant 256 : i32
      %parallel_loop3A_2057 = arith.addi %parallel_loop3A_2056, %parallel_loop3A_2011 : i32
      %parallel_loop3A_2058 = arith.index_cast %parallel_loop3A_2057 : i32 to index
      %parallel_loop3A_2059 = arith.constant 32 : index
      %parallel_loop3A_2060 = tpu.vector_load %arg8[%parallel_loop3A_2058, %parallel_loop3A_2059] {strides = array<i32>} : memref<512x128xf32, #tpu.memory_space<vmem>>, vector<1x16xf32>,
      %parallel_loop3A_2061 = vector.shape_cast %parallel_loop3A_2060 : vector<1x16xf32> to vector<16xf32>
      %parallel_loop3A_2062 = arith.subf %parallel_loop3A_2061, %parallel_loop3A_2055 : vector<16xf32>
      %parallel_loop3A_2063 = arith.mulf %parallel_loop3A_2023, %parallel_loop3A_2062 : vector<16xf32>
      %parallel_loop3A_2064 = arith.addf %parallel_loop3A_2055, %parallel_loop3A_2063 : vector<16xf32>
      %parallel_loop3A_2065 = arith.addf %parallel_loop3A_1937, %parallel_loop3A_2064 : vector<16xf32>
      %parallel_loop3A_2066 = arith.index_cast %parallel_loop3A_2011 : i32 to index
      %parallel_loop3A_2067 = arith.constant 48 : index
      %parallel_loop3A_2068 = tpu.vector_load %arg8[%parallel_loop3A_2066, %parallel_loop3A_2067] {strides = array<i32>} : memref<512x128xf32, #tpu.memory_space<vmem>>, vector<1x16xf32>,
      %parallel_loop3A_2069 = vector.shape_cast %parallel_loop3A_2068 : vector<1x16xf32> to vector<16xf32>
      %parallel_loop3A_2070 = arith.constant 256 : i32
      %parallel_loop3A_2071 = arith.addi %parallel_loop3A_2070, %parallel_loop3A_2011 : i32
      %parallel_loop3A_2072 = arith.index_cast %parallel_loop3A_2071 : i32 to index
      %parallel_loop3A_2073 = arith.constant 48 : index
      %parallel_loop3A_2074 = tpu.vector_load %arg8[%parallel_loop3A_2072, %parallel_loop3A_2073] {strides = array<i32>} : memref<512x128xf32, #tpu.memory_space<vmem>>, vector<1x16xf32>,
      %parallel_loop3A_2075 = vector.shape_cast %parallel_loop3A_2074 : vector<1x16xf32> to vector<16xf32>
      %parallel_loop3A_2076 = arith.subf %parallel_loop3A_2075, %parallel_loop3A_2069 : vector<16xf32>
      %parallel_loop3A_2077 = arith.mulf %parallel_loop3A_2023, %parallel_loop3A_2076 : vector<16xf32>
      %parallel_loop3A_2078 = arith.addf %parallel_loop3A_2069, %parallel_loop3A_2077 : vector<16xf32>
      %parallel_loop3A_2079 = arith.addf %parallel_loop3A_1951, %parallel_loop3A_2078 : vector<16xf32>
      %parallel_loop3A_2080 = arith.index_cast %parallel_loop3A_2011 : i32 to index
      %parallel_loop3A_2081 = arith.constant 64 : index
      %parallel_loop3A_2082 = tpu.vector_load %arg8[%parallel_loop3A_2080, %parallel_loop3A_2081] {strides = array<i32>} : memref<512x128xf32, #tpu.memory_space<vmem>>, vector<1x16xf32>,
      %parallel_loop3A_2083 = vector.shape_cast %parallel_loop3A_2082 : vector<1x16xf32> to vector<16xf32>
      %parallel_loop3A_2084 = arith.constant 256 : i32
      %parallel_loop3A_2085 = arith.addi %parallel_loop3A_2084, %parallel_loop3A_2011 : i32
      %parallel_loop3A_2086 = arith.index_cast %parallel_loop3A_2085 : i32 to index
      %parallel_loop3A_2087 = arith.constant 64 : index
      %parallel_loop3A_2088 = tpu.vector_load %arg8[%parallel_loop3A_2086, %parallel_loop3A_2087] {strides = array<i32>} : memref<512x128xf32, #tpu.memory_space<vmem>>, vector<1x16xf32>,
      %parallel_loop3A_2089 = vector.shape_cast %parallel_loop3A_2088 : vector<1x16xf32> to vector<16xf32>
      %parallel_loop3A_2090 = arith.subf %parallel_loop3A_2089, %parallel_loop3A_2083 : vector<16xf32>
      %parallel_loop3A_2091 = arith.mulf %parallel_loop3A_2023, %parallel_loop3A_2090 : vector<16xf32>
      %parallel_loop3A_2092 = arith.addf %parallel_loop3A_2083, %parallel_loop3A_2091 : vector<16xf32>
      %parallel_loop3A_2093 = arith.addf %parallel_loop3A_1965, %parallel_loop3A_2092 : vector<16xf32>
      %parallel_loop3A_2094 = arith.index_cast %parallel_loop3A_2011 : i32 to index
      %parallel_loop3A_2095 = arith.constant 80 : index
      %parallel_loop3A_2096 = tpu.vector_load %arg8[%parallel_loop3A_2094, %parallel_loop3A_2095] {strides = array<i32>} : memref<512x128xf32, #tpu.memory_space<vmem>>, vector<1x16xf32>,
      %parallel_loop3A_2097 = vector.shape_cast %parallel_loop3A_2096 : vector<1x16xf32> to vector<16xf32>
      %parallel_loop3A_2098 = arith.constant 256 : i32
      %parallel_loop3A_2099 = arith.addi %parallel_loop3A_2098, %parallel_loop3A_2011 : i32
      %parallel_loop3A_2100 = arith.index_cast %parallel_loop3A_2099 : i32 to index
      %parallel_loop3A_2101 = arith.constant 80 : index
      %parallel_loop3A_2102 = tpu.vector_load %arg8[%parallel_loop3A_2100, %parallel_loop3A_2101] {strides = array<i32>} : memref<512x128xf32, #tpu.memory_space<vmem>>, vector<1x16xf32>,
      %parallel_loop3A_2103 = vector.shape_cast %parallel_loop3A_2102 : vector<1x16xf32> to vector<16xf32>
      %parallel_loop3A_2104 = arith.subf %parallel_loop3A_2103, %parallel_loop3A_2097 : vector<16xf32>
      %parallel_loop3A_2105 = arith.mulf %parallel_loop3A_2023, %parallel_loop3A_2104 : vector<16xf32>
      %parallel_loop3A_2106 = arith.addf %parallel_loop3A_2097, %parallel_loop3A_2105 : vector<16xf32>
      %parallel_loop3A_2107 = arith.addf %parallel_loop3A_1979, %parallel_loop3A_2106 : vector<16xf32>
      %parallel_loop3A_2108 = arith.index_cast %parallel_loop3A_2011 : i32 to index
      %parallel_loop3A_2109 = arith.constant 96 : index
      %parallel_loop3A_2110 = tpu.vector_load %arg8[%parallel_loop3A_2108, %parallel_loop3A_2109] {strides = array<i32>} : memref<512x128xf32, #tpu.memory_space<vmem>>, vector<1x16xf32>,
      %parallel_loop3A_2111 = vector.shape_cast %parallel_loop3A_2110 : vector<1x16xf32> to vector<16xf32>
      %parallel_loop3A_2112 = arith.constant 256 : i32
      %parallel_loop3A_2113 = arith.addi %parallel_loop3A_2112, %parallel_loop3A_2011 : i32
      %parallel_loop3A_2114 = arith.index_cast %parallel_loop3A_2113 : i32 to index
      %parallel_loop3A_2115 = arith.constant 96 : index
      %parallel_loop3A_2116 = tpu.vector_load %arg8[%parallel_loop3A_2114, %parallel_loop3A_2115] {strides = array<i32>} : memref<512x128xf32, #tpu.memory_space<vmem>>, vector<1x16xf32>,
      %parallel_loop3A_2117 = vector.shape_cast %parallel_loop3A_2116 : vector<1x16xf32> to vector<16xf32>
      %parallel_loop3A_2118 = arith.subf %parallel_loop3A_2117, %parallel_loop3A_2111 : vector<16xf32>
      %parallel_loop3A_2119 = arith.mulf %parallel_loop3A_2023, %parallel_loop3A_2118 : vector<16xf32>
      %parallel_loop3A_2120 = arith.addf %parallel_loop3A_2111, %parallel_loop3A_2119 : vector<16xf32>
      %parallel_loop3A_2121 = arith.addf %parallel_loop3A_1993, %parallel_loop3A_2120 : vector<16xf32>
      %parallel_loop3A_2122 = arith.index_cast %parallel_loop3A_2011 : i32 to index
      %parallel_loop3A_2123 = arith.constant 112 : index
      %parallel_loop3A_2124 = tpu.vector_load %arg8[%parallel_loop3A_2122, %parallel_loop3A_2123] {strides = array<i32>} : memref<512x128xf32, #tpu.memory_space<vmem>>, vector<1x16xf32>,
      %parallel_loop3A_2125 = vector.shape_cast %parallel_loop3A_2124 : vector<1x16xf32> to vector<16xf32>
      %parallel_loop3A_2126 = arith.constant 256 : i32
      %parallel_loop3A_2127 = arith.addi %parallel_loop3A_2126, %parallel_loop3A_2011 : i32
      %parallel_loop3A_2128 = arith.index_cast %parallel_loop3A_2127 : i32 to index
      %parallel_loop3A_2129 = arith.constant 112 : index
      %parallel_loop3A_2130 = tpu.vector_load %arg8[%parallel_loop3A_2128, %parallel_loop3A_2129] {strides = array<i32>} : memref<512x128xf32, #tpu.memory_space<vmem>>, vector<1x16xf32>,
      %parallel_loop3A_2131 = vector.shape_cast %parallel_loop3A_2130 : vector<1x16xf32> to vector<16xf32>
      %parallel_loop3A_2132 = arith.subf %parallel_loop3A_2131, %parallel_loop3A_2125 : vector<16xf32>
      %parallel_loop3A_2133 = arith.mulf %parallel_loop3A_2023, %parallel_loop3A_2132 : vector<16xf32>
      %parallel_loop3A_2134 = arith.addf %parallel_loop3A_2125, %parallel_loop3A_2133 : vector<16xf32>
      %parallel_loop3A_2135 = arith.addf %parallel_loop3A_2007, %parallel_loop3A_2134 : vector<16xf32>
      %parallel_loop3A_2136 = arith.constant 16 : i32
      %parallel_loop3A_2137 = arith.muli %parallel_loop3A_970, %parallel_loop3A_2136 : i32
      %parallel_loop3A_2138 = arith.constant 9 : i32
      %parallel_loop3A_2139 = arith.addi %parallel_loop3A_2137, %parallel_loop3A_2138 : i32
      %parallel_loop3A_2140 = arith.constant 9 : i32
      %parallel_loop3A_2141 = vector.broadcast %parallel_loop3A_2140 : i32 to vector<16xi32>
      %parallel_loop3A_2142 = arith.constant 0 : i32
      %parallel_loop3A_2143 = vector.broadcast %parallel_loop3A_2142 : i32 to vector<16xi32>
      %parallel_loop3A_2144 = arith.cmpi slt, %parallel_loop3A_2141, %parallel_loop3A_2143 : vector<16xi32>
      %parallel_loop3A_2145 = arith.constant 16 : i32
      %parallel_loop3A_2146 = vector.broadcast %parallel_loop3A_2145 : i32 to vector<16xi32>
      %parallel_loop3A_2147 = arith.addi %parallel_loop3A_2141, %parallel_loop3A_2146 : vector<16xi32>
      %parallel_loop3A_2148 = arith.select %parallel_loop3A_2144, %parallel_loop3A_2147, %parallel_loop3A_2141 : vector<16xi1>, vector<16xi32>
      %parallel_loop3A_2149 = vector.shape_cast %parallel_loop3A_2148 : vector<16xi32> to vector<16x1xi32>
      %parallel_loop3A_2150 = vector.shape_cast %parallel_loop3A_2149 : vector<16x1xi32> to vector<16xi32>
      %parallel_loop3A_2151 = tpu.dynamic_gather %parallel_loop3A_983[%parallel_loop3A_2150] in [0] : vector<16xf32>, vector<16xi32> -> vector<16xf32>
      %parallel_loop3A_2152 = arith.index_cast %parallel_loop3A_2139 : i32 to index
      %parallel_loop3A_2153 = arith.constant 0 : index
      %parallel_loop3A_2154 = tpu.vector_load %arg8[%parallel_loop3A_2152, %parallel_loop3A_2153] {strides = array<i32>} : memref<512x128xf32, #tpu.memory_space<vmem>>, vector<1x16xf32>,
      %parallel_loop3A_2155 = vector.shape_cast %parallel_loop3A_2154 : vector<1x16xf32> to vector<16xf32>
      %parallel_loop3A_2156 = arith.constant 256 : i32
      %parallel_loop3A_2157 = arith.addi %parallel_loop3A_2156, %parallel_loop3A_2139 : i32
      %parallel_loop3A_2158 = arith.index_cast %parallel_loop3A_2157 : i32 to index
      %parallel_loop3A_2159 = arith.constant 0 : index
      %parallel_loop3A_2160 = tpu.vector_load %arg8[%parallel_loop3A_2158, %parallel_loop3A_2159] {strides = array<i32>} : memref<512x128xf32, #tpu.memory_space<vmem>>, vector<1x16xf32>,
      %parallel_loop3A_2161 = vector.shape_cast %parallel_loop3A_2160 : vector<1x16xf32> to vector<16xf32>
      %parallel_loop3A_2162 = arith.subf %parallel_loop3A_2161, %parallel_loop3A_2155 : vector<16xf32>
      %parallel_loop3A_2163 = arith.mulf %parallel_loop3A_2151, %parallel_loop3A_2162 : vector<16xf32>
      %parallel_loop3A_2164 = arith.addf %parallel_loop3A_2155, %parallel_loop3A_2163 : vector<16xf32>
      %parallel_loop3A_2165 = arith.addf %parallel_loop3A_2037, %parallel_loop3A_2164 : vector<16xf32>
      %parallel_loop3A_2166 = arith.index_cast %parallel_loop3A_2139 : i32 to index
      %parallel_loop3A_2167 = arith.constant 16 : index
      %parallel_loop3A_2168 = tpu.vector_load %arg8[%parallel_loop3A_2166, %parallel_loop3A_2167] {strides = array<i32>} : memref<512x128xf32, #tpu.memory_space<vmem>>, vector<1x16xf32>,
      %parallel_loop3A_2169 = vector.shape_cast %parallel_loop3A_2168 : vector<1x16xf32> to vector<16xf32>
      %parallel_loop3A_2170 = arith.constant 256 : i32
      %parallel_loop3A_2171 = arith.addi %parallel_loop3A_2170, %parallel_loop3A_2139 : i32
      %parallel_loop3A_2172 = arith.index_cast %parallel_loop3A_2171 : i32 to index
      %parallel_loop3A_2173 = arith.constant 16 : index
      %parallel_loop3A_2174 = tpu.vector_load %arg8[%parallel_loop3A_2172, %parallel_loop3A_2173] {strides = array<i32>} : memref<512x128xf32, #tpu.memory_space<vmem>>, vector<1x16xf32>,
      %parallel_loop3A_2175 = vector.shape_cast %parallel_loop3A_2174 : vector<1x16xf32> to vector<16xf32>
      %parallel_loop3A_2176 = arith.subf %parallel_loop3A_2175, %parallel_loop3A_2169 : vector<16xf32>
      %parallel_loop3A_2177 = arith.mulf %parallel_loop3A_2151, %parallel_loop3A_2176 : vector<16xf32>
      %parallel_loop3A_2178 = arith.addf %parallel_loop3A_2169, %parallel_loop3A_2177 : vector<16xf32>
      %parallel_loop3A_2179 = arith.addf %parallel_loop3A_2051, %parallel_loop3A_2178 : vector<16xf32>
      %parallel_loop3A_2180 = arith.index_cast %parallel_loop3A_2139 : i32 to index
      %parallel_loop3A_2181 = arith.constant 32 : index
      %parallel_loop3A_2182 = tpu.vector_load %arg8[%parallel_loop3A_2180, %parallel_loop3A_2181] {strides = array<i32>} : memref<512x128xf32, #tpu.memory_space<vmem>>, vector<1x16xf32>,
      %parallel_loop3A_2183 = vector.shape_cast %parallel_loop3A_2182 : vector<1x16xf32> to vector<16xf32>
      %parallel_loop3A_2184 = arith.constant 256 : i32
      %parallel_loop3A_2185 = arith.addi %parallel_loop3A_2184, %parallel_loop3A_2139 : i32
      %parallel_loop3A_2186 = arith.index_cast %parallel_loop3A_2185 : i32 to index
      %parallel_loop3A_2187 = arith.constant 32 : index
      %parallel_loop3A_2188 = tpu.vector_load %arg8[%parallel_loop3A_2186, %parallel_loop3A_2187] {strides = array<i32>} : memref<512x128xf32, #tpu.memory_space<vmem>>, vector<1x16xf32>,
      %parallel_loop3A_2189 = vector.shape_cast %parallel_loop3A_2188 : vector<1x16xf32> to vector<16xf32>
      %parallel_loop3A_2190 = arith.subf %parallel_loop3A_2189, %parallel_loop3A_2183 : vector<16xf32>
      %parallel_loop3A_2191 = arith.mulf %parallel_loop3A_2151, %parallel_loop3A_2190 : vector<16xf32>
      %parallel_loop3A_2192 = arith.addf %parallel_loop3A_2183, %parallel_loop3A_2191 : vector<16xf32>
      %parallel_loop3A_2193 = arith.addf %parallel_loop3A_2065, %parallel_loop3A_2192 : vector<16xf32>
      %parallel_loop3A_2194 = arith.index_cast %parallel_loop3A_2139 : i32 to index
      %parallel_loop3A_2195 = arith.constant 48 : index
      %parallel_loop3A_2196 = tpu.vector_load %arg8[%parallel_loop3A_2194, %parallel_loop3A_2195] {strides = array<i32>} : memref<512x128xf32, #tpu.memory_space<vmem>>, vector<1x16xf32>,
      %parallel_loop3A_2197 = vector.shape_cast %parallel_loop3A_2196 : vector<1x16xf32> to vector<16xf32>
      %parallel_loop3A_2198 = arith.constant 256 : i32
      %parallel_loop3A_2199 = arith.addi %parallel_loop3A_2198, %parallel_loop3A_2139 : i32
      %parallel_loop3A_2200 = arith.index_cast %parallel_loop3A_2199 : i32 to index
      %parallel_loop3A_2201 = arith.constant 48 : index
      %parallel_loop3A_2202 = tpu.vector_load %arg8[%parallel_loop3A_2200, %parallel_loop3A_2201] {strides = array<i32>} : memref<512x128xf32, #tpu.memory_space<vmem>>, vector<1x16xf32>,
      %parallel_loop3A_2203 = vector.shape_cast %parallel_loop3A_2202 : vector<1x16xf32> to vector<16xf32>
      %parallel_loop3A_2204 = arith.subf %parallel_loop3A_2203, %parallel_loop3A_2197 : vector<16xf32>
      %parallel_loop3A_2205 = arith.mulf %parallel_loop3A_2151, %parallel_loop3A_2204 : vector<16xf32>
      %parallel_loop3A_2206 = arith.addf %parallel_loop3A_2197, %parallel_loop3A_2205 : vector<16xf32>
      %parallel_loop3A_2207 = arith.addf %parallel_loop3A_2079, %parallel_loop3A_2206 : vector<16xf32>
      %parallel_loop3A_2208 = arith.index_cast %parallel_loop3A_2139 : i32 to index
      %parallel_loop3A_2209 = arith.constant 64 : index
      %parallel_loop3A_2210 = tpu.vector_load %arg8[%parallel_loop3A_2208, %parallel_loop3A_2209] {strides = array<i32>} : memref<512x128xf32, #tpu.memory_space<vmem>>, vector<1x16xf32>,
      %parallel_loop3A_2211 = vector.shape_cast %parallel_loop3A_2210 : vector<1x16xf32> to vector<16xf32>
      %parallel_loop3A_2212 = arith.constant 256 : i32
      %parallel_loop3A_2213 = arith.addi %parallel_loop3A_2212, %parallel_loop3A_2139 : i32
      %parallel_loop3A_2214 = arith.index_cast %parallel_loop3A_2213 : i32 to index
      %parallel_loop3A_2215 = arith.constant 64 : index
      %parallel_loop3A_2216 = tpu.vector_load %arg8[%parallel_loop3A_2214, %parallel_loop3A_2215] {strides = array<i32>} : memref<512x128xf32, #tpu.memory_space<vmem>>, vector<1x16xf32>,
      %parallel_loop3A_2217 = vector.shape_cast %parallel_loop3A_2216 : vector<1x16xf32> to vector<16xf32>
      %parallel_loop3A_2218 = arith.subf %parallel_loop3A_2217, %parallel_loop3A_2211 : vector<16xf32>
      %parallel_loop3A_2219 = arith.mulf %parallel_loop3A_2151, %parallel_loop3A_2218 : vector<16xf32>
      %parallel_loop3A_2220 = arith.addf %parallel_loop3A_2211, %parallel_loop3A_2219 : vector<16xf32>
      %parallel_loop3A_2221 = arith.addf %parallel_loop3A_2093, %parallel_loop3A_2220 : vector<16xf32>
      %parallel_loop3A_2222 = arith.index_cast %parallel_loop3A_2139 : i32 to index
      %parallel_loop3A_2223 = arith.constant 80 : index
      %parallel_loop3A_2224 = tpu.vector_load %arg8[%parallel_loop3A_2222, %parallel_loop3A_2223] {strides = array<i32>} : memref<512x128xf32, #tpu.memory_space<vmem>>, vector<1x16xf32>,
      %parallel_loop3A_2225 = vector.shape_cast %parallel_loop3A_2224 : vector<1x16xf32> to vector<16xf32>
      %parallel_loop3A_2226 = arith.constant 256 : i32
      %parallel_loop3A_2227 = arith.addi %parallel_loop3A_2226, %parallel_loop3A_2139 : i32
      %parallel_loop3A_2228 = arith.index_cast %parallel_loop3A_2227 : i32 to index
      %parallel_loop3A_2229 = arith.constant 80 : index
      %parallel_loop3A_2230 = tpu.vector_load %arg8[%parallel_loop3A_2228, %parallel_loop3A_2229] {strides = array<i32>} : memref<512x128xf32, #tpu.memory_space<vmem>>, vector<1x16xf32>,
      %parallel_loop3A_2231 = vector.shape_cast %parallel_loop3A_2230 : vector<1x16xf32> to vector<16xf32>
      %parallel_loop3A_2232 = arith.subf %parallel_loop3A_2231, %parallel_loop3A_2225 : vector<16xf32>
      %parallel_loop3A_2233 = arith.mulf %parallel_loop3A_2151, %parallel_loop3A_2232 : vector<16xf32>
      %parallel_loop3A_2234 = arith.addf %parallel_loop3A_2225, %parallel_loop3A_2233 : vector<16xf32>
      %parallel_loop3A_2235 = arith.addf %parallel_loop3A_2107, %parallel_loop3A_2234 : vector<16xf32>
      %parallel_loop3A_2236 = arith.index_cast %parallel_loop3A_2139 : i32 to index
      %parallel_loop3A_2237 = arith.constant 96 : index
      %parallel_loop3A_2238 = tpu.vector_load %arg8[%parallel_loop3A_2236, %parallel_loop3A_2237] {strides = array<i32>} : memref<512x128xf32, #tpu.memory_space<vmem>>, vector<1x16xf32>,
      %parallel_loop3A_2239 = vector.shape_cast %parallel_loop3A_2238 : vector<1x16xf32> to vector<16xf32>
      %parallel_loop3A_2240 = arith.constant 256 : i32
      %parallel_loop3A_2241 = arith.addi %parallel_loop3A_2240, %parallel_loop3A_2139 : i32
      %parallel_loop3A_2242 = arith.index_cast %parallel_loop3A_2241 : i32 to index
      %parallel_loop3A_2243 = arith.constant 96 : index
      %parallel_loop3A_2244 = tpu.vector_load %arg8[%parallel_loop3A_2242, %parallel_loop3A_2243] {strides = array<i32>} : memref<512x128xf32, #tpu.memory_space<vmem>>, vector<1x16xf32>,
      %parallel_loop3A_2245 = vector.shape_cast %parallel_loop3A_2244 : vector<1x16xf32> to vector<16xf32>
      %parallel_loop3A_2246 = arith.subf %parallel_loop3A_2245, %parallel_loop3A_2239 : vector<16xf32>
      %parallel_loop3A_2247 = arith.mulf %parallel_loop3A_2151, %parallel_loop3A_2246 : vector<16xf32>
      %parallel_loop3A_2248 = arith.addf %parallel_loop3A_2239, %parallel_loop3A_2247 : vector<16xf32>
      %parallel_loop3A_2249 = arith.addf %parallel_loop3A_2121, %parallel_loop3A_2248 : vector<16xf32>
      %parallel_loop3A_2250 = arith.index_cast %parallel_loop3A_2139 : i32 to index
      %parallel_loop3A_2251 = arith.constant 112 : index
      %parallel_loop3A_2252 = tpu.vector_load %arg8[%parallel_loop3A_2250, %parallel_loop3A_2251] {strides = array<i32>} : memref<512x128xf32, #tpu.memory_space<vmem>>, vector<1x16xf32>,
      %parallel_loop3A_2253 = vector.shape_cast %parallel_loop3A_2252 : vector<1x16xf32> to vector<16xf32>
      %parallel_loop3A_2254 = arith.constant 256 : i32
      %parallel_loop3A_2255 = arith.addi %parallel_loop3A_2254, %parallel_loop3A_2139 : i32
      %parallel_loop3A_2256 = arith.index_cast %parallel_loop3A_2255 : i32 to index
      %parallel_loop3A_2257 = arith.constant 112 : index
      %parallel_loop3A_2258 = tpu.vector_load %arg8[%parallel_loop3A_2256, %parallel_loop3A_2257] {strides = array<i32>} : memref<512x128xf32, #tpu.memory_space<vmem>>, vector<1x16xf32>,
      %parallel_loop3A_2259 = vector.shape_cast %parallel_loop3A_2258 : vector<1x16xf32> to vector<16xf32>
      %parallel_loop3A_2260 = arith.subf %parallel_loop3A_2259, %parallel_loop3A_2253 : vector<16xf32>
      %parallel_loop3A_2261 = arith.mulf %parallel_loop3A_2151, %parallel_loop3A_2260 : vector<16xf32>
      %parallel_loop3A_2262 = arith.addf %parallel_loop3A_2253, %parallel_loop3A_2261 : vector<16xf32>
      %parallel_loop3A_2263 = arith.addf %parallel_loop3A_2135, %parallel_loop3A_2262 : vector<16xf32>
      %parallel_loop3A_2264 = arith.constant 16 : i32
      %parallel_loop3A_2265 = arith.muli %parallel_loop3A_970, %parallel_loop3A_2264 : i32
      %parallel_loop3A_2266 = arith.constant 10 : i32
      %parallel_loop3A_2267 = arith.addi %parallel_loop3A_2265, %parallel_loop3A_2266 : i32
      %parallel_loop3A_2268 = arith.constant 10 : i32
      %parallel_loop3A_2269 = vector.broadcast %parallel_loop3A_2268 : i32 to vector<16xi32>
      %parallel_loop3A_2270 = arith.constant 0 : i32
      %parallel_loop3A_2271 = vector.broadcast %parallel_loop3A_2270 : i32 to vector<16xi32>
      %parallel_loop3A_2272 = arith.cmpi slt, %parallel_loop3A_2269, %parallel_loop3A_2271 : vector<16xi32>
      %parallel_loop3A_2273 = arith.constant 16 : i32
      %parallel_loop3A_2274 = vector.broadcast %parallel_loop3A_2273 : i32 to vector<16xi32>
      %parallel_loop3A_2275 = arith.addi %parallel_loop3A_2269, %parallel_loop3A_2274 : vector<16xi32>
      %parallel_loop3A_2276 = arith.select %parallel_loop3A_2272, %parallel_loop3A_2275, %parallel_loop3A_2269 : vector<16xi1>, vector<16xi32>
      %parallel_loop3A_2277 = vector.shape_cast %parallel_loop3A_2276 : vector<16xi32> to vector<16x1xi32>
      %parallel_loop3A_2278 = vector.shape_cast %parallel_loop3A_2277 : vector<16x1xi32> to vector<16xi32>
      %parallel_loop3A_2279 = tpu.dynamic_gather %parallel_loop3A_983[%parallel_loop3A_2278] in [0] : vector<16xf32>, vector<16xi32> -> vector<16xf32>
      %parallel_loop3A_2280 = arith.index_cast %parallel_loop3A_2267 : i32 to index
      %parallel_loop3A_2281 = arith.constant 0 : index
      %parallel_loop3A_2282 = tpu.vector_load %arg8[%parallel_loop3A_2280, %parallel_loop3A_2281] {strides = array<i32>} : memref<512x128xf32, #tpu.memory_space<vmem>>, vector<1x16xf32>,
      %parallel_loop3A_2283 = vector.shape_cast %parallel_loop3A_2282 : vector<1x16xf32> to vector<16xf32>
      %parallel_loop3A_2284 = arith.constant 256 : i32
      %parallel_loop3A_2285 = arith.addi %parallel_loop3A_2284, %parallel_loop3A_2267 : i32
      %parallel_loop3A_2286 = arith.index_cast %parallel_loop3A_2285 : i32 to index
      %parallel_loop3A_2287 = arith.constant 0 : index
      %parallel_loop3A_2288 = tpu.vector_load %arg8[%parallel_loop3A_2286, %parallel_loop3A_2287] {strides = array<i32>} : memref<512x128xf32, #tpu.memory_space<vmem>>, vector<1x16xf32>,
      %parallel_loop3A_2289 = vector.shape_cast %parallel_loop3A_2288 : vector<1x16xf32> to vector<16xf32>
      %parallel_loop3A_2290 = arith.subf %parallel_loop3A_2289, %parallel_loop3A_2283 : vector<16xf32>
      %parallel_loop3A_2291 = arith.mulf %parallel_loop3A_2279, %parallel_loop3A_2290 : vector<16xf32>
      %parallel_loop3A_2292 = arith.addf %parallel_loop3A_2283, %parallel_loop3A_2291 : vector<16xf32>
      %parallel_loop3A_2293 = arith.addf %parallel_loop3A_2165, %parallel_loop3A_2292 : vector<16xf32>
      %parallel_loop3A_2294 = arith.index_cast %parallel_loop3A_2267 : i32 to index
      %parallel_loop3A_2295 = arith.constant 16 : index
      %parallel_loop3A_2296 = tpu.vector_load %arg8[%parallel_loop3A_2294, %parallel_loop3A_2295] {strides = array<i32>} : memref<512x128xf32, #tpu.memory_space<vmem>>, vector<1x16xf32>,
      %parallel_loop3A_2297 = vector.shape_cast %parallel_loop3A_2296 : vector<1x16xf32> to vector<16xf32>
      %parallel_loop3A_2298 = arith.constant 256 : i32
      %parallel_loop3A_2299 = arith.addi %parallel_loop3A_2298, %parallel_loop3A_2267 : i32
      %parallel_loop3A_2300 = arith.index_cast %parallel_loop3A_2299 : i32 to index
      %parallel_loop3A_2301 = arith.constant 16 : index
      %parallel_loop3A_2302 = tpu.vector_load %arg8[%parallel_loop3A_2300, %parallel_loop3A_2301] {strides = array<i32>} : memref<512x128xf32, #tpu.memory_space<vmem>>, vector<1x16xf32>,
      %parallel_loop3A_2303 = vector.shape_cast %parallel_loop3A_2302 : vector<1x16xf32> to vector<16xf32>
      %parallel_loop3A_2304 = arith.subf %parallel_loop3A_2303, %parallel_loop3A_2297 : vector<16xf32>
      %parallel_loop3A_2305 = arith.mulf %parallel_loop3A_2279, %parallel_loop3A_2304 : vector<16xf32>
      %parallel_loop3A_2306 = arith.addf %parallel_loop3A_2297, %parallel_loop3A_2305 : vector<16xf32>
      %parallel_loop3A_2307 = arith.addf %parallel_loop3A_2179, %parallel_loop3A_2306 : vector<16xf32>
      %parallel_loop3A_2308 = arith.index_cast %parallel_loop3A_2267 : i32 to index
      %parallel_loop3A_2309 = arith.constant 32 : index
      %parallel_loop3A_2310 = tpu.vector_load %arg8[%parallel_loop3A_2308, %parallel_loop3A_2309] {strides = array<i32>} : memref<512x128xf32, #tpu.memory_space<vmem>>, vector<1x16xf32>,
      %parallel_loop3A_2311 = vector.shape_cast %parallel_loop3A_2310 : vector<1x16xf32> to vector<16xf32>
      %parallel_loop3A_2312 = arith.constant 256 : i32
      %parallel_loop3A_2313 = arith.addi %parallel_loop3A_2312, %parallel_loop3A_2267 : i32
      %parallel_loop3A_2314 = arith.index_cast %parallel_loop3A_2313 : i32 to index
      %parallel_loop3A_2315 = arith.constant 32 : index
      %parallel_loop3A_2316 = tpu.vector_load %arg8[%parallel_loop3A_2314, %parallel_loop3A_2315] {strides = array<i32>} : memref<512x128xf32, #tpu.memory_space<vmem>>, vector<1x16xf32>,
      %parallel_loop3A_2317 = vector.shape_cast %parallel_loop3A_2316 : vector<1x16xf32> to vector<16xf32>
      %parallel_loop3A_2318 = arith.subf %parallel_loop3A_2317, %parallel_loop3A_2311 : vector<16xf32>
      %parallel_loop3A_2319 = arith.mulf %parallel_loop3A_2279, %parallel_loop3A_2318 : vector<16xf32>
      %parallel_loop3A_2320 = arith.addf %parallel_loop3A_2311, %parallel_loop3A_2319 : vector<16xf32>
      %parallel_loop3A_2321 = arith.addf %parallel_loop3A_2193, %parallel_loop3A_2320 : vector<16xf32>
      %parallel_loop3A_2322 = arith.index_cast %parallel_loop3A_2267 : i32 to index
      %parallel_loop3A_2323 = arith.constant 48 : index
      %parallel_loop3A_2324 = tpu.vector_load %arg8[%parallel_loop3A_2322, %parallel_loop3A_2323] {strides = array<i32>} : memref<512x128xf32, #tpu.memory_space<vmem>>, vector<1x16xf32>,
      %parallel_loop3A_2325 = vector.shape_cast %parallel_loop3A_2324 : vector<1x16xf32> to vector<16xf32>
      %parallel_loop3A_2326 = arith.constant 256 : i32
      %parallel_loop3A_2327 = arith.addi %parallel_loop3A_2326, %parallel_loop3A_2267 : i32
      %parallel_loop3A_2328 = arith.index_cast %parallel_loop3A_2327 : i32 to index
      %parallel_loop3A_2329 = arith.constant 48 : index
      %parallel_loop3A_2330 = tpu.vector_load %arg8[%parallel_loop3A_2328, %parallel_loop3A_2329] {strides = array<i32>} : memref<512x128xf32, #tpu.memory_space<vmem>>, vector<1x16xf32>,
      %parallel_loop3A_2331 = vector.shape_cast %parallel_loop3A_2330 : vector<1x16xf32> to vector<16xf32>
      %parallel_loop3A_2332 = arith.subf %parallel_loop3A_2331, %parallel_loop3A_2325 : vector<16xf32>
      %parallel_loop3A_2333 = arith.mulf %parallel_loop3A_2279, %parallel_loop3A_2332 : vector<16xf32>
      %parallel_loop3A_2334 = arith.addf %parallel_loop3A_2325, %parallel_loop3A_2333 : vector<16xf32>
      %parallel_loop3A_2335 = arith.addf %parallel_loop3A_2207, %parallel_loop3A_2334 : vector<16xf32>
      %parallel_loop3A_2336 = arith.index_cast %parallel_loop3A_2267 : i32 to index
      %parallel_loop3A_2337 = arith.constant 64 : index
      %parallel_loop3A_2338 = tpu.vector_load %arg8[%parallel_loop3A_2336, %parallel_loop3A_2337] {strides = array<i32>} : memref<512x128xf32, #tpu.memory_space<vmem>>, vector<1x16xf32>,
      %parallel_loop3A_2339 = vector.shape_cast %parallel_loop3A_2338 : vector<1x16xf32> to vector<16xf32>
      %parallel_loop3A_2340 = arith.constant 256 : i32
      %parallel_loop3A_2341 = arith.addi %parallel_loop3A_2340, %parallel_loop3A_2267 : i32
      %parallel_loop3A_2342 = arith.index_cast %parallel_loop3A_2341 : i32 to index
      %parallel_loop3A_2343 = arith.constant 64 : index
      %parallel_loop3A_2344 = tpu.vector_load %arg8[%parallel_loop3A_2342, %parallel_loop3A_2343] {strides = array<i32>} : memref<512x128xf32, #tpu.memory_space<vmem>>, vector<1x16xf32>,
      %parallel_loop3A_2345 = vector.shape_cast %parallel_loop3A_2344 : vector<1x16xf32> to vector<16xf32>
      %parallel_loop3A_2346 = arith.subf %parallel_loop3A_2345, %parallel_loop3A_2339 : vector<16xf32>
      %parallel_loop3A_2347 = arith.mulf %parallel_loop3A_2279, %parallel_loop3A_2346 : vector<16xf32>
      %parallel_loop3A_2348 = arith.addf %parallel_loop3A_2339, %parallel_loop3A_2347 : vector<16xf32>
      %parallel_loop3A_2349 = arith.addf %parallel_loop3A_2221, %parallel_loop3A_2348 : vector<16xf32>
      %parallel_loop3A_2350 = arith.index_cast %parallel_loop3A_2267 : i32 to index
      %parallel_loop3A_2351 = arith.constant 80 : index
      %parallel_loop3A_2352 = tpu.vector_load %arg8[%parallel_loop3A_2350, %parallel_loop3A_2351] {strides = array<i32>} : memref<512x128xf32, #tpu.memory_space<vmem>>, vector<1x16xf32>,
      %parallel_loop3A_2353 = vector.shape_cast %parallel_loop3A_2352 : vector<1x16xf32> to vector<16xf32>
      %parallel_loop3A_2354 = arith.constant 256 : i32
      %parallel_loop3A_2355 = arith.addi %parallel_loop3A_2354, %parallel_loop3A_2267 : i32
      %parallel_loop3A_2356 = arith.index_cast %parallel_loop3A_2355 : i32 to index
      %parallel_loop3A_2357 = arith.constant 80 : index
      %parallel_loop3A_2358 = tpu.vector_load %arg8[%parallel_loop3A_2356, %parallel_loop3A_2357] {strides = array<i32>} : memref<512x128xf32, #tpu.memory_space<vmem>>, vector<1x16xf32>,
      %parallel_loop3A_2359 = vector.shape_cast %parallel_loop3A_2358 : vector<1x16xf32> to vector<16xf32>
      %parallel_loop3A_2360 = arith.subf %parallel_loop3A_2359, %parallel_loop3A_2353 : vector<16xf32>
      %parallel_loop3A_2361 = arith.mulf %parallel_loop3A_2279, %parallel_loop3A_2360 : vector<16xf32>
      %parallel_loop3A_2362 = arith.addf %parallel_loop3A_2353, %parallel_loop3A_2361 : vector<16xf32>
      %parallel_loop3A_2363 = arith.addf %parallel_loop3A_2235, %parallel_loop3A_2362 : vector<16xf32>
      %parallel_loop3A_2364 = arith.index_cast %parallel_loop3A_2267 : i32 to index
      %parallel_loop3A_2365 = arith.constant 96 : index
      %parallel_loop3A_2366 = tpu.vector_load %arg8[%parallel_loop3A_2364, %parallel_loop3A_2365] {strides = array<i32>} : memref<512x128xf32, #tpu.memory_space<vmem>>, vector<1x16xf32>,
      %parallel_loop3A_2367 = vector.shape_cast %parallel_loop3A_2366 : vector<1x16xf32> to vector<16xf32>
      %parallel_loop3A_2368 = arith.constant 256 : i32
      %parallel_loop3A_2369 = arith.addi %parallel_loop3A_2368, %parallel_loop3A_2267 : i32
      %parallel_loop3A_2370 = arith.index_cast %parallel_loop3A_2369 : i32 to index
      %parallel_loop3A_2371 = arith.constant 96 : index
      %parallel_loop3A_2372 = tpu.vector_load %arg8[%parallel_loop3A_2370, %parallel_loop3A_2371] {strides = array<i32>} : memref<512x128xf32, #tpu.memory_space<vmem>>, vector<1x16xf32>,
      %parallel_loop3A_2373 = vector.shape_cast %parallel_loop3A_2372 : vector<1x16xf32> to vector<16xf32>
      %parallel_loop3A_2374 = arith.subf %parallel_loop3A_2373, %parallel_loop3A_2367 : vector<16xf32>
      %parallel_loop3A_2375 = arith.mulf %parallel_loop3A_2279, %parallel_loop3A_2374 : vector<16xf32>
      %parallel_loop3A_2376 = arith.addf %parallel_loop3A_2367, %parallel_loop3A_2375 : vector<16xf32>
      %parallel_loop3A_2377 = arith.addf %parallel_loop3A_2249, %parallel_loop3A_2376 : vector<16xf32>
      %parallel_loop3A_2378 = arith.index_cast %parallel_loop3A_2267 : i32 to index
      %parallel_loop3A_2379 = arith.constant 112 : index
      %parallel_loop3A_2380 = tpu.vector_load %arg8[%parallel_loop3A_2378, %parallel_loop3A_2379] {strides = array<i32>} : memref<512x128xf32, #tpu.memory_space<vmem>>, vector<1x16xf32>,
      %parallel_loop3A_2381 = vector.shape_cast %parallel_loop3A_2380 : vector<1x16xf32> to vector<16xf32>
      %parallel_loop3A_2382 = arith.constant 256 : i32
      %parallel_loop3A_2383 = arith.addi %parallel_loop3A_2382, %parallel_loop3A_2267 : i32
      %parallel_loop3A_2384 = arith.index_cast %parallel_loop3A_2383 : i32 to index
      %parallel_loop3A_2385 = arith.constant 112 : index
      %parallel_loop3A_2386 = tpu.vector_load %arg8[%parallel_loop3A_2384, %parallel_loop3A_2385] {strides = array<i32>} : memref<512x128xf32, #tpu.memory_space<vmem>>, vector<1x16xf32>,
      %parallel_loop3A_2387 = vector.shape_cast %parallel_loop3A_2386 : vector<1x16xf32> to vector<16xf32>
      %parallel_loop3A_2388 = arith.subf %parallel_loop3A_2387, %parallel_loop3A_2381 : vector<16xf32>
      %parallel_loop3A_2389 = arith.mulf %parallel_loop3A_2279, %parallel_loop3A_2388 : vector<16xf32>
      %parallel_loop3A_2390 = arith.addf %parallel_loop3A_2381, %parallel_loop3A_2389 : vector<16xf32>
      %parallel_loop3A_2391 = arith.addf %parallel_loop3A_2263, %parallel_loop3A_2390 : vector<16xf32>
      %parallel_loop3A_2392 = arith.constant 16 : i32
      %parallel_loop3A_2393 = arith.muli %parallel_loop3A_970, %parallel_loop3A_2392 : i32
      %parallel_loop3A_2394 = arith.constant 11 : i32
      %parallel_loop3A_2395 = arith.addi %parallel_loop3A_2393, %parallel_loop3A_2394 : i32
      %parallel_loop3A_2396 = arith.constant 11 : i32
      %parallel_loop3A_2397 = vector.broadcast %parallel_loop3A_2396 : i32 to vector<16xi32>
      %parallel_loop3A_2398 = arith.constant 0 : i32
      %parallel_loop3A_2399 = vector.broadcast %parallel_loop3A_2398 : i32 to vector<16xi32>
      %parallel_loop3A_2400 = arith.cmpi slt, %parallel_loop3A_2397, %parallel_loop3A_2399 : vector<16xi32>
      %parallel_loop3A_2401 = arith.constant 16 : i32
      %parallel_loop3A_2402 = vector.broadcast %parallel_loop3A_2401 : i32 to vector<16xi32>
      %parallel_loop3A_2403 = arith.addi %parallel_loop3A_2397, %parallel_loop3A_2402 : vector<16xi32>
      %parallel_loop3A_2404 = arith.select %parallel_loop3A_2400, %parallel_loop3A_2403, %parallel_loop3A_2397 : vector<16xi1>, vector<16xi32>
      %parallel_loop3A_2405 = vector.shape_cast %parallel_loop3A_2404 : vector<16xi32> to vector<16x1xi32>
      %parallel_loop3A_2406 = vector.shape_cast %parallel_loop3A_2405 : vector<16x1xi32> to vector<16xi32>
      %parallel_loop3A_2407 = tpu.dynamic_gather %parallel_loop3A_983[%parallel_loop3A_2406] in [0] : vector<16xf32>, vector<16xi32> -> vector<16xf32>
      %parallel_loop3A_2408 = arith.index_cast %parallel_loop3A_2395 : i32 to index
      %parallel_loop3A_2409 = arith.constant 0 : index
      %parallel_loop3A_2410 = tpu.vector_load %arg8[%parallel_loop3A_2408, %parallel_loop3A_2409] {strides = array<i32>} : memref<512x128xf32, #tpu.memory_space<vmem>>, vector<1x16xf32>,
      %parallel_loop3A_2411 = vector.shape_cast %parallel_loop3A_2410 : vector<1x16xf32> to vector<16xf32>
      %parallel_loop3A_2412 = arith.constant 256 : i32
      %parallel_loop3A_2413 = arith.addi %parallel_loop3A_2412, %parallel_loop3A_2395 : i32
      %parallel_loop3A_2414 = arith.index_cast %parallel_loop3A_2413 : i32 to index
      %parallel_loop3A_2415 = arith.constant 0 : index
      %parallel_loop3A_2416 = tpu.vector_load %arg8[%parallel_loop3A_2414, %parallel_loop3A_2415] {strides = array<i32>} : memref<512x128xf32, #tpu.memory_space<vmem>>, vector<1x16xf32>,
      %parallel_loop3A_2417 = vector.shape_cast %parallel_loop3A_2416 : vector<1x16xf32> to vector<16xf32>
      %parallel_loop3A_2418 = arith.subf %parallel_loop3A_2417, %parallel_loop3A_2411 : vector<16xf32>
      %parallel_loop3A_2419 = arith.mulf %parallel_loop3A_2407, %parallel_loop3A_2418 : vector<16xf32>
      %parallel_loop3A_2420 = arith.addf %parallel_loop3A_2411, %parallel_loop3A_2419 : vector<16xf32>
      %parallel_loop3A_2421 = arith.addf %parallel_loop3A_2293, %parallel_loop3A_2420 : vector<16xf32>
      %parallel_loop3A_2422 = arith.index_cast %parallel_loop3A_2395 : i32 to index
      %parallel_loop3A_2423 = arith.constant 16 : index
      %parallel_loop3A_2424 = tpu.vector_load %arg8[%parallel_loop3A_2422, %parallel_loop3A_2423] {strides = array<i32>} : memref<512x128xf32, #tpu.memory_space<vmem>>, vector<1x16xf32>,
      %parallel_loop3A_2425 = vector.shape_cast %parallel_loop3A_2424 : vector<1x16xf32> to vector<16xf32>
      %parallel_loop3A_2426 = arith.constant 256 : i32
      %parallel_loop3A_2427 = arith.addi %parallel_loop3A_2426, %parallel_loop3A_2395 : i32
      %parallel_loop3A_2428 = arith.index_cast %parallel_loop3A_2427 : i32 to index
      %parallel_loop3A_2429 = arith.constant 16 : index
      %parallel_loop3A_2430 = tpu.vector_load %arg8[%parallel_loop3A_2428, %parallel_loop3A_2429] {strides = array<i32>} : memref<512x128xf32, #tpu.memory_space<vmem>>, vector<1x16xf32>,
      %parallel_loop3A_2431 = vector.shape_cast %parallel_loop3A_2430 : vector<1x16xf32> to vector<16xf32>
      %parallel_loop3A_2432 = arith.subf %parallel_loop3A_2431, %parallel_loop3A_2425 : vector<16xf32>
      %parallel_loop3A_2433 = arith.mulf %parallel_loop3A_2407, %parallel_loop3A_2432 : vector<16xf32>
      %parallel_loop3A_2434 = arith.addf %parallel_loop3A_2425, %parallel_loop3A_2433 : vector<16xf32>
      %parallel_loop3A_2435 = arith.addf %parallel_loop3A_2307, %parallel_loop3A_2434 : vector<16xf32>
      %parallel_loop3A_2436 = arith.index_cast %parallel_loop3A_2395 : i32 to index
      %parallel_loop3A_2437 = arith.constant 32 : index
      %parallel_loop3A_2438 = tpu.vector_load %arg8[%parallel_loop3A_2436, %parallel_loop3A_2437] {strides = array<i32>} : memref<512x128xf32, #tpu.memory_space<vmem>>, vector<1x16xf32>,
      %parallel_loop3A_2439 = vector.shape_cast %parallel_loop3A_2438 : vector<1x16xf32> to vector<16xf32>
      %parallel_loop3A_2440 = arith.constant 256 : i32
      %parallel_loop3A_2441 = arith.addi %parallel_loop3A_2440, %parallel_loop3A_2395 : i32
      %parallel_loop3A_2442 = arith.index_cast %parallel_loop3A_2441 : i32 to index
      %parallel_loop3A_2443 = arith.constant 32 : index
      %parallel_loop3A_2444 = tpu.vector_load %arg8[%parallel_loop3A_2442, %parallel_loop3A_2443] {strides = array<i32>} : memref<512x128xf32, #tpu.memory_space<vmem>>, vector<1x16xf32>,
      %parallel_loop3A_2445 = vector.shape_cast %parallel_loop3A_2444 : vector<1x16xf32> to vector<16xf32>
      %parallel_loop3A_2446 = arith.subf %parallel_loop3A_2445, %parallel_loop3A_2439 : vector<16xf32>
      %parallel_loop3A_2447 = arith.mulf %parallel_loop3A_2407, %parallel_loop3A_2446 : vector<16xf32>
      %parallel_loop3A_2448 = arith.addf %parallel_loop3A_2439, %parallel_loop3A_2447 : vector<16xf32>
      %parallel_loop3A_2449 = arith.addf %parallel_loop3A_2321, %parallel_loop3A_2448 : vector<16xf32>
      %parallel_loop3A_2450 = arith.index_cast %parallel_loop3A_2395 : i32 to index
      %parallel_loop3A_2451 = arith.constant 48 : index
      %parallel_loop3A_2452 = tpu.vector_load %arg8[%parallel_loop3A_2450, %parallel_loop3A_2451] {strides = array<i32>} : memref<512x128xf32, #tpu.memory_space<vmem>>, vector<1x16xf32>,
      %parallel_loop3A_2453 = vector.shape_cast %parallel_loop3A_2452 : vector<1x16xf32> to vector<16xf32>
      %parallel_loop3A_2454 = arith.constant 256 : i32
      %parallel_loop3A_2455 = arith.addi %parallel_loop3A_2454, %parallel_loop3A_2395 : i32
      %parallel_loop3A_2456 = arith.index_cast %parallel_loop3A_2455 : i32 to index
      %parallel_loop3A_2457 = arith.constant 48 : index
      %parallel_loop3A_2458 = tpu.vector_load %arg8[%parallel_loop3A_2456, %parallel_loop3A_2457] {strides = array<i32>} : memref<512x128xf32, #tpu.memory_space<vmem>>, vector<1x16xf32>,
      %parallel_loop3A_2459 = vector.shape_cast %parallel_loop3A_2458 : vector<1x16xf32> to vector<16xf32>
      %parallel_loop3A_2460 = arith.subf %parallel_loop3A_2459, %parallel_loop3A_2453 : vector<16xf32>
      %parallel_loop3A_2461 = arith.mulf %parallel_loop3A_2407, %parallel_loop3A_2460 : vector<16xf32>
      %parallel_loop3A_2462 = arith.addf %parallel_loop3A_2453, %parallel_loop3A_2461 : vector<16xf32>
      %parallel_loop3A_2463 = arith.addf %parallel_loop3A_2335, %parallel_loop3A_2462 : vector<16xf32>
      %parallel_loop3A_2464 = arith.index_cast %parallel_loop3A_2395 : i32 to index
      %parallel_loop3A_2465 = arith.constant 64 : index
      %parallel_loop3A_2466 = tpu.vector_load %arg8[%parallel_loop3A_2464, %parallel_loop3A_2465] {strides = array<i32>} : memref<512x128xf32, #tpu.memory_space<vmem>>, vector<1x16xf32>,
      %parallel_loop3A_2467 = vector.shape_cast %parallel_loop3A_2466 : vector<1x16xf32> to vector<16xf32>
      %parallel_loop3A_2468 = arith.constant 256 : i32
      %parallel_loop3A_2469 = arith.addi %parallel_loop3A_2468, %parallel_loop3A_2395 : i32
      %parallel_loop3A_2470 = arith.index_cast %parallel_loop3A_2469 : i32 to index
      %parallel_loop3A_2471 = arith.constant 64 : index
      %parallel_loop3A_2472 = tpu.vector_load %arg8[%parallel_loop3A_2470, %parallel_loop3A_2471] {strides = array<i32>} : memref<512x128xf32, #tpu.memory_space<vmem>>, vector<1x16xf32>,
      %parallel_loop3A_2473 = vector.shape_cast %parallel_loop3A_2472 : vector<1x16xf32> to vector<16xf32>
      %parallel_loop3A_2474 = arith.subf %parallel_loop3A_2473, %parallel_loop3A_2467 : vector<16xf32>
      %parallel_loop3A_2475 = arith.mulf %parallel_loop3A_2407, %parallel_loop3A_2474 : vector<16xf32>
      %parallel_loop3A_2476 = arith.addf %parallel_loop3A_2467, %parallel_loop3A_2475 : vector<16xf32>
      %parallel_loop3A_2477 = arith.addf %parallel_loop3A_2349, %parallel_loop3A_2476 : vector<16xf32>
      %parallel_loop3A_2478 = arith.index_cast %parallel_loop3A_2395 : i32 to index
      %parallel_loop3A_2479 = arith.constant 80 : index
      %parallel_loop3A_2480 = tpu.vector_load %arg8[%parallel_loop3A_2478, %parallel_loop3A_2479] {strides = array<i32>} : memref<512x128xf32, #tpu.memory_space<vmem>>, vector<1x16xf32>,
      %parallel_loop3A_2481 = vector.shape_cast %parallel_loop3A_2480 : vector<1x16xf32> to vector<16xf32>
      %parallel_loop3A_2482 = arith.constant 256 : i32
      %parallel_loop3A_2483 = arith.addi %parallel_loop3A_2482, %parallel_loop3A_2395 : i32
      %parallel_loop3A_2484 = arith.index_cast %parallel_loop3A_2483 : i32 to index
      %parallel_loop3A_2485 = arith.constant 80 : index
      %parallel_loop3A_2486 = tpu.vector_load %arg8[%parallel_loop3A_2484, %parallel_loop3A_2485] {strides = array<i32>} : memref<512x128xf32, #tpu.memory_space<vmem>>, vector<1x16xf32>,
      %parallel_loop3A_2487 = vector.shape_cast %parallel_loop3A_2486 : vector<1x16xf32> to vector<16xf32>
      %parallel_loop3A_2488 = arith.subf %parallel_loop3A_2487, %parallel_loop3A_2481 : vector<16xf32>
      %parallel_loop3A_2489 = arith.mulf %parallel_loop3A_2407, %parallel_loop3A_2488 : vector<16xf32>
      %parallel_loop3A_2490 = arith.addf %parallel_loop3A_2481, %parallel_loop3A_2489 : vector<16xf32>
      %parallel_loop3A_2491 = arith.addf %parallel_loop3A_2363, %parallel_loop3A_2490 : vector<16xf32>
      %parallel_loop3A_2492 = arith.index_cast %parallel_loop3A_2395 : i32 to index
      %parallel_loop3A_2493 = arith.constant 96 : index
      %parallel_loop3A_2494 = tpu.vector_load %arg8[%parallel_loop3A_2492, %parallel_loop3A_2493] {strides = array<i32>} : memref<512x128xf32, #tpu.memory_space<vmem>>, vector<1x16xf32>,
      %parallel_loop3A_2495 = vector.shape_cast %parallel_loop3A_2494 : vector<1x16xf32> to vector<16xf32>
      %parallel_loop3A_2496 = arith.constant 256 : i32
      %parallel_loop3A_2497 = arith.addi %parallel_loop3A_2496, %parallel_loop3A_2395 : i32
      %parallel_loop3A_2498 = arith.index_cast %parallel_loop3A_2497 : i32 to index
      %parallel_loop3A_2499 = arith.constant 96 : index
      %parallel_loop3A_2500 = tpu.vector_load %arg8[%parallel_loop3A_2498, %parallel_loop3A_2499] {strides = array<i32>} : memref<512x128xf32, #tpu.memory_space<vmem>>, vector<1x16xf32>,
      %parallel_loop3A_2501 = vector.shape_cast %parallel_loop3A_2500 : vector<1x16xf32> to vector<16xf32>
      %parallel_loop3A_2502 = arith.subf %parallel_loop3A_2501, %parallel_loop3A_2495 : vector<16xf32>
      %parallel_loop3A_2503 = arith.mulf %parallel_loop3A_2407, %parallel_loop3A_2502 : vector<16xf32>
      %parallel_loop3A_2504 = arith.addf %parallel_loop3A_2495, %parallel_loop3A_2503 : vector<16xf32>
      %parallel_loop3A_2505 = arith.addf %parallel_loop3A_2377, %parallel_loop3A_2504 : vector<16xf32>
      %parallel_loop3A_2506 = arith.index_cast %parallel_loop3A_2395 : i32 to index
      %parallel_loop3A_2507 = arith.constant 112 : index
      %parallel_loop3A_2508 = tpu.vector_load %arg8[%parallel_loop3A_2506, %parallel_loop3A_2507] {strides = array<i32>} : memref<512x128xf32, #tpu.memory_space<vmem>>, vector<1x16xf32>,
      %parallel_loop3A_2509 = vector.shape_cast %parallel_loop3A_2508 : vector<1x16xf32> to vector<16xf32>
      %parallel_loop3A_2510 = arith.constant 256 : i32
      %parallel_loop3A_2511 = arith.addi %parallel_loop3A_2510, %parallel_loop3A_2395 : i32
      %parallel_loop3A_2512 = arith.index_cast %parallel_loop3A_2511 : i32 to index
      %parallel_loop3A_2513 = arith.constant 112 : index
      %parallel_loop3A_2514 = tpu.vector_load %arg8[%parallel_loop3A_2512, %parallel_loop3A_2513] {strides = array<i32>} : memref<512x128xf32, #tpu.memory_space<vmem>>, vector<1x16xf32>,
      %parallel_loop3A_2515 = vector.shape_cast %parallel_loop3A_2514 : vector<1x16xf32> to vector<16xf32>
      %parallel_loop3A_2516 = arith.subf %parallel_loop3A_2515, %parallel_loop3A_2509 : vector<16xf32>
      %parallel_loop3A_2517 = arith.mulf %parallel_loop3A_2407, %parallel_loop3A_2516 : vector<16xf32>
      %parallel_loop3A_2518 = arith.addf %parallel_loop3A_2509, %parallel_loop3A_2517 : vector<16xf32>
      %parallel_loop3A_2519 = arith.addf %parallel_loop3A_2391, %parallel_loop3A_2518 : vector<16xf32>
      %parallel_loop3A_2520 = arith.constant 16 : i32
      %parallel_loop3A_2521 = arith.muli %parallel_loop3A_970, %parallel_loop3A_2520 : i32
      %parallel_loop3A_2522 = arith.constant 12 : i32
      %parallel_loop3A_2523 = arith.addi %parallel_loop3A_2521, %parallel_loop3A_2522 : i32
      %parallel_loop3A_2524 = arith.constant 12 : i32
      %parallel_loop3A_2525 = vector.broadcast %parallel_loop3A_2524 : i32 to vector<16xi32>
      %parallel_loop3A_2526 = arith.constant 0 : i32
      %parallel_loop3A_2527 = vector.broadcast %parallel_loop3A_2526 : i32 to vector<16xi32>
      %parallel_loop3A_2528 = arith.cmpi slt, %parallel_loop3A_2525, %parallel_loop3A_2527 : vector<16xi32>
      %parallel_loop3A_2529 = arith.constant 16 : i32
      %parallel_loop3A_2530 = vector.broadcast %parallel_loop3A_2529 : i32 to vector<16xi32>
      %parallel_loop3A_2531 = arith.addi %parallel_loop3A_2525, %parallel_loop3A_2530 : vector<16xi32>
      %parallel_loop3A_2532 = arith.select %parallel_loop3A_2528, %parallel_loop3A_2531, %parallel_loop3A_2525 : vector<16xi1>, vector<16xi32>
      %parallel_loop3A_2533 = vector.shape_cast %parallel_loop3A_2532 : vector<16xi32> to vector<16x1xi32>
      %parallel_loop3A_2534 = vector.shape_cast %parallel_loop3A_2533 : vector<16x1xi32> to vector<16xi32>
      %parallel_loop3A_2535 = tpu.dynamic_gather %parallel_loop3A_983[%parallel_loop3A_2534] in [0] : vector<16xf32>, vector<16xi32> -> vector<16xf32>
      %parallel_loop3A_2536 = arith.index_cast %parallel_loop3A_2523 : i32 to index
      %parallel_loop3A_2537 = arith.constant 0 : index
      %parallel_loop3A_2538 = tpu.vector_load %arg8[%parallel_loop3A_2536, %parallel_loop3A_2537] {strides = array<i32>} : memref<512x128xf32, #tpu.memory_space<vmem>>, vector<1x16xf32>,
      %parallel_loop3A_2539 = vector.shape_cast %parallel_loop3A_2538 : vector<1x16xf32> to vector<16xf32>
      %parallel_loop3A_2540 = arith.constant 256 : i32
      %parallel_loop3A_2541 = arith.addi %parallel_loop3A_2540, %parallel_loop3A_2523 : i32
      %parallel_loop3A_2542 = arith.index_cast %parallel_loop3A_2541 : i32 to index
      %parallel_loop3A_2543 = arith.constant 0 : index
      %parallel_loop3A_2544 = tpu.vector_load %arg8[%parallel_loop3A_2542, %parallel_loop3A_2543] {strides = array<i32>} : memref<512x128xf32, #tpu.memory_space<vmem>>, vector<1x16xf32>,
      %parallel_loop3A_2545 = vector.shape_cast %parallel_loop3A_2544 : vector<1x16xf32> to vector<16xf32>
      %parallel_loop3A_2546 = arith.subf %parallel_loop3A_2545, %parallel_loop3A_2539 : vector<16xf32>
      %parallel_loop3A_2547 = arith.mulf %parallel_loop3A_2535, %parallel_loop3A_2546 : vector<16xf32>
      %parallel_loop3A_2548 = arith.addf %parallel_loop3A_2539, %parallel_loop3A_2547 : vector<16xf32>
      %parallel_loop3A_2549 = arith.addf %parallel_loop3A_2421, %parallel_loop3A_2548 : vector<16xf32>
      %parallel_loop3A_2550 = arith.index_cast %parallel_loop3A_2523 : i32 to index
      %parallel_loop3A_2551 = arith.constant 16 : index
      %parallel_loop3A_2552 = tpu.vector_load %arg8[%parallel_loop3A_2550, %parallel_loop3A_2551] {strides = array<i32>} : memref<512x128xf32, #tpu.memory_space<vmem>>, vector<1x16xf32>,
      %parallel_loop3A_2553 = vector.shape_cast %parallel_loop3A_2552 : vector<1x16xf32> to vector<16xf32>
      %parallel_loop3A_2554 = arith.constant 256 : i32
      %parallel_loop3A_2555 = arith.addi %parallel_loop3A_2554, %parallel_loop3A_2523 : i32
      %parallel_loop3A_2556 = arith.index_cast %parallel_loop3A_2555 : i32 to index
      %parallel_loop3A_2557 = arith.constant 16 : index
      %parallel_loop3A_2558 = tpu.vector_load %arg8[%parallel_loop3A_2556, %parallel_loop3A_2557] {strides = array<i32>} : memref<512x128xf32, #tpu.memory_space<vmem>>, vector<1x16xf32>,
      %parallel_loop3A_2559 = vector.shape_cast %parallel_loop3A_2558 : vector<1x16xf32> to vector<16xf32>
      %parallel_loop3A_2560 = arith.subf %parallel_loop3A_2559, %parallel_loop3A_2553 : vector<16xf32>
      %parallel_loop3A_2561 = arith.mulf %parallel_loop3A_2535, %parallel_loop3A_2560 : vector<16xf32>
      %parallel_loop3A_2562 = arith.addf %parallel_loop3A_2553, %parallel_loop3A_2561 : vector<16xf32>
      %parallel_loop3A_2563 = arith.addf %parallel_loop3A_2435, %parallel_loop3A_2562 : vector<16xf32>
      %parallel_loop3A_2564 = arith.index_cast %parallel_loop3A_2523 : i32 to index
      %parallel_loop3A_2565 = arith.constant 32 : index
      %parallel_loop3A_2566 = tpu.vector_load %arg8[%parallel_loop3A_2564, %parallel_loop3A_2565] {strides = array<i32>} : memref<512x128xf32, #tpu.memory_space<vmem>>, vector<1x16xf32>,
      %parallel_loop3A_2567 = vector.shape_cast %parallel_loop3A_2566 : vector<1x16xf32> to vector<16xf32>
      %parallel_loop3A_2568 = arith.constant 256 : i32
      %parallel_loop3A_2569 = arith.addi %parallel_loop3A_2568, %parallel_loop3A_2523 : i32
      %parallel_loop3A_2570 = arith.index_cast %parallel_loop3A_2569 : i32 to index
      %parallel_loop3A_2571 = arith.constant 32 : index
      %parallel_loop3A_2572 = tpu.vector_load %arg8[%parallel_loop3A_2570, %parallel_loop3A_2571] {strides = array<i32>} : memref<512x128xf32, #tpu.memory_space<vmem>>, vector<1x16xf32>,
      %parallel_loop3A_2573 = vector.shape_cast %parallel_loop3A_2572 : vector<1x16xf32> to vector<16xf32>
      %parallel_loop3A_2574 = arith.subf %parallel_loop3A_2573, %parallel_loop3A_2567 : vector<16xf32>
      %parallel_loop3A_2575 = arith.mulf %parallel_loop3A_2535, %parallel_loop3A_2574 : vector<16xf32>
      %parallel_loop3A_2576 = arith.addf %parallel_loop3A_2567, %parallel_loop3A_2575 : vector<16xf32>
      %parallel_loop3A_2577 = arith.addf %parallel_loop3A_2449, %parallel_loop3A_2576 : vector<16xf32>
      %parallel_loop3A_2578 = arith.index_cast %parallel_loop3A_2523 : i32 to index
      %parallel_loop3A_2579 = arith.constant 48 : index
      %parallel_loop3A_2580 = tpu.vector_load %arg8[%parallel_loop3A_2578, %parallel_loop3A_2579] {strides = array<i32>} : memref<512x128xf32, #tpu.memory_space<vmem>>, vector<1x16xf32>,
      %parallel_loop3A_2581 = vector.shape_cast %parallel_loop3A_2580 : vector<1x16xf32> to vector<16xf32>
      %parallel_loop3A_2582 = arith.constant 256 : i32
      %parallel_loop3A_2583 = arith.addi %parallel_loop3A_2582, %parallel_loop3A_2523 : i32
      %parallel_loop3A_2584 = arith.index_cast %parallel_loop3A_2583 : i32 to index
      %parallel_loop3A_2585 = arith.constant 48 : index
      %parallel_loop3A_2586 = tpu.vector_load %arg8[%parallel_loop3A_2584, %parallel_loop3A_2585] {strides = array<i32>} : memref<512x128xf32, #tpu.memory_space<vmem>>, vector<1x16xf32>,
      %parallel_loop3A_2587 = vector.shape_cast %parallel_loop3A_2586 : vector<1x16xf32> to vector<16xf32>
      %parallel_loop3A_2588 = arith.subf %parallel_loop3A_2587, %parallel_loop3A_2581 : vector<16xf32>
      %parallel_loop3A_2589 = arith.mulf %parallel_loop3A_2535, %parallel_loop3A_2588 : vector<16xf32>
      %parallel_loop3A_2590 = arith.addf %parallel_loop3A_2581, %parallel_loop3A_2589 : vector<16xf32>
      %parallel_loop3A_2591 = arith.addf %parallel_loop3A_2463, %parallel_loop3A_2590 : vector<16xf32>
      %parallel_loop3A_2592 = arith.index_cast %parallel_loop3A_2523 : i32 to index
      %parallel_loop3A_2593 = arith.constant 64 : index
      %parallel_loop3A_2594 = tpu.vector_load %arg8[%parallel_loop3A_2592, %parallel_loop3A_2593] {strides = array<i32>} : memref<512x128xf32, #tpu.memory_space<vmem>>, vector<1x16xf32>,
      %parallel_loop3A_2595 = vector.shape_cast %parallel_loop3A_2594 : vector<1x16xf32> to vector<16xf32>
      %parallel_loop3A_2596 = arith.constant 256 : i32
      %parallel_loop3A_2597 = arith.addi %parallel_loop3A_2596, %parallel_loop3A_2523 : i32
      %parallel_loop3A_2598 = arith.index_cast %parallel_loop3A_2597 : i32 to index
      %parallel_loop3A_2599 = arith.constant 64 : index
      %parallel_loop3A_2600 = tpu.vector_load %arg8[%parallel_loop3A_2598, %parallel_loop3A_2599] {strides = array<i32>} : memref<512x128xf32, #tpu.memory_space<vmem>>, vector<1x16xf32>,
      %parallel_loop3A_2601 = vector.shape_cast %parallel_loop3A_2600 : vector<1x16xf32> to vector<16xf32>
      %parallel_loop3A_2602 = arith.subf %parallel_loop3A_2601, %parallel_loop3A_2595 : vector<16xf32>
      %parallel_loop3A_2603 = arith.mulf %parallel_loop3A_2535, %parallel_loop3A_2602 : vector<16xf32>
      %parallel_loop3A_2604 = arith.addf %parallel_loop3A_2595, %parallel_loop3A_2603 : vector<16xf32>
      %parallel_loop3A_2605 = arith.addf %parallel_loop3A_2477, %parallel_loop3A_2604 : vector<16xf32>
      %parallel_loop3A_2606 = arith.index_cast %parallel_loop3A_2523 : i32 to index
      %parallel_loop3A_2607 = arith.constant 80 : index
      %parallel_loop3A_2608 = tpu.vector_load %arg8[%parallel_loop3A_2606, %parallel_loop3A_2607] {strides = array<i32>} : memref<512x128xf32, #tpu.memory_space<vmem>>, vector<1x16xf32>,
      %parallel_loop3A_2609 = vector.shape_cast %parallel_loop3A_2608 : vector<1x16xf32> to vector<16xf32>
      %parallel_loop3A_2610 = arith.constant 256 : i32
      %parallel_loop3A_2611 = arith.addi %parallel_loop3A_2610, %parallel_loop3A_2523 : i32
      %parallel_loop3A_2612 = arith.index_cast %parallel_loop3A_2611 : i32 to index
      %parallel_loop3A_2613 = arith.constant 80 : index
      %parallel_loop3A_2614 = tpu.vector_load %arg8[%parallel_loop3A_2612, %parallel_loop3A_2613] {strides = array<i32>} : memref<512x128xf32, #tpu.memory_space<vmem>>, vector<1x16xf32>,
      %parallel_loop3A_2615 = vector.shape_cast %parallel_loop3A_2614 : vector<1x16xf32> to vector<16xf32>
      %parallel_loop3A_2616 = arith.subf %parallel_loop3A_2615, %parallel_loop3A_2609 : vector<16xf32>
      %parallel_loop3A_2617 = arith.mulf %parallel_loop3A_2535, %parallel_loop3A_2616 : vector<16xf32>
      %parallel_loop3A_2618 = arith.addf %parallel_loop3A_2609, %parallel_loop3A_2617 : vector<16xf32>
      %parallel_loop3A_2619 = arith.addf %parallel_loop3A_2491, %parallel_loop3A_2618 : vector<16xf32>
      %parallel_loop3A_2620 = arith.index_cast %parallel_loop3A_2523 : i32 to index
      %parallel_loop3A_2621 = arith.constant 96 : index
      %parallel_loop3A_2622 = tpu.vector_load %arg8[%parallel_loop3A_2620, %parallel_loop3A_2621] {strides = array<i32>} : memref<512x128xf32, #tpu.memory_space<vmem>>, vector<1x16xf32>,
      %parallel_loop3A_2623 = vector.shape_cast %parallel_loop3A_2622 : vector<1x16xf32> to vector<16xf32>
      %parallel_loop3A_2624 = arith.constant 256 : i32
      %parallel_loop3A_2625 = arith.addi %parallel_loop3A_2624, %parallel_loop3A_2523 : i32
      %parallel_loop3A_2626 = arith.index_cast %parallel_loop3A_2625 : i32 to index
      %parallel_loop3A_2627 = arith.constant 96 : index
      %parallel_loop3A_2628 = tpu.vector_load %arg8[%parallel_loop3A_2626, %parallel_loop3A_2627] {strides = array<i32>} : memref<512x128xf32, #tpu.memory_space<vmem>>, vector<1x16xf32>,
      %parallel_loop3A_2629 = vector.shape_cast %parallel_loop3A_2628 : vector<1x16xf32> to vector<16xf32>
      %parallel_loop3A_2630 = arith.subf %parallel_loop3A_2629, %parallel_loop3A_2623 : vector<16xf32>
      %parallel_loop3A_2631 = arith.mulf %parallel_loop3A_2535, %parallel_loop3A_2630 : vector<16xf32>
      %parallel_loop3A_2632 = arith.addf %parallel_loop3A_2623, %parallel_loop3A_2631 : vector<16xf32>
      %parallel_loop3A_2633 = arith.addf %parallel_loop3A_2505, %parallel_loop3A_2632 : vector<16xf32>
      %parallel_loop3A_2634 = arith.index_cast %parallel_loop3A_2523 : i32 to index
      %parallel_loop3A_2635 = arith.constant 112 : index
      %parallel_loop3A_2636 = tpu.vector_load %arg8[%parallel_loop3A_2634, %parallel_loop3A_2635] {strides = array<i32>} : memref<512x128xf32, #tpu.memory_space<vmem>>, vector<1x16xf32>,
      %parallel_loop3A_2637 = vector.shape_cast %parallel_loop3A_2636 : vector<1x16xf32> to vector<16xf32>
      %parallel_loop3A_2638 = arith.constant 256 : i32
      %parallel_loop3A_2639 = arith.addi %parallel_loop3A_2638, %parallel_loop3A_2523 : i32
      %parallel_loop3A_2640 = arith.index_cast %parallel_loop3A_2639 : i32 to index
      %parallel_loop3A_2641 = arith.constant 112 : index
      %parallel_loop3A_2642 = tpu.vector_load %arg8[%parallel_loop3A_2640, %parallel_loop3A_2641] {strides = array<i32>} : memref<512x128xf32, #tpu.memory_space<vmem>>, vector<1x16xf32>,
      %parallel_loop3A_2643 = vector.shape_cast %parallel_loop3A_2642 : vector<1x16xf32> to vector<16xf32>
      %parallel_loop3A_2644 = arith.subf %parallel_loop3A_2643, %parallel_loop3A_2637 : vector<16xf32>
      %parallel_loop3A_2645 = arith.mulf %parallel_loop3A_2535, %parallel_loop3A_2644 : vector<16xf32>
      %parallel_loop3A_2646 = arith.addf %parallel_loop3A_2637, %parallel_loop3A_2645 : vector<16xf32>
      %parallel_loop3A_2647 = arith.addf %parallel_loop3A_2519, %parallel_loop3A_2646 : vector<16xf32>
      %parallel_loop3A_2648 = arith.constant 16 : i32
      %parallel_loop3A_2649 = arith.muli %parallel_loop3A_970, %parallel_loop3A_2648 : i32
      %parallel_loop3A_2650 = arith.constant 13 : i32
      %parallel_loop3A_2651 = arith.addi %parallel_loop3A_2649, %parallel_loop3A_2650 : i32
      %parallel_loop3A_2652 = arith.constant 13 : i32
      %parallel_loop3A_2653 = vector.broadcast %parallel_loop3A_2652 : i32 to vector<16xi32>
      %parallel_loop3A_2654 = arith.constant 0 : i32
      %parallel_loop3A_2655 = vector.broadcast %parallel_loop3A_2654 : i32 to vector<16xi32>
      %parallel_loop3A_2656 = arith.cmpi slt, %parallel_loop3A_2653, %parallel_loop3A_2655 : vector<16xi32>
      %parallel_loop3A_2657 = arith.constant 16 : i32
      %parallel_loop3A_2658 = vector.broadcast %parallel_loop3A_2657 : i32 to vector<16xi32>
      %parallel_loop3A_2659 = arith.addi %parallel_loop3A_2653, %parallel_loop3A_2658 : vector<16xi32>
      %parallel_loop3A_2660 = arith.select %parallel_loop3A_2656, %parallel_loop3A_2659, %parallel_loop3A_2653 : vector<16xi1>, vector<16xi32>
      %parallel_loop3A_2661 = vector.shape_cast %parallel_loop3A_2660 : vector<16xi32> to vector<16x1xi32>
      %parallel_loop3A_2662 = vector.shape_cast %parallel_loop3A_2661 : vector<16x1xi32> to vector<16xi32>
      %parallel_loop3A_2663 = tpu.dynamic_gather %parallel_loop3A_983[%parallel_loop3A_2662] in [0] : vector<16xf32>, vector<16xi32> -> vector<16xf32>
      %parallel_loop3A_2664 = arith.index_cast %parallel_loop3A_2651 : i32 to index
      %parallel_loop3A_2665 = arith.constant 0 : index
      %parallel_loop3A_2666 = tpu.vector_load %arg8[%parallel_loop3A_2664, %parallel_loop3A_2665] {strides = array<i32>} : memref<512x128xf32, #tpu.memory_space<vmem>>, vector<1x16xf32>,
      %parallel_loop3A_2667 = vector.shape_cast %parallel_loop3A_2666 : vector<1x16xf32> to vector<16xf32>
      %parallel_loop3A_2668 = arith.constant 256 : i32
      %parallel_loop3A_2669 = arith.addi %parallel_loop3A_2668, %parallel_loop3A_2651 : i32
      %parallel_loop3A_2670 = arith.index_cast %parallel_loop3A_2669 : i32 to index
      %parallel_loop3A_2671 = arith.constant 0 : index
      %parallel_loop3A_2672 = tpu.vector_load %arg8[%parallel_loop3A_2670, %parallel_loop3A_2671] {strides = array<i32>} : memref<512x128xf32, #tpu.memory_space<vmem>>, vector<1x16xf32>,
      %parallel_loop3A_2673 = vector.shape_cast %parallel_loop3A_2672 : vector<1x16xf32> to vector<16xf32>
      %parallel_loop3A_2674 = arith.subf %parallel_loop3A_2673, %parallel_loop3A_2667 : vector<16xf32>
      %parallel_loop3A_2675 = arith.mulf %parallel_loop3A_2663, %parallel_loop3A_2674 : vector<16xf32>
      %parallel_loop3A_2676 = arith.addf %parallel_loop3A_2667, %parallel_loop3A_2675 : vector<16xf32>
      %parallel_loop3A_2677 = arith.addf %parallel_loop3A_2549, %parallel_loop3A_2676 : vector<16xf32>
      %parallel_loop3A_2678 = arith.index_cast %parallel_loop3A_2651 : i32 to index
      %parallel_loop3A_2679 = arith.constant 16 : index
      %parallel_loop3A_2680 = tpu.vector_load %arg8[%parallel_loop3A_2678, %parallel_loop3A_2679] {strides = array<i32>} : memref<512x128xf32, #tpu.memory_space<vmem>>, vector<1x16xf32>,
      %parallel_loop3A_2681 = vector.shape_cast %parallel_loop3A_2680 : vector<1x16xf32> to vector<16xf32>
      %parallel_loop3A_2682 = arith.constant 256 : i32
      %parallel_loop3A_2683 = arith.addi %parallel_loop3A_2682, %parallel_loop3A_2651 : i32
      %parallel_loop3A_2684 = arith.index_cast %parallel_loop3A_2683 : i32 to index
      %parallel_loop3A_2685 = arith.constant 16 : index
      %parallel_loop3A_2686 = tpu.vector_load %arg8[%parallel_loop3A_2684, %parallel_loop3A_2685] {strides = array<i32>} : memref<512x128xf32, #tpu.memory_space<vmem>>, vector<1x16xf32>,
      %parallel_loop3A_2687 = vector.shape_cast %parallel_loop3A_2686 : vector<1x16xf32> to vector<16xf32>
      %parallel_loop3A_2688 = arith.subf %parallel_loop3A_2687, %parallel_loop3A_2681 : vector<16xf32>
      %parallel_loop3A_2689 = arith.mulf %parallel_loop3A_2663, %parallel_loop3A_2688 : vector<16xf32>
      %parallel_loop3A_2690 = arith.addf %parallel_loop3A_2681, %parallel_loop3A_2689 : vector<16xf32>
      %parallel_loop3A_2691 = arith.addf %parallel_loop3A_2563, %parallel_loop3A_2690 : vector<16xf32>
      %parallel_loop3A_2692 = arith.index_cast %parallel_loop3A_2651 : i32 to index
      %parallel_loop3A_2693 = arith.constant 32 : index
      %parallel_loop3A_2694 = tpu.vector_load %arg8[%parallel_loop3A_2692, %parallel_loop3A_2693] {strides = array<i32>} : memref<512x128xf32, #tpu.memory_space<vmem>>, vector<1x16xf32>,
      %parallel_loop3A_2695 = vector.shape_cast %parallel_loop3A_2694 : vector<1x16xf32> to vector<16xf32>
      %parallel_loop3A_2696 = arith.constant 256 : i32
      %parallel_loop3A_2697 = arith.addi %parallel_loop3A_2696, %parallel_loop3A_2651 : i32
      %parallel_loop3A_2698 = arith.index_cast %parallel_loop3A_2697 : i32 to index
      %parallel_loop3A_2699 = arith.constant 32 : index
      %parallel_loop3A_2700 = tpu.vector_load %arg8[%parallel_loop3A_2698, %parallel_loop3A_2699] {strides = array<i32>} : memref<512x128xf32, #tpu.memory_space<vmem>>, vector<1x16xf32>,
      %parallel_loop3A_2701 = vector.shape_cast %parallel_loop3A_2700 : vector<1x16xf32> to vector<16xf32>
      %parallel_loop3A_2702 = arith.subf %parallel_loop3A_2701, %parallel_loop3A_2695 : vector<16xf32>
      %parallel_loop3A_2703 = arith.mulf %parallel_loop3A_2663, %parallel_loop3A_2702 : vector<16xf32>
      %parallel_loop3A_2704 = arith.addf %parallel_loop3A_2695, %parallel_loop3A_2703 : vector<16xf32>
      %parallel_loop3A_2705 = arith.addf %parallel_loop3A_2577, %parallel_loop3A_2704 : vector<16xf32>
      %parallel_loop3A_2706 = arith.index_cast %parallel_loop3A_2651 : i32 to index
      %parallel_loop3A_2707 = arith.constant 48 : index
      %parallel_loop3A_2708 = tpu.vector_load %arg8[%parallel_loop3A_2706, %parallel_loop3A_2707] {strides = array<i32>} : memref<512x128xf32, #tpu.memory_space<vmem>>, vector<1x16xf32>,
      %parallel_loop3A_2709 = vector.shape_cast %parallel_loop3A_2708 : vector<1x16xf32> to vector<16xf32>
      %parallel_loop3A_2710 = arith.constant 256 : i32
      %parallel_loop3A_2711 = arith.addi %parallel_loop3A_2710, %parallel_loop3A_2651 : i32
      %parallel_loop3A_2712 = arith.index_cast %parallel_loop3A_2711 : i32 to index
      %parallel_loop3A_2713 = arith.constant 48 : index
      %parallel_loop3A_2714 = tpu.vector_load %arg8[%parallel_loop3A_2712, %parallel_loop3A_2713] {strides = array<i32>} : memref<512x128xf32, #tpu.memory_space<vmem>>, vector<1x16xf32>,
      %parallel_loop3A_2715 = vector.shape_cast %parallel_loop3A_2714 : vector<1x16xf32> to vector<16xf32>
      %parallel_loop3A_2716 = arith.subf %parallel_loop3A_2715, %parallel_loop3A_2709 : vector<16xf32>
      %parallel_loop3A_2717 = arith.mulf %parallel_loop3A_2663, %parallel_loop3A_2716 : vector<16xf32>
      %parallel_loop3A_2718 = arith.addf %parallel_loop3A_2709, %parallel_loop3A_2717 : vector<16xf32>
      %parallel_loop3A_2719 = arith.addf %parallel_loop3A_2591, %parallel_loop3A_2718 : vector<16xf32>
      %parallel_loop3A_2720 = arith.index_cast %parallel_loop3A_2651 : i32 to index
      %parallel_loop3A_2721 = arith.constant 64 : index
      %parallel_loop3A_2722 = tpu.vector_load %arg8[%parallel_loop3A_2720, %parallel_loop3A_2721] {strides = array<i32>} : memref<512x128xf32, #tpu.memory_space<vmem>>, vector<1x16xf32>,
      %parallel_loop3A_2723 = vector.shape_cast %parallel_loop3A_2722 : vector<1x16xf32> to vector<16xf32>
      %parallel_loop3A_2724 = arith.constant 256 : i32
      %parallel_loop3A_2725 = arith.addi %parallel_loop3A_2724, %parallel_loop3A_2651 : i32
      %parallel_loop3A_2726 = arith.index_cast %parallel_loop3A_2725 : i32 to index
      %parallel_loop3A_2727 = arith.constant 64 : index
      %parallel_loop3A_2728 = tpu.vector_load %arg8[%parallel_loop3A_2726, %parallel_loop3A_2727] {strides = array<i32>} : memref<512x128xf32, #tpu.memory_space<vmem>>, vector<1x16xf32>,
      %parallel_loop3A_2729 = vector.shape_cast %parallel_loop3A_2728 : vector<1x16xf32> to vector<16xf32>
      %parallel_loop3A_2730 = arith.subf %parallel_loop3A_2729, %parallel_loop3A_2723 : vector<16xf32>
      %parallel_loop3A_2731 = arith.mulf %parallel_loop3A_2663, %parallel_loop3A_2730 : vector<16xf32>
      %parallel_loop3A_2732 = arith.addf %parallel_loop3A_2723, %parallel_loop3A_2731 : vector<16xf32>
      %parallel_loop3A_2733 = arith.addf %parallel_loop3A_2605, %parallel_loop3A_2732 : vector<16xf32>
      %parallel_loop3A_2734 = arith.index_cast %parallel_loop3A_2651 : i32 to index
      %parallel_loop3A_2735 = arith.constant 80 : index
      %parallel_loop3A_2736 = tpu.vector_load %arg8[%parallel_loop3A_2734, %parallel_loop3A_2735] {strides = array<i32>} : memref<512x128xf32, #tpu.memory_space<vmem>>, vector<1x16xf32>,
      %parallel_loop3A_2737 = vector.shape_cast %parallel_loop3A_2736 : vector<1x16xf32> to vector<16xf32>
      %parallel_loop3A_2738 = arith.constant 256 : i32
      %parallel_loop3A_2739 = arith.addi %parallel_loop3A_2738, %parallel_loop3A_2651 : i32
      %parallel_loop3A_2740 = arith.index_cast %parallel_loop3A_2739 : i32 to index
      %parallel_loop3A_2741 = arith.constant 80 : index
      %parallel_loop3A_2742 = tpu.vector_load %arg8[%parallel_loop3A_2740, %parallel_loop3A_2741] {strides = array<i32>} : memref<512x128xf32, #tpu.memory_space<vmem>>, vector<1x16xf32>,
      %parallel_loop3A_2743 = vector.shape_cast %parallel_loop3A_2742 : vector<1x16xf32> to vector<16xf32>
      %parallel_loop3A_2744 = arith.subf %parallel_loop3A_2743, %parallel_loop3A_2737 : vector<16xf32>
      %parallel_loop3A_2745 = arith.mulf %parallel_loop3A_2663, %parallel_loop3A_2744 : vector<16xf32>
      %parallel_loop3A_2746 = arith.addf %parallel_loop3A_2737, %parallel_loop3A_2745 : vector<16xf32>
      %parallel_loop3A_2747 = arith.addf %parallel_loop3A_2619, %parallel_loop3A_2746 : vector<16xf32>
      %parallel_loop3A_2748 = arith.index_cast %parallel_loop3A_2651 : i32 to index
      %parallel_loop3A_2749 = arith.constant 96 : index
      %parallel_loop3A_2750 = tpu.vector_load %arg8[%parallel_loop3A_2748, %parallel_loop3A_2749] {strides = array<i32>} : memref<512x128xf32, #tpu.memory_space<vmem>>, vector<1x16xf32>,
      %parallel_loop3A_2751 = vector.shape_cast %parallel_loop3A_2750 : vector<1x16xf32> to vector<16xf32>
      %parallel_loop3A_2752 = arith.constant 256 : i32
      %parallel_loop3A_2753 = arith.addi %parallel_loop3A_2752, %parallel_loop3A_2651 : i32
      %parallel_loop3A_2754 = arith.index_cast %parallel_loop3A_2753 : i32 to index
      %parallel_loop3A_2755 = arith.constant 96 : index
      %parallel_loop3A_2756 = tpu.vector_load %arg8[%parallel_loop3A_2754, %parallel_loop3A_2755] {strides = array<i32>} : memref<512x128xf32, #tpu.memory_space<vmem>>, vector<1x16xf32>,
      %parallel_loop3A_2757 = vector.shape_cast %parallel_loop3A_2756 : vector<1x16xf32> to vector<16xf32>
      %parallel_loop3A_2758 = arith.subf %parallel_loop3A_2757, %parallel_loop3A_2751 : vector<16xf32>
      %parallel_loop3A_2759 = arith.mulf %parallel_loop3A_2663, %parallel_loop3A_2758 : vector<16xf32>
      %parallel_loop3A_2760 = arith.addf %parallel_loop3A_2751, %parallel_loop3A_2759 : vector<16xf32>
      %parallel_loop3A_2761 = arith.addf %parallel_loop3A_2633, %parallel_loop3A_2760 : vector<16xf32>
      %parallel_loop3A_2762 = arith.index_cast %parallel_loop3A_2651 : i32 to index
      %parallel_loop3A_2763 = arith.constant 112 : index
      %parallel_loop3A_2764 = tpu.vector_load %arg8[%parallel_loop3A_2762, %parallel_loop3A_2763] {strides = array<i32>} : memref<512x128xf32, #tpu.memory_space<vmem>>, vector<1x16xf32>,
      %parallel_loop3A_2765 = vector.shape_cast %parallel_loop3A_2764 : vector<1x16xf32> to vector<16xf32>
      %parallel_loop3A_2766 = arith.constant 256 : i32
      %parallel_loop3A_2767 = arith.addi %parallel_loop3A_2766, %parallel_loop3A_2651 : i32
      %parallel_loop3A_2768 = arith.index_cast %parallel_loop3A_2767 : i32 to index
      %parallel_loop3A_2769 = arith.constant 112 : index
      %parallel_loop3A_2770 = tpu.vector_load %arg8[%parallel_loop3A_2768, %parallel_loop3A_2769] {strides = array<i32>} : memref<512x128xf32, #tpu.memory_space<vmem>>, vector<1x16xf32>,
      %parallel_loop3A_2771 = vector.shape_cast %parallel_loop3A_2770 : vector<1x16xf32> to vector<16xf32>
      %parallel_loop3A_2772 = arith.subf %parallel_loop3A_2771, %parallel_loop3A_2765 : vector<16xf32>
      %parallel_loop3A_2773 = arith.mulf %parallel_loop3A_2663, %parallel_loop3A_2772 : vector<16xf32>
      %parallel_loop3A_2774 = arith.addf %parallel_loop3A_2765, %parallel_loop3A_2773 : vector<16xf32>
      %parallel_loop3A_2775 = arith.addf %parallel_loop3A_2647, %parallel_loop3A_2774 : vector<16xf32>
      %parallel_loop3A_2776 = arith.constant 16 : i32
      %parallel_loop3A_2777 = arith.muli %parallel_loop3A_970, %parallel_loop3A_2776 : i32
      %parallel_loop3A_2778 = arith.constant 14 : i32
      %parallel_loop3A_2779 = arith.addi %parallel_loop3A_2777, %parallel_loop3A_2778 : i32
      %parallel_loop3A_2780 = arith.constant 14 : i32
      %parallel_loop3A_2781 = vector.broadcast %parallel_loop3A_2780 : i32 to vector<16xi32>
      %parallel_loop3A_2782 = arith.constant 0 : i32
      %parallel_loop3A_2783 = vector.broadcast %parallel_loop3A_2782 : i32 to vector<16xi32>
      %parallel_loop3A_2784 = arith.cmpi slt, %parallel_loop3A_2781, %parallel_loop3A_2783 : vector<16xi32>
      %parallel_loop3A_2785 = arith.constant 16 : i32
      %parallel_loop3A_2786 = vector.broadcast %parallel_loop3A_2785 : i32 to vector<16xi32>
      %parallel_loop3A_2787 = arith.addi %parallel_loop3A_2781, %parallel_loop3A_2786 : vector<16xi32>
      %parallel_loop3A_2788 = arith.select %parallel_loop3A_2784, %parallel_loop3A_2787, %parallel_loop3A_2781 : vector<16xi1>, vector<16xi32>
      %parallel_loop3A_2789 = vector.shape_cast %parallel_loop3A_2788 : vector<16xi32> to vector<16x1xi32>
      %parallel_loop3A_2790 = vector.shape_cast %parallel_loop3A_2789 : vector<16x1xi32> to vector<16xi32>
      %parallel_loop3A_2791 = tpu.dynamic_gather %parallel_loop3A_983[%parallel_loop3A_2790] in [0] : vector<16xf32>, vector<16xi32> -> vector<16xf32>
      %parallel_loop3A_2792 = arith.index_cast %parallel_loop3A_2779 : i32 to index
      %parallel_loop3A_2793 = arith.constant 0 : index
      %parallel_loop3A_2794 = tpu.vector_load %arg8[%parallel_loop3A_2792, %parallel_loop3A_2793] {strides = array<i32>} : memref<512x128xf32, #tpu.memory_space<vmem>>, vector<1x16xf32>,
      %parallel_loop3A_2795 = vector.shape_cast %parallel_loop3A_2794 : vector<1x16xf32> to vector<16xf32>
      %parallel_loop3A_2796 = arith.constant 256 : i32
      %parallel_loop3A_2797 = arith.addi %parallel_loop3A_2796, %parallel_loop3A_2779 : i32
      %parallel_loop3A_2798 = arith.index_cast %parallel_loop3A_2797 : i32 to index
      %parallel_loop3A_2799 = arith.constant 0 : index
      %parallel_loop3A_2800 = tpu.vector_load %arg8[%parallel_loop3A_2798, %parallel_loop3A_2799] {strides = array<i32>} : memref<512x128xf32, #tpu.memory_space<vmem>>, vector<1x16xf32>,
      %parallel_loop3A_2801 = vector.shape_cast %parallel_loop3A_2800 : vector<1x16xf32> to vector<16xf32>
      %parallel_loop3A_2802 = arith.subf %parallel_loop3A_2801, %parallel_loop3A_2795 : vector<16xf32>
      %parallel_loop3A_2803 = arith.mulf %parallel_loop3A_2791, %parallel_loop3A_2802 : vector<16xf32>
      %parallel_loop3A_2804 = arith.addf %parallel_loop3A_2795, %parallel_loop3A_2803 : vector<16xf32>
      %parallel_loop3A_2805 = arith.addf %parallel_loop3A_2677, %parallel_loop3A_2804 : vector<16xf32>
      %parallel_loop3A_2806 = arith.index_cast %parallel_loop3A_2779 : i32 to index
      %parallel_loop3A_2807 = arith.constant 16 : index
      %parallel_loop3A_2808 = tpu.vector_load %arg8[%parallel_loop3A_2806, %parallel_loop3A_2807] {strides = array<i32>} : memref<512x128xf32, #tpu.memory_space<vmem>>, vector<1x16xf32>,
      %parallel_loop3A_2809 = vector.shape_cast %parallel_loop3A_2808 : vector<1x16xf32> to vector<16xf32>
      %parallel_loop3A_2810 = arith.constant 256 : i32
      %parallel_loop3A_2811 = arith.addi %parallel_loop3A_2810, %parallel_loop3A_2779 : i32
      %parallel_loop3A_2812 = arith.index_cast %parallel_loop3A_2811 : i32 to index
      %parallel_loop3A_2813 = arith.constant 16 : index
      %parallel_loop3A_2814 = tpu.vector_load %arg8[%parallel_loop3A_2812, %parallel_loop3A_2813] {strides = array<i32>} : memref<512x128xf32, #tpu.memory_space<vmem>>, vector<1x16xf32>,
      %parallel_loop3A_2815 = vector.shape_cast %parallel_loop3A_2814 : vector<1x16xf32> to vector<16xf32>
      %parallel_loop3A_2816 = arith.subf %parallel_loop3A_2815, %parallel_loop3A_2809 : vector<16xf32>
      %parallel_loop3A_2817 = arith.mulf %parallel_loop3A_2791, %parallel_loop3A_2816 : vector<16xf32>
      %parallel_loop3A_2818 = arith.addf %parallel_loop3A_2809, %parallel_loop3A_2817 : vector<16xf32>
      %parallel_loop3A_2819 = arith.addf %parallel_loop3A_2691, %parallel_loop3A_2818 : vector<16xf32>
      %parallel_loop3A_2820 = arith.index_cast %parallel_loop3A_2779 : i32 to index
      %parallel_loop3A_2821 = arith.constant 32 : index
      %parallel_loop3A_2822 = tpu.vector_load %arg8[%parallel_loop3A_2820, %parallel_loop3A_2821] {strides = array<i32>} : memref<512x128xf32, #tpu.memory_space<vmem>>, vector<1x16xf32>,
      %parallel_loop3A_2823 = vector.shape_cast %parallel_loop3A_2822 : vector<1x16xf32> to vector<16xf32>
      %parallel_loop3A_2824 = arith.constant 256 : i32
      %parallel_loop3A_2825 = arith.addi %parallel_loop3A_2824, %parallel_loop3A_2779 : i32
      %parallel_loop3A_2826 = arith.index_cast %parallel_loop3A_2825 : i32 to index
      %parallel_loop3A_2827 = arith.constant 32 : index
      %parallel_loop3A_2828 = tpu.vector_load %arg8[%parallel_loop3A_2826, %parallel_loop3A_2827] {strides = array<i32>} : memref<512x128xf32, #tpu.memory_space<vmem>>, vector<1x16xf32>,
      %parallel_loop3A_2829 = vector.shape_cast %parallel_loop3A_2828 : vector<1x16xf32> to vector<16xf32>
      %parallel_loop3A_2830 = arith.subf %parallel_loop3A_2829, %parallel_loop3A_2823 : vector<16xf32>
      %parallel_loop3A_2831 = arith.mulf %parallel_loop3A_2791, %parallel_loop3A_2830 : vector<16xf32>
      %parallel_loop3A_2832 = arith.addf %parallel_loop3A_2823, %parallel_loop3A_2831 : vector<16xf32>
      %parallel_loop3A_2833 = arith.addf %parallel_loop3A_2705, %parallel_loop3A_2832 : vector<16xf32>
      %parallel_loop3A_2834 = arith.index_cast %parallel_loop3A_2779 : i32 to index
      %parallel_loop3A_2835 = arith.constant 48 : index
      %parallel_loop3A_2836 = tpu.vector_load %arg8[%parallel_loop3A_2834, %parallel_loop3A_2835] {strides = array<i32>} : memref<512x128xf32, #tpu.memory_space<vmem>>, vector<1x16xf32>,
      %parallel_loop3A_2837 = vector.shape_cast %parallel_loop3A_2836 : vector<1x16xf32> to vector<16xf32>
      %parallel_loop3A_2838 = arith.constant 256 : i32
      %parallel_loop3A_2839 = arith.addi %parallel_loop3A_2838, %parallel_loop3A_2779 : i32
      %parallel_loop3A_2840 = arith.index_cast %parallel_loop3A_2839 : i32 to index
      %parallel_loop3A_2841 = arith.constant 48 : index
      %parallel_loop3A_2842 = tpu.vector_load %arg8[%parallel_loop3A_2840, %parallel_loop3A_2841] {strides = array<i32>} : memref<512x128xf32, #tpu.memory_space<vmem>>, vector<1x16xf32>,
      %parallel_loop3A_2843 = vector.shape_cast %parallel_loop3A_2842 : vector<1x16xf32> to vector<16xf32>
      %parallel_loop3A_2844 = arith.subf %parallel_loop3A_2843, %parallel_loop3A_2837 : vector<16xf32>
      %parallel_loop3A_2845 = arith.mulf %parallel_loop3A_2791, %parallel_loop3A_2844 : vector<16xf32>
      %parallel_loop3A_2846 = arith.addf %parallel_loop3A_2837, %parallel_loop3A_2845 : vector<16xf32>
      %parallel_loop3A_2847 = arith.addf %parallel_loop3A_2719, %parallel_loop3A_2846 : vector<16xf32>
      %parallel_loop3A_2848 = arith.index_cast %parallel_loop3A_2779 : i32 to index
      %parallel_loop3A_2849 = arith.constant 64 : index
      %parallel_loop3A_2850 = tpu.vector_load %arg8[%parallel_loop3A_2848, %parallel_loop3A_2849] {strides = array<i32>} : memref<512x128xf32, #tpu.memory_space<vmem>>, vector<1x16xf32>,
      %parallel_loop3A_2851 = vector.shape_cast %parallel_loop3A_2850 : vector<1x16xf32> to vector<16xf32>
      %parallel_loop3A_2852 = arith.constant 256 : i32
      %parallel_loop3A_2853 = arith.addi %parallel_loop3A_2852, %parallel_loop3A_2779 : i32
      %parallel_loop3A_2854 = arith.index_cast %parallel_loop3A_2853 : i32 to index
      %parallel_loop3A_2855 = arith.constant 64 : index
      %parallel_loop3A_2856 = tpu.vector_load %arg8[%parallel_loop3A_2854, %parallel_loop3A_2855] {strides = array<i32>} : memref<512x128xf32, #tpu.memory_space<vmem>>, vector<1x16xf32>,
      %parallel_loop3A_2857 = vector.shape_cast %parallel_loop3A_2856 : vector<1x16xf32> to vector<16xf32>
      %parallel_loop3A_2858 = arith.subf %parallel_loop3A_2857, %parallel_loop3A_2851 : vector<16xf32>
      %parallel_loop3A_2859 = arith.mulf %parallel_loop3A_2791, %parallel_loop3A_2858 : vector<16xf32>
      %parallel_loop3A_2860 = arith.addf %parallel_loop3A_2851, %parallel_loop3A_2859 : vector<16xf32>
      %parallel_loop3A_2861 = arith.addf %parallel_loop3A_2733, %parallel_loop3A_2860 : vector<16xf32>
      %parallel_loop3A_2862 = arith.index_cast %parallel_loop3A_2779 : i32 to index
      %parallel_loop3A_2863 = arith.constant 80 : index
      %parallel_loop3A_2864 = tpu.vector_load %arg8[%parallel_loop3A_2862, %parallel_loop3A_2863] {strides = array<i32>} : memref<512x128xf32, #tpu.memory_space<vmem>>, vector<1x16xf32>,
      %parallel_loop3A_2865 = vector.shape_cast %parallel_loop3A_2864 : vector<1x16xf32> to vector<16xf32>
      %parallel_loop3A_2866 = arith.constant 256 : i32
      %parallel_loop3A_2867 = arith.addi %parallel_loop3A_2866, %parallel_loop3A_2779 : i32
      %parallel_loop3A_2868 = arith.index_cast %parallel_loop3A_2867 : i32 to index
      %parallel_loop3A_2869 = arith.constant 80 : index
      %parallel_loop3A_2870 = tpu.vector_load %arg8[%parallel_loop3A_2868, %parallel_loop3A_2869] {strides = array<i32>} : memref<512x128xf32, #tpu.memory_space<vmem>>, vector<1x16xf32>,
      %parallel_loop3A_2871 = vector.shape_cast %parallel_loop3A_2870 : vector<1x16xf32> to vector<16xf32>
      %parallel_loop3A_2872 = arith.subf %parallel_loop3A_2871, %parallel_loop3A_2865 : vector<16xf32>
      %parallel_loop3A_2873 = arith.mulf %parallel_loop3A_2791, %parallel_loop3A_2872 : vector<16xf32>
      %parallel_loop3A_2874 = arith.addf %parallel_loop3A_2865, %parallel_loop3A_2873 : vector<16xf32>
      %parallel_loop3A_2875 = arith.addf %parallel_loop3A_2747, %parallel_loop3A_2874 : vector<16xf32>
      %parallel_loop3A_2876 = arith.index_cast %parallel_loop3A_2779 : i32 to index
      %parallel_loop3A_2877 = arith.constant 96 : index
      %parallel_loop3A_2878 = tpu.vector_load %arg8[%parallel_loop3A_2876, %parallel_loop3A_2877] {strides = array<i32>} : memref<512x128xf32, #tpu.memory_space<vmem>>, vector<1x16xf32>,
      %parallel_loop3A_2879 = vector.shape_cast %parallel_loop3A_2878 : vector<1x16xf32> to vector<16xf32>
      %parallel_loop3A_2880 = arith.constant 256 : i32
      %parallel_loop3A_2881 = arith.addi %parallel_loop3A_2880, %parallel_loop3A_2779 : i32
      %parallel_loop3A_2882 = arith.index_cast %parallel_loop3A_2881 : i32 to index
      %parallel_loop3A_2883 = arith.constant 96 : index
      %parallel_loop3A_2884 = tpu.vector_load %arg8[%parallel_loop3A_2882, %parallel_loop3A_2883] {strides = array<i32>} : memref<512x128xf32, #tpu.memory_space<vmem>>, vector<1x16xf32>,
      %parallel_loop3A_2885 = vector.shape_cast %parallel_loop3A_2884 : vector<1x16xf32> to vector<16xf32>
      %parallel_loop3A_2886 = arith.subf %parallel_loop3A_2885, %parallel_loop3A_2879 : vector<16xf32>
      %parallel_loop3A_2887 = arith.mulf %parallel_loop3A_2791, %parallel_loop3A_2886 : vector<16xf32>
      %parallel_loop3A_2888 = arith.addf %parallel_loop3A_2879, %parallel_loop3A_2887 : vector<16xf32>
      %parallel_loop3A_2889 = arith.addf %parallel_loop3A_2761, %parallel_loop3A_2888 : vector<16xf32>
      %parallel_loop3A_2890 = arith.index_cast %parallel_loop3A_2779 : i32 to index
      %parallel_loop3A_2891 = arith.constant 112 : index
      %parallel_loop3A_2892 = tpu.vector_load %arg8[%parallel_loop3A_2890, %parallel_loop3A_2891] {strides = array<i32>} : memref<512x128xf32, #tpu.memory_space<vmem>>, vector<1x16xf32>,
      %parallel_loop3A_2893 = vector.shape_cast %parallel_loop3A_2892 : vector<1x16xf32> to vector<16xf32>
      %parallel_loop3A_2894 = arith.constant 256 : i32
      %parallel_loop3A_2895 = arith.addi %parallel_loop3A_2894, %parallel_loop3A_2779 : i32
      %parallel_loop3A_2896 = arith.index_cast %parallel_loop3A_2895 : i32 to index
      %parallel_loop3A_2897 = arith.constant 112 : index
      %parallel_loop3A_2898 = tpu.vector_load %arg8[%parallel_loop3A_2896, %parallel_loop3A_2897] {strides = array<i32>} : memref<512x128xf32, #tpu.memory_space<vmem>>, vector<1x16xf32>,
      %parallel_loop3A_2899 = vector.shape_cast %parallel_loop3A_2898 : vector<1x16xf32> to vector<16xf32>
      %parallel_loop3A_2900 = arith.subf %parallel_loop3A_2899, %parallel_loop3A_2893 : vector<16xf32>
      %parallel_loop3A_2901 = arith.mulf %parallel_loop3A_2791, %parallel_loop3A_2900 : vector<16xf32>
      %parallel_loop3A_2902 = arith.addf %parallel_loop3A_2893, %parallel_loop3A_2901 : vector<16xf32>
      %parallel_loop3A_2903 = arith.addf %parallel_loop3A_2775, %parallel_loop3A_2902 : vector<16xf32>
      %parallel_loop3A_2904 = arith.constant 16 : i32
      %parallel_loop3A_2905 = arith.muli %parallel_loop3A_970, %parallel_loop3A_2904 : i32
      %parallel_loop3A_2906 = arith.constant 15 : i32
      %parallel_loop3A_2907 = arith.addi %parallel_loop3A_2905, %parallel_loop3A_2906 : i32
      %parallel_loop3A_2908 = arith.constant 15 : i32
      %parallel_loop3A_2909 = vector.broadcast %parallel_loop3A_2908 : i32 to vector<16xi32>
      %parallel_loop3A_2910 = arith.constant 0 : i32
      %parallel_loop3A_2911 = vector.broadcast %parallel_loop3A_2910 : i32 to vector<16xi32>
      %parallel_loop3A_2912 = arith.cmpi slt, %parallel_loop3A_2909, %parallel_loop3A_2911 : vector<16xi32>
      %parallel_loop3A_2913 = arith.constant 16 : i32
      %parallel_loop3A_2914 = vector.broadcast %parallel_loop3A_2913 : i32 to vector<16xi32>
      %parallel_loop3A_2915 = arith.addi %parallel_loop3A_2909, %parallel_loop3A_2914 : vector<16xi32>
      %parallel_loop3A_2916 = arith.select %parallel_loop3A_2912, %parallel_loop3A_2915, %parallel_loop3A_2909 : vector<16xi1>, vector<16xi32>
      %parallel_loop3A_2917 = vector.shape_cast %parallel_loop3A_2916 : vector<16xi32> to vector<16x1xi32>
      %parallel_loop3A_2918 = vector.shape_cast %parallel_loop3A_2917 : vector<16x1xi32> to vector<16xi32>
      %parallel_loop3A_2919 = tpu.dynamic_gather %parallel_loop3A_983[%parallel_loop3A_2918] in [0] : vector<16xf32>, vector<16xi32> -> vector<16xf32>
      %parallel_loop3A_2920 = arith.index_cast %parallel_loop3A_2907 : i32 to index
      %parallel_loop3A_2921 = arith.constant 0 : index
      %parallel_loop3A_2922 = tpu.vector_load %arg8[%parallel_loop3A_2920, %parallel_loop3A_2921] {strides = array<i32>} : memref<512x128xf32, #tpu.memory_space<vmem>>, vector<1x16xf32>,
      %parallel_loop3A_2923 = vector.shape_cast %parallel_loop3A_2922 : vector<1x16xf32> to vector<16xf32>
      %parallel_loop3A_2924 = arith.constant 256 : i32
      %parallel_loop3A_2925 = arith.addi %parallel_loop3A_2924, %parallel_loop3A_2907 : i32
      %parallel_loop3A_2926 = arith.index_cast %parallel_loop3A_2925 : i32 to index
      %parallel_loop3A_2927 = arith.constant 0 : index
      %parallel_loop3A_2928 = tpu.vector_load %arg8[%parallel_loop3A_2926, %parallel_loop3A_2927] {strides = array<i32>} : memref<512x128xf32, #tpu.memory_space<vmem>>, vector<1x16xf32>,
      %parallel_loop3A_2929 = vector.shape_cast %parallel_loop3A_2928 : vector<1x16xf32> to vector<16xf32>
      %parallel_loop3A_2930 = arith.subf %parallel_loop3A_2929, %parallel_loop3A_2923 : vector<16xf32>
      %parallel_loop3A_2931 = arith.mulf %parallel_loop3A_2919, %parallel_loop3A_2930 : vector<16xf32>
      %parallel_loop3A_2932 = arith.addf %parallel_loop3A_2923, %parallel_loop3A_2931 : vector<16xf32>
      %parallel_loop3A_2933 = arith.addf %parallel_loop3A_2805, %parallel_loop3A_2932 : vector<16xf32>
      %parallel_loop3A_2934 = arith.index_cast %parallel_loop3A_2907 : i32 to index
      %parallel_loop3A_2935 = arith.constant 16 : index
      %parallel_loop3A_2936 = tpu.vector_load %arg8[%parallel_loop3A_2934, %parallel_loop3A_2935] {strides = array<i32>} : memref<512x128xf32, #tpu.memory_space<vmem>>, vector<1x16xf32>,
      %parallel_loop3A_2937 = vector.shape_cast %parallel_loop3A_2936 : vector<1x16xf32> to vector<16xf32>
      %parallel_loop3A_2938 = arith.constant 256 : i32
      %parallel_loop3A_2939 = arith.addi %parallel_loop3A_2938, %parallel_loop3A_2907 : i32
      %parallel_loop3A_2940 = arith.index_cast %parallel_loop3A_2939 : i32 to index
      %parallel_loop3A_2941 = arith.constant 16 : index
      %parallel_loop3A_2942 = tpu.vector_load %arg8[%parallel_loop3A_2940, %parallel_loop3A_2941] {strides = array<i32>} : memref<512x128xf32, #tpu.memory_space<vmem>>, vector<1x16xf32>,
      %parallel_loop3A_2943 = vector.shape_cast %parallel_loop3A_2942 : vector<1x16xf32> to vector<16xf32>
      %parallel_loop3A_2944 = arith.subf %parallel_loop3A_2943, %parallel_loop3A_2937 : vector<16xf32>
      %parallel_loop3A_2945 = arith.mulf %parallel_loop3A_2919, %parallel_loop3A_2944 : vector<16xf32>
      %parallel_loop3A_2946 = arith.addf %parallel_loop3A_2937, %parallel_loop3A_2945 : vector<16xf32>
      %parallel_loop3A_2947 = arith.addf %parallel_loop3A_2819, %parallel_loop3A_2946 : vector<16xf32>
      %parallel_loop3A_2948 = arith.index_cast %parallel_loop3A_2907 : i32 to index
      %parallel_loop3A_2949 = arith.constant 32 : index
      %parallel_loop3A_2950 = tpu.vector_load %arg8[%parallel_loop3A_2948, %parallel_loop3A_2949] {strides = array<i32>} : memref<512x128xf32, #tpu.memory_space<vmem>>, vector<1x16xf32>,
      %parallel_loop3A_2951 = vector.shape_cast %parallel_loop3A_2950 : vector<1x16xf32> to vector<16xf32>
      %parallel_loop3A_2952 = arith.constant 256 : i32
      %parallel_loop3A_2953 = arith.addi %parallel_loop3A_2952, %parallel_loop3A_2907 : i32
      %parallel_loop3A_2954 = arith.index_cast %parallel_loop3A_2953 : i32 to index
      %parallel_loop3A_2955 = arith.constant 32 : index
      %parallel_loop3A_2956 = tpu.vector_load %arg8[%parallel_loop3A_2954, %parallel_loop3A_2955] {strides = array<i32>} : memref<512x128xf32, #tpu.memory_space<vmem>>, vector<1x16xf32>,
      %parallel_loop3A_2957 = vector.shape_cast %parallel_loop3A_2956 : vector<1x16xf32> to vector<16xf32>
      %parallel_loop3A_2958 = arith.subf %parallel_loop3A_2957, %parallel_loop3A_2951 : vector<16xf32>
      %parallel_loop3A_2959 = arith.mulf %parallel_loop3A_2919, %parallel_loop3A_2958 : vector<16xf32>
      %parallel_loop3A_2960 = arith.addf %parallel_loop3A_2951, %parallel_loop3A_2959 : vector<16xf32>
      %parallel_loop3A_2961 = arith.addf %parallel_loop3A_2833, %parallel_loop3A_2960 : vector<16xf32>
      %parallel_loop3A_2962 = arith.index_cast %parallel_loop3A_2907 : i32 to index
      %parallel_loop3A_2963 = arith.constant 48 : index
      %parallel_loop3A_2964 = tpu.vector_load %arg8[%parallel_loop3A_2962, %parallel_loop3A_2963] {strides = array<i32>} : memref<512x128xf32, #tpu.memory_space<vmem>>, vector<1x16xf32>,
      %parallel_loop3A_2965 = vector.shape_cast %parallel_loop3A_2964 : vector<1x16xf32> to vector<16xf32>
      %parallel_loop3A_2966 = arith.constant 256 : i32
      %parallel_loop3A_2967 = arith.addi %parallel_loop3A_2966, %parallel_loop3A_2907 : i32
      %parallel_loop3A_2968 = arith.index_cast %parallel_loop3A_2967 : i32 to index
      %parallel_loop3A_2969 = arith.constant 48 : index
      %parallel_loop3A_2970 = tpu.vector_load %arg8[%parallel_loop3A_2968, %parallel_loop3A_2969] {strides = array<i32>} : memref<512x128xf32, #tpu.memory_space<vmem>>, vector<1x16xf32>,
      %parallel_loop3A_2971 = vector.shape_cast %parallel_loop3A_2970 : vector<1x16xf32> to vector<16xf32>
      %parallel_loop3A_2972 = arith.subf %parallel_loop3A_2971, %parallel_loop3A_2965 : vector<16xf32>
      %parallel_loop3A_2973 = arith.mulf %parallel_loop3A_2919, %parallel_loop3A_2972 : vector<16xf32>
      %parallel_loop3A_2974 = arith.addf %parallel_loop3A_2965, %parallel_loop3A_2973 : vector<16xf32>
      %parallel_loop3A_2975 = arith.addf %parallel_loop3A_2847, %parallel_loop3A_2974 : vector<16xf32>
      %parallel_loop3A_2976 = arith.index_cast %parallel_loop3A_2907 : i32 to index
      %parallel_loop3A_2977 = arith.constant 64 : index
      %parallel_loop3A_2978 = tpu.vector_load %arg8[%parallel_loop3A_2976, %parallel_loop3A_2977] {strides = array<i32>} : memref<512x128xf32, #tpu.memory_space<vmem>>, vector<1x16xf32>,
      %parallel_loop3A_2979 = vector.shape_cast %parallel_loop3A_2978 : vector<1x16xf32> to vector<16xf32>
      %parallel_loop3A_2980 = arith.constant 256 : i32
      %parallel_loop3A_2981 = arith.addi %parallel_loop3A_2980, %parallel_loop3A_2907 : i32
      %parallel_loop3A_2982 = arith.index_cast %parallel_loop3A_2981 : i32 to index
      %parallel_loop3A_2983 = arith.constant 64 : index
      %parallel_loop3A_2984 = tpu.vector_load %arg8[%parallel_loop3A_2982, %parallel_loop3A_2983] {strides = array<i32>} : memref<512x128xf32, #tpu.memory_space<vmem>>, vector<1x16xf32>,
      %parallel_loop3A_2985 = vector.shape_cast %parallel_loop3A_2984 : vector<1x16xf32> to vector<16xf32>
      %parallel_loop3A_2986 = arith.subf %parallel_loop3A_2985, %parallel_loop3A_2979 : vector<16xf32>
      %parallel_loop3A_2987 = arith.mulf %parallel_loop3A_2919, %parallel_loop3A_2986 : vector<16xf32>
      %parallel_loop3A_2988 = arith.addf %parallel_loop3A_2979, %parallel_loop3A_2987 : vector<16xf32>
      %parallel_loop3A_2989 = arith.addf %parallel_loop3A_2861, %parallel_loop3A_2988 : vector<16xf32>
      %parallel_loop3A_2990 = arith.index_cast %parallel_loop3A_2907 : i32 to index
      %parallel_loop3A_2991 = arith.constant 80 : index
      %parallel_loop3A_2992 = tpu.vector_load %arg8[%parallel_loop3A_2990, %parallel_loop3A_2991] {strides = array<i32>} : memref<512x128xf32, #tpu.memory_space<vmem>>, vector<1x16xf32>,
      %parallel_loop3A_2993 = vector.shape_cast %parallel_loop3A_2992 : vector<1x16xf32> to vector<16xf32>
      %parallel_loop3A_2994 = arith.constant 256 : i32
      %parallel_loop3A_2995 = arith.addi %parallel_loop3A_2994, %parallel_loop3A_2907 : i32
      %parallel_loop3A_2996 = arith.index_cast %parallel_loop3A_2995 : i32 to index
      %parallel_loop3A_2997 = arith.constant 80 : index
      %parallel_loop3A_2998 = tpu.vector_load %arg8[%parallel_loop3A_2996, %parallel_loop3A_2997] {strides = array<i32>} : memref<512x128xf32, #tpu.memory_space<vmem>>, vector<1x16xf32>,
      %parallel_loop3A_2999 = vector.shape_cast %parallel_loop3A_2998 : vector<1x16xf32> to vector<16xf32>
      %parallel_loop3A_3000 = arith.subf %parallel_loop3A_2999, %parallel_loop3A_2993 : vector<16xf32>
      %parallel_loop3A_3001 = arith.mulf %parallel_loop3A_2919, %parallel_loop3A_3000 : vector<16xf32>
      %parallel_loop3A_3002 = arith.addf %parallel_loop3A_2993, %parallel_loop3A_3001 : vector<16xf32>
      %parallel_loop3A_3003 = arith.addf %parallel_loop3A_2875, %parallel_loop3A_3002 : vector<16xf32>
      %parallel_loop3A_3004 = arith.index_cast %parallel_loop3A_2907 : i32 to index
      %parallel_loop3A_3005 = arith.constant 96 : index
      %parallel_loop3A_3006 = tpu.vector_load %arg8[%parallel_loop3A_3004, %parallel_loop3A_3005] {strides = array<i32>} : memref<512x128xf32, #tpu.memory_space<vmem>>, vector<1x16xf32>,
      %parallel_loop3A_3007 = vector.shape_cast %parallel_loop3A_3006 : vector<1x16xf32> to vector<16xf32>
      %parallel_loop3A_3008 = arith.constant 256 : i32
      %parallel_loop3A_3009 = arith.addi %parallel_loop3A_3008, %parallel_loop3A_2907 : i32
      %parallel_loop3A_3010 = arith.index_cast %parallel_loop3A_3009 : i32 to index
      %parallel_loop3A_3011 = arith.constant 96 : index
      %parallel_loop3A_3012 = tpu.vector_load %arg8[%parallel_loop3A_3010, %parallel_loop3A_3011] {strides = array<i32>} : memref<512x128xf32, #tpu.memory_space<vmem>>, vector<1x16xf32>,
      %parallel_loop3A_3013 = vector.shape_cast %parallel_loop3A_3012 : vector<1x16xf32> to vector<16xf32>
      %parallel_loop3A_3014 = arith.subf %parallel_loop3A_3013, %parallel_loop3A_3007 : vector<16xf32>
      %parallel_loop3A_3015 = arith.mulf %parallel_loop3A_2919, %parallel_loop3A_3014 : vector<16xf32>
      %parallel_loop3A_3016 = arith.addf %parallel_loop3A_3007, %parallel_loop3A_3015 : vector<16xf32>
      %parallel_loop3A_3017 = arith.addf %parallel_loop3A_2889, %parallel_loop3A_3016 : vector<16xf32>
      %parallel_loop3A_3018 = arith.index_cast %parallel_loop3A_2907 : i32 to index
      %parallel_loop3A_3019 = arith.constant 112 : index
      %parallel_loop3A_3020 = tpu.vector_load %arg8[%parallel_loop3A_3018, %parallel_loop3A_3019] {strides = array<i32>} : memref<512x128xf32, #tpu.memory_space<vmem>>, vector<1x16xf32>,
      %parallel_loop3A_3021 = vector.shape_cast %parallel_loop3A_3020 : vector<1x16xf32> to vector<16xf32>
      %parallel_loop3A_3022 = arith.constant 256 : i32
      %parallel_loop3A_3023 = arith.addi %parallel_loop3A_3022, %parallel_loop3A_2907 : i32
      %parallel_loop3A_3024 = arith.index_cast %parallel_loop3A_3023 : i32 to index
      %parallel_loop3A_3025 = arith.constant 112 : index
      %parallel_loop3A_3026 = tpu.vector_load %arg8[%parallel_loop3A_3024, %parallel_loop3A_3025] {strides = array<i32>} : memref<512x128xf32, #tpu.memory_space<vmem>>, vector<1x16xf32>,
      %parallel_loop3A_3027 = vector.shape_cast %parallel_loop3A_3026 : vector<1x16xf32> to vector<16xf32>
      %parallel_loop3A_3028 = arith.subf %parallel_loop3A_3027, %parallel_loop3A_3021 : vector<16xf32>
      %parallel_loop3A_3029 = arith.mulf %parallel_loop3A_2919, %parallel_loop3A_3028 : vector<16xf32>
      %parallel_loop3A_3030 = arith.addf %parallel_loop3A_3021, %parallel_loop3A_3029 : vector<16xf32>
      %parallel_loop3A_3031 = arith.addf %parallel_loop3A_2903, %parallel_loop3A_3030 : vector<16xf32>
      scf.yield %parallel_loop3A_2933, %parallel_loop3A_2947, %parallel_loop3A_2961, %parallel_loop3A_2975, %parallel_loop3A_2989, %parallel_loop3A_3003, %parallel_loop3A_3017, %parallel_loop3A_3031 : vector<16xf32>, vector<16xf32>, vector<16xf32>, vector<16xf32>, vector<16xf32>, vector<16xf32>, vector<16xf32>, vector<16xf32>
    } {sc.loop_unroll_factor = 2 : i64, sc.parallel_access}
    %swap3A_922 = arith.constant 0 : i32
    %swap3A_923 = arith.index_cast %swap3A_922 : i32 to index
    %swap3A_924 = arith.constant 0 : index
    %swap3A_925 = tpu.vector_load %arg9[%swap3A_923, %swap3A_924] {strides = array<i32>} : memref<1x128xf32, #tpu.memory_space<vmem>>, vector<1x16xf32>,
    %swap3A_926 = vector.shape_cast %swap3A_925 : vector<1x16xf32> to vector<16xf32>
    %swap3A_927 = vector.shape_cast %parallel_loop3A_921#0 : vector<16xf32> to vector<1x16xf32>
    tpu.vector_store %arg9[%swap3A_923, %swap3A_924], %swap3A_927 {strides = array<i32>} : memref<1x128xf32, #tpu.memory_space<vmem>>, vector<1x16xf32>,
    %swap3A_928 = arith.constant 0 : i32
    %swap3A_929 = arith.index_cast %swap3A_928 : i32 to index
    %swap3A_930 = arith.constant 16 : index
    %swap3A_931 = tpu.vector_load %arg9[%swap3A_929, %swap3A_930] {strides = array<i32>} : memref<1x128xf32, #tpu.memory_space<vmem>>, vector<1x16xf32>,
    %swap3A_932 = vector.shape_cast %swap3A_931 : vector<1x16xf32> to vector<16xf32>
    %swap3A_933 = vector.shape_cast %parallel_loop3A_921#1 : vector<16xf32> to vector<1x16xf32>
    tpu.vector_store %arg9[%swap3A_929, %swap3A_930], %swap3A_933 {strides = array<i32>} : memref<1x128xf32, #tpu.memory_space<vmem>>, vector<1x16xf32>,
    %swap3A_934 = arith.constant 0 : i32
    %swap3A_935 = arith.index_cast %swap3A_934 : i32 to index
    %swap3A_936 = arith.constant 32 : index
    %swap3A_937 = tpu.vector_load %arg9[%swap3A_935, %swap3A_936] {strides = array<i32>} : memref<1x128xf32, #tpu.memory_space<vmem>>, vector<1x16xf32>,
    %swap3A_938 = vector.shape_cast %swap3A_937 : vector<1x16xf32> to vector<16xf32>
    %swap3A_939 = vector.shape_cast %parallel_loop3A_921#2 : vector<16xf32> to vector<1x16xf32>
    tpu.vector_store %arg9[%swap3A_935, %swap3A_936], %swap3A_939 {strides = array<i32>} : memref<1x128xf32, #tpu.memory_space<vmem>>, vector<1x16xf32>,
    %swap3A_940 = arith.constant 0 : i32
    %swap3A_941 = arith.index_cast %swap3A_940 : i32 to index
    %swap3A_942 = arith.constant 48 : index
    %swap3A_943 = tpu.vector_load %arg9[%swap3A_941, %swap3A_942] {strides = array<i32>} : memref<1x128xf32, #tpu.memory_space<vmem>>, vector<1x16xf32>,
    %swap3A_944 = vector.shape_cast %swap3A_943 : vector<1x16xf32> to vector<16xf32>
    %swap3A_945 = vector.shape_cast %parallel_loop3A_921#3 : vector<16xf32> to vector<1x16xf32>
    tpu.vector_store %arg9[%swap3A_941, %swap3A_942], %swap3A_945 {strides = array<i32>} : memref<1x128xf32, #tpu.memory_space<vmem>>, vector<1x16xf32>,
    %swap3A_946 = arith.constant 0 : i32
    %swap3A_947 = arith.index_cast %swap3A_946 : i32 to index
    %swap3A_948 = arith.constant 64 : index
    %swap3A_949 = tpu.vector_load %arg9[%swap3A_947, %swap3A_948] {strides = array<i32>} : memref<1x128xf32, #tpu.memory_space<vmem>>, vector<1x16xf32>,
    %swap3A_950 = vector.shape_cast %swap3A_949 : vector<1x16xf32> to vector<16xf32>
    %swap3A_951 = vector.shape_cast %parallel_loop3A_921#4 : vector<16xf32> to vector<1x16xf32>
    tpu.vector_store %arg9[%swap3A_947, %swap3A_948], %swap3A_951 {strides = array<i32>} : memref<1x128xf32, #tpu.memory_space<vmem>>, vector<1x16xf32>,
    %swap3A_952 = arith.constant 0 : i32
    %swap3A_953 = arith.index_cast %swap3A_952 : i32 to index
    %swap3A_954 = arith.constant 80 : index
    %swap3A_955 = tpu.vector_load %arg9[%swap3A_953, %swap3A_954] {strides = array<i32>} : memref<1x128xf32, #tpu.memory_space<vmem>>, vector<1x16xf32>,
    %swap3A_956 = vector.shape_cast %swap3A_955 : vector<1x16xf32> to vector<16xf32>
    %swap3A_957 = vector.shape_cast %parallel_loop3A_921#5 : vector<16xf32> to vector<1x16xf32>
    tpu.vector_store %arg9[%swap3A_953, %swap3A_954], %swap3A_957 {strides = array<i32>} : memref<1x128xf32, #tpu.memory_space<vmem>>, vector<1x16xf32>,
    %swap3A_958 = arith.constant 0 : i32
    %swap3A_959 = arith.index_cast %swap3A_958 : i32 to index
    %swap3A_960 = arith.constant 96 : index
    %swap3A_961 = tpu.vector_load %arg9[%swap3A_959, %swap3A_960] {strides = array<i32>} : memref<1x128xf32, #tpu.memory_space<vmem>>, vector<1x16xf32>,
    %swap3A_962 = vector.shape_cast %swap3A_961 : vector<1x16xf32> to vector<16xf32>
    %swap3A_963 = vector.shape_cast %parallel_loop3A_921#6 : vector<16xf32> to vector<1x16xf32>
    tpu.vector_store %arg9[%swap3A_959, %swap3A_960], %swap3A_963 {strides = array<i32>} : memref<1x128xf32, #tpu.memory_space<vmem>>, vector<1x16xf32>,
    %swap3A_964 = arith.constant 0 : i32
    %swap3A_965 = arith.index_cast %swap3A_964 : i32 to index
    %swap3A_966 = arith.constant 112 : index
    %swap3A_967 = tpu.vector_load %arg9[%swap3A_965, %swap3A_966] {strides = array<i32>} : memref<1x128xf32, #tpu.memory_space<vmem>>, vector<1x16xf32>,
    %swap3A_968 = vector.shape_cast %swap3A_967 : vector<1x16xf32> to vector<16xf32>
    %swap3A_969 = vector.shape_cast %parallel_loop3A_921#7 : vector<16xf32> to vector<1x16xf32>
    tpu.vector_store %arg9[%swap3A_965, %swap3A_966], %swap3A_969 {strides = array<i32>} : memref<1x128xf32, #tpu.memory_space<vmem>>, vector<1x16xf32>,
    "tpu.region"() ({
      %run_scoped3A = tpu.sem_alloc : memref<!tpu.dma_semaphore, #tpu.memory_space<semaphore_mem>>
      %dma_start3A_970 = arith.constant 0 : i32
      %dma_start3A_971 = tpu.memref_slice %arg4[%add3A, %dma_start3A_970] : memref<32x128xf32, #tpu.memory_space<hbm>> -> memref<1x128xf32, #tpu.memory_space<hbm>>
      %dma_start3A_972 = arith.constant 0 : i32
      %dma_start3A_973 = tpu.memref_slice %arg4[%add3A, %dma_start3A_972] : memref<32x128xf32, #tpu.memory_space<hbm>> -> memref<1x128xf32, #tpu.memory_space<hbm>>
      tpu.enqueue_dma source(%arg9 : memref<1x128xf32, #tpu.memory_space<vmem>>) target(%dma_start3A_973 : memref<1x128xf32, #tpu.memory_space<hbm>>) target_semaphore(%run_scoped3A : memref<!tpu.dma_semaphore, #tpu.memory_space<semaphore_mem>>)
      %dma_wait3A_974 = arith.constant 0 : i32
      %dma_wait3A_975 = tpu.memref_slice %arg4[%add3A, %dma_wait3A_974] : memref<32x128xf32, #tpu.memory_space<hbm>> -> memref<1x128xf32, #tpu.memory_space<hbm>>
      %dma_wait3A_976 = arith.constant 0 : i32
      %dma_wait3A_977 = tpu.memref_slice %arg4[%add3A, %dma_wait3A_976] : memref<32x128xf32, #tpu.memory_space<hbm>> -> memref<1x128xf32, #tpu.memory_space<hbm>>
      tpu.wait_dma2 semaphore(%run_scoped3A : memref<!tpu.dma_semaphore, #tpu.memory_space<semaphore_mem>>) src(%arg9 : memref<1x128xf32, #tpu.memory_space<vmem>>) dst(%dma_wait3A_977 : memref<1x128xf32, #tpu.memory_space<hbm>>)
      tpu.yield
    }) : () -> ()
    return
  }
}

module attributes {stable_mosaic.version = 14 : i64} {
  func.func @_tc_body(%arg0: memref<16xf32, #tpu.memory_space<smem>>, %arg1: memref<1024x256xf32, #tpu.memory_space<vmem>>, %arg2: memref<16x256x128xbf16, #tpu.memory_space<vmem>>, %arg3: memref<128x256xf32, #tpu.memory_space<vmem>>, %arg4: memref<1x128xf32, #tpu.memory_space<vmem>>, %arg5: memref<1024x128xf32, #tpu.memory_space<vmem>>) attributes {dimension_semantics = [], scalar_prefetch = 0 : i64, scratch_operands = 0 : i64, tpu.core_type = #tpu.core_type<tc>} {
    %get3A = arith.constant 0 : index
    %get3A_0 = arith.constant 0 : index
    %get3A_1 = vector.load %arg1[%get3A, %get3A_0] : memref<1024x256xf32, #tpu.memory_space<vmem>>, vector<1024x256xf32>
    %jit3A = arith.constant -1.000000e+00 : f32
    %jit3A_2 = arith.constant 1.000000e+00 : f32
    %max3A = vector.broadcast %jit3A : f32 to vector<1024x256xf32>
    %max3A_3 = arith.maximumf %max3A, %get3A_1 : vector<1024x256xf32>
    %min3A = vector.broadcast %jit3A_2 : f32 to vector<1024x256xf32>
    %min3A_4 = arith.minimumf %min3A, %max3A_3 : vector<1024x256xf32>
    %get3A_5 = arith.constant 0 : index
    %get3A_6 = memref.load %arg0[%get3A_5] : memref<16xf32, #tpu.memory_space<smem>>
    %get3A_7 = arith.constant 15 : index
    %get3A_8 = memref.load %arg0[%get3A_7] : memref<16xf32, #tpu.memory_space<smem>>
    %sub3A = arith.subf %get3A_8, %get3A_6 : f32
    %div3A = arith.constant 1.500000e+01 : f32
    %div3A_9 = arith.divf %div3A, %sub3A : f32
    %get3A_10 = arith.constant 0 : index
    %get3A_11 = arith.constant 0 : index
    %get3A_12 = vector.load %arg3[%get3A_10, %get3A_11] : memref<128x256xf32, #tpu.memory_space<vmem>>, vector<128x256xf32>
    %dot_general3A = arith.constant dense<0.000000e+00> : vector<1024x128xf32>
    %dot_general3A_13 = tpu.matmul %min3A_4, %get3A_12, %dot_general3A {dimension_numbers = #tpu.dot_dimension_numbers<[1], [1], [0], [0], [0, 0, 1, 0], [], []>, transpose_lhs_hint = false} : vector<1024x256xf32>, vector<128x256xf32>, vector<1024x128xf32> -> vector<1024x128xf32>
    %get3A_14 = arith.constant 0 : index
    %get3A_15 = arith.constant 0 : index
    %get3A_16 = vector.load %arg4[%get3A_14, %get3A_15] : memref<1x128xf32, #tpu.memory_space<vmem>>, vector<1x128xf32>
    %add3A = vector.broadcast %get3A_16 : vector<1x128xf32> to vector<1024x128xf32>
    %add3A_17 = arith.addf %dot_general3A_13, %add3A : vector<1024x128xf32>
    %slice3A = vector.extract_strided_slice %min3A_4 {offsets = [0, 0], sizes = [992, 256], strides = [1, 1]} : vector<1024x256xf32> to vector<992x256xf32>
    %sub3A_18 = vector.broadcast %get3A_6 : f32 to vector<992x256xf32>
    %sub3A_19 = arith.subf %slice3A, %sub3A_18 : vector<992x256xf32>
    %mul3A = vector.broadcast %div3A_9 : f32 to vector<992x256xf32>
    %mul3A_20 = arith.mulf %sub3A_19, %mul3A : vector<992x256xf32>
    %convert_element_type3A = arith.fptosi %mul3A_20 : vector<992x256xf32> to vector<992x256xi32>
    %min3A_21 = arith.constant 14 : i32
    %min3A_22 = vector.broadcast %min3A_21 : i32 to vector<992x256xi32>
    %min3A_23 = arith.minsi %convert_element_type3A, %min3A_22 : vector<992x256xi32>
    %convert_element_type3A_24 = arith.sitofp %min3A_23 : vector<992x256xi32> to vector<992x256xf32>
    %sub3A_25 = arith.subf %mul3A_20, %convert_element_type3A_24 : vector<992x256xf32>
    %convert_element_type3A_26 = arith.truncf %sub3A_25 : vector<992x256xf32> to vector<992x256xbf16>
    %sub3A_27 = arith.constant 1.000000e+00 : f32
    %sub3A_28 = vector.broadcast %sub3A_27 : f32 to vector<992x256xf32>
    %sub3A_29 = arith.subf %sub3A_28, %sub3A_25 : vector<992x256xf32>
    %convert_element_type3A_30 = arith.truncf %sub3A_29 : vector<992x256xf32> to vector<992x256xbf16>
    %convert_element_type3A_31 = arith.trunci %min3A_23 : vector<992x256xi32> to vector<992x256xi16>
    %broadcast_in_dim3A = arith.constant 0.000000e+00 : bf16
    %broadcast_in_dim3A_32 = vector.broadcast %broadcast_in_dim3A : bf16 to vector<992x256xbf16>
    %slice3A_33 = vector.extract_strided_slice %add3A_17 {offsets = [0, 0], sizes = [992, 128], strides = [1, 1]} : vector<1024x128xf32> to vector<992x128xf32>
    %eq3A = arith.constant -1 : i16
    %eq3A_34 = vector.broadcast %eq3A : i16 to vector<992x256xi16>
    %eq3A_35 = arith.cmpi eq, %convert_element_type3A_31, %eq3A_34 : vector<992x256xi16>
    %eq3A_36 = arith.constant 0 : i16
    %eq3A_37 = vector.broadcast %eq3A_36 : i16 to vector<992x256xi16>
    %eq3A_38 = arith.cmpi eq, %convert_element_type3A_31, %eq3A_37 : vector<992x256xi16>
    %select_n3A = arith.select %eq3A_35, %convert_element_type3A_26, %broadcast_in_dim3A_32 : vector<992x256xi1>, vector<992x256xbf16>
    %select_n3A_39 = arith.select %eq3A_38, %convert_element_type3A_30, %select_n3A : vector<992x256xi1>, vector<992x256xbf16>
    %get3A_40 = arith.constant 0 : index
    %get3A_41 = arith.constant 0 : index
    %get3A_42 = arith.constant 0 : index
    %get3A_43 = vector.load %arg2[%get3A_40, %get3A_41, %get3A_42] : memref<16x256x128xbf16, #tpu.memory_space<vmem>>, vector<1x256x128xbf16>
    %get3A_44 = vector.shape_cast %get3A_43 : vector<1x256x128xbf16> to vector<256x128xbf16>
    %dot_general3A_45 = arith.constant dense<0.000000e+00> : vector<992x128xf32>
    %dot_general3A_46 = tpu.matmul %select_n3A_39, %get3A_44, %dot_general3A_45 {dimension_numbers = #tpu.dot_dimension_numbers<[1], [0], [0], [1], [0, 0, 1, 1], [], []>, transpose_lhs_hint = false} : vector<992x256xbf16>, vector<256x128xbf16>, vector<992x128xf32> -> vector<992x128xf32>
    %add3A_47 = arith.addf %slice3A_33, %dot_general3A_46 : vector<992x128xf32>
    %eq3A_48 = arith.constant 1 : i16
    %eq3A_49 = vector.broadcast %eq3A_48 : i16 to vector<992x256xi16>
    %eq3A_50 = arith.cmpi eq, %convert_element_type3A_31, %eq3A_49 : vector<992x256xi16>
    %select_n3A_51 = arith.select %eq3A_38, %convert_element_type3A_26, %broadcast_in_dim3A_32 : vector<992x256xi1>, vector<992x256xbf16>
    %select_n3A_52 = arith.select %eq3A_50, %convert_element_type3A_30, %select_n3A_51 : vector<992x256xi1>, vector<992x256xbf16>
    %get3A_53 = arith.constant 1 : index
    %get3A_54 = arith.constant 0 : index
    %get3A_55 = arith.constant 0 : index
    %get3A_56 = vector.load %arg2[%get3A_53, %get3A_54, %get3A_55] : memref<16x256x128xbf16, #tpu.memory_space<vmem>>, vector<1x256x128xbf16>
    %get3A_57 = vector.shape_cast %get3A_56 : vector<1x256x128xbf16> to vector<256x128xbf16>
    %dot_general3A_58 = arith.constant dense<0.000000e+00> : vector<992x128xf32>
    %dot_general3A_59 = tpu.matmul %select_n3A_52, %get3A_57, %dot_general3A_58 {dimension_numbers = #tpu.dot_dimension_numbers<[1], [0], [0], [1], [0, 0, 1, 1], [], []>, transpose_lhs_hint = false} : vector<992x256xbf16>, vector<256x128xbf16>, vector<992x128xf32> -> vector<992x128xf32>
    %add3A_60 = arith.addf %add3A_47, %dot_general3A_59 : vector<992x128xf32>
    %eq3A_61 = arith.constant 2 : i16
    %eq3A_62 = vector.broadcast %eq3A_61 : i16 to vector<992x256xi16>
    %eq3A_63 = arith.cmpi eq, %convert_element_type3A_31, %eq3A_62 : vector<992x256xi16>
    %select_n3A_64 = arith.select %eq3A_50, %convert_element_type3A_26, %broadcast_in_dim3A_32 : vector<992x256xi1>, vector<992x256xbf16>
    %select_n3A_65 = arith.select %eq3A_63, %convert_element_type3A_30, %select_n3A_64 : vector<992x256xi1>, vector<992x256xbf16>
    %get3A_66 = arith.constant 2 : index
    %get3A_67 = arith.constant 0 : index
    %get3A_68 = arith.constant 0 : index
    %get3A_69 = vector.load %arg2[%get3A_66, %get3A_67, %get3A_68] : memref<16x256x128xbf16, #tpu.memory_space<vmem>>, vector<1x256x128xbf16>
    %get3A_70 = vector.shape_cast %get3A_69 : vector<1x256x128xbf16> to vector<256x128xbf16>
    %dot_general3A_71 = arith.constant dense<0.000000e+00> : vector<992x128xf32>
    %dot_general3A_72 = tpu.matmul %select_n3A_65, %get3A_70, %dot_general3A_71 {dimension_numbers = #tpu.dot_dimension_numbers<[1], [0], [0], [1], [0, 0, 1, 1], [], []>, transpose_lhs_hint = false} : vector<992x256xbf16>, vector<256x128xbf16>, vector<992x128xf32> -> vector<992x128xf32>
    %add3A_73 = arith.addf %add3A_60, %dot_general3A_72 : vector<992x128xf32>
    %eq3A_74 = arith.constant 3 : i16
    %eq3A_75 = vector.broadcast %eq3A_74 : i16 to vector<992x256xi16>
    %eq3A_76 = arith.cmpi eq, %convert_element_type3A_31, %eq3A_75 : vector<992x256xi16>
    %select_n3A_77 = arith.select %eq3A_63, %convert_element_type3A_26, %broadcast_in_dim3A_32 : vector<992x256xi1>, vector<992x256xbf16>
    %select_n3A_78 = arith.select %eq3A_76, %convert_element_type3A_30, %select_n3A_77 : vector<992x256xi1>, vector<992x256xbf16>
    %get3A_79 = arith.constant 3 : index
    %get3A_80 = arith.constant 0 : index
    %get3A_81 = arith.constant 0 : index
    %get3A_82 = vector.load %arg2[%get3A_79, %get3A_80, %get3A_81] : memref<16x256x128xbf16, #tpu.memory_space<vmem>>, vector<1x256x128xbf16>
    %get3A_83 = vector.shape_cast %get3A_82 : vector<1x256x128xbf16> to vector<256x128xbf16>
    %dot_general3A_84 = arith.constant dense<0.000000e+00> : vector<992x128xf32>
    %dot_general3A_85 = tpu.matmul %select_n3A_78, %get3A_83, %dot_general3A_84 {dimension_numbers = #tpu.dot_dimension_numbers<[1], [0], [0], [1], [0, 0, 1, 1], [], []>, transpose_lhs_hint = false} : vector<992x256xbf16>, vector<256x128xbf16>, vector<992x128xf32> -> vector<992x128xf32>
    %add3A_86 = arith.addf %add3A_73, %dot_general3A_85 : vector<992x128xf32>
    %eq3A_87 = arith.constant 4 : i16
    %eq3A_88 = vector.broadcast %eq3A_87 : i16 to vector<992x256xi16>
    %eq3A_89 = arith.cmpi eq, %convert_element_type3A_31, %eq3A_88 : vector<992x256xi16>
    %select_n3A_90 = arith.select %eq3A_76, %convert_element_type3A_26, %broadcast_in_dim3A_32 : vector<992x256xi1>, vector<992x256xbf16>
    %select_n3A_91 = arith.select %eq3A_89, %convert_element_type3A_30, %select_n3A_90 : vector<992x256xi1>, vector<992x256xbf16>
    %get3A_92 = arith.constant 4 : index
    %get3A_93 = arith.constant 0 : index
    %get3A_94 = arith.constant 0 : index
    %get3A_95 = vector.load %arg2[%get3A_92, %get3A_93, %get3A_94] : memref<16x256x128xbf16, #tpu.memory_space<vmem>>, vector<1x256x128xbf16>
    %get3A_96 = vector.shape_cast %get3A_95 : vector<1x256x128xbf16> to vector<256x128xbf16>
    %dot_general3A_97 = arith.constant dense<0.000000e+00> : vector<992x128xf32>
    %dot_general3A_98 = tpu.matmul %select_n3A_91, %get3A_96, %dot_general3A_97 {dimension_numbers = #tpu.dot_dimension_numbers<[1], [0], [0], [1], [0, 0, 1, 1], [], []>, transpose_lhs_hint = false} : vector<992x256xbf16>, vector<256x128xbf16>, vector<992x128xf32> -> vector<992x128xf32>
    %add3A_99 = arith.addf %add3A_86, %dot_general3A_98 : vector<992x128xf32>
    %eq3A_100 = arith.constant 5 : i16
    %eq3A_101 = vector.broadcast %eq3A_100 : i16 to vector<992x256xi16>
    %eq3A_102 = arith.cmpi eq, %convert_element_type3A_31, %eq3A_101 : vector<992x256xi16>
    %select_n3A_103 = arith.select %eq3A_89, %convert_element_type3A_26, %broadcast_in_dim3A_32 : vector<992x256xi1>, vector<992x256xbf16>
    %select_n3A_104 = arith.select %eq3A_102, %convert_element_type3A_30, %select_n3A_103 : vector<992x256xi1>, vector<992x256xbf16>
    %get3A_105 = arith.constant 5 : index
    %get3A_106 = arith.constant 0 : index
    %get3A_107 = arith.constant 0 : index
    %get3A_108 = vector.load %arg2[%get3A_105, %get3A_106, %get3A_107] : memref<16x256x128xbf16, #tpu.memory_space<vmem>>, vector<1x256x128xbf16>
    %get3A_109 = vector.shape_cast %get3A_108 : vector<1x256x128xbf16> to vector<256x128xbf16>
    %dot_general3A_110 = arith.constant dense<0.000000e+00> : vector<992x128xf32>
    %dot_general3A_111 = tpu.matmul %select_n3A_104, %get3A_109, %dot_general3A_110 {dimension_numbers = #tpu.dot_dimension_numbers<[1], [0], [0], [1], [0, 0, 1, 1], [], []>, transpose_lhs_hint = false} : vector<992x256xbf16>, vector<256x128xbf16>, vector<992x128xf32> -> vector<992x128xf32>
    %add3A_112 = arith.addf %add3A_99, %dot_general3A_111 : vector<992x128xf32>
    %eq3A_113 = arith.constant 6 : i16
    %eq3A_114 = vector.broadcast %eq3A_113 : i16 to vector<992x256xi16>
    %eq3A_115 = arith.cmpi eq, %convert_element_type3A_31, %eq3A_114 : vector<992x256xi16>
    %select_n3A_116 = arith.select %eq3A_102, %convert_element_type3A_26, %broadcast_in_dim3A_32 : vector<992x256xi1>, vector<992x256xbf16>
    %select_n3A_117 = arith.select %eq3A_115, %convert_element_type3A_30, %select_n3A_116 : vector<992x256xi1>, vector<992x256xbf16>
    %get3A_118 = arith.constant 6 : index
    %get3A_119 = arith.constant 0 : index
    %get3A_120 = arith.constant 0 : index
    %get3A_121 = vector.load %arg2[%get3A_118, %get3A_119, %get3A_120] : memref<16x256x128xbf16, #tpu.memory_space<vmem>>, vector<1x256x128xbf16>
    %get3A_122 = vector.shape_cast %get3A_121 : vector<1x256x128xbf16> to vector<256x128xbf16>
    %dot_general3A_123 = arith.constant dense<0.000000e+00> : vector<992x128xf32>
    %dot_general3A_124 = tpu.matmul %select_n3A_117, %get3A_122, %dot_general3A_123 {dimension_numbers = #tpu.dot_dimension_numbers<[1], [0], [0], [1], [0, 0, 1, 1], [], []>, transpose_lhs_hint = false} : vector<992x256xbf16>, vector<256x128xbf16>, vector<992x128xf32> -> vector<992x128xf32>
    %add3A_125 = arith.addf %add3A_112, %dot_general3A_124 : vector<992x128xf32>
    %eq3A_126 = arith.constant 7 : i16
    %eq3A_127 = vector.broadcast %eq3A_126 : i16 to vector<992x256xi16>
    %eq3A_128 = arith.cmpi eq, %convert_element_type3A_31, %eq3A_127 : vector<992x256xi16>
    %select_n3A_129 = arith.select %eq3A_115, %convert_element_type3A_26, %broadcast_in_dim3A_32 : vector<992x256xi1>, vector<992x256xbf16>
    %select_n3A_130 = arith.select %eq3A_128, %convert_element_type3A_30, %select_n3A_129 : vector<992x256xi1>, vector<992x256xbf16>
    %get3A_131 = arith.constant 7 : index
    %get3A_132 = arith.constant 0 : index
    %get3A_133 = arith.constant 0 : index
    %get3A_134 = vector.load %arg2[%get3A_131, %get3A_132, %get3A_133] : memref<16x256x128xbf16, #tpu.memory_space<vmem>>, vector<1x256x128xbf16>
    %get3A_135 = vector.shape_cast %get3A_134 : vector<1x256x128xbf16> to vector<256x128xbf16>
    %dot_general3A_136 = arith.constant dense<0.000000e+00> : vector<992x128xf32>
    %dot_general3A_137 = tpu.matmul %select_n3A_130, %get3A_135, %dot_general3A_136 {dimension_numbers = #tpu.dot_dimension_numbers<[1], [0], [0], [1], [0, 0, 1, 1], [], []>, transpose_lhs_hint = false} : vector<992x256xbf16>, vector<256x128xbf16>, vector<992x128xf32> -> vector<992x128xf32>
    %add3A_138 = arith.addf %add3A_125, %dot_general3A_137 : vector<992x128xf32>
    %eq3A_139 = arith.constant 8 : i16
    %eq3A_140 = vector.broadcast %eq3A_139 : i16 to vector<992x256xi16>
    %eq3A_141 = arith.cmpi eq, %convert_element_type3A_31, %eq3A_140 : vector<992x256xi16>
    %select_n3A_142 = arith.select %eq3A_128, %convert_element_type3A_26, %broadcast_in_dim3A_32 : vector<992x256xi1>, vector<992x256xbf16>
    %select_n3A_143 = arith.select %eq3A_141, %convert_element_type3A_30, %select_n3A_142 : vector<992x256xi1>, vector<992x256xbf16>
    %get3A_144 = arith.constant 8 : index
    %get3A_145 = arith.constant 0 : index
    %get3A_146 = arith.constant 0 : index
    %get3A_147 = vector.load %arg2[%get3A_144, %get3A_145, %get3A_146] : memref<16x256x128xbf16, #tpu.memory_space<vmem>>, vector<1x256x128xbf16>
    %get3A_148 = vector.shape_cast %get3A_147 : vector<1x256x128xbf16> to vector<256x128xbf16>
    %dot_general3A_149 = arith.constant dense<0.000000e+00> : vector<992x128xf32>
    %dot_general3A_150 = tpu.matmul %select_n3A_143, %get3A_148, %dot_general3A_149 {dimension_numbers = #tpu.dot_dimension_numbers<[1], [0], [0], [1], [0, 0, 1, 1], [], []>, transpose_lhs_hint = false} : vector<992x256xbf16>, vector<256x128xbf16>, vector<992x128xf32> -> vector<992x128xf32>
    %add3A_151 = arith.addf %add3A_138, %dot_general3A_150 : vector<992x128xf32>
    %eq3A_152 = arith.constant 9 : i16
    %eq3A_153 = vector.broadcast %eq3A_152 : i16 to vector<992x256xi16>
    %eq3A_154 = arith.cmpi eq, %convert_element_type3A_31, %eq3A_153 : vector<992x256xi16>
    %select_n3A_155 = arith.select %eq3A_141, %convert_element_type3A_26, %broadcast_in_dim3A_32 : vector<992x256xi1>, vector<992x256xbf16>
    %select_n3A_156 = arith.select %eq3A_154, %convert_element_type3A_30, %select_n3A_155 : vector<992x256xi1>, vector<992x256xbf16>
    %get3A_157 = arith.constant 9 : index
    %get3A_158 = arith.constant 0 : index
    %get3A_159 = arith.constant 0 : index
    %get3A_160 = vector.load %arg2[%get3A_157, %get3A_158, %get3A_159] : memref<16x256x128xbf16, #tpu.memory_space<vmem>>, vector<1x256x128xbf16>
    %get3A_161 = vector.shape_cast %get3A_160 : vector<1x256x128xbf16> to vector<256x128xbf16>
    %dot_general3A_162 = arith.constant dense<0.000000e+00> : vector<992x128xf32>
    %dot_general3A_163 = tpu.matmul %select_n3A_156, %get3A_161, %dot_general3A_162 {dimension_numbers = #tpu.dot_dimension_numbers<[1], [0], [0], [1], [0, 0, 1, 1], [], []>, transpose_lhs_hint = false} : vector<992x256xbf16>, vector<256x128xbf16>, vector<992x128xf32> -> vector<992x128xf32>
    %add3A_164 = arith.addf %add3A_151, %dot_general3A_163 : vector<992x128xf32>
    %eq3A_165 = arith.constant 10 : i16
    %eq3A_166 = vector.broadcast %eq3A_165 : i16 to vector<992x256xi16>
    %eq3A_167 = arith.cmpi eq, %convert_element_type3A_31, %eq3A_166 : vector<992x256xi16>
    %select_n3A_168 = arith.select %eq3A_154, %convert_element_type3A_26, %broadcast_in_dim3A_32 : vector<992x256xi1>, vector<992x256xbf16>
    %select_n3A_169 = arith.select %eq3A_167, %convert_element_type3A_30, %select_n3A_168 : vector<992x256xi1>, vector<992x256xbf16>
    %get3A_170 = arith.constant 10 : index
    %get3A_171 = arith.constant 0 : index
    %get3A_172 = arith.constant 0 : index
    %get3A_173 = vector.load %arg2[%get3A_170, %get3A_171, %get3A_172] : memref<16x256x128xbf16, #tpu.memory_space<vmem>>, vector<1x256x128xbf16>
    %get3A_174 = vector.shape_cast %get3A_173 : vector<1x256x128xbf16> to vector<256x128xbf16>
    %dot_general3A_175 = arith.constant dense<0.000000e+00> : vector<992x128xf32>
    %dot_general3A_176 = tpu.matmul %select_n3A_169, %get3A_174, %dot_general3A_175 {dimension_numbers = #tpu.dot_dimension_numbers<[1], [0], [0], [1], [0, 0, 1, 1], [], []>, transpose_lhs_hint = false} : vector<992x256xbf16>, vector<256x128xbf16>, vector<992x128xf32> -> vector<992x128xf32>
    %add3A_177 = arith.addf %add3A_164, %dot_general3A_176 : vector<992x128xf32>
    %eq3A_178 = arith.constant 11 : i16
    %eq3A_179 = vector.broadcast %eq3A_178 : i16 to vector<992x256xi16>
    %eq3A_180 = arith.cmpi eq, %convert_element_type3A_31, %eq3A_179 : vector<992x256xi16>
    %select_n3A_181 = arith.select %eq3A_167, %convert_element_type3A_26, %broadcast_in_dim3A_32 : vector<992x256xi1>, vector<992x256xbf16>
    %select_n3A_182 = arith.select %eq3A_180, %convert_element_type3A_30, %select_n3A_181 : vector<992x256xi1>, vector<992x256xbf16>
    %get3A_183 = arith.constant 11 : index
    %get3A_184 = arith.constant 0 : index
    %get3A_185 = arith.constant 0 : index
    %get3A_186 = vector.load %arg2[%get3A_183, %get3A_184, %get3A_185] : memref<16x256x128xbf16, #tpu.memory_space<vmem>>, vector<1x256x128xbf16>
    %get3A_187 = vector.shape_cast %get3A_186 : vector<1x256x128xbf16> to vector<256x128xbf16>
    %dot_general3A_188 = arith.constant dense<0.000000e+00> : vector<992x128xf32>
    %dot_general3A_189 = tpu.matmul %select_n3A_182, %get3A_187, %dot_general3A_188 {dimension_numbers = #tpu.dot_dimension_numbers<[1], [0], [0], [1], [0, 0, 1, 1], [], []>, transpose_lhs_hint = false} : vector<992x256xbf16>, vector<256x128xbf16>, vector<992x128xf32> -> vector<992x128xf32>
    %add3A_190 = arith.addf %add3A_177, %dot_general3A_189 : vector<992x128xf32>
    %eq3A_191 = arith.constant 12 : i16
    %eq3A_192 = vector.broadcast %eq3A_191 : i16 to vector<992x256xi16>
    %eq3A_193 = arith.cmpi eq, %convert_element_type3A_31, %eq3A_192 : vector<992x256xi16>
    %select_n3A_194 = arith.select %eq3A_180, %convert_element_type3A_26, %broadcast_in_dim3A_32 : vector<992x256xi1>, vector<992x256xbf16>
    %select_n3A_195 = arith.select %eq3A_193, %convert_element_type3A_30, %select_n3A_194 : vector<992x256xi1>, vector<992x256xbf16>
    %get3A_196 = arith.constant 12 : index
    %get3A_197 = arith.constant 0 : index
    %get3A_198 = arith.constant 0 : index
    %get3A_199 = vector.load %arg2[%get3A_196, %get3A_197, %get3A_198] : memref<16x256x128xbf16, #tpu.memory_space<vmem>>, vector<1x256x128xbf16>
    %get3A_200 = vector.shape_cast %get3A_199 : vector<1x256x128xbf16> to vector<256x128xbf16>
    %dot_general3A_201 = arith.constant dense<0.000000e+00> : vector<992x128xf32>
    %dot_general3A_202 = tpu.matmul %select_n3A_195, %get3A_200, %dot_general3A_201 {dimension_numbers = #tpu.dot_dimension_numbers<[1], [0], [0], [1], [0, 0, 1, 1], [], []>, transpose_lhs_hint = false} : vector<992x256xbf16>, vector<256x128xbf16>, vector<992x128xf32> -> vector<992x128xf32>
    %add3A_203 = arith.addf %add3A_190, %dot_general3A_202 : vector<992x128xf32>
    %eq3A_204 = arith.constant 13 : i16
    %eq3A_205 = vector.broadcast %eq3A_204 : i16 to vector<992x256xi16>
    %eq3A_206 = arith.cmpi eq, %convert_element_type3A_31, %eq3A_205 : vector<992x256xi16>
    %select_n3A_207 = arith.select %eq3A_193, %convert_element_type3A_26, %broadcast_in_dim3A_32 : vector<992x256xi1>, vector<992x256xbf16>
    %select_n3A_208 = arith.select %eq3A_206, %convert_element_type3A_30, %select_n3A_207 : vector<992x256xi1>, vector<992x256xbf16>
    %get3A_209 = arith.constant 13 : index
    %get3A_210 = arith.constant 0 : index
    %get3A_211 = arith.constant 0 : index
    %get3A_212 = vector.load %arg2[%get3A_209, %get3A_210, %get3A_211] : memref<16x256x128xbf16, #tpu.memory_space<vmem>>, vector<1x256x128xbf16>
    %get3A_213 = vector.shape_cast %get3A_212 : vector<1x256x128xbf16> to vector<256x128xbf16>
    %dot_general3A_214 = arith.constant dense<0.000000e+00> : vector<992x128xf32>
    %dot_general3A_215 = tpu.matmul %select_n3A_208, %get3A_213, %dot_general3A_214 {dimension_numbers = #tpu.dot_dimension_numbers<[1], [0], [0], [1], [0, 0, 1, 1], [], []>, transpose_lhs_hint = false} : vector<992x256xbf16>, vector<256x128xbf16>, vector<992x128xf32> -> vector<992x128xf32>
    %add3A_216 = arith.addf %add3A_203, %dot_general3A_215 : vector<992x128xf32>
    %eq3A_217 = arith.constant 14 : i16
    %eq3A_218 = vector.broadcast %eq3A_217 : i16 to vector<992x256xi16>
    %eq3A_219 = arith.cmpi eq, %convert_element_type3A_31, %eq3A_218 : vector<992x256xi16>
    %select_n3A_220 = arith.select %eq3A_206, %convert_element_type3A_26, %broadcast_in_dim3A_32 : vector<992x256xi1>, vector<992x256xbf16>
    %select_n3A_221 = arith.select %eq3A_219, %convert_element_type3A_30, %select_n3A_220 : vector<992x256xi1>, vector<992x256xbf16>
    %get3A_222 = arith.constant 14 : index
    %get3A_223 = arith.constant 0 : index
    %get3A_224 = arith.constant 0 : index
    %get3A_225 = vector.load %arg2[%get3A_222, %get3A_223, %get3A_224] : memref<16x256x128xbf16, #tpu.memory_space<vmem>>, vector<1x256x128xbf16>
    %get3A_226 = vector.shape_cast %get3A_225 : vector<1x256x128xbf16> to vector<256x128xbf16>
    %dot_general3A_227 = arith.constant dense<0.000000e+00> : vector<992x128xf32>
    %dot_general3A_228 = tpu.matmul %select_n3A_221, %get3A_226, %dot_general3A_227 {dimension_numbers = #tpu.dot_dimension_numbers<[1], [0], [0], [1], [0, 0, 1, 1], [], []>, transpose_lhs_hint = false} : vector<992x256xbf16>, vector<256x128xbf16>, vector<992x128xf32> -> vector<992x128xf32>
    %add3A_229 = arith.addf %add3A_216, %dot_general3A_228 : vector<992x128xf32>
    %eq3A_230 = arith.constant 15 : i16
    %eq3A_231 = vector.broadcast %eq3A_230 : i16 to vector<992x256xi16>
    %eq3A_232 = arith.cmpi eq, %convert_element_type3A_31, %eq3A_231 : vector<992x256xi16>
    %select_n3A_233 = arith.select %eq3A_219, %convert_element_type3A_26, %broadcast_in_dim3A_32 : vector<992x256xi1>, vector<992x256xbf16>
    %select_n3A_234 = arith.select %eq3A_232, %convert_element_type3A_30, %select_n3A_233 : vector<992x256xi1>, vector<992x256xbf16>
    %get3A_235 = arith.constant 15 : index
    %get3A_236 = arith.constant 0 : index
    %get3A_237 = arith.constant 0 : index
    %get3A_238 = vector.load %arg2[%get3A_235, %get3A_236, %get3A_237] : memref<16x256x128xbf16, #tpu.memory_space<vmem>>, vector<1x256x128xbf16>
    %get3A_239 = vector.shape_cast %get3A_238 : vector<1x256x128xbf16> to vector<256x128xbf16>
    %dot_general3A_240 = arith.constant dense<0.000000e+00> : vector<992x128xf32>
    %dot_general3A_241 = tpu.matmul %select_n3A_234, %get3A_239, %dot_general3A_240 {dimension_numbers = #tpu.dot_dimension_numbers<[1], [0], [0], [1], [0, 0, 1, 1], [], []>, transpose_lhs_hint = false} : vector<992x256xbf16>, vector<256x128xbf16>, vector<992x128xf32> -> vector<992x128xf32>
    %add3A_242 = arith.addf %add3A_229, %dot_general3A_241 : vector<992x128xf32>
    %swap3A = arith.constant 0 : index
    %swap3A_243 = arith.constant 0 : index
    %swap3A_244 = vector.load %arg5[%swap3A, %swap3A_243] : memref<1024x128xf32, #tpu.memory_space<vmem>>, vector<992x128xf32>
    tpu.vector_store %arg5[%swap3A, %swap3A_243], %add3A_242 {strides = array<i32>} : memref<1024x128xf32, #tpu.memory_space<vmem>>, vector<992x128xf32>,
    %slice3A_245 = vector.extract_strided_slice %add3A_17 {offsets = [992, 0], sizes = [32, 128], strides = [1, 1]} : vector<1024x128xf32> to vector<32x128xf32>
    %swap3A_246 = arith.constant 992 : index
    %swap3A_247 = arith.constant 0 : index
    %swap3A_248 = vector.load %arg5[%swap3A_246, %swap3A_247] : memref<1024x128xf32, #tpu.memory_space<vmem>>, vector<32x128xf32>
    tpu.vector_store %arg5[%swap3A_246, %swap3A_247], %slice3A_245 {strides = array<i32>} : memref<1024x128xf32, #tpu.memory_space<vmem>>, vector<32x128xf32>,
    return
  }
}

</mosaic_0001>

<sc_bundles>
// kernel: kernel.4.cloned.1.call-start
scs
__scs_entry_jumppad:
0x0: {  	(pc) =	sbr.rel $0x88, $3  }
0x1: {  	(tag) =	ssettag $0x0;
	lr =	simm.s32 $0x1  }
0x2: {  	[smem:$0x3F9C] =	sst lr;
	_ =	strace $0xD0000000  }
0x3: {  	_ = 	snop  }
0x4: {  	_ = 	snop  }
0x5: {  	_ = 	snop  }
0x6: {  	_ = 	snop  }
0x7: {  	_ = 	snop  }
__scs_overlays_trampoline_lowered:
0x8: {  	[smem:$0x3FAB] =	sst s0  }
0x9: {  	[smem:$0x3FAC] =	sst s1  }
0xa: {  	[smem:$0x3FAD] =	sst s2  }
0xb: {  	[smem:$0x3FAE] =	sst s3  }
0xc: {  	[smem:$0x3FAF] =	sst s4  }
0xd: {  	[smem:$0x3FB0] =	sst s5  }
0xe: {  	[smem:$0x3FB1] =	sst s6  }
0xf: {  	[smem:$0x3FB2] =	sst s7  }
0x10: {  	[smem:$0x3FB3] =	sst s8  }
0x11: {  	[smem:$0x3FB4] =	sst s9;
	s0 =	simm.s32 @!p0 $0x0  }
0x12: {  	s1 =	sld [smem:$0x3F9A];
	s0 =	simm.s32 @p0 $0x1  }
0x13: {  	[smem:$0x3FB5] =	sst s0;
	s0 =	simm.s32 @!p1 $0x0  }
0x14: {  	s2 =	sld [smem:$0x3F99];
	s0 =	simm.s32 @p1 $0x1  }
0x15: {  	[smem:$0x3FB6] =	sst s0;
	s0 =	simm.s32 @!p2 $0x0  }
0x16: {  	s3 =	sld [smem:$0x3FDB];
	s0 =	simm.s32 @p2 $0x1  }
0x17: {  	s4 =	simm.s32 $0x1BF5;
	[smem:$0x3FB8] =	sst s0  }
0x18: {  	s0 =	sld [smem:$0x3F9B];
	_ =	swait.ge [sflag:s4], $0x0  }
0x19: {  	s7 =	sld [smem:$0x3F9C]  }
0x1a: {  	s8 =	sadd.s32 $0xFFFFE003, lr  }
0x1b: {  	s9 =	sadd.s32 $0xFFFFFEF7, lr;
	s5 =	simm.s32 $0xFFFFFFFF;
	p2 =	slt.u32 s8, $0xFFFFF086  }
0x1c: {  	p1 =	slt.u32 s9, $0xF7A;
	s5 =	simm.s32 @!p2 $0x0  }
0x1d: {  	s5 =	simm.s32 @p1 $0x1;
	p0 =	seq.s32 s7, s2  }
0x1e: {  	s7 =	smul.u32 @!p0 $0xF7A, s2;
	p2 =	seq.s32 @!p0 s5, $0x0  }
0x1f: {  	s9 =	smul.u32 $0xF7A, s1;
	s8 =	simm.s32 @!p0 $0x1BF5;
	p2 =	por !p2, p0  }
0x20: {  	[sflag:s8] =	ssyncset.s32 @!p0 $0xFFFFF086;
	s6 =	sadd.s32 @!p0 s3, s7;
	s7 =	simm.s32 @!p0 $0x108  }
0x21: {  	s3 =	sadd.s32 s3, s9;
	s6 =	sadd.s32 @!p0 $0x88, s6;
	s7 =	simm.s32 @p2 $0x1082  }
0x22: {  	[simem:s7], [sflag:s8] =	dma.local @!p0 [hbm:s6], $0xF7A  }
0x23: {  	s9 =	sor.u32 $0xD0000000, s2;
	s6 =	simm.s32 $0x108;
	_ =	swait.ge @!p0 [sflag:s8], $0x0  }
0x24: {  	s3 =	sadd.s32 $0x88, s3;
	s6 =	simm.s32 @!p1 $0x1082;
	[sflag:s4] =	ssyncset.s32 $0xFFFFF086  }
0x25: {  	[simem:s6], [sflag:s4] =	dma.local [hbm:s3], $0xF7A  }
0x26: {  	[smem:$0x3F9C] =	sst s1;
	(tag) =	ssettag s2;
	_ =	strace s9  }
0x27: {  	s1 =	sld [smem:$0x3FAC]  }
0x28: {  	s2 =	sld [smem:$0x3FAD]  }
0x29: {  	s4 =	sld [smem:$0x3FAF]  }
0x2a: {  	p0 =	seq.s32 s5, $0x0;
	s5 =	sld [smem:$0x3FB0]  }
0x2b: {  	s6 =	sld [smem:$0x3FB1]  }
0x2c: {  	s7 =	sld [smem:$0x3FB2]  }
0x2d: {  	s3 =	simm.s32 $0x108;
	s8 =	sld [smem:$0x3FB3]  }
0x2e: {  	s3 =	simm.s32 @!p0 $0x1082;
	s9 =	sld [smem:$0x3FB4]  }
0x2f: {  	lr =	sadd.s32 s0, s3;
	s0 =	sld [smem:$0x3FAB]  }
0x30: {  	s3 =	sld [smem:$0x3FAE]  }
0x31: {  	[smem:$0x3FB7] =	sst s10  }
0x32: {  	s10 =	sld [smem:$0x3FB5];
	_ =	sdelay $0x3  }
0x33: {  	p0 =	seq.s32 s10, $0x1;
	s10 =	sld [smem:$0x3FB7];
	_ =	sdelay $0x3  }
0x34: {  	[smem:$0x3FB7] =	sst s10  }
0x35: {  	s10 =	sld [smem:$0x3FB6];
	_ =	sdelay $0x3  }
0x36: {  	p1 =	seq.s32 s10, $0x1;
	s10 =	sld [smem:$0x3FB7];
	_ =	sdelay $0x3  }
0x37: {  	[smem:$0x3FB7] =	sst s10  }
0x38: {  	s10 =	sld [smem:$0x3FB8]  }
0x39: {  	_ = 	snop;
	(pc) =	sbr.ind lr, $3  }
0x3a: {  	_ = 	snop  }
0x3b: {  	_ = 	snop  }
0x3c: {  	p2 =	seq.s32 s10, $0x1;
	s10 =	sld [smem:$0x3FB7]  }
0x3d: {  	_ =	shalt  }
0x3e: {  	_ =	shalt  }
0x3f: {  	_ =	shalt  }
0x40: {  	_ =	shalt  }
0x41: {  	_ =	shalt  }
0x42: {  	_ =	shalt  }
0x43: {  	_ =	shalt  }
0x44: {  	_ =	shalt  }
0x45: {  	_ =	shalt  }
0x46: {  	_ =	shalt  }
0x47: {  	_ =	shalt  }
0x48: {  	_ =	shalt  }
0x49: {  	_ =	shalt  }
0x4a: {  	_ =	shalt  }
0x4b: {  	_ =	shalt  }
0x4c: {  	_ =	shalt  }
0x4d: {  	_ =	shalt  }
0x4e: {  	_ =	shalt  }
0x4f: {  	_ =	shalt  }
0x50: {  	_ =	shalt  }
0x51: {  	_ =	shalt  }
0x52: {  	_ =	shalt  }
0x53: {  	_ =	shalt  }
0x54: {  	_ =	shalt  }
0x55: {  	_ =	shalt  }
0x56: {  	_ =	shalt  }
0x57: {  	_ =	shalt  }
0x58: {  	_ =	shalt  }
0x59: {  	_ =	shalt  }
0x5a: {  	_ =	shalt  }
0x5b: {  	_ =	shalt  }
0x5c: {  	_ =	shalt  }
0x5d: {  	_ =	shalt  }
0x5e: {  	_ =	shalt  }
0x5f: {  	_ =	shalt  }
0x60: {  	_ =	shalt  }
0x61: {  	_ =	shalt  }
0x62: {  	_ =	shalt  }
0x63: {  	_ =	shalt  }
0x64: {  	_ =	shalt  }
0x65: {  	_ =	shalt  }
0x66: {  	_ =	shalt  }
0x67: {  	_ =	shalt  }
0x68: {  	_ =	shalt  }
0x69: {  	_ =	shalt  }
0x6a: {  	_ =	shalt  }
0x6b: {  	_ =	shalt  }
0x6c: {  	_ =	shalt  }
0x6d: {  	_ =	shalt  }
0x6e: {  	_ =	shalt  }
0x6f: {  	_ =	shalt  }
0x70: {  	_ =	shalt  }
0x71: {  	_ =	shalt  }
0x72: {  	_ =	shalt  }
0x73: {  	_ =	shalt  }
0x74: {  	_ =	shalt  }
0x75: {  	_ =	shalt  }
0x76: {  	_ =	shalt  }
0x77: {  	_ =	shalt  }
0x78: {  	_ =	shalt  }
0x79: {  	_ =	shalt  }
0x7a: {  	_ =	shalt  }
0x7b: {  	_ =	shalt  }
0x7c: {  	_ =	shalt  }
0x7d: {  	_ =	shalt  }
0x7e: {  	_ =	shalt  }
0x7f: {  	_ =	shalt  }
0x80: {  	_ =	shalt  }
0x81: {  	_ =	shalt  }
0x82: {  	_ =	shalt  }
0x83: {  	_ =	shalt  }
0x84: {  	_ =	shalt  }
0x85: {  	_ =	shalt  }
0x86: {  	_ =	shalt  }
0x87: {  	_ =	shalt  }
.Lfunc_end0:
.L_simem_size_0:
called_computation_lowered:
.L_overlay_start_0:
0x88: {  	s2 =	sld [smem:$0x3FD9]  }
0x89: {  	s3 =	sld [smem:$0x3FFE];
	_ =	sdelay $0x1  }
0x8a: {  	s1 =	srdreg.scid  }
0x8b: {  	s0 =	sand.u32 $0x1, s1  }
0x8c: {  	s17 =	sshll.u32 s0, $0xA;
	s2 =	sadd.s32 s3, s2  }
0x8d: {  	s2 =	sadd.s32 s2, s17  }
0x8e: {  	[smem:$0x3FC3] =	sst s2  }
0x8f: {  	_ = 	snop  }
0x90: {  	s2 =	sld [smem:$0x3FD0];
	(tm) =	ssettm $0x1  }
0x91: {  	s18 =	sld [smem:$0x3FFB];
	_ =	sdelay $0x3  }
0x92: {  	_ =	strace s18  }
0x93: {  	s3 =	sld [smem:$0x3FFC];
	_ =	sdelay $0x3  }
0x94: {  	_ =	strace s3  }
0x95: {  	s3 =	sld [smem:$0x3FFD];
	_ =	sdelay $0x3  }
0x96: {  	_ =	strace s3  }
0x97: {  	_ =	strace $0x8FFFFFFF  }
0x98: {  	s19 =	sld [smem:$0x3FDB];
	_ =	sdelay $0x1  }
0x99: {  	s4 =	simm.s32 $_scs_section_size  }
0x9a: {  	s5 =	simm.s32 $_size__tile_overlayer_lowered;
	s6 =	simm.s32 $_tile_overlayer_lowered  }
0x9b: {  	s22 =	simm.s32 $0x1BFF;
	s21 =	sshll.u32 s6, $0x1;
	s3 =	sadd.s32 s4, s19  }
0x9c: {  	s7 =	simm.s32 $0x0;
	s20 =	sshll.u32 s5, $0x1;
	s5 =	sadd.s32 s21, s3  }
0x9d: {  	[timem:s7], [sflag:s22] =	dma.local [hbm:s5], s20  }
0x9e: {  	_ =	swait.ge [sflag:s22], s20  }
0x9f: {  	s4 =	ssub.s32 $0x0, s20;
	[sflag:s22] =	ssyncset.done $0x0  }
0xa0: {  	[sflag:s22] =	ssyncadd.s32 s4;
	_ =	sdelay $0x1  }
0xa1: {  	s23 =	simm.s32 $0x1B8B  }
0xa2: {  	_ =	swait.ge [sflag:s23], $0x1  }
0xa3: {  	[sflag:s23] =	ssyncset.done $0x0  }
0xa4: {  	s25 =	simm.s32 $0x1B8E;
	s24 =	sld [smem:$0x3FFE];
	[sflag:s23] =	ssyncadd.s32 $0xFFFFFFFF  }
0xa5: {  	s26 =	simm.s32 $execute0_lowered;
	[smem:$0x3FD2] =	sst s25  }
0xa6: {  	s5 =	sshll.u32 s26, $0x1;
	_ =	strace $0x80000046;
	[dreg:$0x1] =	wrdreg $0xFFFFFFFF  }
0xa7: {  	s28 =	simm.s32 $_size_execute0_lowered;
	s3 =	sadd.s32 s3, s5;
	[dreg:$0x0] =	wrdreg $0x0  }
0xa8: {  	s5 =	sshll.u32 s28, $0x1;
	[dreg:$0x2] =	wrdreg s3  }
0xa9: {  	[dreg:$0x3] =	wrdreg s5  }
0xaa: {  	[dreg:$0x4] =	wrdreg $0xC0  }
0xab: {  	_ =	task [dreg:s7], $0x5FFFF  }
0xac: {  	[dreg:$0x1] =	wrdreg $0xFFFFFFFF  }
0xad: {  	[dreg:$0x0] =	wrdreg $0x60  }
0xae: {  	[dreg:$0x2] =	wrdreg s2  }
0xaf: {  	[dreg:$0x3] =	wrdreg s24  }
0xb0: {  	[dreg:$0x4] =	wrdreg $0x9  }
0xb1: {  	_ =	task.clear_ibuf [dreg:s7], $0x5FFFF;
	_ =	strace $0x90000046  }
0xb2: {  	s29 =	simm.s32 $0x9;
	_ =	strace $0x80000048  }
0xb3: {  	_ =	swait.ge [sflag:s29], $0x1  }
0xb4: {  	[sflag:s29] =	ssyncadd.s32 $0xFFFFFFFF  }
0xb5: {  	_ =	strace $0x90000048  }
0xb6: {  	_ =	sfence  }
0xb7: {  	s30 =	sld [smem:$0x0];
	_ =	sdelay $0x2  }
0xb8: {  	s31 =	sshll.u32 s1, $0xD;
	s1 =	sshrl.u32 s1, $0x2  }
0xb9: {  	s3 =	sand.u32 $0x4000, s31;
	s1 =	sadd.s32 s1, s30  }
0xba: {  	s0 =	sor.u32 s3, s0;
	s1 =	sshll.u32 s1, $0x11  }
0xbb: {  	s0 =	sor.u32 s1, s0  }
0xbc: {  	s0 =	sadd.s32 $0x8F2B, s0  }
0xbd: {  	[sflag:s0] =	ssyncadd.remote.s32 $0x1  }
0xbe: {  	_ =	sfence.sel $0xFFFF  }
0xbf: {  	[dreg:$0x0] =	wrdreg $0xFFFFFFFF;
	(pc) =	sbr.abs _section_cstart, $3  }
0xc0: {  	[dreg:$0x1] =	wrdreg $0xFFFFFFFF  }
0xc1: {  	_ =	task.clear_ibuf [dreg:s7], $0x2FFFF;
	_ =	strace $0x9FFFFFFF  }
0xc2: {  	(tm) =	ssettm $0x7FFFFFFF  }
0xc3: {  	_ =	shalt  }
tec
execute0_lowered:
.L_overlay_start_1:
0x0: {  	(tag) =	ssettag $0x1  }
0x1: {  	v0 =	vlaneseq.u32  }
0x2: {  	v0 =	vmul.u32 $0x10, v0;
	_ =	sdelay $0x1  }
0x3: {  	v1 =	vor.u32 $0x1, v0  }
0x4: {  	v35 =	vor.u32 $0x100, v0;
	[tilespmem:$0x1FE00] =	vst v1  }
0x5: {  	v36 =	vor.u32 $0x101, v0;
	[tilespmem:$0x1FE10] =	vst v35  }
0x6: {  	v37 =	vor.u32 $0x200, v0;
	[tilespmem:$0x1FE20] =	vst v36  }
0x7: {  	v38 =	vor.u32 $0x201, v0;
	[tilespmem:$0x1FE30] =	vst v37  }
0x8: {  	v39 =	vor.u32 $0x300, v0;
	[tilespmem:$0x1FE40] =	vst v38  }
0x9: {  	v40 =	vor.u32 $0x301, v0;
	[tilespmem:$0x1FE50] =	vst v39  }
0xa: {  	v41 =	vor.u32 $0x400, v0;
	[tilespmem:$0x1FE60] =	vst v40  }
0xb: {  	v42 =	vor.u32 $0x401, v0;
	[tilespmem:$0x1FE70] =	vst v41  }
0xc: {  	s4 =	rddreg [dreg:$0x0];
	v43 =	vor.u32 $0x500, v0;
	[tilespmem:$0x1FE80] =	vst v42  }
0xd: {  	s5 =	rddreg [dreg:$0x1];
	s1 =	simm.s32 $0x0;
	v44 =	vor.u32 $0x501, v0;
	[tilespmem:$0x1FE90] =	vst v43  }
0xe: {  	[smem:$0x7FF] =	sst s1;
	v45 =	vor.u32 $0x600, v0;
	[tilespmem:$0x1FEA0] =	vst v44  }
0xf: {  	s0 =	rddreg [dreg:$0x2];
	v46 =	vor.u32 $0x601, v0;
	_ =	strace $0x80000047;
	[tilespmem:$0x1FEB0] =	vst v45  }
0x10: {  	v47 =	vor.u32 $0x700, v0;
	[tilespmem:$0x1FEC0] =	vst v46  }
0x11: {  	v48 =	vor.u32 $0x701, v0;
	[tilespmem:$0x1FED0] =	vst v47  }
0x12: {  	v49 =	vor.u32 $0x800, v0;
	[tilespmem:$0x1FEE0] =	vst v48  }
0x13: {  	v50 =	vor.u32 $0x801, v0;
	[tilespmem:$0x1FEF0] =	vst v49  }
0x14: {  	v51 =	vor.u32 $0x900, v0;
	[tilespmem:$0x1FF00] =	vst v50  }
0x15: {  	v52 =	vor.u32 $0x901, v0;
	[tilespmem:$0x1FF10] =	vst v51  }
0x16: {  	v53 =	vor.u32 $0xA00, v0;
	[tilespmem:$0x1FF20] =	vst v52  }
0x17: {  	v54 =	vor.u32 $0xA01, v0;
	[tilespmem:$0x1FF30] =	vst v53  }
0x18: {  	s6 =	srdreg.scid;
	s2 =	stileid.u32;
	v55 =	vor.u32 $0xB00, v0;
	[tilespmem:$0x1FF40] =	vst v54  }
0x19: {  	s10 =	simm.s32 $0x100;
	s11 =	simm.s32 $0x180;
	s12 =	simm.s32 $0x4400;
	v56 =	vor.u32 $0xB01, v0;
	[tilespmem:$0x1FF50] =	vst v55  }
0x1a: {  	s13 =	simm.s32 $0x200;
	s14 =	simm.s32 $0x8400;
	s15 =	simm.s32 $0x280;
	v57 =	vor.u32 $0xC00, v0;
	[tilespmem:$0x1FF60] =	vst v56  }
0x1b: {  	s16 =	simm.s32 $0xC400;
	s17 =	simm.s32 $0x1;
	s18 =	simm.s32 $0x10400;
	v58 =	vor.u32 $0xC01, v0;
	[tilespmem:$0x1FF70] =	vst v57  }
0x1c: {  	s19 =	simm.s32 $0x0;
	s3 =	sadd.s32 $0xE00, s5;
	s6 =	sand.u32 $0x1, s6;
	v59 =	vor.u32 $0xD00, v0;
	[tilespmem:$0x1FF80] =	vst v58  }
0x1d: {  	s7 =	sshll.u32 s2, $0x8;
	s8 =	sshrl.u32 s2, $0x2;
	s9 =	sshll.u32 s6, $0x7;
	v60 =	vor.u32 $0xD01, v0;
	[tilespmem:$0x1FF90] =	vst v59  }
0x1e: {  	s7 =	sand.u32 $0x300, s7;
	s29 =	sshll.u32 s8, $0xA;
	s6 =	ssub.s32 $0x2, s6;
	v61 =	vor.u32 $0xE00, v0;
	[tilespmem:$0x1FFA0] =	vst v60  }
0x1f: {  	s8 =	sshll.u32 s8, $0xB;
	s7 =	sor.u32 s9, s7;
	s31 =	sshrl.u32 s6, $0x1;
	v62 =	vor.u32 $0xE01, v0;
	[tilespmem:$0x1FFB0] =	vst v61  }
0x20: {  	v63 =	vor.u32 $0xF00, v0;
	s9 =	sor.u32 s29, s7;
	s7 =	sor.u32 s8, s7;
	s6 =	ssub.s32 s6, s31;
	[tilespmem:$0x1FFC0] =	vst v62  }
0x21: {  	s8 =	simm.s32 $0x400;
	s30 =	sshrl.u32 s9, $0x3;
	s7 =	sshrl.u32 s7, $0x3;
	[tilespmem:$0x1FFD0] =	vst v63  }
0x22: {  	[tilespmem:$0x1FFE0] =	vst v0;
	v0 =	vor.u32 $0xF01, v0;
	s6 =	smax.u32 s6, $0x1;
	s9 =	simm.s32 $0x2;
	s5 =	sadd.s32 s30, s5  }
0x23: {  	v33 =	vimm.s32 $0x0;
	s4 =	sadd.s32 s4, s7;
	[tilespmem:$0x1FFF0] =	vst v0;
	s7 =	simm.s32 $0x80;
	s5 =	sadd.s32 $0x10E00, s5  }
.LBB2_1:
0x24: {  	[tilespmem:s1], [sflag:$0x2] =	stream.strided.gather [hbm4b:s4+s7], $0x100, s8, s7, $0x38;
	[tilespmem:$0x10480] =	vst v63  }
0x25: {  	_ =	swait.ge [sflag:s9], $0x100  }
0x26: {  	[sflag:s9] =	ssyncset.done $0x0  }
0x27: {  	[sflag:s9] =	ssyncadd.s32 $0xFFFFFF00  }
0x28: {  	v0 =	vld [tilespmem:$0x0];
	_ =	sdelay $0x3  }
0x29: {  	v1 =	vld [tilespmem:$0x10]  }
0x2a: {  	v2 =	vld [tilespmem:$0x20];
	v0 =	vmax.f32 v0, $-1.000000000e+00  }
0x2b: {  	v4 =	vld [tilespmem:$0x30];
	v0 =	vmin.f32 v0, $1.000000000e+00  }
0x2c: {  	v7 =	vld [tilespmem:$0x40];
	v0 =	vadd.f32 $1.000000000e+00, v0  }
0x2d: {  	v11 =	vld [tilespmem:$0x50]  }
0x2e: {  	v14 =	vld [tilespmem:$0x70];
	v0 =	vmul.f32 $7.500000000e+00, v0  }
0x2f: {  	v1 =	vmax.f32 v1, $-1.000000000e+00  }
0x30: {  	v2 =	vmax.f32 v2, $-1.000000000e+00;
	v4 =	vmax.f32 v4, $-1.000000000e+00;
	v3 =	vtrunc.f32 v0  }
0x31: {  	v7 =	vmax.f32 v7, $-1.000000000e+00;
	v1 =	vmin.f32 v1, $1.000000000e+00;
	v3 =	vcvt.f32.s32 v3  }
0x32: {  	v8 =	vld [tilespmem:$0x1FFE0];
	v11 =	vmax.f32 v11, $-1.000000000e+00;
	v2 =	vmin.f32 v2, $1.000000000e+00;
	v1 =	vadd.f32 $1.000000000e+00, v1  }
0x33: {  	v12 =	vld [tilespmem:$0x1FE00];
	v14 =	vmax.f32 v14, $-1.000000000e+00;
	v2 =	vadd.f32 $1.000000000e+00, v2;
	vm0 =	vgt.s32 v3, $0x0  }
0x34: {  	v4 =	vmin.f32 v4, $1.000000000e+00;
	v1 =	vmul.f32 $7.500000000e+00, v1;
	v3 =	vnsel vm0, $0x0, v3  }
0x35: {  	v7 =	vmin.f32 v7, $1.000000000e+00;
	v2 =	vmul.f32 $7.500000000e+00, v2;
	v3 =	vmin.u32 v3, $0xE  }
0x36: {  	v11 =	vmin.f32 v11, $1.000000000e+00;
	v6 =	vtrunc.f32 v1;
	v5 =	vcvt.s32.f32 v3  }
0x37: {  	v13 =	vld [tilespmem:$0x1FE20];
	v4 =	vadd.f32 $1.000000000e+00, v4;
	v6 =	vcvt.f32.s32 v6;
	v8 =	vor.u32 v8, v3  }
0x38: {  	v3 =	vadd.s32 v12, v3;
	v12 =	vld [tilespmem:$0x1FE10];
	v0 =	vsub.f32 v0, v5;
	v5 =	vtrunc.f32 v2  }
0x39: {  	v4 =	vmul.f32 $7.500000000e+00, v4;
	vm13 =	vgt.s32 v6, $0x0;
	v5 =	vcvt.f32.s32 v5  }
0x3a: {  	v7 =	vadd.f32 $1.000000000e+00, v7;
	v11 =	vadd.f32 $1.000000000e+00, v11;
	v6 =	vnsel vm13, $0x0, v6  }
0x3b: {  	v10 =	vtrunc.f32 v4;
	v6 =	vmin.u32 v6, $0xE;
	vm14 =	vgt.s32 v5, $0x0  }
0x3c: {  	v10 =	vcvt.f32.s32 v10;
	v9 =	vcvt.s32.f32 v6;
	v5 =	vnsel vm14, $0x0, v5  }
0x3d: {  	v12 =	vor.u32 v12, v6;
	v6 =	vadd.s32 v13, v6;
	v13 =	vld [tilespmem:$0x60];
	v5 =	vmin.u32 v5, $0xE  }
0x3e: {  	v7 =	vmul.f32 $7.500000000e+00, v7;
	v1 =	vsub.f32 v1, v9;
	v9 =	vcvt.s32.f32 v5  }
0x3f: {  	v14 =	vmin.f32 v14, $1.000000000e+00;
	v11 =	vmul.f32 $7.500000000e+00, v11;
	vm15 =	vgt.s32 v10, $0x0  }
0x40: {  	v15 =	vld [tilespmem:$0x1FE30];
	v2 =	vsub.f32 v2, v9;
	v9 =	vnsel vm15, $0x0, v10;
	v10 =	vtrunc.f32 v7  }
0x41: {  	v17 =	vld [tilespmem:$0x1FE40];
	v14 =	vadd.f32 $1.000000000e+00, v14;
	v9 =	vmin.u32 v9, $0xE;
	v10 =	vcvt.f32.s32 v10  }
0x42: {  	v18 =	vtrunc.f32 v11;
	v13 =	vmax.f32 v13, $-1.000000000e+00;
	v16 =	vcvt.s32.f32 v9  }
0x43: {  	v18 =	vcvt.f32.s32 v18;
	v13 =	vmin.f32 v13, $1.000000000e+00;
	vm4 =	vgt.s32 v10, $0x0  }
0x44: {  	v13 =	vadd.f32 $1.000000000e+00, v13;
	v4 =	vsub.f32 v4, v16;
	v10 =	vnsel vm4, $0x0, v10;
	v16 =	vld [tilespmem:$0x80]  }
0x45: {  	vm5 =	vgt.s32 v18, $0x0;
	v15 =	vor.u32 v15, v5;
	v10 =	vmin.u32 v10, $0xE  }
0x46: {  	v19 =	vld [tilespmem:$0x1FE50];
	[tilespmem:$0x100] =	vst v8;
	v5 =	vadd.s32 v17, v5;
	v13 =	vmul.f32 $7.500000000e+00, v13;
	v17 =	vcvt.s32.f32 v10  }
0x47: {  	v20 =	vld [tilespmem:$0x1FE60];
	v14 =	vmul.f32 $7.500000000e+00, v14;
	[tilespmem:$0x300] =	vst v0;
	v0 =	vnsel vm5, $0x0, v18  }
0x48: {  	[tilespmem:$0x200] =	vst v3;
	v0 =	vmin.u32 v0, $0xE;
	v7 =	vsub.f32 v7, v17;
	v17 =	vtrunc.f32 v13  }
0x49: {  	[tilespmem:$0x310] =	vst v1;
	v3 =	vcvt.f32.s32 v17;
	v17 =	vtrunc.f32 v14;
	v16 =	vmax.f32 v16, $-1.000000000e+00  }
0x4a: {  	v8 =	vld [tilespmem:$0x1FE70];
	[tilespmem:$0x210] =	vst v6;
	v6 =	vcvt.s32.f32 v0;
	v17 =	vcvt.f32.s32 v17;
	v16 =	vmin.f32 v16, $1.000000000e+00  }
0x4b: {  	[tilespmem:$0x110] =	vst v12;
	v19 =	vor.u32 v19, v9;
	vm6 =	vgt.s32 v3, $0x0;
	v12 =	vadd.f32 $1.000000000e+00, v16  }
0x4c: {  	[tilespmem:$0x120] =	vst v15;
	v9 =	vadd.s32 v20, v9;
	v3 =	vnsel vm6, $0x0, v3;
	vm7 =	vgt.s32 v17, $0x0  }
0x4d: {  	v15 =	vld [tilespmem:$0x1FE80];
	[tilespmem:$0x220] =	vst v5;
	v1 =	vmin.u32 v3, $0xE;
	v3 =	vnsel vm7, $0x0, v17;
	v12 =	vmul.f32 $7.500000000e+00, v12  }
0x4e: {  	v5 =	vsub.f32 v11, v6;
	[tilespmem:$0x230] =	vst v9;
	v9 =	vld [tilespmem:$0x1FEA0];
	v3 =	vmin.u32 v3, $0xE  }
0x4f: {  	v8 =	vor.u32 v8, v10;
	v16 =	vld [tilespmem:$0x90];
	v6 =	vcvt.s32.f32 v3;
	v11 =	vtrunc.f32 v12  }
0x50: {  	[tilespmem:$0x140] =	vst v8;
	v8 =	vld [tilespmem:$0x1FEC0];
	v11 =	vcvt.f32.s32 v11  }
0x51: {  	v6 =	vsub.f32 v14, v6;
	v14 =	vld [tilespmem:$0x1FE90]  }
0x52: {  	v10 =	vadd.s32 v15, v10;
	v17 =	vld [tilespmem:$0xA0];
	v15 =	vcvt.s32.f32 v1;
	vm8 =	vgt.s32 v11, $0x0  }
0x53: {  	[tilespmem:$0x330] =	vst v4;
	v4 =	vnsel vm8, $0x0, v11;
	v11 =	vld [tilespmem:$0x1FEB0]  }
0x54: {  	[tilespmem:$0x320] =	vst v2;
	v2 =	vsub.f32 v13, v15;
	v13 =	vmax.f32 v16, $-1.000000000e+00;
	v15 =	vld [tilespmem:$0xB0]  }
0x55: {  	v13 =	vmin.f32 v13, $1.000000000e+00  }
0x56: {  	v14 =	vor.u32 v14, v0;
	v0 =	vadd.s32 v9, v0;
	v9 =	vadd.f32 $1.000000000e+00, v13;
	_ =	sdelay $0x1  }
0x57: {  	[tilespmem:$0x240] =	vst v10;
	v11 =	vor.u32 v11, v1;
	v1 =	vadd.s32 v8, v1;
	v8 =	vmul.f32 $7.500000000e+00, v9  }
0x58: {  	v10 =	vmax.f32 v15, $-1.000000000e+00;
	v13 =	vmax.f32 v17, $-1.000000000e+00;
	[tilespmem:$0x160] =	vst v11;
	v11 =	vld [tilespmem:$0x1FEF0]  }
0x59: {  	v10 =	vmin.f32 v10, $1.000000000e+00;
	v9 =	vmin.f32 v13, $1.000000000e+00;
	[tilespmem:$0x260] =	vst v1;
	v1 =	vld [tilespmem:$0x1FF00];
	v13 =	vtrunc.f32 v8  }
0x5a: {  	v4 =	vmin.u32 v4, $0xE;
	v10 =	vadd.f32 $1.000000000e+00, v10;
	v13 =	vcvt.f32.s32 v13  }
0x5b: {  	[tilespmem:$0x340] =	vst v7;
	v7 =	vcvt.s32.f32 v4;
	v15 =	vld [tilespmem:$0x1FEE0]  }
0x5c: {  	[tilespmem:$0x250] =	vst v0;
	v0 =	vld [tilespmem:$0x1FED0];
	v10 =	vmul.f32 $7.500000000e+00, v10;
	vm9 =	vgt.s32 v13, $0x0  }
0x5d: {  	[tilespmem:$0x150] =	vst v14;
	v14 =	vld [tilespmem:$0xC0];
	v7 =	vsub.f32 v12, v7;
	v11 =	vor.u32 v11, v4;
	v12 =	vnsel vm9, $0x0, v13  }
0x5e: {  	v1 =	vadd.s32 v1, v4;
	v4 =	vmin.u32 v12, $0xE;
	v12 =	vtrunc.f32 v10  }
0x5f: {  	[tilespmem:$0x360] =	vst v2;
	v9 =	vadd.f32 $1.000000000e+00, v9;
	v2 =	vcvt.f32.s32 v12  }
0x60: {  	[tilespmem:$0x280] =	vst v1;
	v1 =	vld [tilespmem:$0x1FF10]  }
0x61: {  	v9 =	vmul.f32 $7.500000000e+00, v9;
	v0 =	vor.u32 v0, v3;
	vm11 =	vgt.s32 v2, $0x0  }
0x62: {  	v3 =	vadd.s32 v15, v3;
	v12 =	vmax.f32 v14, $-1.000000000e+00;
	v2 =	vnsel vm11, $0x0, v2  }
0x63: {  	[tilespmem:$0x350] =	vst v5;
	v5 =	vtrunc.f32 v9;
	v12 =	vmin.f32 v12, $1.000000000e+00;
	v2 =	vmin.u32 v2, $0xE  }
0x64: {  	[tilespmem:$0x270] =	vst v3;
	v5 =	vcvt.f32.s32 v5;
	v3 =	vadd.f32 $1.000000000e+00, v12;
	v12 =	vcvt.s32.f32 v2  }
0x65: {  	v1 =	vor.u32 v1, v4  }
0x66: {  	vm10 =	vgt.s32 v5, $0x0;
	[tilespmem:$0x190] =	vst v1;
	v1 =	vsub.f32 v10, v12;
	v10 =	vld [tilespmem:$0x1FF20]  }
0x67: {  	[tilespmem:$0x170] =	vst v0;
	v0 =	vnsel vm10, $0x0, v5;
	v5 =	vcvt.s32.f32 v4;
	_ =	sdelay $0x1  }
0x68: {  	v5 =	vsub.f32 v8, v5;
	_ =	sdelay $0x1  }
0x69: {  	[tilespmem:$0x390] =	vst v5;
	v5 =	vld [tilespmem:$0x1FF40];
	v4 =	vadd.s32 v10, v4  }
0x6a: {  	[tilespmem:$0x290] =	vst v4;
	v4 =	vld [tilespmem:$0x1FF30];
	_ =	sdelay $0x2  }
0x6b: {  	v13 =	vld [tilespmem:$0xD0];
	v0 =	vmin.u32 v0, $0xE  }
0x6c: {  	[tilespmem:$0x370] =	vst v6;
	v6 =	vcvt.s32.f32 v0  }
0x6d: {  	[tilespmem:$0x380] =	vst v7;
	v3 =	vmul.f32 $7.500000000e+00, v3;
	v4 =	vor.u32 v4, v0;
	v0 =	vadd.s32 v5, v0  }
0x6e: {  	[tilespmem:$0x2A0] =	vst v0;
	v0 =	vld [tilespmem:$0x1FF50]  }
0x6f: {  	[tilespmem:$0x180] =	vst v11;
	v7 =	vtrunc.f32 v3  }
0x70: {  	v11 =	vmax.f32 v13, $-1.000000000e+00;
	v6 =	vsub.f32 v9, v6;
	v7 =	vcvt.f32.s32 v7;
	[tilespmem:$0x3B0] =	vst v1;
	v1 =	vld [tilespmem:$0x1FF70]  }
0x71: {  	v11 =	vmin.f32 v11, $1.000000000e+00  }
0x72: {  	v8 =	vld [tilespmem:$0xE0];
	v9 =	vadd.f32 $1.000000000e+00, v11;
	[tilespmem:$0x3A0] =	vst v6;
	vm12 =	vgt.s32 v7, $0x0  }
0x73: {  	v11 =	vld [tilespmem:$0xF0];
	[tilespmem:$0x1A0] =	vst v4;
	v4 =	vnsel vm12, $0x0, v7;
	v0 =	vor.u32 v0, v2  }
0x74: {  	v9 =	vmul.f32 $7.500000000e+00, v9;
	v6 =	vld [tilespmem:$0x1FF60];
	[tilespmem:$0x1B0] =	vst v0;
	v0 =	vmin.u32 v4, $0xE  }
0x75: {  	v1 =	vor.u32 v1, v0  }
0x76: {  	v7 =	vtrunc.f32 v9;
	[tilespmem:$0x1C0] =	vst v1;
	v1 =	vld [tilespmem:$0x1FF80]  }
0x77: {  	v8 =	vmax.f32 v8, $-1.000000000e+00;
	v7 =	vcvt.f32.s32 v7  }
0x78: {  	v5 =	vmin.f32 v8, $1.000000000e+00;
	v8 =	vmax.f32 v11, $-1.000000000e+00  }
0x79: {  	vm13 =	vgt.s32 v7, $0x0;
	v2 =	vadd.s32 v6, v2;
	v6 =	vmin.f32 v8, $1.000000000e+00  }
0x7a: {  	v4 =	vadd.f32 $1.000000000e+00, v6;
	v6 =	vnsel vm13, $0x0, v7  }
0x7b: {  	[tilespmem:$0x2B0] =	vst v2;
	v2 =	vcvt.s32.f32 v0;
	v0 =	vadd.s32 v1, v0;
	v1 =	vmin.u32 v6, $0xE;
	v6 =	vld [tilespmem:$0x1FF90];
	_ =	sdelay $0x1  }
0x7c: {  	v5 =	vadd.f32 $1.000000000e+00, v5;
	_ =	sdelay $0x1  }
0x7d: {  	v5 =	vmul.f32 $7.500000000e+00, v5  }
0x7e: {  	[tilespmem:$0x2C0] =	vst v0;
	v0 =	vcvt.s32.f32 v1;
	v6 =	vor.u32 v6, v1  }
0x7f: {  	v7 =	vtrunc.f32 v5;
	[tilespmem:$0x1D0] =	vst v6;
	v6 =	vld [tilespmem:$0x1FFA0]  }
0x80: {  	v7 =	vcvt.f32.s32 v7;
	v0 =	vsub.f32 v9, v0  }
0x81: {  	v2 =	vsub.f32 v3, v2  }
0x82: {  	vm14 =	vgt.s32 v7, $0x0;
	[tilespmem:$0x3D0] =	vst v0;
	v0 =	vld [tilespmem:$0x1FFB0]  }
0x83: {  	[tilespmem:$0x3C0] =	vst v2;
	v2 =	vnsel vm14, $0x0, v7  }
0x84: {  	v2 =	vmin.u32 v2, $0xE;
	v1 =	vadd.s32 v6, v1  }
0x85: {  	[tilespmem:$0x2D0] =	vst v1;
	v1 =	vcvt.s32.f32 v2  }
0x86: {  	v4 =	vmul.f32 $7.500000000e+00, v4  }
0x87: {  	v0 =	vor.u32 v0, v2;
	v1 =	vsub.f32 v5, v1  }
0x88: {  	v3 =	vtrunc.f32 v4;
	[tilespmem:$0x1E0] =	vst v0;
	v0 =	vld [tilespmem:$0x1FFC0]  }
0x89: {  	v3 =	vcvt.f32.s32 v3;
	[tilespmem:$0x3E0] =	vst v1;
	v1 =	vld [tilespmem:$0x1FFD0];
	_ =	sdelay $0x1  }
0x8a: {  	vm15 =	vgt.s32 v3, $0x0  }
0x8b: {  	v3 =	vnsel vm15, $0x0, v3  }
0x8c: {  	v0 =	vadd.s32 v0, v2;
	v2 =	vmin.u32 v3, $0xE  }
0x8d: {  	v1 =	vor.u32 v1, v2  }
0x8e: {  	[tilespmem:$0x1F0] =	vst v1;
	v1 =	vld [tilespmem:$0x1FFF0]  }
0x8f: {  	[tilespmem:$0x2E0] =	vst v0;
	v0 =	vcvt.s32.f32 v2;
	_ =	sdelay $0x1  }
0x90: {  	v0 =	vsub.f32 v4, v0  }
0x91: {  	[tilespmem:$0x130] =	vst v19  }
0x92: {  	[tilespmem:$0x3F0] =	vst v0;
	v1 =	vadd.s32 v1, v2  }
0x93: {  	[tilespmem:$0x2F0] =	vst v1  }
0x94: {  	[tilespmem:s8], [sflag:$0x1] =	stream.indirect.gather [hbm4b:s3+s7], $0x80, s10, s7, $0xb8;
	[tilespmem:$0x10480] =	vst v63  }
0x95: {  	_ = 	snop  }
0x96: {  	[tilespmem:s12], [sflag:$0x1] =	stream.indirect.gather [hbm4b:s3+s7], $0x80, s11, s7, $0xb8;
	[tilespmem:$0x10480] =	vst v63  }
0x97: {  	_ = 	snop  }
0x98: {  	[tilespmem:s14], [sflag:$0x1] =	stream.indirect.gather [hbm4b:s3+s7], $0x80, s13, s7, $0xb8;
	[tilespmem:$0x10480] =	vst v63  }
0x99: {  	_ = 	snop  }
0x9a: {  	[tilespmem:s16], [sflag:$0x1] =	stream.indirect.gather [hbm4b:s3+s7], $0x80, s15, s7, $0xb8;
	[tilespmem:$0x10480] =	vst v63  }
0x9b: {  	_ =	swait.ge [sflag:s17], $0x4000  }
0x9c: {  	[sflag:s17] =	ssyncset.done $0x0  }
0x9d: {  	[sflag:s17] =	ssyncadd.s32 $0xFFFFC000  }
0x9e: {  	_ =	swait.ge [sflag:s17], $0x4000  }
0x9f: {  	[sflag:s17] =	ssyncset.done $0x0  }
0xa0: {  	[sflag:s17] =	ssyncadd.s32 $0xFFFFC000  }
0xa1: {  	_ =	swait.ge [sflag:s17], $0x4000  }
0xa2: {  	[sflag:s17] =	ssyncset.done $0x0  }
0xa3: {  	[sflag:s17] =	ssyncadd.s32 $0xFFFFC000  }
0xa4: {  	v36 =	vimm.f32 $0.0e+00;
	v15 =	vimm.f32 $0.0e+00;
	_ =	swait.ge [sflag:s17], $0x4000  }
0xa5: {  	v10 =	vimm.f32 $0.0e+00;
	v11 =	vimm.f32 $0.0e+00;
	v8 =	vimm.f32 $0.0e+00;
	[sflag:s17] =	ssyncset.done $0x0  }
0xa6: {  	s20 =	simm.s32 $0x0;
	v9 =	vimm.f32 $0.0e+00;
	v3 =	vimm.f32 $0.0e+00;
	v1 =	vimm.f32 $0.0e+00;
	[sflag:s17] =	ssyncadd.s32 $0xFFFFC000  }
.LBB2_2:
0xa7: {  	s21 =	sshll.u32 s20, $0x4  }
0xa8: {  	s22 =	sshll.u32 s20, $0xB;
	s21 =	sand.u32 $0x3FFFFFF0, s21  }
0xa9: {  	s31 =	sand.u32 $0x3FFFF800, s22;
	v48 =	vld [tilespmem:s21+$0x300]  }
0xaa: {  	v14 =	vld [tilespmem:s31+$0x400]  }
0xab: {  	v5 =	vld [tilespmem:s31+$0x8400]  }
0xac: {  	v16 =	vld [tilespmem:s31+$0x410]  }
0xad: {  	v17 =	vld [tilespmem:s31+$0x8410]  }
0xae: {  	v19 =	vld [tilespmem:s31+$0x420]  }
0xaf: {  	v22 =	vld [tilespmem:s31+$0x8420]  }
0xb0: {  	v24 =	vld [tilespmem:s31+$0x430]  }
0xb1: {  	v25 =	vld [tilespmem:s31+$0x8430]  }
0xb2: {  	v26 =	vld [tilespmem:s31+$0x440]  }
0xb3: {  	v27 =	vld [tilespmem:s31+$0x8440]  }
0xb4: {  	v29 =	vld [tilespmem:s31+$0x450]  }
0xb5: {  	v54 =	vld [tilespmem:s31+$0x8450]  }
0xb6: {  	v35 =	vld [tilespmem:s31+$0x460]  }
0xb7: {  	v55 =	vld [tilespmem:s31+$0x8460]  }
0xb8: {  	v57 =	vld [tilespmem:s31+$0x470]  }
0xb9: {  	v56 =	vld [tilespmem:s31+$0x8470]  }
0xba: {  	v59 =	vld [tilespmem:s31+$0x480]  }
0xbb: {  	v61 =	vld [tilespmem:s31+$0x8480]  }
0xbc: {  	v62 =	vld [tilespmem:s31+$0x490]  }
0xbd: {  	v0 =	vld [tilespmem:s31+$0x8520]  }
0xbe: {  	v37 =	vld [tilespmem:s31+$0x8490]  }
0xbf: {  	v38 =	vld [tilespmem:s31+$0x4A0]  }
0xc0: {  	v39 =	vld [tilespmem:s31+$0x84A0]  }
0xc1: {  	v40 =	vld [tilespmem:s31+$0x4B0]  }
0xc2: {  	[tilespmem:$0x1FD70] =	vst v0;
	v0 =	vld [tilespmem:s31+$0x8540]  }
0xc3: {  	v41 =	vld [tilespmem:s31+$0x84B0]  }
0xc4: {  	v42 =	vld [tilespmem:s31+$0x4C0]  }
0xc5: {  	v43 =	vld [tilespmem:s31+$0x84C0]  }
0xc6: {  	v44 =	vld [tilespmem:s31+$0x4D0]  }
0xc7: {  	[tilespmem:$0x1FD80] =	vst v0;
	v0 =	vld [tilespmem:s31+$0x8550]  }
0xc8: {  	v45 =	vld [tilespmem:s31+$0x84D0]  }
0xc9: {  	v46 =	vld [tilespmem:s31+$0x4E0]  }
0xca: {  	v47 =	vld [tilespmem:s31+$0x84E0]  }
0xcb: {  	v2 =	vld [tilespmem:s31+$0x4F0]  }
0xcc: {  	[tilespmem:$0x1FD90] =	vst v0;
	v0 =	vld [tilespmem:s31+$0x8560]  }
0xcd: {  	v28 =	vld [tilespmem:s31+$0x84F0]  }
0xce: {  	v4 =	vld [tilespmem:s31+$0x500]  }
0xcf: {  	v30 =	vld [tilespmem:s31+$0x8500]  }
0xd0: {  	v12 =	vld [tilespmem:s31+$0x510]  }
0xd1: {  	[tilespmem:$0x1FDA0] =	vst v0;
	v0 =	vld [tilespmem:s31+$0x8570]  }
0xd2: {  	v31 =	vld [tilespmem:s31+$0x8510]  }
0xd3: {  	v6 =	vld [tilespmem:s31+$0x520]  }
0xd4: {  	v13 =	vld [tilespmem:s31+$0x530]  }
0xd5: {  	v34 =	vld [tilespmem:s31+$0x8530]  }
0xd6: {  	[tilespmem:$0x1FDB0] =	vst v0;
	v0 =	vld [tilespmem:s31+$0x8580]  }
0xd7: {  	v32 =	vld [tilespmem:s31+$0x540]  }
0xd8: {  	v23 =	vld [tilespmem:s31+$0x550]  }
0xd9: {  	v20 =	vld [tilespmem:s31+$0x560]  }
0xda: {  	v21 =	vld [tilespmem:s31+$0x570]  }
0xdb: {  	[tilespmem:$0x1FDC0] =	vst v0;
	v0 =	vld [tilespmem:s31+$0x8590]  }
0xdc: {  	v18 =	vld [tilespmem:s31+$0x580]  }
0xdd: {  	v7 =	vld [tilespmem:s31+$0x590]  }
0xde: {  	v60 =	vld [tilespmem:s31+$0x5A0]  }
0xdf: {  	v58 =	vld [tilespmem:s31+$0x5B0]  }
0xe0: {  	[tilespmem:$0x1FDD0] =	vst v0;
	v0 =	vld [tilespmem:s31+$0x85A0]  }
0xe1: {  	v51 =	vld [tilespmem:s31+$0x5C0]  }
0xe2: {  	v52 =	vld [tilespmem:s31+$0x5D0];
	v63 =	vperm.xlane v48, v33;
	v49 =	vsub.f32 v5, v14  }
0xe3: {  	v53 =	vld [tilespmem:s31+$0x5F0]  }
0xe4: {  	v5 =	vld [tilespmem:s31+$0x85B0];
	v17 =	vsub.f32 v17, v16;
	v22 =	vsub.f32 v22, v19;
	v49 =	vmul.f32 v49, v63  }
0xe5: {  	v25 =	vsub.f32 v25, v24;
	[tilespmem:$0x1FDE0] =	vst v0;
	v0 =	vld [tilespmem:s31+$0x85C0]  }
0xe6: {  	v17 =	vmul.f32 v17, v63;
	v22 =	vmul.f32 v22, v63;
	v50 =	vadd.f32 v49, v14;
	v14 =	vld [tilespmem:s31+$0x85D0]  }
0xe7: {  	v27 =	vsub.f32 v27, v26;
	v49 =	vld [tilespmem:s31+$0x5E0]  }
0xe8: {  	v17 =	vadd.f32 v17, v16;
	v19 =	vadd.f32 v22, v19;
	v16 =	vld [tilespmem:s31+$0x85F0];
	v22 =	vmul.f32 v25, v63  }
0xe9: {  	v25 =	vmul.f32 v27, v63;
	v27 =	vld [tilespmem:s31+$0x8630];
	v33 =	vadd.f32 v50, v9;
	v50 =	vsub.f32 v54, v29  }
0xea: {  	v9 =	vld [tilespmem:s31+$0x85E0];
	v17 =	vadd.f32 v17, v10;
	[tilespmem:$0x1FDF0] =	vst v0;
	v0 =	vadd.f32 v19, v15  }
0xeb: {  	v54 =	vld [tilespmem:s31+$0x600];
	v19 =	vadd.f32 v22, v24;
	v22 =	vadd.f32 v25, v26;
	v24 =	vmul.f32 v50, v63  }
0xec: {  	v10 =	vld [tilespmem:s31+$0x8610];
	v25 =	vsub.f32 v55, v35;
	v26 =	vsub.f32 v56, v57  }
0xed: {  	v15 =	vld [tilespmem:s31+$0x8600];
	v55 =	vimm.s32 $0x1;
	v24 =	vadd.f32 v24, v29  }
0xee: {  	v50 =	vld [tilespmem:s31+$0x610];
	v11 =	vadd.f32 v22, v11;
	v22 =	vmul.f32 v25, v63;
	v25 =	vmul.f32 v26, v63  }
0xef: {  	v56 =	vld [tilespmem:s31+$0x620];
	v29 =	vperm.xlane v48, v55;
	v24 =	vadd.f32 v24, v3;
	v3 =	vsub.f32 v61, v59  }
0xf0: {  	v8 =	vadd.f32 v19, v8;
	v19 =	vld [tilespmem:s31+$0x8620];
	v22 =	vadd.f32 v22, v35  }
0xf1: {  	v63 =	vld [tilespmem:s31+$0x630];
	v25 =	vadd.f32 v25, v57;
	v57 =	vsub.f32 v37, v62;
	v3 =	vmul.f32 v3, v29  }
0xf2: {  	v55 =	vld [tilespmem:s31+$0x640];
	v61 =	vsub.f32 v39, v38;
	v22 =	vadd.f32 v22, v1  }
0xf3: {  	v26 =	vld [tilespmem:s31+$0x8670];
	v1 =	vadd.f32 v3, v59;
	v3 =	vmul.f32 v57, v29;
	v57 =	vsub.f32 v41, v40  }
0xf4: {  	v37 =	vld [tilespmem:s31+$0x8640];
	v36 =	vadd.f32 v25, v36;
	v25 =	vmul.f32 v61, v29;
	v61 =	vsub.f32 v43, v42  }
0xf5: {  	v39 =	vld [tilespmem:s31+$0x8650];
	v43 =	vadd.f32 v1, v33;
	v1 =	vmul.f32 v57, v29  }
0xf6: {  	v45 =	vsub.f32 v45, v44;
	v59 =	vld [tilespmem:s31+$0x650];
	v25 =	vadd.f32 v25, v38;
	v35 =	vmul.f32 v61, v29  }
0xf7: {  	v38 =	vld [tilespmem:s31+$0x8660];
	v62 =	vadd.f32 v3, v62;
	v1 =	vadd.f32 v1, v40  }
0xf8: {  	v61 =	vld [tilespmem:s31+$0x670];
	v33 =	vadd.f32 v35, v42;
	v57 =	vsub.f32 v47, v46  }
0xf9: {  	v3 =	vld [tilespmem:s31+$0x660];
	v41 =	vadd.f32 v1, v8;
	v1 =	vsub.f32 v28, v2  }
0xfa: {  	v0 =	vadd.f32 v25, v0;
	v25 =	vld [tilespmem:s31+$0x8680];
	v28 =	vadd.f32 v33, v11;
	v8 =	vmul.f32 v45, v29  }
0xfb: {  	v35 =	vld [tilespmem:s31+$0x86B0];
	v11 =	vmul.f32 v57, v29;
	v29 =	vmul.f32 v1, v29;
	v1 =	vimm.s32 $0x2  }
0xfc: {  	v30 =	vsub.f32 v30, v4;
	v17 =	vadd.f32 v62, v17;
	v62 =	vld [tilespmem:s31+$0x680];
	v42 =	vperm.xlane v48, v1  }
0xfd: {  	v40 =	vld [tilespmem:s31+$0x8690]  }
0xfe: {  	v31 =	vsub.f32 v31, v12;
	v57 =	vld [tilespmem:s31+$0x690];
	v2 =	vadd.f32 v29, v2;
	v30 =	vmul.f32 v30, v42  }
0xff: {  	v45 =	vsub.f32 v34, v13;
	v33 =	vld [tilespmem:s31+$0x86C0];
	v8 =	vadd.f32 v8, v44  }
0x100: {  	v34 =	vld [tilespmem:$0x1FD90];
	v44 =	vadd.f32 v2, v36;
	v2 =	vadd.f32 v30, v4;
	v4 =	vmul.f32 v31, v42  }
0x101: {  	v24 =	vadd.f32 v8, v24;
	v8 =	vld [tilespmem:$0x1FD70]  }
0x102: {  	v4 =	vadd.f32 v4, v12;
	v12 =	vld [tilespmem:$0x1FD80]  }
0x103: {  	v1 =	vld [tilespmem:s31+$0x6A0];
	v47 =	vmul.f32 v45, v42  }
0x104: {  	v11 =	vadd.f32 v11, v46;
	v29 =	vld [tilespmem:s31+$0x86A0]  }
0x105: {  	v13 =	vadd.f32 v47, v13;
	v47 =	vld [tilespmem:$0x1FDA0]  }
0x106: {  	v22 =	vadd.f32 v11, v22;
	v11 =	vld [tilespmem:s31+$0x6B0];
	v36 =	vsub.f32 v8, v6  }
0x107: {  	v31 =	vsub.f32 v34, v23;
	v34 =	vld [tilespmem:s31+$0x86D0];
	v46 =	vsub.f32 v12, v32  }
0x108: {  	v8 =	vld [tilespmem:s31+$0x6C0];
	v43 =	vadd.f32 v2, v43;
	v2 =	vmul.f32 v36, v42  }
0x109: {  	v41 =	vadd.f32 v13, v41;
	v13 =	vld [tilespmem:s31+$0x6F0];
	v17 =	vadd.f32 v4, v17;
	v4 =	vmul.f32 v46, v42  }
0x10a: {  	v36 =	vmul.f32 v31, v42;
	v31 =	vsub.f32 v47, v20;
	v47 =	vld [tilespmem:$0x1FDC0];
	v6 =	vadd.f32 v2, v6  }
0x10b: {  	v2 =	vld [tilespmem:s31+$0x6E0];
	v4 =	vadd.f32 v4, v32  }
0x10c: {  	v0 =	vadd.f32 v6, v0;
	v6 =	vmul.f32 v31, v42;
	v31 =	vld [tilespmem:$0x1FDB0]  }
0x10d: {  	v45 =	vadd.f32 v4, v28;
	v28 =	vld [tilespmem:$0x1FDD0]  }
0x10e: {  	v12 =	vld [tilespmem:s31+$0x6D0];
	v6 =	vadd.f32 v6, v20  }
0x10f: {  	v46 =	vimm.s32 $0x3;
	v20 =	vld [tilespmem:s31+$0x710]  }
0x110: {  	v14 =	vsub.f32 v14, v52;
	v46 =	vperm.xlane v48, v46;
	v32 =	vld [tilespmem:s31+$0x86E0];
	v22 =	vadd.f32 v6, v22  }
0x111: {  	v6 =	vld [tilespmem:$0x1FDE0];
	v4 =	vadd.f32 v36, v23;
	v30 =	vsub.f32 v31, v21  }
0x112: {  	v14 =	vmul.f32 v14, v46;
	v36 =	vld [tilespmem:s31+$0x86F0];
	v31 =	vsub.f32 v47, v18;
	v47 =	vsub.f32 v28, v7  }
0x113: {  	v23 =	vld [tilespmem:s31+$0x700];
	v24 =	vadd.f32 v4, v24;
	v4 =	vmul.f32 v30, v42  }
0x114: {  	v14 =	vadd.f32 v14, v52;
	v52 =	vld [tilespmem:s31+$0x8790];
	v31 =	vmul.f32 v31, v46;
	v42 =	vmul.f32 v47, v46  }
0x115: {  	v5 =	vsub.f32 v5, v58;
	v30 =	vld [tilespmem:s31+$0x8710];
	v4 =	vadd.f32 v4, v21  }
0x116: {  	v18 =	vadd.f32 v31, v18;
	v31 =	vld [tilespmem:s31+$0x8720];
	v7 =	vadd.f32 v42, v7  }
0x117: {  	v24 =	vadd.f32 v14, v24;
	v14 =	vld [tilespmem:s31+$0x770];
	v47 =	vsub.f32 v6, v60  }
0x118: {  	v42 =	vadd.f32 v4, v44;
	v44 =	vadd.f32 v7, v17;
	v17 =	vmul.f32 v5, v46;
	v5 =	vld [tilespmem:$0x1FDF0]  }
0x119: {  	v28 =	vld [tilespmem:s31+$0x8700]  }
0x11a: {  	v43 =	vadd.f32 v18, v43;
	v18 =	vld [tilespmem:s31+$0x750];
	v21 =	vmul.f32 v47, v46  }
0x11b: {  	v6 =	vld [tilespmem:s31+$0x720]  }
0x11c: {  	v4 =	vld [tilespmem:s31+$0x730];
	v7 =	vadd.f32 v21, v60  }
0x11d: {  	v21 =	vld [tilespmem:s31+$0x8730];
	v47 =	vsub.f32 v5, v51  }
0x11e: {  	v0 =	vadd.f32 v7, v0;
	v7 =	vadd.f32 v17, v58;
	v58 =	vld [tilespmem:s31+$0x8740]  }
0x11f: {  	v9 =	vsub.f32 v9, v49;
	v15 =	vsub.f32 v15, v54;
	v5 =	vld [tilespmem:s31+$0x740];
	v17 =	vmul.f32 v47, v46  }
0x120: {  	v41 =	vadd.f32 v7, v41;
	v7 =	vsub.f32 v16, v53;
	v47 =	vld [tilespmem:s31+$0x8750]  }
0x121: {  	v60 =	vimm.s32 $0x4;
	v16 =	vadd.f32 v17, v51;
	v17 =	vmul.f32 v9, v46;
	v9 =	vld [tilespmem:s31+$0x760]  }
0x122: {  	v10 =	vsub.f32 v10, v50;
	v7 =	vmul.f32 v7, v46;
	v46 =	vperm.xlane v48, v60;
	v51 =	vld [tilespmem:s31+$0x8760]  }
0x123: {  	v19 =	vsub.f32 v19, v56;
	v60 =	vsub.f32 v27, v63;
	v27 =	vld [tilespmem:s31+$0x8780]  }
0x124: {  	v45 =	vadd.f32 v16, v45;
	v16 =	vadd.f32 v17, v49;
	v15 =	vmul.f32 v15, v46;
	v49 =	vld [tilespmem:s31+$0x8770]  }
0x125: {  	v37 =	vsub.f32 v37, v55;
	v17 =	vadd.f32 v7, v53;
	v7 =	vld [tilespmem:s31+$0x780]  }
0x126: {  	v19 =	vmul.f32 v19, v46;
	v53 =	vld [tilespmem:s31+$0x87A0];
	v15 =	vadd.f32 v15, v54;
	v22 =	vadd.f32 v16, v22  }
0x127: {  	v16 =	vmul.f32 v10, v46;
	v10 =	vld [tilespmem:s31+$0x790];
	v42 =	vadd.f32 v17, v42;
	v17 =	vmul.f32 v60, v46  }
0x128: {  	v19 =	vadd.f32 v19, v56;
	v43 =	vadd.f32 v15, v43;
	v15 =	vld [tilespmem:s31+$0x7A0]  }
0x129: {  	v39 =	vsub.f32 v39, v59;
	v63 =	vadd.f32 v17, v63;
	v17 =	vld [tilespmem:s31+$0x7B0]  }
0x12a: {  	v38 =	vsub.f32 v38, v3;
	v54 =	vadd.f32 v19, v0;
	v0 =	vmul.f32 v37, v46;
	v37 =	vld [tilespmem:s31+$0x87B0]  }
0x12b: {  	v26 =	vsub.f32 v26, v61;
	v16 =	vadd.f32 v16, v50;
	v50 =	vmul.f32 v39, v46;
	v39 =	vld [tilespmem:s31+$0x87C0]  }
0x12c: {  	v38 =	vmul.f32 v38, v46;
	v19 =	vld [tilespmem:s31+$0x7D0]  }
0x12d: {  	v29 =	vsub.f32 v29, v1;
	v26 =	vmul.f32 v26, v46;
	v46 =	vld [tilespmem:s31+$0x87D0]  }
0x12e: {  	v56 =	vimm.s32 $0x5;
	v3 =	vadd.f32 v38, v3;
	v44 =	vadd.f32 v16, v44;
	v16 =	vld [tilespmem:s31+$0x7C0]  }
0x12f: {  	v38 =	vperm.xlane v48, v56;
	v60 =	vadd.f32 v50, v59;
	v59 =	vadd.f32 v26, v61;
	v26 =	vld [tilespmem:s31+$0x87E0]  }
0x130: {  	v35 =	vsub.f32 v35, v11;
	v50 =	vadd.f32 v3, v22;
	v3 =	vld [tilespmem:s31+$0x7F0]  }
0x131: {  	v25 =	vsub.f32 v25, v62;
	v29 =	vmul.f32 v29, v38;
	v0 =	vadd.f32 v0, v55;
	v55 =	vld [tilespmem:s31+$0x87F0]  }
0x132: {  	v32 =	vsub.f32 v32, v2;
	v35 =	vmul.f32 v35, v38;
	v22 =	vld [tilespmem:s31+$0x800]  }
0x133: {  	v36 =	vsub.f32 v36, v13;
	v25 =	vmul.f32 v25, v38;
	v29 =	vadd.f32 v29, v1;
	v1 =	vld [tilespmem:s31+$0x810]  }
0x134: {  	v40 =	vsub.f32 v40, v57;
	v32 =	vmul.f32 v32, v38;
	v11 =	vadd.f32 v35, v11;
	v35 =	vld [tilespmem:s31+$0x8810]  }
0x135: {  	v36 =	vmul.f32 v36, v38;
	v25 =	vadd.f32 v25, v62;
	v62 =	vsub.f32 v30, v20;
	v30 =	vld [tilespmem:s31+$0x8840]  }
0x136: {  	v33 =	vsub.f32 v33, v8;
	v40 =	vmul.f32 v40, v38;
	v2 =	vadd.f32 v32, v2;
	v32 =	vld [tilespmem:s31+$0x850]  }
0x137: {  	v34 =	vsub.f32 v34, v12;
	v13 =	vadd.f32 v36, v13;
	v36 =	vld [tilespmem:s31+$0x860]  }
0x138: {  	v40 =	vadd.f32 v40, v57;
	v57 =	vsub.f32 v47, v18;
	v47 =	vld [tilespmem:s31+$0x8880]  }
0x139: {  	v28 =	vsub.f32 v28, v23;
	v45 =	vadd.f32 v0, v45;
	v0 =	vld [tilespmem:s31+$0x7E0]  }
0x13a: {  	v21 =	vsub.f32 v21, v4;
	v24 =	vadd.f32 v60, v24;
	v60 =	vmul.f32 v34, v38;
	v34 =	vld [tilespmem:s31+$0x8820]  }
0x13b: {  	v56 =	vsub.f32 v58, v5;
	v58 =	vsub.f32 v51, v9;
	v33 =	vmul.f32 v33, v38;
	v38 =	vld [tilespmem:s31+$0x840]  }
0x13c: {  	v41 =	vadd.f32 v63, v41;
	v25 =	vadd.f32 v25, v43;
	v43 =	vld [tilespmem:s31+$0x8800]  }
0x13d: {  	v27 =	vsub.f32 v27, v7;
	v63 =	vimm.s32 $0x6;
	v40 =	vadd.f32 v40, v44;
	v44 =	vld [tilespmem:s31+$0x820]  }
0x13e: {  	v8 =	vadd.f32 v33, v8;
	v33 =	vperm.xlane v48, v63;
	v11 =	vadd.f32 v11, v41;
	v41 =	vld [tilespmem:s31+$0x830]  }
0x13f: {  	v42 =	vadd.f32 v59, v42;
	v59 =	vimm.s32 $0x7;
	v29 =	vadd.f32 v29, v54;
	v54 =	vld [tilespmem:s31+$0x8830]  }
0x140: {  	v21 =	vmul.f32 v21, v33;
	v8 =	vadd.f32 v8, v45;
	v45 =	vsub.f32 v31, v6;
	v31 =	vld [tilespmem:s31+$0x8850]  }
0x141: {  	v61 =	vmul.f32 v28, v33;
	v2 =	vadd.f32 v2, v50;
	v13 =	vadd.f32 v13, v42;
	v42 =	vld [tilespmem:s31+$0x870]  }
0x142: {  	v63 =	vmul.f32 v62, v33;
	v37 =	vsub.f32 v37, v17;
	v4 =	vadd.f32 v21, v4;
	v21 =	vld [tilespmem:s31+$0x890]  }
0x143: {  	v28 =	vmul.f32 v56, v33;
	v23 =	vadd.f32 v61, v23;
	v61 =	vsub.f32 v49, v14;
	v49 =	vld [tilespmem:s31+$0x88B0]  }
0x144: {  	v12 =	vadd.f32 v60, v12;
	v20 =	vadd.f32 v63, v20;
	v50 =	vmul.f32 v45, v33;
	v45 =	vld [tilespmem:s31+$0x8870]  }
0x145: {  	v62 =	vperm.xlane v48, v59;
	v51 =	vsub.f32 v55, v3;
	v55 =	vsub.f32 v35, v1;
	v35 =	vld [tilespmem:s31+$0x8920]  }
0x146: {  	v60 =	vmul.f32 v58, v33;
	v5 =	vadd.f32 v28, v5;
	v23 =	vadd.f32 v23, v25;
	v25 =	vld [tilespmem:s31+$0x8860]  }
0x147: {  	v63 =	vsub.f32 v52, v10;
	v27 =	vmul.f32 v27, v62;
	v20 =	vadd.f32 v20, v40;
	v40 =	vld [tilespmem:s31+$0x880]  }
0x148: {  	v12 =	vadd.f32 v12, v24;
	v5 =	vadd.f32 v5, v8;
	v8 =	vld [tilespmem:s31+$0x8A0]  }
0x149: {  	v24 =	vmul.f32 v57, v33;
	v9 =	vadd.f32 v60, v9;
	v7 =	vadd.f32 v27, v7;
	v27 =	vld [tilespmem:s31+$0x8D0]  }
0x14a: {  	v4 =	vadd.f32 v4, v11;
	v58 =	vsub.f32 v30, v38;
	v30 =	vld [tilespmem:s31+$0x970]  }
0x14b: {  	v28 =	vmul.f32 v63, v62;
	v6 =	vadd.f32 v50, v6;
	v18 =	vadd.f32 v24, v18;
	v50 =	vld [tilespmem:s31+$0x8C0]  }
0x14c: {  	v2 =	vadd.f32 v9, v2;
	v24 =	vld [tilespmem:s31+$0x8910];
	v56 =	vsub.f32 v54, v41  }
0x14d: {  	v10 =	vadd.f32 v28, v10;
	v6 =	vadd.f32 v6, v29;
	v29 =	vld [tilespmem:s31+$0x8890]  }
0x14e: {  	v7 =	vadd.f32 v7, v23;
	v11 =	vadd.f32 v18, v12;
	v12 =	vmul.f32 v61, v33;
	v18 =	vld [tilespmem:s31+$0x88A0]  }
0x14f: {  	v59 =	vsub.f32 v31, v32;
	v33 =	vld [tilespmem:s31+$0x8B0];
	v10 =	vadd.f32 v10, v20  }
0x150: {  	v54 =	vld [tilespmem:s31+$0x89C0];
	v61 =	vsub.f32 v45, v42;
	v12 =	vadd.f32 v12, v14  }
0x151: {  	v28 =	vld [tilespmem:s31+$0x88D0];
	v14 =	vsub.f32 v53, v15;
	v53 =	vsub.f32 v43, v22  }
0x152: {  	v23 =	vld [tilespmem:s31+$0x900];
	v60 =	vsub.f32 v25, v36;
	v63 =	vsub.f32 v47, v40  }
0x153: {  	v9 =	vadd.f32 v12, v13;
	v12 =	vmul.f32 v14, v62;
	v13 =	vld [tilespmem:s31+$0x88C0];
	v29 =	vsub.f32 v29, v21  }
0x154: {  	v20 =	vld [tilespmem:s31+$0x88E0];
	v14 =	vmul.f32 v37, v62;
	v18 =	vsub.f32 v18, v8;
	v47 =	vsub.f32 v49, v33  }
0x155: {  	v37 =	vld [tilespmem:s31+$0x8E0];
	v12 =	vadd.f32 v12, v15;
	v15 =	vsub.f32 v39, v16  }
0x156: {  	v31 =	vld [tilespmem:s31+$0x8940];
	v14 =	vadd.f32 v14, v17;
	v17 =	vsub.f32 v46, v19;
	v46 =	vimm.s32 $0x8  }
0x157: {  	v43 =	vld [tilespmem:s31+$0x8900];
	v52 =	vperm.xlane v48, v46;
	v15 =	vmul.f32 v15, v62;
	v6 =	vadd.f32 v12, v6  }
0x158: {  	v4 =	vadd.f32 v14, v4;
	v12 =	vmul.f32 v17, v62;
	v14 =	vld [tilespmem:s31+$0x8F0];
	v13 =	vsub.f32 v13, v50  }
0x159: {  	v57 =	vimm.s32 $0x9;
	v17 =	vld [tilespmem:s31+$0x88F0];
	v15 =	vadd.f32 v15, v16;
	v16 =	vsub.f32 v26, v0  }
0x15a: {  	v25 =	vld [tilespmem:s31+$0x950];
	v20 =	vsub.f32 v20, v37;
	v12 =	vadd.f32 v12, v19;
	v19 =	vmul.f32 v55, v52  }
0x15b: {  	v49 =	vld [tilespmem:s31+$0x8990];
	v26 =	vmul.f32 v61, v52;
	v16 =	vmul.f32 v16, v62;
	v5 =	vadd.f32 v15, v5  }
0x15c: {  	v39 =	vld [tilespmem:s31+$0x990];
	v11 =	vadd.f32 v12, v11;
	v12 =	vmul.f32 v51, v62;
	v1 =	vadd.f32 v19, v1  }
0x15d: {  	v46 =	vld [tilespmem:s31+$0x8980];
	v62 =	vperm.xlane v48, v57;
	v51 =	vsub.f32 v28, v27;
	v57 =	vsub.f32 v43, v23  }
0x15e: {  	v61 =	vld [tilespmem:s31+$0x9E0];
	v19 =	vmul.f32 v60, v52;
	v17 =	vsub.f32 v17, v14;
	v0 =	vadd.f32 v16, v0  }
0x15f: {  	v15 =	vld [tilespmem:s31+$0x910];
	v16 =	vmul.f32 v53, v52;
	v3 =	vadd.f32 v12, v3;
	v12 =	vsub.f32 v34, v44  }
0x160: {  	v28 =	vld [tilespmem:s31+$0x9B0];
	v1 =	vadd.f32 v1, v10;
	v10 =	vmul.f32 v58, v52;
	v19 =	vadd.f32 v19, v36  }
0x161: {  	v34 =	vld [tilespmem:s31+$0x920];
	v45 =	vmul.f32 v29, v62;
	v18 =	vmul.f32 v18, v62;
	v16 =	vadd.f32 v16, v22  }
0x162: {  	v29 =	vld [tilespmem:s31+$0x980];
	v13 =	vmul.f32 v13, v62;
	v0 =	vadd.f32 v0, v2;
	v2 =	vadd.f32 v3, v9  }
0x163: {  	v53 =	vld [tilespmem:s31+$0x89B0];
	v17 =	vmul.f32 v17, v62;
	v10 =	vadd.f32 v10, v38;
	v21 =	vadd.f32 v45, v21  }
0x164: {  	v58 =	vld [tilespmem:s31+$0x9D0];
	v3 =	vmul.f32 v12, v52;
	v8 =	vadd.f32 v18, v8;
	v13 =	vadd.f32 v13, v50  }
0x165: {  	v36 =	vld [tilespmem:s31+$0x8AF0];
	v12 =	vmul.f32 v56, v52;
	v14 =	vadd.f32 v17, v14;
	v17 =	vsub.f32 v24, v15  }
0x166: {  	v9 =	vld [tilespmem:s31+$0x930];
	v7 =	vadd.f32 v16, v7;
	v3 =	vadd.f32 v3, v44  }
0x167: {  	v22 =	vld [tilespmem:s31+$0x940];
	v12 =	vadd.f32 v12, v41;
	v5 =	vadd.f32 v10, v5  }
0x168: {  	v38 =	vld [tilespmem:s31+$0x960];
	v0 =	vadd.f32 v19, v0;
	v44 =	vadd.f32 v26, v42  }
0x169: {  	v50 =	vld [tilespmem:s31+$0xA50];
	v1 =	vadd.f32 v21, v1;
	v19 =	vsub.f32 v49, v39  }
0x16a: {  	v16 =	vld [tilespmem:s31+$0x8930];
	v10 =	vmul.f32 v63, v62;
	v60 =	vsub.f32 v35, v34;
	v43 =	vsub.f32 v46, v29  }
0x16b: {  	v18 =	vmul.f32 v51, v62;
	v21 =	vld [tilespmem:s31+$0x9A0];
	v49 =	vsub.f32 v53, v28;
	v3 =	vadd.f32 v3, v6  }
0x16c: {  	v4 =	vadd.f32 v12, v4;
	v6 =	vmul.f32 v59, v52;
	v12 =	vld [tilespmem:s31+$0x8950];
	v10 =	vadd.f32 v10, v40  }
0x16d: {  	v2 =	vadd.f32 v44, v2;
	v52 =	vld [tilespmem:s31+$0x89A0];
	v5 =	vadd.f32 v13, v5  }
0x16e: {  	v56 =	vimm.s32 $0xA;
	v13 =	vadd.f32 v18, v27;
	v59 =	vld [tilespmem:s31+$0x89D0];
	v6 =	vadd.f32 v6, v32  }
0x16f: {  	v41 =	vld [tilespmem:s31+$0x8960];
	v7 =	vadd.f32 v10, v7;
	v10 =	vmul.f32 v47, v62;
	v3 =	vadd.f32 v8, v3  }
0x170: {  	v63 =	vld [tilespmem:s31+$0x89F0];
	v8 =	vmul.f32 v20, v62;
	v2 =	vadd.f32 v14, v2;
	v16 =	vsub.f32 v16, v9  }
0x171: {  	v20 =	vperm.xlane v48, v56;
	v14 =	vld [tilespmem:s31+$0x89E0];
	v6 =	vadd.f32 v6, v11;
	v10 =	vadd.f32 v10, v33  }
0x172: {  	v55 =	vimm.s32 $0xB;
	v62 =	vld [tilespmem:s31+$0x9F0];
	v8 =	vadd.f32 v8, v37;
	v12 =	vsub.f32 v12, v25  }
0x173: {  	v51 =	vld [tilespmem:s31+$0xA60];
	v16 =	vmul.f32 v16, v20;
	v26 =	vsub.f32 v52, v21;
	v52 =	vsub.f32 v59, v58  }
0x174: {  	v42 =	vperm.xlane v48, v55;
	v53 =	vld [tilespmem:s31+$0x8A60];
	v4 =	vadd.f32 v10, v4;
	v6 =	vadd.f32 v13, v6  }
0x175: {  	v11 =	vld [tilespmem:s31+$0x8970];
	v13 =	vmul.f32 v57, v20;
	v0 =	vadd.f32 v8, v0;
	v9 =	vadd.f32 v16, v9  }
0x176: {  	v55 =	vld [tilespmem:s31+$0xA80];
	v8 =	vmul.f32 v17, v20;
	v16 =	vsub.f32 v41, v38;
	v14 =	vsub.f32 v14, v61  }
0x177: {  	v46 =	vld [tilespmem:s31+$0xA40];
	v17 =	vmul.f32 v60, v20;
	v56 =	vsub.f32 v63, v62;
	v13 =	vadd.f32 v13, v23  }
0x178: {  	v35 =	vld [tilespmem:s31+$0x8AE0];
	v12 =	vmul.f32 v12, v20;
	v8 =	vadd.f32 v8, v15;
	v15 =	vsub.f32 v31, v22  }
0x179: {  	v10 =	vld [tilespmem:s31+$0x9C0];
	v17 =	vadd.f32 v17, v34;
	v31 =	vsub.f32 v53, v51  }
0x17a: {  	v40 =	vld [tilespmem:s31+$0xA00];
	v12 =	vadd.f32 v12, v25;
	v11 =	vsub.f32 v11, v30  }
0x17b: {  	v44 =	vld [tilespmem:s31+$0x8A20];
	v4 =	vadd.f32 v9, v4;
	v1 =	vadd.f32 v8, v1;
	v8 =	vmul.f32 v15, v20  }
0x17c: {  	v47 =	vld [tilespmem:s31+$0x8A40];
	v7 =	vadd.f32 v13, v7;
	v6 =	vadd.f32 v12, v6;
	v12 =	vmul.f32 v43, v42  }
0x17d: {  	v16 =	vmul.f32 v16, v20;
	v13 =	vld [tilespmem:s31+$0x8A00];
	v3 =	vadd.f32 v17, v3;
	v8 =	vadd.f32 v8, v22  }
0x17e: {  	v14 =	vmul.f32 v14, v42;
	v15 =	vld [tilespmem:s31+$0xA10];
	v18 =	vsub.f32 v54, v10;
	v12 =	vadd.f32 v12, v29  }
0x17f: {  	v17 =	vld [tilespmem:s31+$0x8A10];
	v5 =	vadd.f32 v8, v5;
	v8 =	vmul.f32 v11, v20;
	v11 =	vadd.f32 v16, v38  }
0x180: {  	v57 =	vld [tilespmem:s31+$0x8A80];
	v14 =	vadd.f32 v14, v61;
	v18 =	vmul.f32 v18, v42;
	v7 =	vadd.f32 v12, v7  }
0x181: {  	v9 =	vld [tilespmem:s31+$0xA30];
	v8 =	vadd.f32 v8, v30;
	v0 =	vadd.f32 v11, v0;
	v11 =	vmul.f32 v19, v42  }
0x182: {  	v54 =	vld [tilespmem:s31+$0xA70];
	v10 =	vadd.f32 v18, v10;
	v13 =	vsub.f32 v13, v40  }
0x183: {  	v16 =	vld [tilespmem:s31+$0x8A30];
	v2 =	vadd.f32 v8, v2;
	v8 =	vmul.f32 v26, v42;
	v11 =	vadd.f32 v11, v39  }
0x184: {  	v12 =	vld [tilespmem:s31+$0x8A50];
	v17 =	vsub.f32 v17, v15;
	v19 =	vmul.f32 v49, v42;
	v5 =	vadd.f32 v10, v5  }
0x185: {  	v10 =	vmul.f32 v56, v42;
	v8 =	vadd.f32 v8, v21;
	v1 =	vadd.f32 v11, v1;
	v11 =	vld [tilespmem:s31+$0x8A70]  }
0x186: {  	v59 =	vld [tilespmem:s31+$0xA90];
	v19 =	vadd.f32 v19, v28;
	v0 =	vadd.f32 v14, v0  }
0x187: {  	v41 =	vld [tilespmem:s31+$0xA20];
	v10 =	vadd.f32 v10, v62;
	v3 =	vadd.f32 v8, v3;
	v8 =	vmul.f32 v52, v42  }
0x188: {  	v45 =	vimm.s32 $0xC;
	v60 =	vld [tilespmem:s31+$0x8A90];
	v16 =	vsub.f32 v16, v9;
	v4 =	vadd.f32 v19, v4  }
0x189: {  	v61 =	vld [tilespmem:s31+$0x8AA0];
	v12 =	vsub.f32 v12, v50;
	v8 =	vadd.f32 v8, v58;
	v58 =	vperm.xlane v48, v45  }
0x18a: {  	v63 =	vimm.s32 $0xD;
	v62 =	vld [tilespmem:s31+$0xAB0];
	v21 =	vsub.f32 v57, v55;
	v11 =	vsub.f32 v11, v54  }
0x18b: {  	v42 =	vld [tilespmem:s31+$0x8B10];
	v6 =	vadd.f32 v8, v6;
	v8 =	vmul.f32 v13, v58;
	v14 =	vmul.f32 v17, v58  }
0x18c: {  	v2 =	vadd.f32 v10, v2;
	v13 =	vld [tilespmem:s31+$0xAA0];
	v17 =	vsub.f32 v44, v41;
	v11 =	vmul.f32 v11, v58  }
0x18d: {  	v37 =	vperm.xlane v48, v63;
	v8 =	vadd.f32 v8, v40;
	v10 =	vadd.f32 v14, v15;
	v15 =	vld [tilespmem:s31+$0x8AB0]  }
0x18e: {  	v19 =	vsub.f32 v60, v59;
	v14 =	vmul.f32 v17, v58;
	v17 =	vld [tilespmem:s31+$0xAC0];
	v11 =	vadd.f32 v11, v54  }
0x18f: {  	v40 =	vld [tilespmem:s31+$0xB10];
	v7 =	vadd.f32 v8, v7;
	v8 =	vmul.f32 v16, v58;
	v16 =	vsub.f32 v47, v46  }
0x190: {  	v1 =	vadd.f32 v10, v1;
	v10 =	vadd.f32 v14, v41;
	v14 =	vld [tilespmem:s31+$0x8AC0]  }
0x191: {  	v34 =	vld [tilespmem:s31+$0x8AD0];
	v2 =	vadd.f32 v11, v2;
	v11 =	vmul.f32 v19, v37;
	v41 =	vsub.f32 v61, v13  }
0x192: {  	v63 =	vld [tilespmem:s31+$0x8BF0];
	v8 =	vadd.f32 v8, v9;
	v9 =	vmul.f32 v16, v58;
	v3 =	vadd.f32 v10, v3  }
0x193: {  	v43 =	vld [tilespmem:s31+$0xB20];
	v15 =	vsub.f32 v15, v62;
	v11 =	vadd.f32 v11, v59  }
0x194: {  	v16 =	vld [tilespmem:s31+$0xAD0];
	v10 =	vmul.f32 v12, v58;
	v23 =	vsub.f32 v42, v40;
	v9 =	vadd.f32 v9, v46  }
0x195: {  	v56 =	vld [tilespmem:s31+$0x8B90];
	v4 =	vadd.f32 v8, v4;
	v8 =	vmul.f32 v31, v58;
	v14 =	vsub.f32 v14, v17  }
0x196: {  	v12 =	vld [tilespmem:s31+$0xAE0];
	v5 =	vadd.f32 v9, v5;
	v9 =	vadd.f32 v10, v50  }
0x197: {  	v39 =	vld [tilespmem:s31+$0xB00];
	v1 =	vadd.f32 v11, v1;
	v8 =	vadd.f32 v8, v51  }
0x198: {  	v44 =	vld [tilespmem:s31+$0x8B20];
	v6 =	vadd.f32 v9, v6;
	v9 =	vmul.f32 v21, v37;
	v21 =	vmul.f32 v41, v37  }
0x199: {  	v15 =	vmul.f32 v15, v37;
	v45 =	vsub.f32 v34, v16;
	v0 =	vadd.f32 v8, v0;
	v8 =	vld [tilespmem:s31+$0x8B00]  }
0x19a: {  	v10 =	vld [tilespmem:s31+$0xAF0];
	v9 =	vadd.f32 v9, v55;
	v11 =	vadd.f32 v21, v13  }
0x19b: {  	v46 =	vld [tilespmem:s31+$0xB40];
	v14 =	vmul.f32 v14, v37;
	v20 =	vsub.f32 v35, v12;
	v13 =	vadd.f32 v15, v62  }
0x19c: {  	v55 =	vld [tilespmem:s31+$0xB90];
	v7 =	vadd.f32 v9, v7;
	v3 =	vadd.f32 v11, v3  }
0x19d: {  	v15 =	vld [tilespmem:s31+$0x8B30];
	v11 =	vadd.f32 v14, v17;
	v4 =	vadd.f32 v13, v4  }
0x19e: {  	v9 =	vld [tilespmem:s31+$0xB30];
	v13 =	vmul.f32 v45, v37;
	v17 =	vmul.f32 v20, v37;
	v8 =	vsub.f32 v8, v39  }
0x19f: {  	v38 =	vimm.s32 $0xE;
	v14 =	vld [tilespmem:s31+$0x8B40];
	v5 =	vadd.f32 v11, v5;
	v11 =	vsub.f32 v36, v10  }
0x1a0: {  	v50 =	vld [tilespmem:s31+$0x8B60];
	v13 =	vadd.f32 v13, v16;
	v12 =	vadd.f32 v17, v12;
	v17 =	vperm.xlane v48, v38  }
0x1a1: {  	v51 =	vsub.f32 v44, v43;
	v16 =	vld [tilespmem:s31+$0xB60];
	v19 =	vsub.f32 v56, v55  }
0x1a2: {  	v49 =	vld [tilespmem:s31+$0x8B50];
	v11 =	vmul.f32 v11, v37;
	v6 =	vadd.f32 v13, v6;
	v8 =	vmul.f32 v8, v17  }
0x1a3: {  	v60 =	vld [tilespmem:s31+$0x8BD0];
	v0 =	vadd.f32 v12, v0;
	v12 =	vmul.f32 v23, v17;
	v15 =	vsub.f32 v15, v9  }
0x1a4: {  	v47 =	vld [tilespmem:s31+$0xB50];
	v13 =	vmul.f32 v51, v17;
	v14 =	vsub.f32 v14, v46;
	v10 =	vadd.f32 v11, v10  }
0x1a5: {  	v52 =	vld [tilespmem:s31+$0xB70];
	v8 =	vadd.f32 v8, v39;
	v12 =	vadd.f32 v12, v40  }
0x1a6: {  	v11 =	vld [tilespmem:s31+$0x8B70];
	v13 =	vadd.f32 v13, v43;
	v57 =	vsub.f32 v50, v16  }
0x1a7: {  	v54 =	vld [tilespmem:s31+$0xB80];
	v2 =	vadd.f32 v10, v2;
	v1 =	vadd.f32 v12, v1  }
0x1a8: {  	v10 =	vld [tilespmem:s31+$0x8B80];
	v3 =	vadd.f32 v13, v3;
	v12 =	vmul.f32 v15, v17;
	v13 =	vmul.f32 v14, v17  }
0x1a9: {  	v7 =	vadd.f32 v8, v7;
	v8 =	vld [tilespmem:s31+$0xBA0];
	v15 =	vsub.f32 v49, v47  }
0x1aa: {  	v14 =	vld [tilespmem:s31+$0x8BA0];
	v9 =	vadd.f32 v12, v9;
	v12 =	vadd.f32 v13, v46  }
0x1ab: {  	v58 =	vld [tilespmem:s31+$0xBB0];
	v21 =	vmul.f32 v57, v17;
	v15 =	vmul.f32 v15, v17;
	v11 =	vsub.f32 v11, v52  }
0x1ac: {  	v13 =	vld [tilespmem:s31+$0x8BB0];
	v4 =	vadd.f32 v9, v4;
	v5 =	vadd.f32 v12, v5  }
0x1ad: {  	v53 =	vimm.s32 $0xF;
	v61 =	vld [tilespmem:s31+$0xBE0];
	v9 =	vadd.f32 v15, v47;
	v15 =	vadd.f32 v21, v16  }
0x1ae: {  	v59 =	vld [tilespmem:s31+$0xBC0];
	v11 =	vmul.f32 v11, v17;
	v17 =	vperm.xlane v48, v53;
	v10 =	vsub.f32 v10, v54  }
0x1af: {  	v62 =	vld [tilespmem:s31+$0xBF0];
	v14 =	vsub.f32 v14, v8;
	v6 =	vadd.f32 v9, v6  }
0x1b0: {  	v12 =	vld [tilespmem:s31+$0x8BC0];
	v9 =	vadd.f32 v11, v52;
	v10 =	vmul.f32 v10, v17;
	v11 =	vmul.f32 v19, v17  }
0x1b1: {  	v16 =	vld [tilespmem:s31+$0xBD0];
	v0 =	vadd.f32 v15, v0;
	v13 =	vsub.f32 v13, v58  }
0x1b2: {  	v15 =	vld [tilespmem:s31+$0x8BE0];
	v10 =	vadd.f32 v10, v54;
	v11 =	vadd.f32 v11, v55  }
0x1b3: {  	v14 =	vmul.f32 v14, v17;
	v2 =	vadd.f32 v9, v2;
	v13 =	vmul.f32 v13, v17  }
0x1b4: {  	v9 =	vadd.f32 v10, v7;
	v10 =	vadd.f32 v11, v1  }
0x1b5: {  	v1 =	vadd.f32 v14, v8;
	v7 =	vadd.f32 v13, v58  }
0x1b6: {  	v8 =	vsub.f32 v12, v59;
	v11 =	vsub.f32 v60, v16  }
0x1b7: {  	v12 =	vsub.f32 v15, v61;
	v13 =	vsub.f32 v63, v62  }
0x1b8: {  	p0 =	sne.s32 s20, $0xF;
	v15 =	vadd.f32 v1, v3;
	v1 =	vmul.f32 v8, v17;
	v3 =	vmul.f32 v11, v17  }
.Ltmp0:
0x1b9: {  	v8 =	vadd.f32 v7, v4;
	v4 =	vmul.f32 v12, v17;
	v7 =	vmul.f32 v13, v17;
	(pc) =	sbr.rel @p0 .LBB2_2-.Ltmp0, $4  }
0x1ba: {  	v1 =	vadd.f32 v1, v59;
	v3 =	vadd.f32 v3, v16  }
0x1bb: {  	v4 =	vadd.f32 v4, v61;
	v7 =	vadd.f32 v7, v62  }
0x1bc: {  	v11 =	vadd.f32 v1, v5;
	v3 =	vadd.f32 v3, v6  }
0x1bd: {  	s20 =	sadd.s32 $0x1, s20;
	v33 =	vimm.s32 $0x0;
	v1 =	vadd.f32 v4, v0;
	v36 =	vadd.f32 v7, v2  }
0x1be: {  	[tilespmem:$0x10400] =	vst v9  }
0x1bf: {  	[tilespmem:$0x10410] =	vst v10  }
0x1c0: {  	[tilespmem:$0x10420] =	vst v15  }
0x1c1: {  	[tilespmem:$0x10430] =	vst v8  }
0x1c2: {  	[tilespmem:$0x10440] =	vst v11  }
0x1c3: {  	[tilespmem:$0x10450] =	vst v3;
	s19 =	sadd.s32 $0x1, s19  }
0x1c4: {  	[tilespmem:$0x10460] =	vst v1;
	p0 =	sne.s32 s19, s6  }
.Ltmp1:
0x1c5: {  	[tilespmem:$0x10470] =	vst v36;
	(pc) =	sbr.rel @p0 .LBB2_1-.Ltmp1, $4  }
0x1c6: {  	[hbm4b:s5+s1] =	stream.linear.scatter [tilespmem:s18], [sflag:$0x2], $0x80, $0x38;
	[tilespmem:$0x10480] =	vst v63  }
0x1c7: {  	_ =	swait.ge [sflag:s9], $0x80  }
0x1c8: {  	[sflag:s9] =	ssyncset.done $0x0  }
0x1c9: {  	[sflag:s9] =	ssyncadd.s32 $0xFFFFFF80  }
0x1ca: {  	_ =	sfence.sel $0x180000  }
0x1cb: {  	[bflag:$0x0] =	sbarrier.arrive $0xFFFF  }
0x1cc: {  	p0 =	sne.s32 s2, $0x0;
	_ =	strace $0x90000047  }
0x1cd: {  	s0 =	sadd.s32 @!p0 $0x100000, s0;
	[bflag:$0x2] =	sbarrier.arrive $0xFFFF  }
0x1ce: {  	[sflag:s0] =	ssyncadd.tile.s32 @!p0 $0x1;
	_ =	shalt  }
.Lfunc_end2:
_tile_overlayer_lowered:
.L_overlay_start_2:
0x1cf: {  	(tag) =	ssettag $0x2  }
0x1d0: {  	s0 =	rddreg [dreg:$0x0];
	s2 =	stileid.u32  }
0x1d1: {  	s1 =	rddreg [dreg:$0x1];
	p0 =	sne.s32 s2, $0x0  }
0x1d2: {  	s3 =	rddreg [dreg:$0x2];
	[bflag:$0x3] =	sbarrier.arrive $0xFFFF;
	s2 =	simm.s32 @!p0 $0x1C02  }
0x1d3: {  	[timem:s3], [sflag:s2] =	dma.local @!p0 [hbm:s0], s1  }
0x1d4: {  	s0 =	simm.s32 @!p0 $0x2  }
0x1d5: {  	_ =	swait.ge @!p0 [sflag:s0], s1  }
0x1d6: {  	s1 =	ssub.s32 @!p0 $0x0, s1;
	[sflag:s0] =	ssyncset.done @!p0 $0x0  }
0x1d7: {  	[sflag:s0] =	ssyncadd.s32 @!p0 s1  }
0x1d8: {  	[bflag:$0x3] =	sbarrier.arrive $0xFFFF  }
0x1d9: {  	_ =	shalt  }

</sc_bundles>
